<compile_context>
chip_gen: v7x
topology: tpu7x:2x2x1
jax: 0.10.2.dev20260603
libtpu: 0.0.44.dev20260713+nightly
codegen_flags: <defaults>
</compile_context>

<pallas_src>
import functools

import jax
import jax.numpy as jnp
from jax import lax
from jax.experimental import pallas as pl
from jax.experimental.pallas import tpu as pltpu
from jax.experimental.pallas import tpu_sc as plsc

NPAD = 100352
NPT = NPAD // 16
NF = NPAD // 8
CH = 128
K = 4
BNODE = 2048
GRID = NPAD // BNODE
BR = 1792
_F32 = jnp.float32

_MESH = plsc.VectorSubcoreMesh(core_axis_name="c", subcore_axis_name="s")
_SC_PARAMS = pltpu.CompilerParams(use_tc_tiling_on_sc=False)


KD = 8


def _deg_kernel(nbursts):
    assert nbursts % 2 == 0
    npairs = nbursts // 2

    @functools.partial(
        pl.kernel,
        out_type=jax.ShapeDtypeStruct((2 * NPAD,), _F32),
        mesh=_MESH,
        scratch_types=[
            pltpu.VMEM((2, KD, CH), jnp.int32),
            pltpu.VMEM((KD, CH), _F32),
            pltpu.VMEM_SHARED((NPAD,), _F32),
            pltpu.SemaphoreType.DMA,
            pltpu.SemaphoreType.DMA,
        ],
        compiler_params=_SC_PARAMS,
    )
    def deg(dst2d, ones_h, zeros1, out, didx, ones_v, acc, sem0, sem1):
        c = lax.axis_index("c")
        s = lax.axis_index("s")
        off = pl.multiple_of(s * NPT, 8)
        pltpu.sync_copy(zeros1, acc.at[pl.ds(off, NPT)])
        pltpu.sync_copy(ones_h, ones_v)
        plsc.subcore_barrier()
        row0 = (c * 16 + s) * (nbursts * KD)
        sems = (sem0, sem1)

        def load_idx(i, b):
            rb = pl.multiple_of(row0 + i * KD, 8)
            pltpu.sync_copy(dst2d.at[pl.ds(rb, KD)], didx.at[b])

        def fire(b):
            for j in range(KD):
                pltpu.async_copy(ones_v.at[j], acc.at[didx.at[b, j]], sems[b],
                                 add=True)

        def drain(b):
            for j in range(KD):
                pltpu.make_async_copy(
                    ones_v.at[j], acc.at[didx.at[b, j]], sems[b]).wait()

        load_idx(0, 0)

        def body(t, carry):
            fire(0)

            @pl.when(t > 0)
            def _():
                drain(1)
            load_idx(2 * t + 1, 1)
            fire(1)
            drain(0)

            @pl.when(t + 1 < npairs)
            def _():
                load_idx(2 * t + 2, 0)
            return carry

        lax.fori_loop(0, npairs, body, 0)
        drain(1)
        plsc.subcore_barrier()
        dst_off = pl.multiple_of(c * NPAD + off, 8)
        pltpu.sync_copy(acc.at[pl.ds(off, NPT)], out.at[pl.ds(dst_off, NPT)])

    return deg


def _agg_kernel(nbursts):
    assert nbursts % 2 == 0
    npairs = nbursts // 2

    @functools.partial(
        pl.kernel,
        out_type=jax.ShapeDtypeStruct((2 * NPAD, 16), _F32),
        mesh=_MESH,
        scratch_types=[
            pltpu.VMEM((2, 2 * K, CH), jnp.int32),
            pltpu.VMEM((2, K, CH, 16), _F32),
            pltpu.VMEM_SHARED((NPAD, 16), _F32),
            pltpu.SemaphoreType.DMA,
            pltpu.SemaphoreType.DMA,
            pltpu.SemaphoreType.DMA,
            pltpu.SemaphoreType.DMA,
        ],
        compiler_params=_SC_PARAMS,
    )
    def agg(table, eidx2d, zrows, out, eidx, rows, acc,
            sem_g0, sem_g1, sem_s0, sem_s1):
        c = lax.axis_index("c")
        s = lax.axis_index("s")
        off = pl.multiple_of(s * NPT, 8)
        pltpu.sync_copy(zrows, acc.at[pl.ds(off, NPT)])
        plsc.subcore_barrier()
        row0 = (c * 16 + s) * (nbursts * K)
        sem_g = (sem_g0, sem_g1)
        sem_s = (sem_s0, sem_s1)

        def fire_gathers(i, b):
            rb = pl.multiple_of(2 * (row0 + i * K), 8)
            pltpu.sync_copy(eidx2d.at[pl.ds(rb, 2 * K)], eidx.at[b])
            for j in range(K):
                pltpu.async_copy(
                    table.at[eidx.at[b, 2 * j]], rows.at[b, j], sem_g[b])

        def drain_gathers(b):
            for j in range(K):
                pltpu.make_async_copy(
                    table.at[eidx.at[b, 2 * j]], rows.at[b, j], sem_g[b]).wait()

        def fire_scatters(b):
            for j in range(K):
                pltpu.async_copy(
                    rows.at[b, j], acc.at[eidx.at[b, 2 * j + 1]], sem_s[b],
                    add=True)

        def drain_scatters(b):
            for j in range(K):
                pltpu.make_async_copy(
                    rows.at[b, j], acc.at[eidx.at[b, 2 * j + 1]], sem_s[b]).wait()

        fire_gathers(0, 0)

        def body(t, carry):
            a = 2 * t

            @pl.when(t > 0)
            def _():
                drain_scatters(1)
            fire_gathers(a + 1, 1)
            drain_gathers(0)
            fire_scatters(0)
            drain_scatters(0)

            @pl.when(t + 1 < npairs)
            def _():
                fire_gathers(a + 2, 0)
            drain_gathers(1)
            fire_scatters(1)
            return carry

        lax.fori_loop(0, npairs, body, 0)
        drain_scatters(1)
        plsc.subcore_barrier()
        dst_off = pl.multiple_of(c * NPAD + off, 8)
        pltpu.sync_copy(acc.at[pl.ds(off, NPT)], out.at[pl.ds(dst_off, NPT)])

    return agg



def _t0_body(d0_ref, d1_ref, dv_ref):
    dv_ref[...] = lax.rsqrt(d0_ref[...] + d1_ref[...] + 1.0)


def _t1_body(x_ref, dvw_ref, hs_ref):
    hs_ref[...] = x_ref[...] * dvw_ref[...]


def _t2_body(a0, a1, hs, dvw, w, b, out):
    z = (a0[...] + a1[...] + hs[...]) * dvw[...]
    u = jnp.dot(z, w[...], preferred_element_type=_F32,
                precision=lax.Precision.HIGHEST) + b[...]
    out[...] = jnp.tanh(u) * dvw[...]


def _t3_body(a0, a1, hs, dvw, w, b, s16, out):
    z = (a0[...] + a1[...] + hs[...]) * dvw[...]
    u = jnp.dot(z, w[...], preferred_element_type=_F32,
                precision=lax.Precision.HIGHEST) + b[...]
    ss = jnp.dot(u * u, s16[...], preferred_element_type=_F32,
                 precision=lax.Precision.HIGHEST)
    h = jnp.tanh(u / jnp.maximum(jnp.sqrt(ss), 1e-12))
    out[...] = h * dvw[...]


def _t4_body(a0, a1, hs, dvw, w3l, w3r, b3l, b3r, wcl, wcr, bc, s16, out):
    hp = lax.Precision.HIGHEST
    z = (a0[...] + a1[...] + hs[...]) * dvw[...]
    ul = jnp.dot(z, w3l[...], preferred_element_type=_F32, precision=hp) + b3l[...]
    ur = jnp.dot(z, w3r[...], preferred_element_type=_F32, precision=hp) + b3r[...]
    ss = jnp.dot(ul * ul + ur * ur, s16[...], preferred_element_type=_F32,
                 precision=hp)
    inv = 1.0 / jnp.maximum(jnp.sqrt(ss), 1e-12)
    h3l = ul * inv
    h3r = ur * inv
    v = (jnp.dot(h3l, wcl[...], preferred_element_type=_F32, precision=hp)
         + jnp.dot(h3r, wcr[...], preferred_element_type=_F32, precision=hp)
         + bc[...])
    ss2 = jnp.dot(v * v, s16[...], preferred_element_type=_F32, precision=hp)
    out[...] = v / jnp.maximum(jnp.sqrt(ss2), 1e-12)


def _spec(rows, imap):
    return pl.BlockSpec((rows, 128), imap)


def _cspec(shape):
    return pl.BlockSpec(shape, lambda i: (0, 0))


def _blockdiag(w16):
    return jnp.kron(jnp.eye(8, dtype=_F32), w16)


def kernel(x, edge_index, W1, b1, W2, b2, W3, b3, Wc, bc):
    n = x.shape[0]
    e = edge_index.shape[1]
    burst_edges = 32 * K * CH
    nbursts = -(-e // burst_edges)
    nbursts += nbursts % 2
    epad = nbursts * burst_edges
    erows = epad // CH
    nbursts_d = epad // (32 * KD * CH)
    assert nbursts_d * 32 * KD * CH == epad

    src = edge_index[0].astype(jnp.int32)
    dst = edge_index[1].astype(jnp.int32)
    pad = epad - e
    src2d = jnp.concatenate([src, jnp.zeros((pad,), jnp.int32)]).reshape(erows, CH)
    dst2d = jnp.concatenate([dst, jnp.full((pad,), n, jnp.int32)]).reshape(erows, CH)

    zrows = jnp.zeros((NPT, 16), _F32)
    zeros1 = jnp.zeros((NPT,), _F32)
    ones_h = jnp.ones((KD, CH), _F32)

    w1b = _blockdiag(jnp.zeros((16, 16), _F32).at[:3, :6].set(W1))
    b1b = jnp.tile(jnp.zeros((1, 16), _F32).at[0, :6].set(b1), (1, 8))
    w2b = _blockdiag(jnp.zeros((16, 16), _F32).at[:6, :12].set(W2))
    b2b = jnp.tile(jnp.zeros((1, 16), _F32).at[0, :12].set(b2), (1, 8))
    w3lb = _blockdiag(jnp.zeros((16, 16), _F32).at[:12, :12].set(W3[:, :12]))
    w3rb = _blockdiag(jnp.zeros((16, 16), _F32).at[:12, :12].set(W3[:, 12:]))
    b3lb = jnp.tile(jnp.zeros((1, 16), _F32).at[0, :12].set(b3[:12]), (1, 8))
    b3rb = jnp.tile(jnp.zeros((1, 16), _F32).at[0, :12].set(b3[12:]), (1, 8))
    wclb = _blockdiag(jnp.zeros((16, 16), _F32).at[:12, :13].set(Wc[:12]))
    wcrb = _blockdiag(jnp.zeros((16, 16), _F32).at[:12, :13].set(Wc[12:]))
    bcb = jnp.tile(jnp.zeros((1, 16), _F32).at[0, :13].set(bc), (1, 8))
    s16b = _blockdiag(jnp.ones((16, 16), _F32))

    deg = _deg_kernel(nbursts_d)(dst2d, ones_h, zeros1)
    deg2d = deg.reshape(2 * NPAD // 128, 128)

    dv_lanes = pl.pallas_call(
        _t0_body, grid=(GRID,),
        in_specs=[
            pl.BlockSpec((16, 128), lambda i: (i, 0)),
            pl.BlockSpec((16, 128), lambda i: (i + GRID, 0)),
        ],
        out_specs=pl.BlockSpec((16, 128), lambda i: (i, 0)),
        out_shape=jax.ShapeDtypeStruct((NPAD // 128, 128), _F32),
    )(deg2d, deg2d)

    dvwf = jnp.broadcast_to(dv_lanes.reshape(NPAD, 1), (NPAD, 16)).reshape(NF, 128)
    x16f = jnp.zeros((NPAD, 16), _F32).at[:n, :3].set(x).reshape(NF, 128)

    hs1f = pl.pallas_call(
        _t1_body, grid=(NF // BR,),
        in_specs=[_spec(BR, lambda i: (i, 0))] * 2,
        out_specs=_spec(BR, lambda i: (i, 0)),
        out_shape=jax.ShapeDtypeStruct((NF, 128), _F32),
    )(x16f, dvwf)

    agg = _agg_kernel(nbursts)
    nfb = NF // BR

    def dense(body, aggf, hsf, consts):
        cspecs = [_cspec(c.shape) for c in consts]
        return pl.pallas_call(
            body, grid=(nfb,),
            in_specs=[
                _spec(BR, lambda i: (i, 0)),
                _spec(BR, lambda i: (i + nfb, 0)),
                _spec(BR, lambda i: (i, 0)),
                _spec(BR, lambda i: (i, 0)),
            ] + cspecs,
            out_specs=_spec(BR, lambda i: (i, 0)),
            out_shape=jax.ShapeDtypeStruct((NF, 128), _F32),
        )(aggf, aggf, hsf, dvwf, *consts)

    eidx2d = jnp.stack([src2d, dst2d], axis=1).reshape(2 * erows, CH)

    a1f = agg(hs1f.reshape(NPAD, 16), eidx2d, zrows).reshape(2 * NF, 128)
    hs2f = dense(_t2_body, a1f, hs1f, [w1b, b1b])

    a2f = agg(hs2f.reshape(NPAD, 16), eidx2d, zrows).reshape(2 * NF, 128)
    hs3f = dense(_t3_body, a2f, hs2f, [w2b, b2b, s16b])

    a3f = agg(hs3f.reshape(NPAD, 16), eidx2d, zrows).reshape(2 * NF, 128)
    outf = dense(_t4_body, a3f, hs3f,
                 [w3lb, w3rb, b3lb, b3rb, wclb, wcrb, bcb, s16b])

    return outf.reshape(NPAD, 16)[:n, :13]

# --- scband reference (transcript-rebuilt; emitter-appended) ---
"""Pipeline reference for scband-gcn-42417097015629 (READ-ONLY COPY).

The authoritative reference and input builder live on the scoring server;
editing this copy changes nothing except your own understanding.
"""

import jax, jax.numpy as jnp
import numpy as np

N = 100000
E = 3200000

def setup_inputs(seed: int = 0) -> dict:
    key = jax.random.key(seed)
    ks = jax.random.split(key, 12)
    x = jax.random.normal(ks[0], (N, 3), dtype=jnp.float32)
    edge_index = jax.random.randint(ks[1], (2, E), 0, N)
    def glorot(k, fan_in, fan_out):
        limit = np.sqrt(6.0 / (fan_in + fan_out))
        return jax.random.uniform(k, (fan_in, fan_out), dtype=jnp.float32, minval=-limit, maxval=limit)
    return {
        'x': x,
        'edge_index': edge_index,
        'W1': glorot(ks[2], 3, 6),   'b1': jnp.zeros((6,), jnp.float32),
        'W2': glorot(ks[3], 6, 12),  'b2': jnp.zeros((12,), jnp.float32),
        'W3': glorot(ks[4], 12, 24), 'b3': jnp.zeros((24,), jnp.float32),
        'Wc': glorot(ks[5], 24, 13), 'bc': jnp.zeros((13,), jnp.float32),
    }

def _l2_normalize(h, eps=1e-12):
    n = jnp.sqrt(jnp.sum(h * h, axis=1, keepdims=True))
    return h / jnp.maximum(n, eps)

def reference(x, edge_index, W1, b1, W2, b2, W3, b3, Wc, bc):
    n = x.shape[0]
    loop = jnp.arange(n, dtype=edge_index.dtype)
    src = jnp.concatenate([edge_index[0], loop])
    dst = jnp.concatenate([edge_index[1], loop])
    # symmetric GCN normalization with self-loops (edge weight 1)
    deg = jnp.zeros((n,), jnp.float32).at[dst].add(1.0)
    dinv = jnp.where(deg > 0, deg ** -0.5, 0.0)
    norm = dinv[src] * dinv[dst]

    def gcn_conv(h, W, b):
        hw = h @ W
        msg = hw[src] * norm[:, None]
        out = jnp.zeros((n, W.shape[1]), jnp.float32).at[dst].add(msg)
        return out + b

    h = jnp.tanh(gcn_conv(x, W1, b1))
    h = jnp.tanh(_l2_normalize(gcn_conv(h, W2, b2)))
    h = _l2_normalize(gcn_conv(h, W3, b3))
    h = _l2_normalize(h @ Wc + bc)
    return h

if __name__ == "__main__":
    import jax
    _d = setup_inputs()
    print(jax.jit(kernel)(*tuple(_d.values())))

</pallas_src>

<mosaic_0001>
#map = affine_map<(d0, d1) -> (0, 0)>
module attributes {stable_mosaic.version = 14 : i64} {
  func.func @agg(%arg0: i32, %arg1: i32, %arg2: memref<100352x16xf32, #tpu.memory_space<hbm>>, %arg3: memref<50176x128xi32, #tpu.memory_space<hbm>>, %arg4: memref<6272x16xf32, #tpu.memory_space<hbm>>, %arg5: memref<200704x16xf32, #tpu.memory_space<hbm>>, %arg6: memref<2x8x128xi32, #tpu.memory_space<vmem>>, %arg7: memref<2x4x128x16xf32, #tpu.memory_space<vmem>>, %arg8: memref<100352x16xf32, #tpu.memory_space<vmem_shared>>, %arg9: memref<!tpu.dma_semaphore, #tpu.memory_space<semaphore_mem>>, %arg10: memref<!tpu.dma_semaphore, #tpu.memory_space<semaphore_mem>>, %arg11: memref<!tpu.dma_semaphore, #tpu.memory_space<semaphore_mem>>, %arg12: memref<!tpu.dma_semaphore, #tpu.memory_space<semaphore_mem>>) attributes {dimension_semantics = [#tpu.dimension_semantics<core_parallel>, #tpu.dimension_semantics<subcore_parallel>], iteration_bounds = array<i64: 2, 16>, scalar_prefetch = 0 : i64, scratch_operands = 7 : i64, tpu.core_type = #tpu.core_type<sc_vector_subcore>, window_params = [{transform_indices = #map}, {transform_indices = #map}, {transform_indices = #map}, {transform_indices = #map}]} {
    %mul3A = arith.constant 6272 : i32
    %mul3A_0 = arith.muli %arg1, %mul3A : i32
    %multiple_of3A = tpu.assume_multiple %mul3A_0, 8 : i32
    "tpu.region"() ({
      %run_scoped3A_130 = tpu.sem_alloc : memref<!tpu.dma_semaphore, #tpu.memory_space<semaphore_mem>>
      %dma_start3A_131 = arith.constant 0 : i32
      %dma_start3A_132 = tpu.memref_slice %arg8[%multiple_of3A, %dma_start3A_131] : memref<100352x16xf32, #tpu.memory_space<vmem_shared>> -> memref<6272x16xf32, #tpu.memory_space<vmem_shared>>
      tpu.enqueue_dma source(%arg4 : memref<6272x16xf32, #tpu.memory_space<hbm>>) target(%dma_start3A_132 : memref<6272x16xf32, #tpu.memory_space<vmem_shared>>) target_semaphore(%run_scoped3A_130 : memref<!tpu.dma_semaphore, #tpu.memory_space<semaphore_mem>>)
      %dma_wait3A_133 = arith.constant 0 : i32
      %dma_wait3A_134 = tpu.memref_slice %arg8[%multiple_of3A, %dma_wait3A_133] : memref<100352x16xf32, #tpu.memory_space<vmem_shared>> -> memref<6272x16xf32, #tpu.memory_space<vmem_shared>>
      tpu.wait_dma2 semaphore(%run_scoped3A_130 : memref<!tpu.dma_semaphore, #tpu.memory_space<semaphore_mem>>) src(%arg4 : memref<6272x16xf32, #tpu.memory_space<hbm>>) dst(%dma_wait3A_134 : memref<6272x16xf32, #tpu.memory_space<vmem_shared>>)
      tpu.yield
    }) : () -> ()
    %barrier3A = arith.constant 0 : index
    tpu.barrier barrier_id(%barrier3A)
    %mul3A_1 = arith.constant 16 : i32
    %mul3A_2 = arith.muli %arg0, %mul3A_1 : i32
    %add3A = arith.addi %mul3A_2, %arg1 : i32
    %mul3A_3 = arith.constant 784 : i32
    %mul3A_4 = arith.muli %add3A, %mul3A_3 : i32
    %add3A_5 = arith.constant 0 : i32
    %add3A_6 = arith.addi %mul3A_4, %add3A_5 : i32
    %mul3A_7 = arith.constant 2 : i32
    %mul3A_8 = arith.muli %mul3A_7, %add3A_6 : i32
    %multiple_of3A_9 = tpu.assume_multiple %mul3A_8, 8 : i32
    %run_scoped3A = arith.constant 0 : i32
    "tpu.region"() ({
      %run_scoped3A_130 = tpu.sem_alloc : memref<!tpu.dma_semaphore, #tpu.memory_space<semaphore_mem>>
      %dma_start3A_131 = arith.constant 0 : i32
      %dma_start3A_132 = arith.constant 0 : i32
      %dma_start3A_133 = tpu.memref_slice %arg6[%run_scoped3A, %dma_start3A_131, %dma_start3A_132] : memref<2x8x128xi32, #tpu.memory_space<vmem>> -> memref<1x8x128xi32, #tpu.memory_space<vmem>>
      %dma_start3A_134 = tpu.memref_squeeze %dma_start3A_133 : memref<1x8x128xi32, #tpu.memory_space<vmem>> -> memref<8x128xi32, #tpu.memory_space<vmem>>
      %dma_start3A_135 = arith.constant 0 : i32
      %dma_start3A_136 = tpu.memref_slice %arg3[%multiple_of3A_9, %dma_start3A_135] : memref<50176x128xi32, #tpu.memory_space<hbm>> -> memref<8x128xi32, #tpu.memory_space<hbm>>
      %dma_start3A_137 = arith.constant 0 : i32
      %dma_start3A_138 = arith.constant 0 : i32
      %dma_start3A_139 = tpu.memref_slice %arg6[%run_scoped3A, %dma_start3A_137, %dma_start3A_138] : memref<2x8x128xi32, #tpu.memory_space<vmem>> -> memref<1x8x128xi32, #tpu.memory_space<vmem>>
      %dma_start3A_140 = tpu.memref_squeeze %dma_start3A_139 : memref<1x8x128xi32, #tpu.memory_space<vmem>> -> memref<8x128xi32, #tpu.memory_space<vmem>>
      %dma_start3A_141 = arith.constant 0 : i32
      %dma_start3A_142 = tpu.memref_slice %arg3[%multiple_of3A_9, %dma_start3A_141] : memref<50176x128xi32, #tpu.memory_space<hbm>> -> memref<8x128xi32, #tpu.memory_space<hbm>>
      tpu.enqueue_dma source(%dma_start3A_142 : memref<8x128xi32, #tpu.memory_space<hbm>>) target(%dma_start3A_140 : memref<8x128xi32, #tpu.memory_space<vmem>>) target_semaphore(%run_scoped3A_130 : memref<!tpu.dma_semaphore, #tpu.memory_space<semaphore_mem>>)
      %dma_wait3A_143 = arith.constant 0 : i32
      %dma_wait3A_144 = arith.constant 0 : i32
      %dma_wait3A_145 = tpu.memref_slice %arg6[%run_scoped3A, %dma_wait3A_143, %dma_wait3A_144] : memref<2x8x128xi32, #tpu.memory_space<vmem>> -> memref<1x8x128xi32, #tpu.memory_space<vmem>>
      %dma_wait3A_146 = tpu.memref_squeeze %dma_wait3A_145 : memref<1x8x128xi32, #tpu.memory_space<vmem>> -> memref<8x128xi32, #tpu.memory_space<vmem>>
      %dma_wait3A_147 = arith.constant 0 : i32
      %dma_wait3A_148 = tpu.memref_slice %arg3[%multiple_of3A_9, %dma_wait3A_147] : memref<50176x128xi32, #tpu.memory_space<hbm>> -> memref<8x128xi32, #tpu.memory_space<hbm>>
      %dma_wait3A_149 = arith.constant 0 : i32
      %dma_wait3A_150 = arith.constant 0 : i32
      %dma_wait3A_151 = tpu.memref_slice %arg6[%run_scoped3A, %dma_wait3A_149, %dma_wait3A_150] : memref<2x8x128xi32, #tpu.memory_space<vmem>> -> memref<1x8x128xi32, #tpu.memory_space<vmem>>
      %dma_wait3A_152 = tpu.memref_squeeze %dma_wait3A_151 : memref<1x8x128xi32, #tpu.memory_space<vmem>> -> memref<8x128xi32, #tpu.memory_space<vmem>>
      %dma_wait3A_153 = arith.constant 0 : i32
      %dma_wait3A_154 = tpu.memref_slice %arg3[%multiple_of3A_9, %dma_wait3A_153] : memref<50176x128xi32, #tpu.memory_space<hbm>> -> memref<8x128xi32, #tpu.memory_space<hbm>>
      tpu.wait_dma2 semaphore(%run_scoped3A_130 : memref<!tpu.dma_semaphore, #tpu.memory_space<semaphore_mem>>) src(%dma_wait3A_154 : memref<8x128xi32, #tpu.memory_space<hbm>>) dst(%dma_wait3A_152 : memref<8x128xi32, #tpu.memory_space<vmem>>)
      tpu.yield
    }) : () -> ()
    %dma_start3A = arith.constant 0 : i32
    %dma_start3A_10 = arith.constant 0 : i32
    %dma_start3A_11 = arith.constant 0 : i32
    %dma_start3A_12 = arith.constant 0 : i32
    %dma_start3A_13 = arith.constant 0 : i32
    %dma_start3A_14 = arith.constant 0 : i32
    %dma_start3A_15 = tpu.memref_slice %arg7[%dma_start3A_11, %dma_start3A_12, %dma_start3A_13, %dma_start3A_14] : memref<2x4x128x16xf32, #tpu.memory_space<vmem>> -> memref<1x1x128x16xf32, #tpu.memory_space<vmem>>
    %dma_start3A_16 = tpu.memref_squeeze %dma_start3A_15 : memref<1x1x128x16xf32, #tpu.memory_space<vmem>> -> memref<128x16xf32, #tpu.memory_space<vmem>>
    %dma_start3A_17 = arith.constant 0 : i32
    %dma_start3A_18 = tpu.memref_slice %arg6[%dma_start3A, %dma_start3A_10, %dma_start3A_17] : memref<2x8x128xi32, #tpu.memory_space<vmem>> -> memref<1x1x128xi32, #tpu.memory_space<vmem>>
    %dma_start3A_19 = tpu.memref_squeeze %dma_start3A_18 : memref<1x1x128xi32, #tpu.memory_space<vmem>> -> memref<128xi32, #tpu.memory_space<vmem>>
    %dma_start3A_20 = arith.constant 0 : i32
    %dma_start3A_21 = arith.constant 0 : i32
    %dma_start3A_22 = tpu.memref_slice %arg2[%dma_start3A_20, %dma_start3A_21] : memref<100352x16xf32, #tpu.memory_space<hbm>> -> memref<100352x16xf32, #tpu.memory_space<hbm>>
    tpu.enqueue_indirect_dma source(%dma_start3A_22 : memref<100352x16xf32, #tpu.memory_space<hbm>>) target(%dma_start3A_16 : memref<128x16xf32, #tpu.memory_space<vmem>>) offsets(%dma_start3A_19 : memref<128xi32, #tpu.memory_space<vmem>>) semaphore(%arg9 : memref<!tpu.dma_semaphore, #tpu.memory_space<semaphore_mem>>)
    %dma_start3A_23 = arith.constant 0 : i32
    %dma_start3A_24 = arith.constant 2 : i32
    %dma_start3A_25 = arith.constant 0 : i32
    %dma_start3A_26 = arith.constant 1 : i32
    %dma_start3A_27 = arith.constant 0 : i32
    %dma_start3A_28 = arith.constant 0 : i32
    %dma_start3A_29 = tpu.memref_slice %arg7[%dma_start3A_25, %dma_start3A_26, %dma_start3A_27, %dma_start3A_28] : memref<2x4x128x16xf32, #tpu.memory_space<vmem>> -> memref<1x1x128x16xf32, #tpu.memory_space<vmem>>
    %dma_start3A_30 = tpu.memref_squeeze %dma_start3A_29 : memref<1x1x128x16xf32, #tpu.memory_space<vmem>> -> memref<128x16xf32, #tpu.memory_space<vmem>>
    %dma_start3A_31 = arith.constant 0 : i32
    %dma_start3A_32 = tpu.memref_slice %arg6[%dma_start3A_23, %dma_start3A_24, %dma_start3A_31] : memref<2x8x128xi32, #tpu.memory_space<vmem>> -> memref<1x1x128xi32, #tpu.memory_space<vmem>>
    %dma_start3A_33 = tpu.memref_squeeze %dma_start3A_32 : memref<1x1x128xi32, #tpu.memory_space<vmem>> -> memref<128xi32, #tpu.memory_space<vmem>>
    %dma_start3A_34 = arith.constant 0 : i32
    %dma_start3A_35 = arith.constant 0 : i32
    %dma_start3A_36 = tpu.memref_slice %arg2[%dma_start3A_34, %dma_start3A_35] : memref<100352x16xf32, #tpu.memory_space<hbm>> -> memref<100352x16xf32, #tpu.memory_space<hbm>>
    tpu.enqueue_indirect_dma source(%dma_start3A_36 : memref<100352x16xf32, #tpu.memory_space<hbm>>) target(%dma_start3A_30 : memref<128x16xf32, #tpu.memory_space<vmem>>) offsets(%dma_start3A_33 : memref<128xi32, #tpu.memory_space<vmem>>) semaphore(%arg9 : memref<!tpu.dma_semaphore, #tpu.memory_space<semaphore_mem>>)
    %dma_start3A_37 = arith.constant 0 : i32
    %dma_start3A_38 = arith.constant 4 : i32
    %dma_start3A_39 = arith.constant 0 : i32
    %dma_start3A_40 = arith.constant 2 : i32
    %dma_start3A_41 = arith.constant 0 : i32
    %dma_start3A_42 = arith.constant 0 : i32
    %dma_start3A_43 = tpu.memref_slice %arg7[%dma_start3A_39, %dma_start3A_40, %dma_start3A_41, %dma_start3A_42] : memref<2x4x128x16xf32, #tpu.memory_space<vmem>> -> memref<1x1x128x16xf32, #tpu.memory_space<vmem>>
    %dma_start3A_44 = tpu.memref_squeeze %dma_start3A_43 : memref<1x1x128x16xf32, #tpu.memory_space<vmem>> -> memref<128x16xf32, #tpu.memory_space<vmem>>
    %dma_start3A_45 = arith.constant 0 : i32
    %dma_start3A_46 = tpu.memref_slice %arg6[%dma_start3A_37, %dma_start3A_38, %dma_start3A_45] : memref<2x8x128xi32, #tpu.memory_space<vmem>> -> memref<1x1x128xi32, #tpu.memory_space<vmem>>
    %dma_start3A_47 = tpu.memref_squeeze %dma_start3A_46 : memref<1x1x128xi32, #tpu.memory_space<vmem>> -> memref<128xi32, #tpu.memory_space<vmem>>
    %dma_start3A_48 = arith.constant 0 : i32
    %dma_start3A_49 = arith.constant 0 : i32
    %dma_start3A_50 = tpu.memref_slice %arg2[%dma_start3A_48, %dma_start3A_49] : memref<100352x16xf32, #tpu.memory_space<hbm>> -> memref<100352x16xf32, #tpu.memory_space<hbm>>
    tpu.enqueue_indirect_dma source(%dma_start3A_50 : memref<100352x16xf32, #tpu.memory_space<hbm>>) target(%dma_start3A_44 : memref<128x16xf32, #tpu.memory_space<vmem>>) offsets(%dma_start3A_47 : memref<128xi32, #tpu.memory_space<vmem>>) semaphore(%arg9 : memref<!tpu.dma_semaphore, #tpu.memory_space<semaphore_mem>>)
    %dma_start3A_51 = arith.constant 0 : i32
    %dma_start3A_52 = arith.constant 6 : i32
    %dma_start3A_53 = arith.constant 0 : i32
    %dma_start3A_54 = arith.constant 3 : i32
    %dma_start3A_55 = arith.constant 0 : i32
    %dma_start3A_56 = arith.constant 0 : i32
    %dma_start3A_57 = tpu.memref_slice %arg7[%dma_start3A_53, %dma_start3A_54, %dma_start3A_55, %dma_start3A_56] : memref<2x4x128x16xf32, #tpu.memory_space<vmem>> -> memref<1x1x128x16xf32, #tpu.memory_space<vmem>>
    %dma_start3A_58 = tpu.memref_squeeze %dma_start3A_57 : memref<1x1x128x16xf32, #tpu.memory_space<vmem>> -> memref<128x16xf32, #tpu.memory_space<vmem>>
    %dma_start3A_59 = arith.constant 0 : i32
    %dma_start3A_60 = tpu.memref_slice %arg6[%dma_start3A_51, %dma_start3A_52, %dma_start3A_59] : memref<2x8x128xi32, #tpu.memory_space<vmem>> -> memref<1x1x128xi32, #tpu.memory_space<vmem>>
    %dma_start3A_61 = tpu.memref_squeeze %dma_start3A_60 : memref<1x1x128xi32, #tpu.memory_space<vmem>> -> memref<128xi32, #tpu.memory_space<vmem>>
    %dma_start3A_62 = arith.constant 0 : i32
    %dma_start3A_63 = arith.constant 0 : i32
    %dma_start3A_64 = tpu.memref_slice %arg2[%dma_start3A_62, %dma_start3A_63] : memref<100352x16xf32, #tpu.memory_space<hbm>> -> memref<100352x16xf32, #tpu.memory_space<hbm>>
    tpu.enqueue_indirect_dma source(%dma_start3A_64 : memref<100352x16xf32, #tpu.memory_space<hbm>>) target(%dma_start3A_58 : memref<128x16xf32, #tpu.memory_space<vmem>>) offsets(%dma_start3A_61 : memref<128xi32, #tpu.memory_space<vmem>>) semaphore(%arg9 : memref<!tpu.dma_semaphore, #tpu.memory_space<semaphore_mem>>)
    %scan3A = arith.constant 0 : i32
    %scan3A_65 = arith.constant 0 : i32
    %scan3A_66 = arith.constant 98 : i32
    %scan3A_67 = arith.addi %scan3A_65, %scan3A_66 : i32
    %scan3A_68 = arith.constant 1 : i32
    scf.for %scan3A_130 = %scan3A_65 to %scan3A_67 step %scan3A_68  : i32 {
      %mul3A_131 = arith.constant 2 : i32
      %mul3A_132 = arith.muli %mul3A_131, %scan3A_130 : i32
      %gt3A = arith.constant 0 : i32
      %gt3A_133 = arith.cmpi sgt, %scan3A_130, %gt3A : i32
      %convert_element_type3A = arith.extui %gt3A_133 : i1 to i32
      %cond3A = arith.constant 0 : i32
      %cond3A_134 = arith.cmpi ne, %convert_element_type3A, %cond3A : i32
      scf.if %cond3A_134 {
        %dma_wait3A_486 = arith.constant 1 : i32
        %dma_wait3A_487 = arith.constant 0 : i32
        %dma_wait3A_488 = arith.constant 1 : i32
        %dma_wait3A_489 = arith.constant 1 : i32
        %dma_wait3A_490 = arith.constant 0 : i32
        %dma_wait3A_491 = arith.constant 0 : i32
        %dma_wait3A_492 = tpu.memref_slice %arg7[%dma_wait3A_486, %dma_wait3A_487, %dma_wait3A_490, %dma_wait3A_491] : memref<2x4x128x16xf32, #tpu.memory_space<vmem>> -> memref<1x1x128x16xf32, #tpu.memory_space<vmem>>
        %dma_wait3A_493 = tpu.memref_squeeze %dma_wait3A_492 : memref<1x1x128x16xf32, #tpu.memory_space<vmem>> -> memref<128x16xf32, #tpu.memory_space<vmem>>
        %dma_wait3A_494 = arith.constant 0 : i32
        %dma_wait3A_495 = tpu.memref_slice %arg6[%dma_wait3A_488, %dma_wait3A_489, %dma_wait3A_494] : memref<2x8x128xi32, #tpu.memory_space<vmem>> -> memref<1x1x128xi32, #tpu.memory_space<vmem>>
        %dma_wait3A_496 = tpu.memref_squeeze %dma_wait3A_495 : memref<1x1x128xi32, #tpu.memory_space<vmem>> -> memref<128xi32, #tpu.memory_space<vmem>>
        %dma_wait3A_497 = arith.constant 0 : i32
        %dma_wait3A_498 = arith.constant 0 : i32
        %dma_wait3A_499 = tpu.memref_slice %arg8[%dma_wait3A_497, %dma_wait3A_498] : memref<100352x16xf32, #tpu.memory_space<vmem_shared>> -> memref<100352x16xf32, #tpu.memory_space<vmem_shared>>
        tpu.wait_indirect_dma semaphore(%arg12 : memref<!tpu.dma_semaphore, #tpu.memory_space<semaphore_mem>>) src(%dma_wait3A_493 : memref<128x16xf32, #tpu.memory_space<vmem>>) dst(%dma_wait3A_499 : memref<100352x16xf32, #tpu.memory_space<vmem_shared>>)
        %dma_wait3A_500 = arith.constant 1 : i32
        %dma_wait3A_501 = arith.constant 1 : i32
        %dma_wait3A_502 = arith.constant 1 : i32
        %dma_wait3A_503 = arith.constant 3 : i32
        %dma_wait3A_504 = arith.constant 0 : i32
        %dma_wait3A_505 = arith.constant 0 : i32
        %dma_wait3A_506 = tpu.memref_slice %arg7[%dma_wait3A_500, %dma_wait3A_501, %dma_wait3A_504, %dma_wait3A_505] : memref<2x4x128x16xf32, #tpu.memory_space<vmem>> -> memref<1x1x128x16xf32, #tpu.memory_space<vmem>>
        %dma_wait3A_507 = tpu.memref_squeeze %dma_wait3A_506 : memref<1x1x128x16xf32, #tpu.memory_space<vmem>> -> memref<128x16xf32, #tpu.memory_space<vmem>>
        %dma_wait3A_508 = arith.constant 0 : i32
        %dma_wait3A_509 = tpu.memref_slice %arg6[%dma_wait3A_502, %dma_wait3A_503, %dma_wait3A_508] : memref<2x8x128xi32, #tpu.memory_space<vmem>> -> memref<1x1x128xi32, #tpu.memory_space<vmem>>
        %dma_wait3A_510 = tpu.memref_squeeze %dma_wait3A_509 : memref<1x1x128xi32, #tpu.memory_space<vmem>> -> memref<128xi32, #tpu.memory_space<vmem>>
        %dma_wait3A_511 = arith.constant 0 : i32
        %dma_wait3A_512 = arith.constant 0 : i32
        %dma_wait3A_513 = tpu.memref_slice %arg8[%dma_wait3A_511, %dma_wait3A_512] : memref<100352x16xf32, #tpu.memory_space<vmem_shared>> -> memref<100352x16xf32, #tpu.memory_space<vmem_shared>>
        tpu.wait_indirect_dma semaphore(%arg12 : memref<!tpu.dma_semaphore, #tpu.memory_space<semaphore_mem>>) src(%dma_wait3A_507 : memref<128x16xf32, #tpu.memory_space<vmem>>) dst(%dma_wait3A_513 : memref<100352x16xf32, #tpu.memory_space<vmem_shared>>)
        %dma_wait3A_514 = arith.constant 1 : i32
        %dma_wait3A_515 = arith.constant 2 : i32
        %dma_wait3A_516 = arith.constant 1 : i32
        %dma_wait3A_517 = arith.constant 5 : i32
        %dma_wait3A_518 = arith.constant 0 : i32
        %dma_wait3A_519 = arith.constant 0 : i32
        %dma_wait3A_520 = tpu.memref_slice %arg7[%dma_wait3A_514, %dma_wait3A_515, %dma_wait3A_518, %dma_wait3A_519] : memref<2x4x128x16xf32, #tpu.memory_space<vmem>> -> memref<1x1x128x16xf32, #tpu.memory_space<vmem>>
        %dma_wait3A_521 = tpu.memref_squeeze %dma_wait3A_520 : memref<1x1x128x16xf32, #tpu.memory_space<vmem>> -> memref<128x16xf32, #tpu.memory_space<vmem>>
        %dma_wait3A_522 = arith.constant 0 : i32
        %dma_wait3A_523 = tpu.memref_slice %arg6[%dma_wait3A_516, %dma_wait3A_517, %dma_wait3A_522] : memref<2x8x128xi32, #tpu.memory_space<vmem>> -> memref<1x1x128xi32, #tpu.memory_space<vmem>>
        %dma_wait3A_524 = tpu.memref_squeeze %dma_wait3A_523 : memref<1x1x128xi32, #tpu.memory_space<vmem>> -> memref<128xi32, #tpu.memory_space<vmem>>
        %dma_wait3A_525 = arith.constant 0 : i32
        %dma_wait3A_526 = arith.constant 0 : i32
        %dma_wait3A_527 = tpu.memref_slice %arg8[%dma_wait3A_525, %dma_wait3A_526] : memref<100352x16xf32, #tpu.memory_space<vmem_shared>> -> memref<100352x16xf32, #tpu.memory_space<vmem_shared>>
        tpu.wait_indirect_dma semaphore(%arg12 : memref<!tpu.dma_semaphore, #tpu.memory_space<semaphore_mem>>) src(%dma_wait3A_521 : memref<128x16xf32, #tpu.memory_space<vmem>>) dst(%dma_wait3A_527 : memref<100352x16xf32, #tpu.memory_space<vmem_shared>>)
        %dma_wait3A_528 = arith.constant 1 : i32
        %dma_wait3A_529 = arith.constant 3 : i32
        %dma_wait3A_530 = arith.constant 1 : i32
        %dma_wait3A_531 = arith.constant 7 : i32
        %dma_wait3A_532 = arith.constant 0 : i32
        %dma_wait3A_533 = arith.constant 0 : i32
        %dma_wait3A_534 = tpu.memref_slice %arg7[%dma_wait3A_528, %dma_wait3A_529, %dma_wait3A_532, %dma_wait3A_533] : memref<2x4x128x16xf32, #tpu.memory_space<vmem>> -> memref<1x1x128x16xf32, #tpu.memory_space<vmem>>
        %dma_wait3A_535 = tpu.memref_squeeze %dma_wait3A_534 : memref<1x1x128x16xf32, #tpu.memory_space<vmem>> -> memref<128x16xf32, #tpu.memory_space<vmem>>
        %dma_wait3A_536 = arith.constant 0 : i32
        %dma_wait3A_537 = tpu.memref_slice %arg6[%dma_wait3A_530, %dma_wait3A_531, %dma_wait3A_536] : memref<2x8x128xi32, #tpu.memory_space<vmem>> -> memref<1x1x128xi32, #tpu.memory_space<vmem>>
        %dma_wait3A_538 = tpu.memref_squeeze %dma_wait3A_537 : memref<1x1x128xi32, #tpu.memory_space<vmem>> -> memref<128xi32, #tpu.memory_space<vmem>>
        %dma_wait3A_539 = arith.constant 0 : i32
        %dma_wait3A_540 = arith.constant 0 : i32
        %dma_wait3A_541 = tpu.memref_slice %arg8[%dma_wait3A_539, %dma_wait3A_540] : memref<100352x16xf32, #tpu.memory_space<vmem_shared>> -> memref<100352x16xf32, #tpu.memory_space<vmem_shared>>
        tpu.wait_indirect_dma semaphore(%arg12 : memref<!tpu.dma_semaphore, #tpu.memory_space<semaphore_mem>>) src(%dma_wait3A_535 : memref<128x16xf32, #tpu.memory_space<vmem>>) dst(%dma_wait3A_541 : memref<100352x16xf32, #tpu.memory_space<vmem_shared>>)
      } else {
      }
      %add3A_135 = arith.constant 1 : i32
      %add3A_136 = arith.addi %mul3A_132, %add3A_135 : i32
      %mul3A_137 = arith.constant 4 : i32
      %mul3A_138 = arith.muli %add3A_136, %mul3A_137 : i32
      %add3A_139 = arith.addi %mul3A_4, %mul3A_138 : i32
      %mul3A_140 = arith.constant 2 : i32
      %mul3A_141 = arith.muli %mul3A_140, %add3A_139 : i32
      %multiple_of3A_142 = tpu.assume_multiple %mul3A_141, 8 : i32
      %run_scoped3A_143 = arith.constant 1 : i32
      "tpu.region"() ({
        %run_scoped3A_486 = tpu.sem_alloc : memref<!tpu.dma_semaphore, #tpu.memory_space<semaphore_mem>>
        %dma_start3A_487 = arith.constant 0 : i32
        %dma_start3A_488 = arith.constant 0 : i32
        %dma_start3A_489 = tpu.memref_slice %arg6[%run_scoped3A_143, %dma_start3A_487, %dma_start3A_488] : memref<2x8x128xi32, #tpu.memory_space<vmem>> -> memref<1x8x128xi32, #tpu.memory_space<vmem>>
        %dma_start3A_490 = tpu.memref_squeeze %dma_start3A_489 : memref<1x8x128xi32, #tpu.memory_space<vmem>> -> memref<8x128xi32, #tpu.memory_space<vmem>>
        %dma_start3A_491 = arith.constant 0 : i32
        %dma_start3A_492 = tpu.memref_slice %arg3[%multiple_of3A_142, %dma_start3A_491] : memref<50176x128xi32, #tpu.memory_space<hbm>> -> memref<8x128xi32, #tpu.memory_space<hbm>>
        %dma_start3A_493 = arith.constant 0 : i32
        %dma_start3A_494 = arith.constant 0 : i32
        %dma_start3A_495 = tpu.memref_slice %arg6[%run_scoped3A_143, %dma_start3A_493, %dma_start3A_494] : memref<2x8x128xi32, #tpu.memory_space<vmem>> -> memref<1x8x128xi32, #tpu.memory_space<vmem>>
        %dma_start3A_496 = tpu.memref_squeeze %dma_start3A_495 : memref<1x8x128xi32, #tpu.memory_space<vmem>> -> memref<8x128xi32, #tpu.memory_space<vmem>>
        %dma_start3A_497 = arith.constant 0 : i32
        %dma_start3A_498 = tpu.memref_slice %arg3[%multiple_of3A_142, %dma_start3A_497] : memref<50176x128xi32, #tpu.memory_space<hbm>> -> memref<8x128xi32, #tpu.memory_space<hbm>>
        tpu.enqueue_dma source(%dma_start3A_498 : memref<8x128xi32, #tpu.memory_space<hbm>>) target(%dma_start3A_496 : memref<8x128xi32, #tpu.memory_space<vmem>>) target_semaphore(%run_scoped3A_486 : memref<!tpu.dma_semaphore, #tpu.memory_space<semaphore_mem>>)
        %dma_wait3A_499 = arith.constant 0 : i32
        %dma_wait3A_500 = arith.constant 0 : i32
        %dma_wait3A_501 = tpu.memref_slice %arg6[%run_scoped3A_143, %dma_wait3A_499, %dma_wait3A_500] : memref<2x8x128xi32, #tpu.memory_space<vmem>> -> memref<1x8x128xi32, #tpu.memory_space<vmem>>
        %dma_wait3A_502 = tpu.memref_squeeze %dma_wait3A_501 : memref<1x8x128xi32, #tpu.memory_space<vmem>> -> memref<8x128xi32, #tpu.memory_space<vmem>>
        %dma_wait3A_503 = arith.constant 0 : i32
        %dma_wait3A_504 = tpu.memref_slice %arg3[%multiple_of3A_142, %dma_wait3A_503] : memref<50176x128xi32, #tpu.memory_space<hbm>> -> memref<8x128xi32, #tpu.memory_space<hbm>>
        %dma_wait3A_505 = arith.constant 0 : i32
        %dma_wait3A_506 = arith.constant 0 : i32
        %dma_wait3A_507 = tpu.memref_slice %arg6[%run_scoped3A_143, %dma_wait3A_505, %dma_wait3A_506] : memref<2x8x128xi32, #tpu.memory_space<vmem>> -> memref<1x8x128xi32, #tpu.memory_space<vmem>>
        %dma_wait3A_508 = tpu.memref_squeeze %dma_wait3A_507 : memref<1x8x128xi32, #tpu.memory_space<vmem>> -> memref<8x128xi32, #tpu.memory_space<vmem>>
        %dma_wait3A_509 = arith.constant 0 : i32
        %dma_wait3A_510 = tpu.memref_slice %arg3[%multiple_of3A_142, %dma_wait3A_509] : memref<50176x128xi32, #tpu.memory_space<hbm>> -> memref<8x128xi32, #tpu.memory_space<hbm>>
        tpu.wait_dma2 semaphore(%run_scoped3A_486 : memref<!tpu.dma_semaphore, #tpu.memory_space<semaphore_mem>>) src(%dma_wait3A_510 : memref<8x128xi32, #tpu.memory_space<hbm>>) dst(%dma_wait3A_508 : memref<8x128xi32, #tpu.memory_space<vmem>>)
        tpu.yield
      }) : () -> ()
      %dma_start3A_144 = arith.constant 1 : i32
      %dma_start3A_145 = arith.constant 0 : i32
      %dma_start3A_146 = arith.constant 1 : i32
      %dma_start3A_147 = arith.constant 0 : i32
      %dma_start3A_148 = arith.constant 0 : i32
      %dma_start3A_149 = arith.constant 0 : i32
      %dma_start3A_150 = tpu.memref_slice %arg7[%dma_start3A_146, %dma_start3A_147, %dma_start3A_148, %dma_start3A_149] : memref<2x4x128x16xf32, #tpu.memory_space<vmem>> -> memref<1x1x128x16xf32, #tpu.memory_space<vmem>>
      %dma_start3A_151 = tpu.memref_squeeze %dma_start3A_150 : memref<1x1x128x16xf32, #tpu.memory_space<vmem>> -> memref<128x16xf32, #tpu.memory_space<vmem>>
      %dma_start3A_152 = arith.constant 0 : i32
      %dma_start3A_153 = tpu.memref_slice %arg6[%dma_start3A_144, %dma_start3A_145, %dma_start3A_152] : memref<2x8x128xi32, #tpu.memory_space<vmem>> -> memref<1x1x128xi32, #tpu.memory_space<vmem>>
      %dma_start3A_154 = tpu.memref_squeeze %dma_start3A_153 : memref<1x1x128xi32, #tpu.memory_space<vmem>> -> memref<128xi32, #tpu.memory_space<vmem>>
      %dma_start3A_155 = arith.constant 0 : i32
      %dma_start3A_156 = arith.constant 0 : i32
      %dma_start3A_157 = tpu.memref_slice %arg2[%dma_start3A_155, %dma_start3A_156] : memref<100352x16xf32, #tpu.memory_space<hbm>> -> memref<100352x16xf32, #tpu.memory_space<hbm>>
      tpu.enqueue_indirect_dma source(%dma_start3A_157 : memref<100352x16xf32, #tpu.memory_space<hbm>>) target(%dma_start3A_151 : memref<128x16xf32, #tpu.memory_space<vmem>>) offsets(%dma_start3A_154 : memref<128xi32, #tpu.memory_space<vmem>>) semaphore(%arg10 : memref<!tpu.dma_semaphore, #tpu.memory_space<semaphore_mem>>)
      %dma_start3A_158 = arith.constant 1 : i32
      %dma_start3A_159 = arith.constant 2 : i32
      %dma_start3A_160 = arith.constant 1 : i32
      %dma_start3A_161 = arith.constant 1 : i32
      %dma_start3A_162 = arith.constant 0 : i32
      %dma_start3A_163 = arith.constant 0 : i32
      %dma_start3A_164 = tpu.memref_slice %arg7[%dma_start3A_160, %dma_start3A_161, %dma_start3A_162, %dma_start3A_163] : memref<2x4x128x16xf32, #tpu.memory_space<vmem>> -> memref<1x1x128x16xf32, #tpu.memory_space<vmem>>
      %dma_start3A_165 = tpu.memref_squeeze %dma_start3A_164 : memref<1x1x128x16xf32, #tpu.memory_space<vmem>> -> memref<128x16xf32, #tpu.memory_space<vmem>>
      %dma_start3A_166 = arith.constant 0 : i32
      %dma_start3A_167 = tpu.memref_slice %arg6[%dma_start3A_158, %dma_start3A_159, %dma_start3A_166] : memref<2x8x128xi32, #tpu.memory_space<vmem>> -> memref<1x1x128xi32, #tpu.memory_space<vmem>>
      %dma_start3A_168 = tpu.memref_squeeze %dma_start3A_167 : memref<1x1x128xi32, #tpu.memory_space<vmem>> -> memref<128xi32, #tpu.memory_space<vmem>>
      %dma_start3A_169 = arith.constant 0 : i32
      %dma_start3A_170 = arith.constant 0 : i32
      %dma_start3A_171 = tpu.memref_slice %arg2[%dma_start3A_169, %dma_start3A_170] : memref<100352x16xf32, #tpu.memory_space<hbm>> -> memref<100352x16xf32, #tpu.memory_space<hbm>>
      tpu.enqueue_indirect_dma source(%dma_start3A_171 : memref<100352x16xf32, #tpu.memory_space<hbm>>) target(%dma_start3A_165 : memref<128x16xf32, #tpu.memory_space<vmem>>) offsets(%dma_start3A_168 : memref<128xi32, #tpu.memory_space<vmem>>) semaphore(%arg10 : memref<!tpu.dma_semaphore, #tpu.memory_space<semaphore_mem>>)
      %dma_start3A_172 = arith.constant 1 : i32
      %dma_start3A_173 = arith.constant 4 : i32
      %dma_start3A_174 = arith.constant 1 : i32
      %dma_start3A_175 = arith.constant 2 : i32
      %dma_start3A_176 = arith.constant 0 : i32
      %dma_start3A_177 = arith.constant 0 : i32
      %dma_start3A_178 = tpu.memref_slice %arg7[%dma_start3A_174, %dma_start3A_175, %dma_start3A_176, %dma_start3A_177] : memref<2x4x128x16xf32, #tpu.memory_space<vmem>> -> memref<1x1x128x16xf32, #tpu.memory_space<vmem>>
      %dma_start3A_179 = tpu.memref_squeeze %dma_start3A_178 : memref<1x1x128x16xf32, #tpu.memory_space<vmem>> -> memref<128x16xf32, #tpu.memory_space<vmem>>
      %dma_start3A_180 = arith.constant 0 : i32
      %dma_start3A_181 = tpu.memref_slice %arg6[%dma_start3A_172, %dma_start3A_173, %dma_start3A_180] : memref<2x8x128xi32, #tpu.memory_space<vmem>> -> memref<1x1x128xi32, #tpu.memory_space<vmem>>
      %dma_start3A_182 = tpu.memref_squeeze %dma_start3A_181 : memref<1x1x128xi32, #tpu.memory_space<vmem>> -> memref<128xi32, #tpu.memory_space<vmem>>
      %dma_start3A_183 = arith.constant 0 : i32
      %dma_start3A_184 = arith.constant 0 : i32
      %dma_start3A_185 = tpu.memref_slice %arg2[%dma_start3A_183, %dma_start3A_184] : memref<100352x16xf32, #tpu.memory_space<hbm>> -> memref<100352x16xf32, #tpu.memory_space<hbm>>
      tpu.enqueue_indirect_dma source(%dma_start3A_185 : memref<100352x16xf32, #tpu.memory_space<hbm>>) target(%dma_start3A_179 : memref<128x16xf32, #tpu.memory_space<vmem>>) offsets(%dma_start3A_182 : memref<128xi32, #tpu.memory_space<vmem>>) semaphore(%arg10 : memref<!tpu.dma_semaphore, #tpu.memory_space<semaphore_mem>>)
      %dma_start3A_186 = arith.constant 1 : i32
      %dma_start3A_187 = arith.constant 6 : i32
      %dma_start3A_188 = arith.constant 1 : i32
      %dma_start3A_189 = arith.constant 3 : i32
      %dma_start3A_190 = arith.constant 0 : i32
      %dma_start3A_191 = arith.constant 0 : i32
      %dma_start3A_192 = tpu.memref_slice %arg7[%dma_start3A_188, %dma_start3A_189, %dma_start3A_190, %dma_start3A_191] : memref<2x4x128x16xf32, #tpu.memory_space<vmem>> -> memref<1x1x128x16xf32, #tpu.memory_space<vmem>>
      %dma_start3A_193 = tpu.memref_squeeze %dma_start3A_192 : memref<1x1x128x16xf32, #tpu.memory_space<vmem>> -> memref<128x16xf32, #tpu.memory_space<vmem>>
      %dma_start3A_194 = arith.constant 0 : i32
      %dma_start3A_195 = tpu.memref_slice %arg6[%dma_start3A_186, %dma_start3A_187, %dma_start3A_194] : memref<2x8x128xi32, #tpu.memory_space<vmem>> -> memref<1x1x128xi32, #tpu.memory_space<vmem>>
      %dma_start3A_196 = tpu.memref_squeeze %dma_start3A_195 : memref<1x1x128xi32, #tpu.memory_space<vmem>> -> memref<128xi32, #tpu.memory_space<vmem>>
      %dma_start3A_197 = arith.constant 0 : i32
      %dma_start3A_198 = arith.constant 0 : i32
      %dma_start3A_199 = tpu.memref_slice %arg2[%dma_start3A_197, %dma_start3A_198] : memref<100352x16xf32, #tpu.memory_space<hbm>> -> memref<100352x16xf32, #tpu.memory_space<hbm>>
      tpu.enqueue_indirect_dma source(%dma_start3A_199 : memref<100352x16xf32, #tpu.memory_space<hbm>>) target(%dma_start3A_193 : memref<128x16xf32, #tpu.memory_space<vmem>>) offsets(%dma_start3A_196 : memref<128xi32, #tpu.memory_space<vmem>>) semaphore(%arg10 : memref<!tpu.dma_semaphore, #tpu.memory_space<semaphore_mem>>)
      %dma_wait3A_200 = arith.constant 0 : i32
      %dma_wait3A_201 = arith.constant 0 : i32
      %dma_wait3A_202 = arith.constant 0 : i32
      %dma_wait3A_203 = arith.constant 0 : i32
      %dma_wait3A_204 = arith.constant 0 : i32
      %dma_wait3A_205 = arith.constant 0 : i32
      %dma_wait3A_206 = tpu.memref_slice %arg7[%dma_wait3A_202, %dma_wait3A_203, %dma_wait3A_204, %dma_wait3A_205] : memref<2x4x128x16xf32, #tpu.memory_space<vmem>> -> memref<1x1x128x16xf32, #tpu.memory_space<vmem>>
      %dma_wait3A_207 = tpu.memref_squeeze %dma_wait3A_206 : memref<1x1x128x16xf32, #tpu.memory_space<vmem>> -> memref<128x16xf32, #tpu.memory_space<vmem>>
      %dma_wait3A_208 = arith.constant 0 : i32
      %dma_wait3A_209 = tpu.memref_slice %arg6[%dma_wait3A_200, %dma_wait3A_201, %dma_wait3A_208] : memref<2x8x128xi32, #tpu.memory_space<vmem>> -> memref<1x1x128xi32, #tpu.memory_space<vmem>>
      %dma_wait3A_210 = tpu.memref_squeeze %dma_wait3A_209 : memref<1x1x128xi32, #tpu.memory_space<vmem>> -> memref<128xi32, #tpu.memory_space<vmem>>
      %dma_wait3A_211 = arith.constant 0 : i32
      %dma_wait3A_212 = arith.constant 0 : i32
      %dma_wait3A_213 = tpu.memref_slice %arg2[%dma_wait3A_211, %dma_wait3A_212] : memref<100352x16xf32, #tpu.memory_space<hbm>> -> memref<100352x16xf32, #tpu.memory_space<hbm>>
      tpu.wait_indirect_dma semaphore(%arg9 : memref<!tpu.dma_semaphore, #tpu.memory_space<semaphore_mem>>) src(%dma_wait3A_213 : memref<100352x16xf32, #tpu.memory_space<hbm>>) dst(%dma_wait3A_207 : memref<128x16xf32, #tpu.memory_space<vmem>>)
      %dma_wait3A_214 = arith.constant 0 : i32
      %dma_wait3A_215 = arith.constant 2 : i32
      %dma_wait3A_216 = arith.constant 0 : i32
      %dma_wait3A_217 = arith.constant 1 : i32
      %dma_wait3A_218 = arith.constant 0 : i32
      %dma_wait3A_219 = arith.constant 0 : i32
      %dma_wait3A_220 = tpu.memref_slice %arg7[%dma_wait3A_216, %dma_wait3A_217, %dma_wait3A_218, %dma_wait3A_219] : memref<2x4x128x16xf32, #tpu.memory_space<vmem>> -> memref<1x1x128x16xf32, #tpu.memory_space<vmem>>
      %dma_wait3A_221 = tpu.memref_squeeze %dma_wait3A_220 : memref<1x1x128x16xf32, #tpu.memory_space<vmem>> -> memref<128x16xf32, #tpu.memory_space<vmem>>
      %dma_wait3A_222 = arith.constant 0 : i32
      %dma_wait3A_223 = tpu.memref_slice %arg6[%dma_wait3A_214, %dma_wait3A_215, %dma_wait3A_222] : memref<2x8x128xi32, #tpu.memory_space<vmem>> -> memref<1x1x128xi32, #tpu.memory_space<vmem>>
      %dma_wait3A_224 = tpu.memref_squeeze %dma_wait3A_223 : memref<1x1x128xi32, #tpu.memory_space<vmem>> -> memref<128xi32, #tpu.memory_space<vmem>>
      %dma_wait3A_225 = arith.constant 0 : i32
      %dma_wait3A_226 = arith.constant 0 : i32
      %dma_wait3A_227 = tpu.memref_slice %arg2[%dma_wait3A_225, %dma_wait3A_226] : memref<100352x16xf32, #tpu.memory_space<hbm>> -> memref<100352x16xf32, #tpu.memory_space<hbm>>
      tpu.wait_indirect_dma semaphore(%arg9 : memref<!tpu.dma_semaphore, #tpu.memory_space<semaphore_mem>>) src(%dma_wait3A_227 : memref<100352x16xf32, #tpu.memory_space<hbm>>) dst(%dma_wait3A_221 : memref<128x16xf32, #tpu.memory_space<vmem>>)
      %dma_wait3A_228 = arith.constant 0 : i32
      %dma_wait3A_229 = arith.constant 4 : i32
      %dma_wait3A_230 = arith.constant 0 : i32
      %dma_wait3A_231 = arith.constant 2 : i32
      %dma_wait3A_232 = arith.constant 0 : i32
      %dma_wait3A_233 = arith.constant 0 : i32
      %dma_wait3A_234 = tpu.memref_slice %arg7[%dma_wait3A_230, %dma_wait3A_231, %dma_wait3A_232, %dma_wait3A_233] : memref<2x4x128x16xf32, #tpu.memory_space<vmem>> -> memref<1x1x128x16xf32, #tpu.memory_space<vmem>>
      %dma_wait3A_235 = tpu.memref_squeeze %dma_wait3A_234 : memref<1x1x128x16xf32, #tpu.memory_space<vmem>> -> memref<128x16xf32, #tpu.memory_space<vmem>>
      %dma_wait3A_236 = arith.constant 0 : i32
      %dma_wait3A_237 = tpu.memref_slice %arg6[%dma_wait3A_228, %dma_wait3A_229, %dma_wait3A_236] : memref<2x8x128xi32, #tpu.memory_space<vmem>> -> memref<1x1x128xi32, #tpu.memory_space<vmem>>
      %dma_wait3A_238 = tpu.memref_squeeze %dma_wait3A_237 : memref<1x1x128xi32, #tpu.memory_space<vmem>> -> memref<128xi32, #tpu.memory_space<vmem>>
      %dma_wait3A_239 = arith.constant 0 : i32
      %dma_wait3A_240 = arith.constant 0 : i32
      %dma_wait3A_241 = tpu.memref_slice %arg2[%dma_wait3A_239, %dma_wait3A_240] : memref<100352x16xf32, #tpu.memory_space<hbm>> -> memref<100352x16xf32, #tpu.memory_space<hbm>>
      tpu.wait_indirect_dma semaphore(%arg9 : memref<!tpu.dma_semaphore, #tpu.memory_space<semaphore_mem>>) src(%dma_wait3A_241 : memref<100352x16xf32, #tpu.memory_space<hbm>>) dst(%dma_wait3A_235 : memref<128x16xf32, #tpu.memory_space<vmem>>)
      %dma_wait3A_242 = arith.constant 0 : i32
      %dma_wait3A_243 = arith.constant 6 : i32
      %dma_wait3A_244 = arith.constant 0 : i32
      %dma_wait3A_245 = arith.constant 3 : i32
      %dma_wait3A_246 = arith.constant 0 : i32
      %dma_wait3A_247 = arith.constant 0 : i32
      %dma_wait3A_248 = tpu.memref_slice %arg7[%dma_wait3A_244, %dma_wait3A_245, %dma_wait3A_246, %dma_wait3A_247] : memref<2x4x128x16xf32, #tpu.memory_space<vmem>> -> memref<1x1x128x16xf32, #tpu.memory_space<vmem>>
      %dma_wait3A_249 = tpu.memref_squeeze %dma_wait3A_248 : memref<1x1x128x16xf32, #tpu.memory_space<vmem>> -> memref<128x16xf32, #tpu.memory_space<vmem>>
      %dma_wait3A_250 = arith.constant 0 : i32
      %dma_wait3A_251 = tpu.memref_slice %arg6[%dma_wait3A_242, %dma_wait3A_243, %dma_wait3A_250] : memref<2x8x128xi32, #tpu.memory_space<vmem>> -> memref<1x1x128xi32, #tpu.memory_space<vmem>>
      %dma_wait3A_252 = tpu.memref_squeeze %dma_wait3A_251 : memref<1x1x128xi32, #tpu.memory_space<vmem>> -> memref<128xi32, #tpu.memory_space<vmem>>
      %dma_wait3A_253 = arith.constant 0 : i32
      %dma_wait3A_254 = arith.constant 0 : i32
      %dma_wait3A_255 = tpu.memref_slice %arg2[%dma_wait3A_253, %dma_wait3A_254] : memref<100352x16xf32, #tpu.memory_space<hbm>> -> memref<100352x16xf32, #tpu.memory_space<hbm>>
      tpu.wait_indirect_dma semaphore(%arg9 : memref<!tpu.dma_semaphore, #tpu.memory_space<semaphore_mem>>) src(%dma_wait3A_255 : memref<100352x16xf32, #tpu.memory_space<hbm>>) dst(%dma_wait3A_249 : memref<128x16xf32, #tpu.memory_space<vmem>>)
      %dma_start3A_256 = arith.constant 0 : i32
      %dma_start3A_257 = arith.constant 0 : i32
      %dma_start3A_258 = arith.constant 0 : i32
      %dma_start3A_259 = arith.constant 1 : i32
      %dma_start3A_260 = arith.constant 0 : i32
      %dma_start3A_261 = arith.constant 0 : i32
      %dma_start3A_262 = tpu.memref_slice %arg7[%dma_start3A_256, %dma_start3A_257, %dma_start3A_260, %dma_start3A_261] : memref<2x4x128x16xf32, #tpu.memory_space<vmem>> -> memref<1x1x128x16xf32, #tpu.memory_space<vmem>>
      %dma_start3A_263 = tpu.memref_squeeze %dma_start3A_262 : memref<1x1x128x16xf32, #tpu.memory_space<vmem>> -> memref<128x16xf32, #tpu.memory_space<vmem>>
      %dma_start3A_264 = arith.constant 0 : i32
      %dma_start3A_265 = tpu.memref_slice %arg6[%dma_start3A_258, %dma_start3A_259, %dma_start3A_264] : memref<2x8x128xi32, #tpu.memory_space<vmem>> -> memref<1x1x128xi32, #tpu.memory_space<vmem>>
      %dma_start3A_266 = tpu.memref_squeeze %dma_start3A_265 : memref<1x1x128xi32, #tpu.memory_space<vmem>> -> memref<128xi32, #tpu.memory_space<vmem>>
      %dma_start3A_267 = arith.constant 0 : i32
      %dma_start3A_268 = arith.constant 0 : i32
      %dma_start3A_269 = tpu.memref_slice %arg8[%dma_start3A_267, %dma_start3A_268] : memref<100352x16xf32, #tpu.memory_space<vmem_shared>> -> memref<100352x16xf32, #tpu.memory_space<vmem_shared>>
      tpu.enqueue_indirect_dma source(%dma_start3A_263 : memref<128x16xf32, #tpu.memory_space<vmem>>) target(%dma_start3A_269 : memref<100352x16xf32, #tpu.memory_space<vmem_shared>>) offsets(%dma_start3A_266 : memref<128xi32, #tpu.memory_space<vmem>>) semaphore(%arg11 : memref<!tpu.dma_semaphore, #tpu.memory_space<semaphore_mem>>) {add = true}
      %dma_start3A_270 = arith.constant 0 : i32
      %dma_start3A_271 = arith.constant 1 : i32
      %dma_start3A_272 = arith.constant 0 : i32
      %dma_start3A_273 = arith.constant 3 : i32
      %dma_start3A_274 = arith.constant 0 : i32
      %dma_start3A_275 = arith.constant 0 : i32
      %dma_start3A_276 = tpu.memref_slice %arg7[%dma_start3A_270, %dma_start3A_271, %dma_start3A_274, %dma_start3A_275] : memref<2x4x128x16xf32, #tpu.memory_space<vmem>> -> memref<1x1x128x16xf32, #tpu.memory_space<vmem>>
      %dma_start3A_277 = tpu.memref_squeeze %dma_start3A_276 : memref<1x1x128x16xf32, #tpu.memory_space<vmem>> -> memref<128x16xf32, #tpu.memory_space<vmem>>
      %dma_start3A_278 = arith.constant 0 : i32
      %dma_start3A_279 = tpu.memref_slice %arg6[%dma_start3A_272, %dma_start3A_273, %dma_start3A_278] : memref<2x8x128xi32, #tpu.memory_space<vmem>> -> memref<1x1x128xi32, #tpu.memory_space<vmem>>
      %dma_start3A_280 = tpu.memref_squeeze %dma_start3A_279 : memref<1x1x128xi32, #tpu.memory_space<vmem>> -> memref<128xi32, #tpu.memory_space<vmem>>
      %dma_start3A_281 = arith.constant 0 : i32
      %dma_start3A_282 = arith.constant 0 : i32
      %dma_start3A_283 = tpu.memref_slice %arg8[%dma_start3A_281, %dma_start3A_282] : memref<100352x16xf32, #tpu.memory_space<vmem_shared>> -> memref<100352x16xf32, #tpu.memory_space<vmem_shared>>
      tpu.enqueue_indirect_dma source(%dma_start3A_277 : memref<128x16xf32, #tpu.memory_space<vmem>>) target(%dma_start3A_283 : memref<100352x16xf32, #tpu.memory_space<vmem_shared>>) offsets(%dma_start3A_280 : memref<128xi32, #tpu.memory_space<vmem>>) semaphore(%arg11 : memref<!tpu.dma_semaphore, #tpu.memory_space<semaphore_mem>>) {add = true}
      %dma_start3A_284 = arith.constant 0 : i32
      %dma_start3A_285 = arith.constant 2 : i32
      %dma_start3A_286 = arith.constant 0 : i32
      %dma_start3A_287 = arith.constant 5 : i32
      %dma_start3A_288 = arith.constant 0 : i32
      %dma_start3A_289 = arith.constant 0 : i32
      %dma_start3A_290 = tpu.memref_slice %arg7[%dma_start3A_284, %dma_start3A_285, %dma_start3A_288, %dma_start3A_289] : memref<2x4x128x16xf32, #tpu.memory_space<vmem>> -> memref<1x1x128x16xf32, #tpu.memory_space<vmem>>
      %dma_start3A_291 = tpu.memref_squeeze %dma_start3A_290 : memref<1x1x128x16xf32, #tpu.memory_space<vmem>> -> memref<128x16xf32, #tpu.memory_space<vmem>>
      %dma_start3A_292 = arith.constant 0 : i32
      %dma_start3A_293 = tpu.memref_slice %arg6[%dma_start3A_286, %dma_start3A_287, %dma_start3A_292] : memref<2x8x128xi32, #tpu.memory_space<vmem>> -> memref<1x1x128xi32, #tpu.memory_space<vmem>>
      %dma_start3A_294 = tpu.memref_squeeze %dma_start3A_293 : memref<1x1x128xi32, #tpu.memory_space<vmem>> -> memref<128xi32, #tpu.memory_space<vmem>>
      %dma_start3A_295 = arith.constant 0 : i32
      %dma_start3A_296 = arith.constant 0 : i32
      %dma_start3A_297 = tpu.memref_slice %arg8[%dma_start3A_295, %dma_start3A_296] : memref<100352x16xf32, #tpu.memory_space<vmem_shared>> -> memref<100352x16xf32, #tpu.memory_space<vmem_shared>>
      tpu.enqueue_indirect_dma source(%dma_start3A_291 : memref<128x16xf32, #tpu.memory_space<vmem>>) target(%dma_start3A_297 : memref<100352x16xf32, #tpu.memory_space<vmem_shared>>) offsets(%dma_start3A_294 : memref<128xi32, #tpu.memory_space<vmem>>) semaphore(%arg11 : memref<!tpu.dma_semaphore, #tpu.memory_space<semaphore_mem>>) {add = true}
      %dma_start3A_298 = arith.constant 0 : i32
      %dma_start3A_299 = arith.constant 3 : i32
      %dma_start3A_300 = arith.constant 0 : i32
      %dma_start3A_301 = arith.constant 7 : i32
      %dma_start3A_302 = arith.constant 0 : i32
      %dma_start3A_303 = arith.constant 0 : i32
      %dma_start3A_304 = tpu.memref_slice %arg7[%dma_start3A_298, %dma_start3A_299, %dma_start3A_302, %dma_start3A_303] : memref<2x4x128x16xf32, #tpu.memory_space<vmem>> -> memref<1x1x128x16xf32, #tpu.memory_space<vmem>>
      %dma_start3A_305 = tpu.memref_squeeze %dma_start3A_304 : memref<1x1x128x16xf32, #tpu.memory_space<vmem>> -> memref<128x16xf32, #tpu.memory_space<vmem>>
      %dma_start3A_306 = arith.constant 0 : i32
      %dma_start3A_307 = tpu.memref_slice %arg6[%dma_start3A_300, %dma_start3A_301, %dma_start3A_306] : memref<2x8x128xi32, #tpu.memory_space<vmem>> -> memref<1x1x128xi32, #tpu.memory_space<vmem>>
      %dma_start3A_308 = tpu.memref_squeeze %dma_start3A_307 : memref<1x1x128xi32, #tpu.memory_space<vmem>> -> memref<128xi32, #tpu.memory_space<vmem>>
      %dma_start3A_309 = arith.constant 0 : i32
      %dma_start3A_310 = arith.constant 0 : i32
      %dma_start3A_311 = tpu.memref_slice %arg8[%dma_start3A_309, %dma_start3A_310] : memref<100352x16xf32, #tpu.memory_space<vmem_shared>> -> memref<100352x16xf32, #tpu.memory_space<vmem_shared>>
      tpu.enqueue_indirect_dma source(%dma_start3A_305 : memref<128x16xf32, #tpu.memory_space<vmem>>) target(%dma_start3A_311 : memref<100352x16xf32, #tpu.memory_space<vmem_shared>>) offsets(%dma_start3A_308 : memref<128xi32, #tpu.memory_space<vmem>>) semaphore(%arg11 : memref<!tpu.dma_semaphore, #tpu.memory_space<semaphore_mem>>) {add = true}
      %dma_wait3A_312 = arith.constant 0 : i32
      %dma_wait3A_313 = arith.constant 0 : i32
      %dma_wait3A_314 = arith.constant 0 : i32
      %dma_wait3A_315 = arith.constant 1 : i32
      %dma_wait3A_316 = arith.constant 0 : i32
      %dma_wait3A_317 = arith.constant 0 : i32
      %dma_wait3A_318 = tpu.memref_slice %arg7[%dma_wait3A_312, %dma_wait3A_313, %dma_wait3A_316, %dma_wait3A_317] : memref<2x4x128x16xf32, #tpu.memory_space<vmem>> -> memref<1x1x128x16xf32, #tpu.memory_space<vmem>>
      %dma_wait3A_319 = tpu.memref_squeeze %dma_wait3A_318 : memref<1x1x128x16xf32, #tpu.memory_space<vmem>> -> memref<128x16xf32, #tpu.memory_space<vmem>>
      %dma_wait3A_320 = arith.constant 0 : i32
      %dma_wait3A_321 = tpu.memref_slice %arg6[%dma_wait3A_314, %dma_wait3A_315, %dma_wait3A_320] : memref<2x8x128xi32, #tpu.memory_space<vmem>> -> memref<1x1x128xi32, #tpu.memory_space<vmem>>
      %dma_wait3A_322 = tpu.memref_squeeze %dma_wait3A_321 : memref<1x1x128xi32, #tpu.memory_space<vmem>> -> memref<128xi32, #tpu.memory_space<vmem>>
      %dma_wait3A_323 = arith.constant 0 : i32
      %dma_wait3A_324 = arith.constant 0 : i32
      %dma_wait3A_325 = tpu.memref_slice %arg8[%dma_wait3A_323, %dma_wait3A_324] : memref<100352x16xf32, #tpu.memory_space<vmem_shared>> -> memref<100352x16xf32, #tpu.memory_space<vmem_shared>>
      tpu.wait_indirect_dma semaphore(%arg11 : memref<!tpu.dma_semaphore, #tpu.memory_space<semaphore_mem>>) src(%dma_wait3A_319 : memref<128x16xf32, #tpu.memory_space<vmem>>) dst(%dma_wait3A_325 : memref<100352x16xf32, #tpu.memory_space<vmem_shared>>)
      %dma_wait3A_326 = arith.constant 0 : i32
      %dma_wait3A_327 = arith.constant 1 : i32
      %dma_wait3A_328 = arith.constant 0 : i32
      %dma_wait3A_329 = arith.constant 3 : i32
      %dma_wait3A_330 = arith.constant 0 : i32
      %dma_wait3A_331 = arith.constant 0 : i32
      %dma_wait3A_332 = tpu.memref_slice %arg7[%dma_wait3A_326, %dma_wait3A_327, %dma_wait3A_330, %dma_wait3A_331] : memref<2x4x128x16xf32, #tpu.memory_space<vmem>> -> memref<1x1x128x16xf32, #tpu.memory_space<vmem>>
      %dma_wait3A_333 = tpu.memref_squeeze %dma_wait3A_332 : memref<1x1x128x16xf32, #tpu.memory_space<vmem>> -> memref<128x16xf32, #tpu.memory_space<vmem>>
      %dma_wait3A_334 = arith.constant 0 : i32
      %dma_wait3A_335 = tpu.memref_slice %arg6[%dma_wait3A_328, %dma_wait3A_329, %dma_wait3A_334] : memref<2x8x128xi32, #tpu.memory_space<vmem>> -> memref<1x1x128xi32, #tpu.memory_space<vmem>>
      %dma_wait3A_336 = tpu.memref_squeeze %dma_wait3A_335 : memref<1x1x128xi32, #tpu.memory_space<vmem>> -> memref<128xi32, #tpu.memory_space<vmem>>
      %dma_wait3A_337 = arith.constant 0 : i32
      %dma_wait3A_338 = arith.constant 0 : i32
      %dma_wait3A_339 = tpu.memref_slice %arg8[%dma_wait3A_337, %dma_wait3A_338] : memref<100352x16xf32, #tpu.memory_space<vmem_shared>> -> memref<100352x16xf32, #tpu.memory_space<vmem_shared>>
      tpu.wait_indirect_dma semaphore(%arg11 : memref<!tpu.dma_semaphore, #tpu.memory_space<semaphore_mem>>) src(%dma_wait3A_333 : memref<128x16xf32, #tpu.memory_space<vmem>>) dst(%dma_wait3A_339 : memref<100352x16xf32, #tpu.memory_space<vmem_shared>>)
      %dma_wait3A_340 = arith.constant 0 : i32
      %dma_wait3A_341 = arith.constant 2 : i32
      %dma_wait3A_342 = arith.constant 0 : i32
      %dma_wait3A_343 = arith.constant 5 : i32
      %dma_wait3A_344 = arith.constant 0 : i32
      %dma_wait3A_345 = arith.constant 0 : i32
      %dma_wait3A_346 = tpu.memref_slice %arg7[%dma_wait3A_340, %dma_wait3A_341, %dma_wait3A_344, %dma_wait3A_345] : memref<2x4x128x16xf32, #tpu.memory_space<vmem>> -> memref<1x1x128x16xf32, #tpu.memory_space<vmem>>
      %dma_wait3A_347 = tpu.memref_squeeze %dma_wait3A_346 : memref<1x1x128x16xf32, #tpu.memory_space<vmem>> -> memref<128x16xf32, #tpu.memory_space<vmem>>
      %dma_wait3A_348 = arith.constant 0 : i32
      %dma_wait3A_349 = tpu.memref_slice %arg6[%dma_wait3A_342, %dma_wait3A_343, %dma_wait3A_348] : memref<2x8x128xi32, #tpu.memory_space<vmem>> -> memref<1x1x128xi32, #tpu.memory_space<vmem>>
      %dma_wait3A_350 = tpu.memref_squeeze %dma_wait3A_349 : memref<1x1x128xi32, #tpu.memory_space<vmem>> -> memref<128xi32, #tpu.memory_space<vmem>>
      %dma_wait3A_351 = arith.constant 0 : i32
      %dma_wait3A_352 = arith.constant 0 : i32
      %dma_wait3A_353 = tpu.memref_slice %arg8[%dma_wait3A_351, %dma_wait3A_352] : memref<100352x16xf32, #tpu.memory_space<vmem_shared>> -> memref<100352x16xf32, #tpu.memory_space<vmem_shared>>
      tpu.wait_indirect_dma semaphore(%arg11 : memref<!tpu.dma_semaphore, #tpu.memory_space<semaphore_mem>>) src(%dma_wait3A_347 : memref<128x16xf32, #tpu.memory_space<vmem>>) dst(%dma_wait3A_353 : memref<100352x16xf32, #tpu.memory_space<vmem_shared>>)
      %dma_wait3A_354 = arith.constant 0 : i32
      %dma_wait3A_355 = arith.constant 3 : i32
      %dma_wait3A_356 = arith.constant 0 : i32
      %dma_wait3A_357 = arith.constant 7 : i32
      %dma_wait3A_358 = arith.constant 0 : i32
      %dma_wait3A_359 = arith.constant 0 : i32
      %dma_wait3A_360 = tpu.memref_slice %arg7[%dma_wait3A_354, %dma_wait3A_355, %dma_wait3A_358, %dma_wait3A_359] : memref<2x4x128x16xf32, #tpu.memory_space<vmem>> -> memref<1x1x128x16xf32, #tpu.memory_space<vmem>>
      %dma_wait3A_361 = tpu.memref_squeeze %dma_wait3A_360 : memref<1x1x128x16xf32, #tpu.memory_space<vmem>> -> memref<128x16xf32, #tpu.memory_space<vmem>>
      %dma_wait3A_362 = arith.constant 0 : i32
      %dma_wait3A_363 = tpu.memref_slice %arg6[%dma_wait3A_356, %dma_wait3A_357, %dma_wait3A_362] : memref<2x8x128xi32, #tpu.memory_space<vmem>> -> memref<1x1x128xi32, #tpu.memory_space<vmem>>
      %dma_wait3A_364 = tpu.memref_squeeze %dma_wait3A_363 : memref<1x1x128xi32, #tpu.memory_space<vmem>> -> memref<128xi32, #tpu.memory_space<vmem>>
      %dma_wait3A_365 = arith.constant 0 : i32
      %dma_wait3A_366 = arith.constant 0 : i32
      %dma_wait3A_367 = tpu.memref_slice %arg8[%dma_wait3A_365, %dma_wait3A_366] : memref<100352x16xf32, #tpu.memory_space<vmem_shared>> -> memref<100352x16xf32, #tpu.memory_space<vmem_shared>>
      tpu.wait_indirect_dma semaphore(%arg11 : memref<!tpu.dma_semaphore, #tpu.memory_space<semaphore_mem>>) src(%dma_wait3A_361 : memref<128x16xf32, #tpu.memory_space<vmem>>) dst(%dma_wait3A_367 : memref<100352x16xf32, #tpu.memory_space<vmem_shared>>)
      %add3A_368 = arith.constant 1 : i32
      %add3A_369 = arith.addi %scan3A_130, %add3A_368 : i32
      %lt3A = arith.constant 98 : i32
      %lt3A_370 = arith.cmpi slt, %add3A_369, %lt3A : i32
      %convert_element_type3A_371 = arith.extui %lt3A_370 : i1 to i32
      %cond3A_372 = arith.constant 0 : i32
      %cond3A_373 = arith.cmpi ne, %convert_element_type3A_371, %cond3A_372 : i32
      scf.if %cond3A_373 {
        %add3A_486 = arith.constant 2 : i32
        %add3A_487 = arith.addi %mul3A_132, %add3A_486 : i32
        %mul3A_488 = arith.constant 4 : i32
        %mul3A_489 = arith.muli %add3A_487, %mul3A_488 : i32
        %add3A_490 = arith.addi %mul3A_4, %mul3A_489 : i32
        %mul3A_491 = arith.constant 2 : i32
        %mul3A_492 = arith.muli %mul3A_491, %add3A_490 : i32
        %multiple_of3A_493 = tpu.assume_multiple %mul3A_492, 8 : i32
        %run_scoped3A_494 = arith.constant 0 : i32
        "tpu.region"() ({
          %run_scoped3A_551 = tpu.sem_alloc : memref<!tpu.dma_semaphore, #tpu.memory_space<semaphore_mem>>
          %dma_start3A_552 = arith.constant 0 : i32
          %dma_start3A_553 = arith.constant 0 : i32
          %dma_start3A_554 = tpu.memref_slice %arg6[%run_scoped3A_494, %dma_start3A_552, %dma_start3A_553] : memref<2x8x128xi32, #tpu.memory_space<vmem>> -> memref<1x8x128xi32, #tpu.memory_space<vmem>>
          %dma_start3A_555 = tpu.memref_squeeze %dma_start3A_554 : memref<1x8x128xi32, #tpu.memory_space<vmem>> -> memref<8x128xi32, #tpu.memory_space<vmem>>
          %dma_start3A_556 = arith.constant 0 : i32
          %dma_start3A_557 = tpu.memref_slice %arg3[%multiple_of3A_493, %dma_start3A_556] : memref<50176x128xi32, #tpu.memory_space<hbm>> -> memref<8x128xi32, #tpu.memory_space<hbm>>
          %dma_start3A_558 = arith.constant 0 : i32
          %dma_start3A_559 = arith.constant 0 : i32
          %dma_start3A_560 = tpu.memref_slice %arg6[%run_scoped3A_494, %dma_start3A_558, %dma_start3A_559] : memref<2x8x128xi32, #tpu.memory_space<vmem>> -> memref<1x8x128xi32, #tpu.memory_space<vmem>>
          %dma_start3A_561 = tpu.memref_squeeze %dma_start3A_560 : memref<1x8x128xi32, #tpu.memory_space<vmem>> -> memref<8x128xi32, #tpu.memory_space<vmem>>
          %dma_start3A_562 = arith.constant 0 : i32
          %dma_start3A_563 = tpu.memref_slice %arg3[%multiple_of3A_493, %dma_start3A_562] : memref<50176x128xi32, #tpu.memory_space<hbm>> -> memref<8x128xi32, #tpu.memory_space<hbm>>
          tpu.enqueue_dma source(%dma_start3A_563 : memref<8x128xi32, #tpu.memory_space<hbm>>) target(%dma_start3A_561 : memref<8x128xi32, #tpu.memory_space<vmem>>) target_semaphore(%run_scoped3A_551 : memref<!tpu.dma_semaphore, #tpu.memory_space<semaphore_mem>>)
          %dma_wait3A_564 = arith.constant 0 : i32
          %dma_wait3A_565 = arith.constant 0 : i32
          %dma_wait3A_566 = tpu.memref_slice %arg6[%run_scoped3A_494, %dma_wait3A_564, %dma_wait3A_565] : memref<2x8x128xi32, #tpu.memory_space<vmem>> -> memref<1x8x128xi32, #tpu.memory_space<vmem>>
          %dma_wait3A_567 = tpu.memref_squeeze %dma_wait3A_566 : memref<1x8x128xi32, #tpu.memory_space<vmem>> -> memref<8x128xi32, #tpu.memory_space<vmem>>
          %dma_wait3A_568 = arith.constant 0 : i32
          %dma_wait3A_569 = tpu.memref_slice %arg3[%multiple_of3A_493, %dma_wait3A_568] : memref<50176x128xi32, #tpu.memory_space<hbm>> -> memref<8x128xi32, #tpu.memory_space<hbm>>
          %dma_wait3A_570 = arith.constant 0 : i32
          %dma_wait3A_571 = arith.constant 0 : i32
          %dma_wait3A_572 = tpu.memref_slice %arg6[%run_scoped3A_494, %dma_wait3A_570, %dma_wait3A_571] : memref<2x8x128xi32, #tpu.memory_space<vmem>> -> memref<1x8x128xi32, #tpu.memory_space<vmem>>
          %dma_wait3A_573 = tpu.memref_squeeze %dma_wait3A_572 : memref<1x8x128xi32, #tpu.memory_space<vmem>> -> memref<8x128xi32, #tpu.memory_space<vmem>>
          %dma_wait3A_574 = arith.constant 0 : i32
          %dma_wait3A_575 = tpu.memref_slice %arg3[%multiple_of3A_493, %dma_wait3A_574] : memref<50176x128xi32, #tpu.memory_space<hbm>> -> memref<8x128xi32, #tpu.memory_space<hbm>>
          tpu.wait_dma2 semaphore(%run_scoped3A_551 : memref<!tpu.dma_semaphore, #tpu.memory_space<semaphore_mem>>) src(%dma_wait3A_575 : memref<8x128xi32, #tpu.memory_space<hbm>>) dst(%dma_wait3A_573 : memref<8x128xi32, #tpu.memory_space<vmem>>)
          tpu.yield
        }) : () -> ()
        %dma_start3A_495 = arith.constant 0 : i32
        %dma_start3A_496 = arith.constant 0 : i32
        %dma_start3A_497 = arith.constant 0 : i32
        %dma_start3A_498 = arith.constant 0 : i32
        %dma_start3A_499 = arith.constant 0 : i32
        %dma_start3A_500 = arith.constant 0 : i32
        %dma_start3A_501 = tpu.memref_slice %arg7[%dma_start3A_497, %dma_start3A_498, %dma_start3A_499, %dma_start3A_500] : memref<2x4x128x16xf32, #tpu.memory_space<vmem>> -> memref<1x1x128x16xf32, #tpu.memory_space<vmem>>
        %dma_start3A_502 = tpu.memref_squeeze %dma_start3A_501 : memref<1x1x128x16xf32, #tpu.memory_space<vmem>> -> memref<128x16xf32, #tpu.memory_space<vmem>>
        %dma_start3A_503 = arith.constant 0 : i32
        %dma_start3A_504 = tpu.memref_slice %arg6[%dma_start3A_495, %dma_start3A_496, %dma_start3A_503] : memref<2x8x128xi32, #tpu.memory_space<vmem>> -> memref<1x1x128xi32, #tpu.memory_space<vmem>>
        %dma_start3A_505 = tpu.memref_squeeze %dma_start3A_504 : memref<1x1x128xi32, #tpu.memory_space<vmem>> -> memref<128xi32, #tpu.memory_space<vmem>>
        %dma_start3A_506 = arith.constant 0 : i32
        %dma_start3A_507 = arith.constant 0 : i32
        %dma_start3A_508 = tpu.memref_slice %arg2[%dma_start3A_506, %dma_start3A_507] : memref<100352x16xf32, #tpu.memory_space<hbm>> -> memref<100352x16xf32, #tpu.memory_space<hbm>>
        tpu.enqueue_indirect_dma source(%dma_start3A_508 : memref<100352x16xf32, #tpu.memory_space<hbm>>) target(%dma_start3A_502 : memref<128x16xf32, #tpu.memory_space<vmem>>) offsets(%dma_start3A_505 : memref<128xi32, #tpu.memory_space<vmem>>) semaphore(%arg9 : memref<!tpu.dma_semaphore, #tpu.memory_space<semaphore_mem>>)
        %dma_start3A_509 = arith.constant 0 : i32
        %dma_start3A_510 = arith.constant 2 : i32
        %dma_start3A_511 = arith.constant 0 : i32
        %dma_start3A_512 = arith.constant 1 : i32
        %dma_start3A_513 = arith.constant 0 : i32
        %dma_start3A_514 = arith.constant 0 : i32
        %dma_start3A_515 = tpu.memref_slice %arg7[%dma_start3A_511, %dma_start3A_512, %dma_start3A_513, %dma_start3A_514] : memref<2x4x128x16xf32, #tpu.memory_space<vmem>> -> memref<1x1x128x16xf32, #tpu.memory_space<vmem>>
        %dma_start3A_516 = tpu.memref_squeeze %dma_start3A_515 : memref<1x1x128x16xf32, #tpu.memory_space<vmem>> -> memref<128x16xf32, #tpu.memory_space<vmem>>
        %dma_start3A_517 = arith.constant 0 : i32
        %dma_start3A_518 = tpu.memref_slice %arg6[%dma_start3A_509, %dma_start3A_510, %dma_start3A_517] : memref<2x8x128xi32, #tpu.memory_space<vmem>> -> memref<1x1x128xi32, #tpu.memory_space<vmem>>
        %dma_start3A_519 = tpu.memref_squeeze %dma_start3A_518 : memref<1x1x128xi32, #tpu.memory_space<vmem>> -> memref<128xi32, #tpu.memory_space<vmem>>
        %dma_start3A_520 = arith.constant 0 : i32
        %dma_start3A_521 = arith.constant 0 : i32
        %dma_start3A_522 = tpu.memref_slice %arg2[%dma_start3A_520, %dma_start3A_521] : memref<100352x16xf32, #tpu.memory_space<hbm>> -> memref<100352x16xf32, #tpu.memory_space<hbm>>
        tpu.enqueue_indirect_dma source(%dma_start3A_522 : memref<100352x16xf32, #tpu.memory_space<hbm>>) target(%dma_start3A_516 : memref<128x16xf32, #tpu.memory_space<vmem>>) offsets(%dma_start3A_519 : memref<128xi32, #tpu.memory_space<vmem>>) semaphore(%arg9 : memref<!tpu.dma_semaphore, #tpu.memory_space<semaphore_mem>>)
        %dma_start3A_523 = arith.constant 0 : i32
        %dma_start3A_524 = arith.constant 4 : i32
        %dma_start3A_525 = arith.constant 0 : i32
        %dma_start3A_526 = arith.constant 2 : i32
        %dma_start3A_527 = arith.constant 0 : i32
        %dma_start3A_528 = arith.constant 0 : i32
        %dma_start3A_529 = tpu.memref_slice %arg7[%dma_start3A_525, %dma_start3A_526, %dma_start3A_527, %dma_start3A_528] : memref<2x4x128x16xf32, #tpu.memory_space<vmem>> -> memref<1x1x128x16xf32, #tpu.memory_space<vmem>>
        %dma_start3A_530 = tpu.memref_squeeze %dma_start3A_529 : memref<1x1x128x16xf32, #tpu.memory_space<vmem>> -> memref<128x16xf32, #tpu.memory_space<vmem>>
        %dma_start3A_531 = arith.constant 0 : i32
        %dma_start3A_532 = tpu.memref_slice %arg6[%dma_start3A_523, %dma_start3A_524, %dma_start3A_531] : memref<2x8x128xi32, #tpu.memory_space<vmem>> -> memref<1x1x128xi32, #tpu.memory_space<vmem>>
        %dma_start3A_533 = tpu.memref_squeeze %dma_start3A_532 : memref<1x1x128xi32, #tpu.memory_space<vmem>> -> memref<128xi32, #tpu.memory_space<vmem>>
        %dma_start3A_534 = arith.constant 0 : i32
        %dma_start3A_535 = arith.constant 0 : i32
        %dma_start3A_536 = tpu.memref_slice %arg2[%dma_start3A_534, %dma_start3A_535] : memref<100352x16xf32, #tpu.memory_space<hbm>> -> memref<100352x16xf32, #tpu.memory_space<hbm>>
        tpu.enqueue_indirect_dma source(%dma_start3A_536 : memref<100352x16xf32, #tpu.memory_space<hbm>>) target(%dma_start3A_530 : memref<128x16xf32, #tpu.memory_space<vmem>>) offsets(%dma_start3A_533 : memref<128xi32, #tpu.memory_space<vmem>>) semaphore(%arg9 : memref<!tpu.dma_semaphore, #tpu.memory_space<semaphore_mem>>)
        %dma_start3A_537 = arith.constant 0 : i32
        %dma_start3A_538 = arith.constant 6 : i32
        %dma_start3A_539 = arith.constant 0 : i32
        %dma_start3A_540 = arith.constant 3 : i32
        %dma_start3A_541 = arith.constant 0 : i32
        %dma_start3A_542 = arith.constant 0 : i32
        %dma_start3A_543 = tpu.memref_slice %arg7[%dma_start3A_539, %dma_start3A_540, %dma_start3A_541, %dma_start3A_542] : memref<2x4x128x16xf32, #tpu.memory_space<vmem>> -> memref<1x1x128x16xf32, #tpu.memory_space<vmem>>
        %dma_start3A_544 = tpu.memref_squeeze %dma_start3A_543 : memref<1x1x128x16xf32, #tpu.memory_space<vmem>> -> memref<128x16xf32, #tpu.memory_space<vmem>>
        %dma_start3A_545 = arith.constant 0 : i32
        %dma_start3A_546 = tpu.memref_slice %arg6[%dma_start3A_537, %dma_start3A_538, %dma_start3A_545] : memref<2x8x128xi32, #tpu.memory_space<vmem>> -> memref<1x1x128xi32, #tpu.memory_space<vmem>>
        %dma_start3A_547 = tpu.memref_squeeze %dma_start3A_546 : memref<1x1x128xi32, #tpu.memory_space<vmem>> -> memref<128xi32, #tpu.memory_space<vmem>>
        %dma_start3A_548 = arith.constant 0 : i32
        %dma_start3A_549 = arith.constant 0 : i32
        %dma_start3A_550 = tpu.memref_slice %arg2[%dma_start3A_548, %dma_start3A_549] : memref<100352x16xf32, #tpu.memory_space<hbm>> -> memref<100352x16xf32, #tpu.memory_space<hbm>>
        tpu.enqueue_indirect_dma source(%dma_start3A_550 : memref<100352x16xf32, #tpu.memory_space<hbm>>) target(%dma_start3A_544 : memref<128x16xf32, #tpu.memory_space<vmem>>) offsets(%dma_start3A_547 : memref<128xi32, #tpu.memory_space<vmem>>) semaphore(%arg9 : memref<!tpu.dma_semaphore, #tpu.memory_space<semaphore_mem>>)
      } else {
      }
      %dma_wait3A_374 = arith.constant 1 : i32
      %dma_wait3A_375 = arith.constant 0 : i32
      %dma_wait3A_376 = arith.constant 1 : i32
      %dma_wait3A_377 = arith.constant 0 : i32
      %dma_wait3A_378 = arith.constant 0 : i32
      %dma_wait3A_379 = arith.constant 0 : i32
      %dma_wait3A_380 = tpu.memref_slice %arg7[%dma_wait3A_376, %dma_wait3A_377, %dma_wait3A_378, %dma_wait3A_379] : memref<2x4x128x16xf32, #tpu.memory_space<vmem>> -> memref<1x1x128x16xf32, #tpu.memory_space<vmem>>
      %dma_wait3A_381 = tpu.memref_squeeze %dma_wait3A_380 : memref<1x1x128x16xf32, #tpu.memory_space<vmem>> -> memref<128x16xf32, #tpu.memory_space<vmem>>
      %dma_wait3A_382 = arith.constant 0 : i32
      %dma_wait3A_383 = tpu.memref_slice %arg6[%dma_wait3A_374, %dma_wait3A_375, %dma_wait3A_382] : memref<2x8x128xi32, #tpu.memory_space<vmem>> -> memref<1x1x128xi32, #tpu.memory_space<vmem>>
      %dma_wait3A_384 = tpu.memref_squeeze %dma_wait3A_383 : memref<1x1x128xi32, #tpu.memory_space<vmem>> -> memref<128xi32, #tpu.memory_space<vmem>>
      %dma_wait3A_385 = arith.constant 0 : i32
      %dma_wait3A_386 = arith.constant 0 : i32
      %dma_wait3A_387 = tpu.memref_slice %arg2[%dma_wait3A_385, %dma_wait3A_386] : memref<100352x16xf32, #tpu.memory_space<hbm>> -> memref<100352x16xf32, #tpu.memory_space<hbm>>
      tpu.wait_indirect_dma semaphore(%arg10 : memref<!tpu.dma_semaphore, #tpu.memory_space<semaphore_mem>>) src(%dma_wait3A_387 : memref<100352x16xf32, #tpu.memory_space<hbm>>) dst(%dma_wait3A_381 : memref<128x16xf32, #tpu.memory_space<vmem>>)
      %dma_wait3A_388 = arith.constant 1 : i32
      %dma_wait3A_389 = arith.constant 2 : i32
      %dma_wait3A_390 = arith.constant 1 : i32
      %dma_wait3A_391 = arith.constant 1 : i32
      %dma_wait3A_392 = arith.constant 0 : i32
      %dma_wait3A_393 = arith.constant 0 : i32
      %dma_wait3A_394 = tpu.memref_slice %arg7[%dma_wait3A_390, %dma_wait3A_391, %dma_wait3A_392, %dma_wait3A_393] : memref<2x4x128x16xf32, #tpu.memory_space<vmem>> -> memref<1x1x128x16xf32, #tpu.memory_space<vmem>>
      %dma_wait3A_395 = tpu.memref_squeeze %dma_wait3A_394 : memref<1x1x128x16xf32, #tpu.memory_space<vmem>> -> memref<128x16xf32, #tpu.memory_space<vmem>>
      %dma_wait3A_396 = arith.constant 0 : i32
      %dma_wait3A_397 = tpu.memref_slice %arg6[%dma_wait3A_388, %dma_wait3A_389, %dma_wait3A_396] : memref<2x8x128xi32, #tpu.memory_space<vmem>> -> memref<1x1x128xi32, #tpu.memory_space<vmem>>
      %dma_wait3A_398 = tpu.memref_squeeze %dma_wait3A_397 : memref<1x1x128xi32, #tpu.memory_space<vmem>> -> memref<128xi32, #tpu.memory_space<vmem>>
      %dma_wait3A_399 = arith.constant 0 : i32
      %dma_wait3A_400 = arith.constant 0 : i32
      %dma_wait3A_401 = tpu.memref_slice %arg2[%dma_wait3A_399, %dma_wait3A_400] : memref<100352x16xf32, #tpu.memory_space<hbm>> -> memref<100352x16xf32, #tpu.memory_space<hbm>>
      tpu.wait_indirect_dma semaphore(%arg10 : memref<!tpu.dma_semaphore, #tpu.memory_space<semaphore_mem>>) src(%dma_wait3A_401 : memref<100352x16xf32, #tpu.memory_space<hbm>>) dst(%dma_wait3A_395 : memref<128x16xf32, #tpu.memory_space<vmem>>)
      %dma_wait3A_402 = arith.constant 1 : i32
      %dma_wait3A_403 = arith.constant 4 : i32
      %dma_wait3A_404 = arith.constant 1 : i32
      %dma_wait3A_405 = arith.constant 2 : i32
      %dma_wait3A_406 = arith.constant 0 : i32
      %dma_wait3A_407 = arith.constant 0 : i32
      %dma_wait3A_408 = tpu.memref_slice %arg7[%dma_wait3A_404, %dma_wait3A_405, %dma_wait3A_406, %dma_wait3A_407] : memref<2x4x128x16xf32, #tpu.memory_space<vmem>> -> memref<1x1x128x16xf32, #tpu.memory_space<vmem>>
      %dma_wait3A_409 = tpu.memref_squeeze %dma_wait3A_408 : memref<1x1x128x16xf32, #tpu.memory_space<vmem>> -> memref<128x16xf32, #tpu.memory_space<vmem>>
      %dma_wait3A_410 = arith.constant 0 : i32
      %dma_wait3A_411 = tpu.memref_slice %arg6[%dma_wait3A_402, %dma_wait3A_403, %dma_wait3A_410] : memref<2x8x128xi32, #tpu.memory_space<vmem>> -> memref<1x1x128xi32, #tpu.memory_space<vmem>>
      %dma_wait3A_412 = tpu.memref_squeeze %dma_wait3A_411 : memref<1x1x128xi32, #tpu.memory_space<vmem>> -> memref<128xi32, #tpu.memory_space<vmem>>
      %dma_wait3A_413 = arith.constant 0 : i32
      %dma_wait3A_414 = arith.constant 0 : i32
      %dma_wait3A_415 = tpu.memref_slice %arg2[%dma_wait3A_413, %dma_wait3A_414] : memref<100352x16xf32, #tpu.memory_space<hbm>> -> memref<100352x16xf32, #tpu.memory_space<hbm>>
      tpu.wait_indirect_dma semaphore(%arg10 : memref<!tpu.dma_semaphore, #tpu.memory_space<semaphore_mem>>) src(%dma_wait3A_415 : memref<100352x16xf32, #tpu.memory_space<hbm>>) dst(%dma_wait3A_409 : memref<128x16xf32, #tpu.memory_space<vmem>>)
      %dma_wait3A_416 = arith.constant 1 : i32
      %dma_wait3A_417 = arith.constant 6 : i32
      %dma_wait3A_418 = arith.constant 1 : i32
      %dma_wait3A_419 = arith.constant 3 : i32
      %dma_wait3A_420 = arith.constant 0 : i32
      %dma_wait3A_421 = arith.constant 0 : i32
      %dma_wait3A_422 = tpu.memref_slice %arg7[%dma_wait3A_418, %dma_wait3A_419, %dma_wait3A_420, %dma_wait3A_421] : memref<2x4x128x16xf32, #tpu.memory_space<vmem>> -> memref<1x1x128x16xf32, #tpu.memory_space<vmem>>
      %dma_wait3A_423 = tpu.memref_squeeze %dma_wait3A_422 : memref<1x1x128x16xf32, #tpu.memory_space<vmem>> -> memref<128x16xf32, #tpu.memory_space<vmem>>
      %dma_wait3A_424 = arith.constant 0 : i32
      %dma_wait3A_425 = tpu.memref_slice %arg6[%dma_wait3A_416, %dma_wait3A_417, %dma_wait3A_424] : memref<2x8x128xi32, #tpu.memory_space<vmem>> -> memref<1x1x128xi32, #tpu.memory_space<vmem>>
      %dma_wait3A_426 = tpu.memref_squeeze %dma_wait3A_425 : memref<1x1x128xi32, #tpu.memory_space<vmem>> -> memref<128xi32, #tpu.memory_space<vmem>>
      %dma_wait3A_427 = arith.constant 0 : i32
      %dma_wait3A_428 = arith.constant 0 : i32
      %dma_wait3A_429 = tpu.memref_slice %arg2[%dma_wait3A_427, %dma_wait3A_428] : memref<100352x16xf32, #tpu.memory_space<hbm>> -> memref<100352x16xf32, #tpu.memory_space<hbm>>
      tpu.wait_indirect_dma semaphore(%arg10 : memref<!tpu.dma_semaphore, #tpu.memory_space<semaphore_mem>>) src(%dma_wait3A_429 : memref<100352x16xf32, #tpu.memory_space<hbm>>) dst(%dma_wait3A_423 : memref<128x16xf32, #tpu.memory_space<vmem>>)
      %dma_start3A_430 = arith.constant 1 : i32
      %dma_start3A_431 = arith.constant 0 : i32
      %dma_start3A_432 = arith.constant 1 : i32
      %dma_start3A_433 = arith.constant 1 : i32
      %dma_start3A_434 = arith.constant 0 : i32
      %dma_start3A_435 = arith.constant 0 : i32
      %dma_start3A_436 = tpu.memref_slice %arg7[%dma_start3A_430, %dma_start3A_431, %dma_start3A_434, %dma_start3A_435] : memref<2x4x128x16xf32, #tpu.memory_space<vmem>> -> memref<1x1x128x16xf32, #tpu.memory_space<vmem>>
      %dma_start3A_437 = tpu.memref_squeeze %dma_start3A_436 : memref<1x1x128x16xf32, #tpu.memory_space<vmem>> -> memref<128x16xf32, #tpu.memory_space<vmem>>
      %dma_start3A_438 = arith.constant 0 : i32
      %dma_start3A_439 = tpu.memref_slice %arg6[%dma_start3A_432, %dma_start3A_433, %dma_start3A_438] : memref<2x8x128xi32, #tpu.memory_space<vmem>> -> memref<1x1x128xi32, #tpu.memory_space<vmem>>
      %dma_start3A_440 = tpu.memref_squeeze %dma_start3A_439 : memref<1x1x128xi32, #tpu.memory_space<vmem>> -> memref<128xi32, #tpu.memory_space<vmem>>
      %dma_start3A_441 = arith.constant 0 : i32
      %dma_start3A_442 = arith.constant 0 : i32
      %dma_start3A_443 = tpu.memref_slice %arg8[%dma_start3A_441, %dma_start3A_442] : memref<100352x16xf32, #tpu.memory_space<vmem_shared>> -> memref<100352x16xf32, #tpu.memory_space<vmem_shared>>
      tpu.enqueue_indirect_dma source(%dma_start3A_437 : memref<128x16xf32, #tpu.memory_space<vmem>>) target(%dma_start3A_443 : memref<100352x16xf32, #tpu.memory_space<vmem_shared>>) offsets(%dma_start3A_440 : memref<128xi32, #tpu.memory_space<vmem>>) semaphore(%arg12 : memref<!tpu.dma_semaphore, #tpu.memory_space<semaphore_mem>>) {add = true}
      %dma_start3A_444 = arith.constant 1 : i32
      %dma_start3A_445 = arith.constant 1 : i32
      %dma_start3A_446 = arith.constant 1 : i32
      %dma_start3A_447 = arith.constant 3 : i32
      %dma_start3A_448 = arith.constant 0 : i32
      %dma_start3A_449 = arith.constant 0 : i32
      %dma_start3A_450 = tpu.memref_slice %arg7[%dma_start3A_444, %dma_start3A_445, %dma_start3A_448, %dma_start3A_449] : memref<2x4x128x16xf32, #tpu.memory_space<vmem>> -> memref<1x1x128x16xf32, #tpu.memory_space<vmem>>
      %dma_start3A_451 = tpu.memref_squeeze %dma_start3A_450 : memref<1x1x128x16xf32, #tpu.memory_space<vmem>> -> memref<128x16xf32, #tpu.memory_space<vmem>>
      %dma_start3A_452 = arith.constant 0 : i32
      %dma_start3A_453 = tpu.memref_slice %arg6[%dma_start3A_446, %dma_start3A_447, %dma_start3A_452] : memref<2x8x128xi32, #tpu.memory_space<vmem>> -> memref<1x1x128xi32, #tpu.memory_space<vmem>>
      %dma_start3A_454 = tpu.memref_squeeze %dma_start3A_453 : memref<1x1x128xi32, #tpu.memory_space<vmem>> -> memref<128xi32, #tpu.memory_space<vmem>>
      %dma_start3A_455 = arith.constant 0 : i32
      %dma_start3A_456 = arith.constant 0 : i32
      %dma_start3A_457 = tpu.memref_slice %arg8[%dma_start3A_455, %dma_start3A_456] : memref<100352x16xf32, #tpu.memory_space<vmem_shared>> -> memref<100352x16xf32, #tpu.memory_space<vmem_shared>>
      tpu.enqueue_indirect_dma source(%dma_start3A_451 : memref<128x16xf32, #tpu.memory_space<vmem>>) target(%dma_start3A_457 : memref<100352x16xf32, #tpu.memory_space<vmem_shared>>) offsets(%dma_start3A_454 : memref<128xi32, #tpu.memory_space<vmem>>) semaphore(%arg12 : memref<!tpu.dma_semaphore, #tpu.memory_space<semaphore_mem>>) {add = true}
      %dma_start3A_458 = arith.constant 1 : i32
      %dma_start3A_459 = arith.constant 2 : i32
      %dma_start3A_460 = arith.constant 1 : i32
      %dma_start3A_461 = arith.constant 5 : i32
      %dma_start3A_462 = arith.constant 0 : i32
      %dma_start3A_463 = arith.constant 0 : i32
      %dma_start3A_464 = tpu.memref_slice %arg7[%dma_start3A_458, %dma_start3A_459, %dma_start3A_462, %dma_start3A_463] : memref<2x4x128x16xf32, #tpu.memory_space<vmem>> -> memref<1x1x128x16xf32, #tpu.memory_space<vmem>>
      %dma_start3A_465 = tpu.memref_squeeze %dma_start3A_464 : memref<1x1x128x16xf32, #tpu.memory_space<vmem>> -> memref<128x16xf32, #tpu.memory_space<vmem>>
      %dma_start3A_466 = arith.constant 0 : i32
      %dma_start3A_467 = tpu.memref_slice %arg6[%dma_start3A_460, %dma_start3A_461, %dma_start3A_466] : memref<2x8x128xi32, #tpu.memory_space<vmem>> -> memref<1x1x128xi32, #tpu.memory_space<vmem>>
      %dma_start3A_468 = tpu.memref_squeeze %dma_start3A_467 : memref<1x1x128xi32, #tpu.memory_space<vmem>> -> memref<128xi32, #tpu.memory_space<vmem>>
      %dma_start3A_469 = arith.constant 0 : i32
      %dma_start3A_470 = arith.constant 0 : i32
      %dma_start3A_471 = tpu.memref_slice %arg8[%dma_start3A_469, %dma_start3A_470] : memref<100352x16xf32, #tpu.memory_space<vmem_shared>> -> memref<100352x16xf32, #tpu.memory_space<vmem_shared>>
      tpu.enqueue_indirect_dma source(%dma_start3A_465 : memref<128x16xf32, #tpu.memory_space<vmem>>) target(%dma_start3A_471 : memref<100352x16xf32, #tpu.memory_space<vmem_shared>>) offsets(%dma_start3A_468 : memref<128xi32, #tpu.memory_space<vmem>>) semaphore(%arg12 : memref<!tpu.dma_semaphore, #tpu.memory_space<semaphore_mem>>) {add = true}
      %dma_start3A_472 = arith.constant 1 : i32
      %dma_start3A_473 = arith.constant 3 : i32
      %dma_start3A_474 = arith.constant 1 : i32
      %dma_start3A_475 = arith.constant 7 : i32
      %dma_start3A_476 = arith.constant 0 : i32
      %dma_start3A_477 = arith.constant 0 : i32
      %dma_start3A_478 = tpu.memref_slice %arg7[%dma_start3A_472, %dma_start3A_473, %dma_start3A_476, %dma_start3A_477] : memref<2x4x128x16xf32, #tpu.memory_space<vmem>> -> memref<1x1x128x16xf32, #tpu.memory_space<vmem>>
      %dma_start3A_479 = tpu.memref_squeeze %dma_start3A_478 : memref<1x1x128x16xf32, #tpu.memory_space<vmem>> -> memref<128x16xf32, #tpu.memory_space<vmem>>
      %dma_start3A_480 = arith.constant 0 : i32
      %dma_start3A_481 = tpu.memref_slice %arg6[%dma_start3A_474, %dma_start3A_475, %dma_start3A_480] : memref<2x8x128xi32, #tpu.memory_space<vmem>> -> memref<1x1x128xi32, #tpu.memory_space<vmem>>
      %dma_start3A_482 = tpu.memref_squeeze %dma_start3A_481 : memref<1x1x128xi32, #tpu.memory_space<vmem>> -> memref<128xi32, #tpu.memory_space<vmem>>
      %dma_start3A_483 = arith.constant 0 : i32
      %dma_start3A_484 = arith.constant 0 : i32
      %dma_start3A_485 = tpu.memref_slice %arg8[%dma_start3A_483, %dma_start3A_484] : memref<100352x16xf32, #tpu.memory_space<vmem_shared>> -> memref<100352x16xf32, #tpu.memory_space<vmem_shared>>
      tpu.enqueue_indirect_dma source(%dma_start3A_479 : memref<128x16xf32, #tpu.memory_space<vmem>>) target(%dma_start3A_485 : memref<100352x16xf32, #tpu.memory_space<vmem_shared>>) offsets(%dma_start3A_482 : memref<128xi32, #tpu.memory_space<vmem>>) semaphore(%arg12 : memref<!tpu.dma_semaphore, #tpu.memory_space<semaphore_mem>>) {add = true}
    }
    %scan3A_69 = arith.constant 98 : i32
    %dma_wait3A = arith.constant 1 : i32
    %dma_wait3A_70 = arith.constant 0 : i32
    %dma_wait3A_71 = arith.constant 1 : i32
    %dma_wait3A_72 = arith.constant 1 : i32
    %dma_wait3A_73 = arith.constant 0 : i32
    %dma_wait3A_74 = arith.constant 0 : i32
    %dma_wait3A_75 = tpu.memref_slice %arg7[%dma_wait3A, %dma_wait3A_70, %dma_wait3A_73, %dma_wait3A_74] : memref<2x4x128x16xf32, #tpu.memory_space<vmem>> -> memref<1x1x128x16xf32, #tpu.memory_space<vmem>>
    %dma_wait3A_76 = tpu.memref_squeeze %dma_wait3A_75 : memref<1x1x128x16xf32, #tpu.memory_space<vmem>> -> memref<128x16xf32, #tpu.memory_space<vmem>>
    %dma_wait3A_77 = arith.constant 0 : i32
    %dma_wait3A_78 = tpu.memref_slice %arg6[%dma_wait3A_71, %dma_wait3A_72, %dma_wait3A_77] : memref<2x8x128xi32, #tpu.memory_space<vmem>> -> memref<1x1x128xi32, #tpu.memory_space<vmem>>
    %dma_wait3A_79 = tpu.memref_squeeze %dma_wait3A_78 : memref<1x1x128xi32, #tpu.memory_space<vmem>> -> memref<128xi32, #tpu.memory_space<vmem>>
    %dma_wait3A_80 = arith.constant 0 : i32
    %dma_wait3A_81 = arith.constant 0 : i32
    %dma_wait3A_82 = tpu.memref_slice %arg8[%dma_wait3A_80, %dma_wait3A_81] : memref<100352x16xf32, #tpu.memory_space<vmem_shared>> -> memref<100352x16xf32, #tpu.memory_space<vmem_shared>>
    tpu.wait_indirect_dma semaphore(%arg12 : memref<!tpu.dma_semaphore, #tpu.memory_space<semaphore_mem>>) src(%dma_wait3A_76 : memref<128x16xf32, #tpu.memory_space<vmem>>) dst(%dma_wait3A_82 : memref<100352x16xf32, #tpu.memory_space<vmem_shared>>)
    %dma_wait3A_83 = arith.constant 1 : i32
    %dma_wait3A_84 = arith.constant 1 : i32
    %dma_wait3A_85 = arith.constant 1 : i32
    %dma_wait3A_86 = arith.constant 3 : i32
    %dma_wait3A_87 = arith.constant 0 : i32
    %dma_wait3A_88 = arith.constant 0 : i32
    %dma_wait3A_89 = tpu.memref_slice %arg7[%dma_wait3A_83, %dma_wait3A_84, %dma_wait3A_87, %dma_wait3A_88] : memref<2x4x128x16xf32, #tpu.memory_space<vmem>> -> memref<1x1x128x16xf32, #tpu.memory_space<vmem>>
    %dma_wait3A_90 = tpu.memref_squeeze %dma_wait3A_89 : memref<1x1x128x16xf32, #tpu.memory_space<vmem>> -> memref<128x16xf32, #tpu.memory_space<vmem>>
    %dma_wait3A_91 = arith.constant 0 : i32
    %dma_wait3A_92 = tpu.memref_slice %arg6[%dma_wait3A_85, %dma_wait3A_86, %dma_wait3A_91] : memref<2x8x128xi32, #tpu.memory_space<vmem>> -> memref<1x1x128xi32, #tpu.memory_space<vmem>>
    %dma_wait3A_93 = tpu.memref_squeeze %dma_wait3A_92 : memref<1x1x128xi32, #tpu.memory_space<vmem>> -> memref<128xi32, #tpu.memory_space<vmem>>
    %dma_wait3A_94 = arith.constant 0 : i32
    %dma_wait3A_95 = arith.constant 0 : i32
    %dma_wait3A_96 = tpu.memref_slice %arg8[%dma_wait3A_94, %dma_wait3A_95] : memref<100352x16xf32, #tpu.memory_space<vmem_shared>> -> memref<100352x16xf32, #tpu.memory_space<vmem_shared>>
    tpu.wait_indirect_dma semaphore(%arg12 : memref<!tpu.dma_semaphore, #tpu.memory_space<semaphore_mem>>) src(%dma_wait3A_90 : memref<128x16xf32, #tpu.memory_space<vmem>>) dst(%dma_wait3A_96 : memref<100352x16xf32, #tpu.memory_space<vmem_shared>>)
    %dma_wait3A_97 = arith.constant 1 : i32
    %dma_wait3A_98 = arith.constant 2 : i32
    %dma_wait3A_99 = arith.constant 1 : i32
    %dma_wait3A_100 = arith.constant 5 : i32
    %dma_wait3A_101 = arith.constant 0 : i32
    %dma_wait3A_102 = arith.constant 0 : i32
    %dma_wait3A_103 = tpu.memref_slice %arg7[%dma_wait3A_97, %dma_wait3A_98, %dma_wait3A_101, %dma_wait3A_102] : memref<2x4x128x16xf32, #tpu.memory_space<vmem>> -> memref<1x1x128x16xf32, #tpu.memory_space<vmem>>
    %dma_wait3A_104 = tpu.memref_squeeze %dma_wait3A_103 : memref<1x1x128x16xf32, #tpu.memory_space<vmem>> -> memref<128x16xf32, #tpu.memory_space<vmem>>
    %dma_wait3A_105 = arith.constant 0 : i32
    %dma_wait3A_106 = tpu.memref_slice %arg6[%dma_wait3A_99, %dma_wait3A_100, %dma_wait3A_105] : memref<2x8x128xi32, #tpu.memory_space<vmem>> -> memref<1x1x128xi32, #tpu.memory_space<vmem>>
    %dma_wait3A_107 = tpu.memref_squeeze %dma_wait3A_106 : memref<1x1x128xi32, #tpu.memory_space<vmem>> -> memref<128xi32, #tpu.memory_space<vmem>>
    %dma_wait3A_108 = arith.constant 0 : i32
    %dma_wait3A_109 = arith.constant 0 : i32
    %dma_wait3A_110 = tpu.memref_slice %arg8[%dma_wait3A_108, %dma_wait3A_109] : memref<100352x16xf32, #tpu.memory_space<vmem_shared>> -> memref<100352x16xf32, #tpu.memory_space<vmem_shared>>
    tpu.wait_indirect_dma semaphore(%arg12 : memref<!tpu.dma_semaphore, #tpu.memory_space<semaphore_mem>>) src(%dma_wait3A_104 : memref<128x16xf32, #tpu.memory_space<vmem>>) dst(%dma_wait3A_110 : memref<100352x16xf32, #tpu.memory_space<vmem_shared>>)
    %dma_wait3A_111 = arith.constant 1 : i32
    %dma_wait3A_112 = arith.constant 3 : i32
    %dma_wait3A_113 = arith.constant 1 : i32
    %dma_wait3A_114 = arith.constant 7 : i32
    %dma_wait3A_115 = arith.constant 0 : i32
    %dma_wait3A_116 = arith.constant 0 : i32
    %dma_wait3A_117 = tpu.memref_slice %arg7[%dma_wait3A_111, %dma_wait3A_112, %dma_wait3A_115, %dma_wait3A_116] : memref<2x4x128x16xf32, #tpu.memory_space<vmem>> -> memref<1x1x128x16xf32, #tpu.memory_space<vmem>>
    %dma_wait3A_118 = tpu.memref_squeeze %dma_wait3A_117 : memref<1x1x128x16xf32, #tpu.memory_space<vmem>> -> memref<128x16xf32, #tpu.memory_space<vmem>>
    %dma_wait3A_119 = arith.constant 0 : i32
    %dma_wait3A_120 = tpu.memref_slice %arg6[%dma_wait3A_113, %dma_wait3A_114, %dma_wait3A_119] : memref<2x8x128xi32, #tpu.memory_space<vmem>> -> memref<1x1x128xi32, #tpu.memory_space<vmem>>
    %dma_wait3A_121 = tpu.memref_squeeze %dma_wait3A_120 : memref<1x1x128xi32, #tpu.memory_space<vmem>> -> memref<128xi32, #tpu.memory_space<vmem>>
    %dma_wait3A_122 = arith.constant 0 : i32
    %dma_wait3A_123 = arith.constant 0 : i32
    %dma_wait3A_124 = tpu.memref_slice %arg8[%dma_wait3A_122, %dma_wait3A_123] : memref<100352x16xf32, #tpu.memory_space<vmem_shared>> -> memref<100352x16xf32, #tpu.memory_space<vmem_shared>>
    tpu.wait_indirect_dma semaphore(%arg12 : memref<!tpu.dma_semaphore, #tpu.memory_space<semaphore_mem>>) src(%dma_wait3A_118 : memref<128x16xf32, #tpu.memory_space<vmem>>) dst(%dma_wait3A_124 : memref<100352x16xf32, #tpu.memory_space<vmem_shared>>)
    %barrier3A_125 = arith.constant 0 : index
    tpu.barrier barrier_id(%barrier3A_125)
    %mul3A_126 = arith.constant 100352 : i32
    %mul3A_127 = arith.muli %arg0, %mul3A_126 : i32
    %add3A_128 = arith.addi %mul3A_127, %multiple_of3A : i32
    %multiple_of3A_129 = tpu.assume_multiple %add3A_128, 8 : i32
    "tpu.region"() ({
      %run_scoped3A_130 = tpu.sem_alloc : memref<!tpu.dma_semaphore, #tpu.memory_space<semaphore_mem>>
      %dma_start3A_131 = arith.constant 0 : i32
      %dma_start3A_132 = tpu.memref_slice %arg5[%multiple_of3A_129, %dma_start3A_131] : memref<200704x16xf32, #tpu.memory_space<hbm>> -> memref<6272x16xf32, #tpu.memory_space<hbm>>
      %dma_start3A_133 = arith.constant 0 : i32
      %dma_start3A_134 = tpu.memref_slice %arg8[%multiple_of3A, %dma_start3A_133] : memref<100352x16xf32, #tpu.memory_space<vmem_shared>> -> memref<6272x16xf32, #tpu.memory_space<vmem_shared>>
      tpu.enqueue_dma source(%dma_start3A_134 : memref<6272x16xf32, #tpu.memory_space<vmem_shared>>) target(%dma_start3A_132 : memref<6272x16xf32, #tpu.memory_space<hbm>>) target_semaphore(%run_scoped3A_130 : memref<!tpu.dma_semaphore, #tpu.memory_space<semaphore_mem>>)
      %dma_wait3A_135 = arith.constant 0 : i32
      %dma_wait3A_136 = tpu.memref_slice %arg5[%multiple_of3A_129, %dma_wait3A_135] : memref<200704x16xf32, #tpu.memory_space<hbm>> -> memref<6272x16xf32, #tpu.memory_space<hbm>>
      %dma_wait3A_137 = arith.constant 0 : i32
      %dma_wait3A_138 = tpu.memref_slice %arg8[%multiple_of3A, %dma_wait3A_137] : memref<100352x16xf32, #tpu.memory_space<vmem_shared>> -> memref<6272x16xf32, #tpu.memory_space<vmem_shared>>
      tpu.wait_dma2 semaphore(%run_scoped3A_130 : memref<!tpu.dma_semaphore, #tpu.memory_space<semaphore_mem>>) src(%dma_wait3A_138 : memref<6272x16xf32, #tpu.memory_space<vmem_shared>>) dst(%dma_wait3A_136 : memref<6272x16xf32, #tpu.memory_space<hbm>>)
      tpu.yield
    }) : () -> ()
    return
  }
}

#map = affine_map<(d0, d1) -> (0, 0)>
module attributes {stable_mosaic.version = 14 : i64} {
  func.func @agg(%arg0: i32, %arg1: i32, %arg2: memref<100352x16xf32, #tpu.memory_space<hbm>>, %arg3: memref<50176x128xi32, #tpu.memory_space<hbm>>, %arg4: memref<6272x16xf32, #tpu.memory_space<hbm>>, %arg5: memref<200704x16xf32, #tpu.memory_space<hbm>>, %arg6: memref<2x8x128xi32, #tpu.memory_space<vmem>>, %arg7: memref<2x4x128x16xf32, #tpu.memory_space<vmem>>, %arg8: memref<100352x16xf32, #tpu.memory_space<vmem_shared>>, %arg9: memref<!tpu.dma_semaphore, #tpu.memory_space<semaphore_mem>>, %arg10: memref<!tpu.dma_semaphore, #tpu.memory_space<semaphore_mem>>, %arg11: memref<!tpu.dma_semaphore, #tpu.memory_space<semaphore_mem>>, %arg12: memref<!tpu.dma_semaphore, #tpu.memory_space<semaphore_mem>>) attributes {dimension_semantics = [#tpu.dimension_semantics<core_parallel>, #tpu.dimension_semantics<subcore_parallel>], iteration_bounds = array<i64: 2, 16>, scalar_prefetch = 0 : i64, scratch_operands = 7 : i64, tpu.core_type = #tpu.core_type<sc_vector_subcore>, window_params = [{transform_indices = #map}, {transform_indices = #map}, {transform_indices = #map}, {transform_indices = #map}]} {
    %mul3A = arith.constant 6272 : i32
    %mul3A_0 = arith.muli %arg1, %mul3A : i32
    %multiple_of3A = tpu.assume_multiple %mul3A_0, 8 : i32
    "tpu.region"() ({
      %run_scoped3A_130 = tpu.sem_alloc : memref<!tpu.dma_semaphore, #tpu.memory_space<semaphore_mem>>
      %dma_start3A_131 = arith.constant 0 : i32
      %dma_start3A_132 = tpu.memref_slice %arg8[%multiple_of3A, %dma_start3A_131] : memref<100352x16xf32, #tpu.memory_space<vmem_shared>> -> memref<6272x16xf32, #tpu.memory_space<vmem_shared>>
      tpu.enqueue_dma source(%arg4 : memref<6272x16xf32, #tpu.memory_space<hbm>>) target(%dma_start3A_132 : memref<6272x16xf32, #tpu.memory_space<vmem_shared>>) target_semaphore(%run_scoped3A_130 : memref<!tpu.dma_semaphore, #tpu.memory_space<semaphore_mem>>)
      %dma_wait3A_133 = arith.constant 0 : i32
      %dma_wait3A_134 = tpu.memref_slice %arg8[%multiple_of3A, %dma_wait3A_133] : memref<100352x16xf32, #tpu.memory_space<vmem_shared>> -> memref<6272x16xf32, #tpu.memory_space<vmem_shared>>
      tpu.wait_dma2 semaphore(%run_scoped3A_130 : memref<!tpu.dma_semaphore, #tpu.memory_space<semaphore_mem>>) src(%arg4 : memref<6272x16xf32, #tpu.memory_space<hbm>>) dst(%dma_wait3A_134 : memref<6272x16xf32, #tpu.memory_space<vmem_shared>>)
      tpu.yield
    }) : () -> ()
    %barrier3A = arith.constant 0 : index
    tpu.barrier barrier_id(%barrier3A)
    %mul3A_1 = arith.constant 16 : i32
    %mul3A_2 = arith.muli %arg0, %mul3A_1 : i32
    %add3A = arith.addi %mul3A_2, %arg1 : i32
    %mul3A_3 = arith.constant 784 : i32
    %mul3A_4 = arith.muli %add3A, %mul3A_3 : i32
    %add3A_5 = arith.constant 0 : i32
    %add3A_6 = arith.addi %mul3A_4, %add3A_5 : i32
    %mul3A_7 = arith.constant 2 : i32
    %mul3A_8 = arith.muli %mul3A_7, %add3A_6 : i32
    %multiple_of3A_9 = tpu.assume_multiple %mul3A_8, 8 : i32
    %run_scoped3A = arith.constant 0 : i32
    "tpu.region"() ({
      %run_scoped3A_130 = tpu.sem_alloc : memref<!tpu.dma_semaphore, #tpu.memory_space<semaphore_mem>>
      %dma_start3A_131 = arith.constant 0 : i32
      %dma_start3A_132 = arith.constant 0 : i32
      %dma_start3A_133 = tpu.memref_slice %arg6[%run_scoped3A, %dma_start3A_131, %dma_start3A_132] : memref<2x8x128xi32, #tpu.memory_space<vmem>> -> memref<1x8x128xi32, #tpu.memory_space<vmem>>
      %dma_start3A_134 = tpu.memref_squeeze %dma_start3A_133 : memref<1x8x128xi32, #tpu.memory_space<vmem>> -> memref<8x128xi32, #tpu.memory_space<vmem>>
      %dma_start3A_135 = arith.constant 0 : i32
      %dma_start3A_136 = tpu.memref_slice %arg3[%multiple_of3A_9, %dma_start3A_135] : memref<50176x128xi32, #tpu.memory_space<hbm>> -> memref<8x128xi32, #tpu.memory_space<hbm>>
      %dma_start3A_137 = arith.constant 0 : i32
      %dma_start3A_138 = arith.constant 0 : i32
      %dma_start3A_139 = tpu.memref_slice %arg6[%run_scoped3A, %dma_start3A_137, %dma_start3A_138] : memref<2x8x128xi32, #tpu.memory_space<vmem>> -> memref<1x8x128xi32, #tpu.memory_space<vmem>>
      %dma_start3A_140 = tpu.memref_squeeze %dma_start3A_139 : memref<1x8x128xi32, #tpu.memory_space<vmem>> -> memref<8x128xi32, #tpu.memory_space<vmem>>
      %dma_start3A_141 = arith.constant 0 : i32
      %dma_start3A_142 = tpu.memref_slice %arg3[%multiple_of3A_9, %dma_start3A_141] : memref<50176x128xi32, #tpu.memory_space<hbm>> -> memref<8x128xi32, #tpu.memory_space<hbm>>
      tpu.enqueue_dma source(%dma_start3A_142 : memref<8x128xi32, #tpu.memory_space<hbm>>) target(%dma_start3A_140 : memref<8x128xi32, #tpu.memory_space<vmem>>) target_semaphore(%run_scoped3A_130 : memref<!tpu.dma_semaphore, #tpu.memory_space<semaphore_mem>>)
      %dma_wait3A_143 = arith.constant 0 : i32
      %dma_wait3A_144 = arith.constant 0 : i32
      %dma_wait3A_145 = tpu.memref_slice %arg6[%run_scoped3A, %dma_wait3A_143, %dma_wait3A_144] : memref<2x8x128xi32, #tpu.memory_space<vmem>> -> memref<1x8x128xi32, #tpu.memory_space<vmem>>
      %dma_wait3A_146 = tpu.memref_squeeze %dma_wait3A_145 : memref<1x8x128xi32, #tpu.memory_space<vmem>> -> memref<8x128xi32, #tpu.memory_space<vmem>>
      %dma_wait3A_147 = arith.constant 0 : i32
      %dma_wait3A_148 = tpu.memref_slice %arg3[%multiple_of3A_9, %dma_wait3A_147] : memref<50176x128xi32, #tpu.memory_space<hbm>> -> memref<8x128xi32, #tpu.memory_space<hbm>>
      %dma_wait3A_149 = arith.constant 0 : i32
      %dma_wait3A_150 = arith.constant 0 : i32
      %dma_wait3A_151 = tpu.memref_slice %arg6[%run_scoped3A, %dma_wait3A_149, %dma_wait3A_150] : memref<2x8x128xi32, #tpu.memory_space<vmem>> -> memref<1x8x128xi32, #tpu.memory_space<vmem>>
      %dma_wait3A_152 = tpu.memref_squeeze %dma_wait3A_151 : memref<1x8x128xi32, #tpu.memory_space<vmem>> -> memref<8x128xi32, #tpu.memory_space<vmem>>
      %dma_wait3A_153 = arith.constant 0 : i32
      %dma_wait3A_154 = tpu.memref_slice %arg3[%multiple_of3A_9, %dma_wait3A_153] : memref<50176x128xi32, #tpu.memory_space<hbm>> -> memref<8x128xi32, #tpu.memory_space<hbm>>
      tpu.wait_dma2 semaphore(%run_scoped3A_130 : memref<!tpu.dma_semaphore, #tpu.memory_space<semaphore_mem>>) src(%dma_wait3A_154 : memref<8x128xi32, #tpu.memory_space<hbm>>) dst(%dma_wait3A_152 : memref<8x128xi32, #tpu.memory_space<vmem>>)
      tpu.yield
    }) : () -> ()
    %dma_start3A = arith.constant 0 : i32
    %dma_start3A_10 = arith.constant 0 : i32
    %dma_start3A_11 = arith.constant 0 : i32
    %dma_start3A_12 = arith.constant 0 : i32
    %dma_start3A_13 = arith.constant 0 : i32
    %dma_start3A_14 = arith.constant 0 : i32
    %dma_start3A_15 = tpu.memref_slice %arg7[%dma_start3A_11, %dma_start3A_12, %dma_start3A_13, %dma_start3A_14] : memref<2x4x128x16xf32, #tpu.memory_space<vmem>> -> memref<1x1x128x16xf32, #tpu.memory_space<vmem>>
    %dma_start3A_16 = tpu.memref_squeeze %dma_start3A_15 : memref<1x1x128x16xf32, #tpu.memory_space<vmem>> -> memref<128x16xf32, #tpu.memory_space<vmem>>
    %dma_start3A_17 = arith.constant 0 : i32
    %dma_start3A_18 = tpu.memref_slice %arg6[%dma_start3A, %dma_start3A_10, %dma_start3A_17] : memref<2x8x128xi32, #tpu.memory_space<vmem>> -> memref<1x1x128xi32, #tpu.memory_space<vmem>>
    %dma_start3A_19 = tpu.memref_squeeze %dma_start3A_18 : memref<1x1x128xi32, #tpu.memory_space<vmem>> -> memref<128xi32, #tpu.memory_space<vmem>>
    %dma_start3A_20 = arith.constant 0 : i32
    %dma_start3A_21 = arith.constant 0 : i32
    %dma_start3A_22 = tpu.memref_slice %arg2[%dma_start3A_20, %dma_start3A_21] : memref<100352x16xf32, #tpu.memory_space<hbm>> -> memref<100352x16xf32, #tpu.memory_space<hbm>>
    tpu.enqueue_indirect_dma source(%dma_start3A_22 : memref<100352x16xf32, #tpu.memory_space<hbm>>) target(%dma_start3A_16 : memref<128x16xf32, #tpu.memory_space<vmem>>) offsets(%dma_start3A_19 : memref<128xi32, #tpu.memory_space<vmem>>) semaphore(%arg9 : memref<!tpu.dma_semaphore, #tpu.memory_space<semaphore_mem>>)
    %dma_start3A_23 = arith.constant 0 : i32
    %dma_start3A_24 = arith.constant 2 : i32
    %dma_start3A_25 = arith.constant 0 : i32
    %dma_start3A_26 = arith.constant 1 : i32
    %dma_start3A_27 = arith.constant 0 : i32
    %dma_start3A_28 = arith.constant 0 : i32
    %dma_start3A_29 = tpu.memref_slice %arg7[%dma_start3A_25, %dma_start3A_26, %dma_start3A_27, %dma_start3A_28] : memref<2x4x128x16xf32, #tpu.memory_space<vmem>> -> memref<1x1x128x16xf32, #tpu.memory_space<vmem>>
    %dma_start3A_30 = tpu.memref_squeeze %dma_start3A_29 : memref<1x1x128x16xf32, #tpu.memory_space<vmem>> -> memref<128x16xf32, #tpu.memory_space<vmem>>
    %dma_start3A_31 = arith.constant 0 : i32
    %dma_start3A_32 = tpu.memref_slice %arg6[%dma_start3A_23, %dma_start3A_24, %dma_start3A_31] : memref<2x8x128xi32, #tpu.memory_space<vmem>> -> memref<1x1x128xi32, #tpu.memory_space<vmem>>
    %dma_start3A_33 = tpu.memref_squeeze %dma_start3A_32 : memref<1x1x128xi32, #tpu.memory_space<vmem>> -> memref<128xi32, #tpu.memory_space<vmem>>
    %dma_start3A_34 = arith.constant 0 : i32
    %dma_start3A_35 = arith.constant 0 : i32
    %dma_start3A_36 = tpu.memref_slice %arg2[%dma_start3A_34, %dma_start3A_35] : memref<100352x16xf32, #tpu.memory_space<hbm>> -> memref<100352x16xf32, #tpu.memory_space<hbm>>
    tpu.enqueue_indirect_dma source(%dma_start3A_36 : memref<100352x16xf32, #tpu.memory_space<hbm>>) target(%dma_start3A_30 : memref<128x16xf32, #tpu.memory_space<vmem>>) offsets(%dma_start3A_33 : memref<128xi32, #tpu.memory_space<vmem>>) semaphore(%arg9 : memref<!tpu.dma_semaphore, #tpu.memory_space<semaphore_mem>>)
    %dma_start3A_37 = arith.constant 0 : i32
    %dma_start3A_38 = arith.constant 4 : i32
    %dma_start3A_39 = arith.constant 0 : i32
    %dma_start3A_40 = arith.constant 2 : i32
    %dma_start3A_41 = arith.constant 0 : i32
    %dma_start3A_42 = arith.constant 0 : i32
    %dma_start3A_43 = tpu.memref_slice %arg7[%dma_start3A_39, %dma_start3A_40, %dma_start3A_41, %dma_start3A_42] : memref<2x4x128x16xf32, #tpu.memory_space<vmem>> -> memref<1x1x128x16xf32, #tpu.memory_space<vmem>>
    %dma_start3A_44 = tpu.memref_squeeze %dma_start3A_43 : memref<1x1x128x16xf32, #tpu.memory_space<vmem>> -> memref<128x16xf32, #tpu.memory_space<vmem>>
    %dma_start3A_45 = arith.constant 0 : i32
    %dma_start3A_46 = tpu.memref_slice %arg6[%dma_start3A_37, %dma_start3A_38, %dma_start3A_45] : memref<2x8x128xi32, #tpu.memory_space<vmem>> -> memref<1x1x128xi32, #tpu.memory_space<vmem>>
    %dma_start3A_47 = tpu.memref_squeeze %dma_start3A_46 : memref<1x1x128xi32, #tpu.memory_space<vmem>> -> memref<128xi32, #tpu.memory_space<vmem>>
    %dma_start3A_48 = arith.constant 0 : i32
    %dma_start3A_49 = arith.constant 0 : i32
    %dma_start3A_50 = tpu.memref_slice %arg2[%dma_start3A_48, %dma_start3A_49] : memref<100352x16xf32, #tpu.memory_space<hbm>> -> memref<100352x16xf32, #tpu.memory_space<hbm>>
    tpu.enqueue_indirect_dma source(%dma_start3A_50 : memref<100352x16xf32, #tpu.memory_space<hbm>>) target(%dma_start3A_44 : memref<128x16xf32, #tpu.memory_space<vmem>>) offsets(%dma_start3A_47 : memref<128xi32, #tpu.memory_space<vmem>>) semaphore(%arg9 : memref<!tpu.dma_semaphore, #tpu.memory_space<semaphore_mem>>)
    %dma_start3A_51 = arith.constant 0 : i32
    %dma_start3A_52 = arith.constant 6 : i32
    %dma_start3A_53 = arith.constant 0 : i32
    %dma_start3A_54 = arith.constant 3 : i32
    %dma_start3A_55 = arith.constant 0 : i32
    %dma_start3A_56 = arith.constant 0 : i32
    %dma_start3A_57 = tpu.memref_slice %arg7[%dma_start3A_53, %dma_start3A_54, %dma_start3A_55, %dma_start3A_56] : memref<2x4x128x16xf32, #tpu.memory_space<vmem>> -> memref<1x1x128x16xf32, #tpu.memory_space<vmem>>
    %dma_start3A_58 = tpu.memref_squeeze %dma_start3A_57 : memref<1x1x128x16xf32, #tpu.memory_space<vmem>> -> memref<128x16xf32, #tpu.memory_space<vmem>>
    %dma_start3A_59 = arith.constant 0 : i32
    %dma_start3A_60 = tpu.memref_slice %arg6[%dma_start3A_51, %dma_start3A_52, %dma_start3A_59] : memref<2x8x128xi32, #tpu.memory_space<vmem>> -> memref<1x1x128xi32, #tpu.memory_space<vmem>>
    %dma_start3A_61 = tpu.memref_squeeze %dma_start3A_60 : memref<1x1x128xi32, #tpu.memory_space<vmem>> -> memref<128xi32, #tpu.memory_space<vmem>>
    %dma_start3A_62 = arith.constant 0 : i32
    %dma_start3A_63 = arith.constant 0 : i32
    %dma_start3A_64 = tpu.memref_slice %arg2[%dma_start3A_62, %dma_start3A_63] : memref<100352x16xf32, #tpu.memory_space<hbm>> -> memref<100352x16xf32, #tpu.memory_space<hbm>>
    tpu.enqueue_indirect_dma source(%dma_start3A_64 : memref<100352x16xf32, #tpu.memory_space<hbm>>) target(%dma_start3A_58 : memref<128x16xf32, #tpu.memory_space<vmem>>) offsets(%dma_start3A_61 : memref<128xi32, #tpu.memory_space<vmem>>) semaphore(%arg9 : memref<!tpu.dma_semaphore, #tpu.memory_space<semaphore_mem>>)
    %scan3A = arith.constant 0 : i32
    %scan3A_65 = arith.constant 0 : i32
    %scan3A_66 = arith.constant 98 : i32
    %scan3A_67 = arith.addi %scan3A_65, %scan3A_66 : i32
    %scan3A_68 = arith.constant 1 : i32
    scf.for %scan3A_130 = %scan3A_65 to %scan3A_67 step %scan3A_68  : i32 {
      %mul3A_131 = arith.constant 2 : i32
      %mul3A_132 = arith.muli %mul3A_131, %scan3A_130 : i32
      %gt3A = arith.constant 0 : i32
      %gt3A_133 = arith.cmpi sgt, %scan3A_130, %gt3A : i32
      %convert_element_type3A = arith.extui %gt3A_133 : i1 to i32
      %cond3A = arith.constant 0 : i32
      %cond3A_134 = arith.cmpi ne, %convert_element_type3A, %cond3A : i32
      scf.if %cond3A_134 {
        %dma_wait3A_486 = arith.constant 1 : i32
        %dma_wait3A_487 = arith.constant 0 : i32
        %dma_wait3A_488 = arith.constant 1 : i32
        %dma_wait3A_489 = arith.constant 1 : i32
        %dma_wait3A_490 = arith.constant 0 : i32
        %dma_wait3A_491 = arith.constant 0 : i32
        %dma_wait3A_492 = tpu.memref_slice %arg7[%dma_wait3A_486, %dma_wait3A_487, %dma_wait3A_490, %dma_wait3A_491] : memref<2x4x128x16xf32, #tpu.memory_space<vmem>> -> memref<1x1x128x16xf32, #tpu.memory_space<vmem>>
        %dma_wait3A_493 = tpu.memref_squeeze %dma_wait3A_492 : memref<1x1x128x16xf32, #tpu.memory_space<vmem>> -> memref<128x16xf32, #tpu.memory_space<vmem>>
        %dma_wait3A_494 = arith.constant 0 : i32
        %dma_wait3A_495 = tpu.memref_slice %arg6[%dma_wait3A_488, %dma_wait3A_489, %dma_wait3A_494] : memref<2x8x128xi32, #tpu.memory_space<vmem>> -> memref<1x1x128xi32, #tpu.memory_space<vmem>>
        %dma_wait3A_496 = tpu.memref_squeeze %dma_wait3A_495 : memref<1x1x128xi32, #tpu.memory_space<vmem>> -> memref<128xi32, #tpu.memory_space<vmem>>
        %dma_wait3A_497 = arith.constant 0 : i32
        %dma_wait3A_498 = arith.constant 0 : i32
        %dma_wait3A_499 = tpu.memref_slice %arg8[%dma_wait3A_497, %dma_wait3A_498] : memref<100352x16xf32, #tpu.memory_space<vmem_shared>> -> memref<100352x16xf32, #tpu.memory_space<vmem_shared>>
        tpu.wait_indirect_dma semaphore(%arg12 : memref<!tpu.dma_semaphore, #tpu.memory_space<semaphore_mem>>) src(%dma_wait3A_493 : memref<128x16xf32, #tpu.memory_space<vmem>>) dst(%dma_wait3A_499 : memref<100352x16xf32, #tpu.memory_space<vmem_shared>>)
        %dma_wait3A_500 = arith.constant 1 : i32
        %dma_wait3A_501 = arith.constant 1 : i32
        %dma_wait3A_502 = arith.constant 1 : i32
        %dma_wait3A_503 = arith.constant 3 : i32
        %dma_wait3A_504 = arith.constant 0 : i32
        %dma_wait3A_505 = arith.constant 0 : i32
        %dma_wait3A_506 = tpu.memref_slice %arg7[%dma_wait3A_500, %dma_wait3A_501, %dma_wait3A_504, %dma_wait3A_505] : memref<2x4x128x16xf32, #tpu.memory_space<vmem>> -> memref<1x1x128x16xf32, #tpu.memory_space<vmem>>
        %dma_wait3A_507 = tpu.memref_squeeze %dma_wait3A_506 : memref<1x1x128x16xf32, #tpu.memory_space<vmem>> -> memref<128x16xf32, #tpu.memory_space<vmem>>
        %dma_wait3A_508 = arith.constant 0 : i32
        %dma_wait3A_509 = tpu.memref_slice %arg6[%dma_wait3A_502, %dma_wait3A_503, %dma_wait3A_508] : memref<2x8x128xi32, #tpu.memory_space<vmem>> -> memref<1x1x128xi32, #tpu.memory_space<vmem>>
        %dma_wait3A_510 = tpu.memref_squeeze %dma_wait3A_509 : memref<1x1x128xi32, #tpu.memory_space<vmem>> -> memref<128xi32, #tpu.memory_space<vmem>>
        %dma_wait3A_511 = arith.constant 0 : i32
        %dma_wait3A_512 = arith.constant 0 : i32
        %dma_wait3A_513 = tpu.memref_slice %arg8[%dma_wait3A_511, %dma_wait3A_512] : memref<100352x16xf32, #tpu.memory_space<vmem_shared>> -> memref<100352x16xf32, #tpu.memory_space<vmem_shared>>
        tpu.wait_indirect_dma semaphore(%arg12 : memref<!tpu.dma_semaphore, #tpu.memory_space<semaphore_mem>>) src(%dma_wait3A_507 : memref<128x16xf32, #tpu.memory_space<vmem>>) dst(%dma_wait3A_513 : memref<100352x16xf32, #tpu.memory_space<vmem_shared>>)
        %dma_wait3A_514 = arith.constant 1 : i32
        %dma_wait3A_515 = arith.constant 2 : i32
        %dma_wait3A_516 = arith.constant 1 : i32
        %dma_wait3A_517 = arith.constant 5 : i32
        %dma_wait3A_518 = arith.constant 0 : i32
        %dma_wait3A_519 = arith.constant 0 : i32
        %dma_wait3A_520 = tpu.memref_slice %arg7[%dma_wait3A_514, %dma_wait3A_515, %dma_wait3A_518, %dma_wait3A_519] : memref<2x4x128x16xf32, #tpu.memory_space<vmem>> -> memref<1x1x128x16xf32, #tpu.memory_space<vmem>>
        %dma_wait3A_521 = tpu.memref_squeeze %dma_wait3A_520 : memref<1x1x128x16xf32, #tpu.memory_space<vmem>> -> memref<128x16xf32, #tpu.memory_space<vmem>>
        %dma_wait3A_522 = arith.constant 0 : i32
        %dma_wait3A_523 = tpu.memref_slice %arg6[%dma_wait3A_516, %dma_wait3A_517, %dma_wait3A_522] : memref<2x8x128xi32, #tpu.memory_space<vmem>> -> memref<1x1x128xi32, #tpu.memory_space<vmem>>
        %dma_wait3A_524 = tpu.memref_squeeze %dma_wait3A_523 : memref<1x1x128xi32, #tpu.memory_space<vmem>> -> memref<128xi32, #tpu.memory_space<vmem>>
        %dma_wait3A_525 = arith.constant 0 : i32
        %dma_wait3A_526 = arith.constant 0 : i32
        %dma_wait3A_527 = tpu.memref_slice %arg8[%dma_wait3A_525, %dma_wait3A_526] : memref<100352x16xf32, #tpu.memory_space<vmem_shared>> -> memref<100352x16xf32, #tpu.memory_space<vmem_shared>>
        tpu.wait_indirect_dma semaphore(%arg12 : memref<!tpu.dma_semaphore, #tpu.memory_space<semaphore_mem>>) src(%dma_wait3A_521 : memref<128x16xf32, #tpu.memory_space<vmem>>) dst(%dma_wait3A_527 : memref<100352x16xf32, #tpu.memory_space<vmem_shared>>)
        %dma_wait3A_528 = arith.constant 1 : i32
        %dma_wait3A_529 = arith.constant 3 : i32
        %dma_wait3A_530 = arith.constant 1 : i32
        %dma_wait3A_531 = arith.constant 7 : i32
        %dma_wait3A_532 = arith.constant 0 : i32
        %dma_wait3A_533 = arith.constant 0 : i32
        %dma_wait3A_534 = tpu.memref_slice %arg7[%dma_wait3A_528, %dma_wait3A_529, %dma_wait3A_532, %dma_wait3A_533] : memref<2x4x128x16xf32, #tpu.memory_space<vmem>> -> memref<1x1x128x16xf32, #tpu.memory_space<vmem>>
        %dma_wait3A_535 = tpu.memref_squeeze %dma_wait3A_534 : memref<1x1x128x16xf32, #tpu.memory_space<vmem>> -> memref<128x16xf32, #tpu.memory_space<vmem>>
        %dma_wait3A_536 = arith.constant 0 : i32
        %dma_wait3A_537 = tpu.memref_slice %arg6[%dma_wait3A_530, %dma_wait3A_531, %dma_wait3A_536] : memref<2x8x128xi32, #tpu.memory_space<vmem>> -> memref<1x1x128xi32, #tpu.memory_space<vmem>>
        %dma_wait3A_538 = tpu.memref_squeeze %dma_wait3A_537 : memref<1x1x128xi32, #tpu.memory_space<vmem>> -> memref<128xi32, #tpu.memory_space<vmem>>
        %dma_wait3A_539 = arith.constant 0 : i32
        %dma_wait3A_540 = arith.constant 0 : i32
        %dma_wait3A_541 = tpu.memref_slice %arg8[%dma_wait3A_539, %dma_wait3A_540] : memref<100352x16xf32, #tpu.memory_space<vmem_shared>> -> memref<100352x16xf32, #tpu.memory_space<vmem_shared>>
        tpu.wait_indirect_dma semaphore(%arg12 : memref<!tpu.dma_semaphore, #tpu.memory_space<semaphore_mem>>) src(%dma_wait3A_535 : memref<128x16xf32, #tpu.memory_space<vmem>>) dst(%dma_wait3A_541 : memref<100352x16xf32, #tpu.memory_space<vmem_shared>>)
      } else {
      }
      %add3A_135 = arith.constant 1 : i32
      %add3A_136 = arith.addi %mul3A_132, %add3A_135 : i32
      %mul3A_137 = arith.constant 4 : i32
      %mul3A_138 = arith.muli %add3A_136, %mul3A_137 : i32
      %add3A_139 = arith.addi %mul3A_4, %mul3A_138 : i32
      %mul3A_140 = arith.constant 2 : i32
      %mul3A_141 = arith.muli %mul3A_140, %add3A_139 : i32
      %multiple_of3A_142 = tpu.assume_multiple %mul3A_141, 8 : i32
      %run_scoped3A_143 = arith.constant 1 : i32
      "tpu.region"() ({
        %run_scoped3A_486 = tpu.sem_alloc : memref<!tpu.dma_semaphore, #tpu.memory_space<semaphore_mem>>
        %dma_start3A_487 = arith.constant 0 : i32
        %dma_start3A_488 = arith.constant 0 : i32
        %dma_start3A_489 = tpu.memref_slice %arg6[%run_scoped3A_143, %dma_start3A_487, %dma_start3A_488] : memref<2x8x128xi32, #tpu.memory_space<vmem>> -> memref<1x8x128xi32, #tpu.memory_space<vmem>>
        %dma_start3A_490 = tpu.memref_squeeze %dma_start3A_489 : memref<1x8x128xi32, #tpu.memory_space<vmem>> -> memref<8x128xi32, #tpu.memory_space<vmem>>
        %dma_start3A_491 = arith.constant 0 : i32
        %dma_start3A_492 = tpu.memref_slice %arg3[%multiple_of3A_142, %dma_start3A_491] : memref<50176x128xi32, #tpu.memory_space<hbm>> -> memref<8x128xi32, #tpu.memory_space<hbm>>
        %dma_start3A_493 = arith.constant 0 : i32
        %dma_start3A_494 = arith.constant 0 : i32
        %dma_start3A_495 = tpu.memref_slice %arg6[%run_scoped3A_143, %dma_start3A_493, %dma_start3A_494] : memref<2x8x128xi32, #tpu.memory_space<vmem>> -> memref<1x8x128xi32, #tpu.memory_space<vmem>>
        %dma_start3A_496 = tpu.memref_squeeze %dma_start3A_495 : memref<1x8x128xi32, #tpu.memory_space<vmem>> -> memref<8x128xi32, #tpu.memory_space<vmem>>
        %dma_start3A_497 = arith.constant 0 : i32
        %dma_start3A_498 = tpu.memref_slice %arg3[%multiple_of3A_142, %dma_start3A_497] : memref<50176x128xi32, #tpu.memory_space<hbm>> -> memref<8x128xi32, #tpu.memory_space<hbm>>
        tpu.enqueue_dma source(%dma_start3A_498 : memref<8x128xi32, #tpu.memory_space<hbm>>) target(%dma_start3A_496 : memref<8x128xi32, #tpu.memory_space<vmem>>) target_semaphore(%run_scoped3A_486 : memref<!tpu.dma_semaphore, #tpu.memory_space<semaphore_mem>>)
        %dma_wait3A_499 = arith.constant 0 : i32
        %dma_wait3A_500 = arith.constant 0 : i32
        %dma_wait3A_501 = tpu.memref_slice %arg6[%run_scoped3A_143, %dma_wait3A_499, %dma_wait3A_500] : memref<2x8x128xi32, #tpu.memory_space<vmem>> -> memref<1x8x128xi32, #tpu.memory_space<vmem>>
        %dma_wait3A_502 = tpu.memref_squeeze %dma_wait3A_501 : memref<1x8x128xi32, #tpu.memory_space<vmem>> -> memref<8x128xi32, #tpu.memory_space<vmem>>
        %dma_wait3A_503 = arith.constant 0 : i32
        %dma_wait3A_504 = tpu.memref_slice %arg3[%multiple_of3A_142, %dma_wait3A_503] : memref<50176x128xi32, #tpu.memory_space<hbm>> -> memref<8x128xi32, #tpu.memory_space<hbm>>
        %dma_wait3A_505 = arith.constant 0 : i32
        %dma_wait3A_506 = arith.constant 0 : i32
        %dma_wait3A_507 = tpu.memref_slice %arg6[%run_scoped3A_143, %dma_wait3A_505, %dma_wait3A_506] : memref<2x8x128xi32, #tpu.memory_space<vmem>> -> memref<1x8x128xi32, #tpu.memory_space<vmem>>
        %dma_wait3A_508 = tpu.memref_squeeze %dma_wait3A_507 : memref<1x8x128xi32, #tpu.memory_space<vmem>> -> memref<8x128xi32, #tpu.memory_space<vmem>>
        %dma_wait3A_509 = arith.constant 0 : i32
        %dma_wait3A_510 = tpu.memref_slice %arg3[%multiple_of3A_142, %dma_wait3A_509] : memref<50176x128xi32, #tpu.memory_space<hbm>> -> memref<8x128xi32, #tpu.memory_space<hbm>>
        tpu.wait_dma2 semaphore(%run_scoped3A_486 : memref<!tpu.dma_semaphore, #tpu.memory_space<semaphore_mem>>) src(%dma_wait3A_510 : memref<8x128xi32, #tpu.memory_space<hbm>>) dst(%dma_wait3A_508 : memref<8x128xi32, #tpu.memory_space<vmem>>)
        tpu.yield
      }) : () -> ()
      %dma_start3A_144 = arith.constant 1 : i32
      %dma_start3A_145 = arith.constant 0 : i32
      %dma_start3A_146 = arith.constant 1 : i32
      %dma_start3A_147 = arith.constant 0 : i32
      %dma_start3A_148 = arith.constant 0 : i32
      %dma_start3A_149 = arith.constant 0 : i32
      %dma_start3A_150 = tpu.memref_slice %arg7[%dma_start3A_146, %dma_start3A_147, %dma_start3A_148, %dma_start3A_149] : memref<2x4x128x16xf32, #tpu.memory_space<vmem>> -> memref<1x1x128x16xf32, #tpu.memory_space<vmem>>
      %dma_start3A_151 = tpu.memref_squeeze %dma_start3A_150 : memref<1x1x128x16xf32, #tpu.memory_space<vmem>> -> memref<128x16xf32, #tpu.memory_space<vmem>>
      %dma_start3A_152 = arith.constant 0 : i32
      %dma_start3A_153 = tpu.memref_slice %arg6[%dma_start3A_144, %dma_start3A_145, %dma_start3A_152] : memref<2x8x128xi32, #tpu.memory_space<vmem>> -> memref<1x1x128xi32, #tpu.memory_space<vmem>>
      %dma_start3A_154 = tpu.memref_squeeze %dma_start3A_153 : memref<1x1x128xi32, #tpu.memory_space<vmem>> -> memref<128xi32, #tpu.memory_space<vmem>>
      %dma_start3A_155 = arith.constant 0 : i32
      %dma_start3A_156 = arith.constant 0 : i32
      %dma_start3A_157 = tpu.memref_slice %arg2[%dma_start3A_155, %dma_start3A_156] : memref<100352x16xf32, #tpu.memory_space<hbm>> -> memref<100352x16xf32, #tpu.memory_space<hbm>>
      tpu.enqueue_indirect_dma source(%dma_start3A_157 : memref<100352x16xf32, #tpu.memory_space<hbm>>) target(%dma_start3A_151 : memref<128x16xf32, #tpu.memory_space<vmem>>) offsets(%dma_start3A_154 : memref<128xi32, #tpu.memory_space<vmem>>) semaphore(%arg10 : memref<!tpu.dma_semaphore, #tpu.memory_space<semaphore_mem>>)
      %dma_start3A_158 = arith.constant 1 : i32
      %dma_start3A_159 = arith.constant 2 : i32
      %dma_start3A_160 = arith.constant 1 : i32
      %dma_start3A_161 = arith.constant 1 : i32
      %dma_start3A_162 = arith.constant 0 : i32
      %dma_start3A_163 = arith.constant 0 : i32
      %dma_start3A_164 = tpu.memref_slice %arg7[%dma_start3A_160, %dma_start3A_161, %dma_start3A_162, %dma_start3A_163] : memref<2x4x128x16xf32, #tpu.memory_space<vmem>> -> memref<1x1x128x16xf32, #tpu.memory_space<vmem>>
      %dma_start3A_165 = tpu.memref_squeeze %dma_start3A_164 : memref<1x1x128x16xf32, #tpu.memory_space<vmem>> -> memref<128x16xf32, #tpu.memory_space<vmem>>
      %dma_start3A_166 = arith.constant 0 : i32
      %dma_start3A_167 = tpu.memref_slice %arg6[%dma_start3A_158, %dma_start3A_159, %dma_start3A_166] : memref<2x8x128xi32, #tpu.memory_space<vmem>> -> memref<1x1x128xi32, #tpu.memory_space<vmem>>
      %dma_start3A_168 = tpu.memref_squeeze %dma_start3A_167 : memref<1x1x128xi32, #tpu.memory_space<vmem>> -> memref<128xi32, #tpu.memory_space<vmem>>
      %dma_start3A_169 = arith.constant 0 : i32
      %dma_start3A_170 = arith.constant 0 : i32
      %dma_start3A_171 = tpu.memref_slice %arg2[%dma_start3A_169, %dma_start3A_170] : memref<100352x16xf32, #tpu.memory_space<hbm>> -> memref<100352x16xf32, #tpu.memory_space<hbm>>
      tpu.enqueue_indirect_dma source(%dma_start3A_171 : memref<100352x16xf32, #tpu.memory_space<hbm>>) target(%dma_start3A_165 : memref<128x16xf32, #tpu.memory_space<vmem>>) offsets(%dma_start3A_168 : memref<128xi32, #tpu.memory_space<vmem>>) semaphore(%arg10 : memref<!tpu.dma_semaphore, #tpu.memory_space<semaphore_mem>>)
      %dma_start3A_172 = arith.constant 1 : i32
      %dma_start3A_173 = arith.constant 4 : i32
      %dma_start3A_174 = arith.constant 1 : i32
      %dma_start3A_175 = arith.constant 2 : i32
      %dma_start3A_176 = arith.constant 0 : i32
      %dma_start3A_177 = arith.constant 0 : i32
      %dma_start3A_178 = tpu.memref_slice %arg7[%dma_start3A_174, %dma_start3A_175, %dma_start3A_176, %dma_start3A_177] : memref<2x4x128x16xf32, #tpu.memory_space<vmem>> -> memref<1x1x128x16xf32, #tpu.memory_space<vmem>>
      %dma_start3A_179 = tpu.memref_squeeze %dma_start3A_178 : memref<1x1x128x16xf32, #tpu.memory_space<vmem>> -> memref<128x16xf32, #tpu.memory_space<vmem>>
      %dma_start3A_180 = arith.constant 0 : i32
      %dma_start3A_181 = tpu.memref_slice %arg6[%dma_start3A_172, %dma_start3A_173, %dma_start3A_180] : memref<2x8x128xi32, #tpu.memory_space<vmem>> -> memref<1x1x128xi32, #tpu.memory_space<vmem>>
      %dma_start3A_182 = tpu.memref_squeeze %dma_start3A_181 : memref<1x1x128xi32, #tpu.memory_space<vmem>> -> memref<128xi32, #tpu.memory_space<vmem>>
      %dma_start3A_183 = arith.constant 0 : i32
      %dma_start3A_184 = arith.constant 0 : i32
      %dma_start3A_185 = tpu.memref_slice %arg2[%dma_start3A_183, %dma_start3A_184] : memref<100352x16xf32, #tpu.memory_space<hbm>> -> memref<100352x16xf32, #tpu.memory_space<hbm>>
      tpu.enqueue_indirect_dma source(%dma_start3A_185 : memref<100352x16xf32, #tpu.memory_space<hbm>>) target(%dma_start3A_179 : memref<128x16xf32, #tpu.memory_space<vmem>>) offsets(%dma_start3A_182 : memref<128xi32, #tpu.memory_space<vmem>>) semaphore(%arg10 : memref<!tpu.dma_semaphore, #tpu.memory_space<semaphore_mem>>)
      %dma_start3A_186 = arith.constant 1 : i32
      %dma_start3A_187 = arith.constant 6 : i32
      %dma_start3A_188 = arith.constant 1 : i32
      %dma_start3A_189 = arith.constant 3 : i32
      %dma_start3A_190 = arith.constant 0 : i32
      %dma_start3A_191 = arith.constant 0 : i32
      %dma_start3A_192 = tpu.memref_slice %arg7[%dma_start3A_188, %dma_start3A_189, %dma_start3A_190, %dma_start3A_191] : memref<2x4x128x16xf32, #tpu.memory_space<vmem>> -> memref<1x1x128x16xf32, #tpu.memory_space<vmem>>
      %dma_start3A_193 = tpu.memref_squeeze %dma_start3A_192 : memref<1x1x128x16xf32, #tpu.memory_space<vmem>> -> memref<128x16xf32, #tpu.memory_space<vmem>>
      %dma_start3A_194 = arith.constant 0 : i32
      %dma_start3A_195 = tpu.memref_slice %arg6[%dma_start3A_186, %dma_start3A_187, %dma_start3A_194] : memref<2x8x128xi32, #tpu.memory_space<vmem>> -> memref<1x1x128xi32, #tpu.memory_space<vmem>>
      %dma_start3A_196 = tpu.memref_squeeze %dma_start3A_195 : memref<1x1x128xi32, #tpu.memory_space<vmem>> -> memref<128xi32, #tpu.memory_space<vmem>>
      %dma_start3A_197 = arith.constant 0 : i32
      %dma_start3A_198 = arith.constant 0 : i32
      %dma_start3A_199 = tpu.memref_slice %arg2[%dma_start3A_197, %dma_start3A_198] : memref<100352x16xf32, #tpu.memory_space<hbm>> -> memref<100352x16xf32, #tpu.memory_space<hbm>>
      tpu.enqueue_indirect_dma source(%dma_start3A_199 : memref<100352x16xf32, #tpu.memory_space<hbm>>) target(%dma_start3A_193 : memref<128x16xf32, #tpu.memory_space<vmem>>) offsets(%dma_start3A_196 : memref<128xi32, #tpu.memory_space<vmem>>) semaphore(%arg10 : memref<!tpu.dma_semaphore, #tpu.memory_space<semaphore_mem>>)
      %dma_wait3A_200 = arith.constant 0 : i32
      %dma_wait3A_201 = arith.constant 0 : i32
      %dma_wait3A_202 = arith.constant 0 : i32
      %dma_wait3A_203 = arith.constant 0 : i32
      %dma_wait3A_204 = arith.constant 0 : i32
      %dma_wait3A_205 = arith.constant 0 : i32
      %dma_wait3A_206 = tpu.memref_slice %arg7[%dma_wait3A_202, %dma_wait3A_203, %dma_wait3A_204, %dma_wait3A_205] : memref<2x4x128x16xf32, #tpu.memory_space<vmem>> -> memref<1x1x128x16xf32, #tpu.memory_space<vmem>>
      %dma_wait3A_207 = tpu.memref_squeeze %dma_wait3A_206 : memref<1x1x128x16xf32, #tpu.memory_space<vmem>> -> memref<128x16xf32, #tpu.memory_space<vmem>>
      %dma_wait3A_208 = arith.constant 0 : i32
      %dma_wait3A_209 = tpu.memref_slice %arg6[%dma_wait3A_200, %dma_wait3A_201, %dma_wait3A_208] : memref<2x8x128xi32, #tpu.memory_space<vmem>> -> memref<1x1x128xi32, #tpu.memory_space<vmem>>
      %dma_wait3A_210 = tpu.memref_squeeze %dma_wait3A_209 : memref<1x1x128xi32, #tpu.memory_space<vmem>> -> memref<128xi32, #tpu.memory_space<vmem>>
      %dma_wait3A_211 = arith.constant 0 : i32
      %dma_wait3A_212 = arith.constant 0 : i32
      %dma_wait3A_213 = tpu.memref_slice %arg2[%dma_wait3A_211, %dma_wait3A_212] : memref<100352x16xf32, #tpu.memory_space<hbm>> -> memref<100352x16xf32, #tpu.memory_space<hbm>>
      tpu.wait_indirect_dma semaphore(%arg9 : memref<!tpu.dma_semaphore, #tpu.memory_space<semaphore_mem>>) src(%dma_wait3A_213 : memref<100352x16xf32, #tpu.memory_space<hbm>>) dst(%dma_wait3A_207 : memref<128x16xf32, #tpu.memory_space<vmem>>)
      %dma_wait3A_214 = arith.constant 0 : i32
      %dma_wait3A_215 = arith.constant 2 : i32
      %dma_wait3A_216 = arith.constant 0 : i32
      %dma_wait3A_217 = arith.constant 1 : i32
      %dma_wait3A_218 = arith.constant 0 : i32
      %dma_wait3A_219 = arith.constant 0 : i32
      %dma_wait3A_220 = tpu.memref_slice %arg7[%dma_wait3A_216, %dma_wait3A_217, %dma_wait3A_218, %dma_wait3A_219] : memref<2x4x128x16xf32, #tpu.memory_space<vmem>> -> memref<1x1x128x16xf32, #tpu.memory_space<vmem>>
      %dma_wait3A_221 = tpu.memref_squeeze %dma_wait3A_220 : memref<1x1x128x16xf32, #tpu.memory_space<vmem>> -> memref<128x16xf32, #tpu.memory_space<vmem>>
      %dma_wait3A_222 = arith.constant 0 : i32
      %dma_wait3A_223 = tpu.memref_slice %arg6[%dma_wait3A_214, %dma_wait3A_215, %dma_wait3A_222] : memref<2x8x128xi32, #tpu.memory_space<vmem>> -> memref<1x1x128xi32, #tpu.memory_space<vmem>>
      %dma_wait3A_224 = tpu.memref_squeeze %dma_wait3A_223 : memref<1x1x128xi32, #tpu.memory_space<vmem>> -> memref<128xi32, #tpu.memory_space<vmem>>
      %dma_wait3A_225 = arith.constant 0 : i32
      %dma_wait3A_226 = arith.constant 0 : i32
      %dma_wait3A_227 = tpu.memref_slice %arg2[%dma_wait3A_225, %dma_wait3A_226] : memref<100352x16xf32, #tpu.memory_space<hbm>> -> memref<100352x16xf32, #tpu.memory_space<hbm>>
      tpu.wait_indirect_dma semaphore(%arg9 : memref<!tpu.dma_semaphore, #tpu.memory_space<semaphore_mem>>) src(%dma_wait3A_227 : memref<100352x16xf32, #tpu.memory_space<hbm>>) dst(%dma_wait3A_221 : memref<128x16xf32, #tpu.memory_space<vmem>>)
      %dma_wait3A_228 = arith.constant 0 : i32
      %dma_wait3A_229 = arith.constant 4 : i32
      %dma_wait3A_230 = arith.constant 0 : i32
      %dma_wait3A_231 = arith.constant 2 : i32
      %dma_wait3A_232 = arith.constant 0 : i32
      %dma_wait3A_233 = arith.constant 0 : i32
      %dma_wait3A_234 = tpu.memref_slice %arg7[%dma_wait3A_230, %dma_wait3A_231, %dma_wait3A_232, %dma_wait3A_233] : memref<2x4x128x16xf32, #tpu.memory_space<vmem>> -> memref<1x1x128x16xf32, #tpu.memory_space<vmem>>
      %dma_wait3A_235 = tpu.memref_squeeze %dma_wait3A_234 : memref<1x1x128x16xf32, #tpu.memory_space<vmem>> -> memref<128x16xf32, #tpu.memory_space<vmem>>
      %dma_wait3A_236 = arith.constant 0 : i32
      %dma_wait3A_237 = tpu.memref_slice %arg6[%dma_wait3A_228, %dma_wait3A_229, %dma_wait3A_236] : memref<2x8x128xi32, #tpu.memory_space<vmem>> -> memref<1x1x128xi32, #tpu.memory_space<vmem>>
      %dma_wait3A_238 = tpu.memref_squeeze %dma_wait3A_237 : memref<1x1x128xi32, #tpu.memory_space<vmem>> -> memref<128xi32, #tpu.memory_space<vmem>>
      %dma_wait3A_239 = arith.constant 0 : i32
      %dma_wait3A_240 = arith.constant 0 : i32
      %dma_wait3A_241 = tpu.memref_slice %arg2[%dma_wait3A_239, %dma_wait3A_240] : memref<100352x16xf32, #tpu.memory_space<hbm>> -> memref<100352x16xf32, #tpu.memory_space<hbm>>
      tpu.wait_indirect_dma semaphore(%arg9 : memref<!tpu.dma_semaphore, #tpu.memory_space<semaphore_mem>>) src(%dma_wait3A_241 : memref<100352x16xf32, #tpu.memory_space<hbm>>) dst(%dma_wait3A_235 : memref<128x16xf32, #tpu.memory_space<vmem>>)
      %dma_wait3A_242 = arith.constant 0 : i32
      %dma_wait3A_243 = arith.constant 6 : i32
      %dma_wait3A_244 = arith.constant 0 : i32
      %dma_wait3A_245 = arith.constant 3 : i32
      %dma_wait3A_246 = arith.constant 0 : i32
      %dma_wait3A_247 = arith.constant 0 : i32
      %dma_wait3A_248 = tpu.memref_slice %arg7[%dma_wait3A_244, %dma_wait3A_245, %dma_wait3A_246, %dma_wait3A_247] : memref<2x4x128x16xf32, #tpu.memory_space<vmem>> -> memref<1x1x128x16xf32, #tpu.memory_space<vmem>>
      %dma_wait3A_249 = tpu.memref_squeeze %dma_wait3A_248 : memref<1x1x128x16xf32, #tpu.memory_space<vmem>> -> memref<128x16xf32, #tpu.memory_space<vmem>>
      %dma_wait3A_250 = arith.constant 0 : i32
      %dma_wait3A_251 = tpu.memref_slice %arg6[%dma_wait3A_242, %dma_wait3A_243, %dma_wait3A_250] : memref<2x8x128xi32, #tpu.memory_space<vmem>> -> memref<1x1x128xi32, #tpu.memory_space<vmem>>
      %dma_wait3A_252 = tpu.memref_squeeze %dma_wait3A_251 : memref<1x1x128xi32, #tpu.memory_space<vmem>> -> memref<128xi32, #tpu.memory_space<vmem>>
      %dma_wait3A_253 = arith.constant 0 : i32
      %dma_wait3A_254 = arith.constant 0 : i32
      %dma_wait3A_255 = tpu.memref_slice %arg2[%dma_wait3A_253, %dma_wait3A_254] : memref<100352x16xf32, #tpu.memory_space<hbm>> -> memref<100352x16xf32, #tpu.memory_space<hbm>>
      tpu.wait_indirect_dma semaphore(%arg9 : memref<!tpu.dma_semaphore, #tpu.memory_space<semaphore_mem>>) src(%dma_wait3A_255 : memref<100352x16xf32, #tpu.memory_space<hbm>>) dst(%dma_wait3A_249 : memref<128x16xf32, #tpu.memory_space<vmem>>)
      %dma_start3A_256 = arith.constant 0 : i32
      %dma_start3A_257 = arith.constant 0 : i32
      %dma_start3A_258 = arith.constant 0 : i32
      %dma_start3A_259 = arith.constant 1 : i32
      %dma_start3A_260 = arith.constant 0 : i32
      %dma_start3A_261 = arith.constant 0 : i32
      %dma_start3A_262 = tpu.memref_slice %arg7[%dma_start3A_256, %dma_start3A_257, %dma_start3A_260, %dma_start3A_261] : memref<2x4x128x16xf32, #tpu.memory_space<vmem>> -> memref<1x1x128x16xf32, #tpu.memory_space<vmem>>
      %dma_start3A_263 = tpu.memref_squeeze %dma_start3A_262 : memref<1x1x128x16xf32, #tpu.memory_space<vmem>> -> memref<128x16xf32, #tpu.memory_space<vmem>>
      %dma_start3A_264 = arith.constant 0 : i32
      %dma_start3A_265 = tpu.memref_slice %arg6[%dma_start3A_258, %dma_start3A_259, %dma_start3A_264] : memref<2x8x128xi32, #tpu.memory_space<vmem>> -> memref<1x1x128xi32, #tpu.memory_space<vmem>>
      %dma_start3A_266 = tpu.memref_squeeze %dma_start3A_265 : memref<1x1x128xi32, #tpu.memory_space<vmem>> -> memref<128xi32, #tpu.memory_space<vmem>>
      %dma_start3A_267 = arith.constant 0 : i32
      %dma_start3A_268 = arith.constant 0 : i32
      %dma_start3A_269 = tpu.memref_slice %arg8[%dma_start3A_267, %dma_start3A_268] : memref<100352x16xf32, #tpu.memory_space<vmem_shared>> -> memref<100352x16xf32, #tpu.memory_space<vmem_shared>>
      tpu.enqueue_indirect_dma source(%dma_start3A_263 : memref<128x16xf32, #tpu.memory_space<vmem>>) target(%dma_start3A_269 : memref<100352x16xf32, #tpu.memory_space<vmem_shared>>) offsets(%dma_start3A_266 : memref<128xi32, #tpu.memory_space<vmem>>) semaphore(%arg11 : memref<!tpu.dma_semaphore, #tpu.memory_space<semaphore_mem>>) {add = true}
      %dma_start3A_270 = arith.constant 0 : i32
      %dma_start3A_271 = arith.constant 1 : i32
      %dma_start3A_272 = arith.constant 0 : i32
      %dma_start3A_273 = arith.constant 3 : i32
      %dma_start3A_274 = arith.constant 0 : i32
      %dma_start3A_275 = arith.constant 0 : i32
      %dma_start3A_276 = tpu.memref_slice %arg7[%dma_start3A_270, %dma_start3A_271, %dma_start3A_274, %dma_start3A_275] : memref<2x4x128x16xf32, #tpu.memory_space<vmem>> -> memref<1x1x128x16xf32, #tpu.memory_space<vmem>>
      %dma_start3A_277 = tpu.memref_squeeze %dma_start3A_276 : memref<1x1x128x16xf32, #tpu.memory_space<vmem>> -> memref<128x16xf32, #tpu.memory_space<vmem>>
      %dma_start3A_278 = arith.constant 0 : i32
      %dma_start3A_279 = tpu.memref_slice %arg6[%dma_start3A_272, %dma_start3A_273, %dma_start3A_278] : memref<2x8x128xi32, #tpu.memory_space<vmem>> -> memref<1x1x128xi32, #tpu.memory_space<vmem>>
      %dma_start3A_280 = tpu.memref_squeeze %dma_start3A_279 : memref<1x1x128xi32, #tpu.memory_space<vmem>> -> memref<128xi32, #tpu.memory_space<vmem>>
      %dma_start3A_281 = arith.constant 0 : i32
      %dma_start3A_282 = arith.constant 0 : i32
      %dma_start3A_283 = tpu.memref_slice %arg8[%dma_start3A_281, %dma_start3A_282] : memref<100352x16xf32, #tpu.memory_space<vmem_shared>> -> memref<100352x16xf32, #tpu.memory_space<vmem_shared>>
      tpu.enqueue_indirect_dma source(%dma_start3A_277 : memref<128x16xf32, #tpu.memory_space<vmem>>) target(%dma_start3A_283 : memref<100352x16xf32, #tpu.memory_space<vmem_shared>>) offsets(%dma_start3A_280 : memref<128xi32, #tpu.memory_space<vmem>>) semaphore(%arg11 : memref<!tpu.dma_semaphore, #tpu.memory_space<semaphore_mem>>) {add = true}
      %dma_start3A_284 = arith.constant 0 : i32
      %dma_start3A_285 = arith.constant 2 : i32
      %dma_start3A_286 = arith.constant 0 : i32
      %dma_start3A_287 = arith.constant 5 : i32
      %dma_start3A_288 = arith.constant 0 : i32
      %dma_start3A_289 = arith.constant 0 : i32
      %dma_start3A_290 = tpu.memref_slice %arg7[%dma_start3A_284, %dma_start3A_285, %dma_start3A_288, %dma_start3A_289] : memref<2x4x128x16xf32, #tpu.memory_space<vmem>> -> memref<1x1x128x16xf32, #tpu.memory_space<vmem>>
      %dma_start3A_291 = tpu.memref_squeeze %dma_start3A_290 : memref<1x1x128x16xf32, #tpu.memory_space<vmem>> -> memref<128x16xf32, #tpu.memory_space<vmem>>
      %dma_start3A_292 = arith.constant 0 : i32
      %dma_start3A_293 = tpu.memref_slice %arg6[%dma_start3A_286, %dma_start3A_287, %dma_start3A_292] : memref<2x8x128xi32, #tpu.memory_space<vmem>> -> memref<1x1x128xi32, #tpu.memory_space<vmem>>
      %dma_start3A_294 = tpu.memref_squeeze %dma_start3A_293 : memref<1x1x128xi32, #tpu.memory_space<vmem>> -> memref<128xi32, #tpu.memory_space<vmem>>
      %dma_start3A_295 = arith.constant 0 : i32
      %dma_start3A_296 = arith.constant 0 : i32
      %dma_start3A_297 = tpu.memref_slice %arg8[%dma_start3A_295, %dma_start3A_296] : memref<100352x16xf32, #tpu.memory_space<vmem_shared>> -> memref<100352x16xf32, #tpu.memory_space<vmem_shared>>
      tpu.enqueue_indirect_dma source(%dma_start3A_291 : memref<128x16xf32, #tpu.memory_space<vmem>>) target(%dma_start3A_297 : memref<100352x16xf32, #tpu.memory_space<vmem_shared>>) offsets(%dma_start3A_294 : memref<128xi32, #tpu.memory_space<vmem>>) semaphore(%arg11 : memref<!tpu.dma_semaphore, #tpu.memory_space<semaphore_mem>>) {add = true}
      %dma_start3A_298 = arith.constant 0 : i32
      %dma_start3A_299 = arith.constant 3 : i32
      %dma_start3A_300 = arith.constant 0 : i32
      %dma_start3A_301 = arith.constant 7 : i32
      %dma_start3A_302 = arith.constant 0 : i32
      %dma_start3A_303 = arith.constant 0 : i32
      %dma_start3A_304 = tpu.memref_slice %arg7[%dma_start3A_298, %dma_start3A_299, %dma_start3A_302, %dma_start3A_303] : memref<2x4x128x16xf32, #tpu.memory_space<vmem>> -> memref<1x1x128x16xf32, #tpu.memory_space<vmem>>
      %dma_start3A_305 = tpu.memref_squeeze %dma_start3A_304 : memref<1x1x128x16xf32, #tpu.memory_space<vmem>> -> memref<128x16xf32, #tpu.memory_space<vmem>>
      %dma_start3A_306 = arith.constant 0 : i32
      %dma_start3A_307 = tpu.memref_slice %arg6[%dma_start3A_300, %dma_start3A_301, %dma_start3A_306] : memref<2x8x128xi32, #tpu.memory_space<vmem>> -> memref<1x1x128xi32, #tpu.memory_space<vmem>>
      %dma_start3A_308 = tpu.memref_squeeze %dma_start3A_307 : memref<1x1x128xi32, #tpu.memory_space<vmem>> -> memref<128xi32, #tpu.memory_space<vmem>>
      %dma_start3A_309 = arith.constant 0 : i32
      %dma_start3A_310 = arith.constant 0 : i32
      %dma_start3A_311 = tpu.memref_slice %arg8[%dma_start3A_309, %dma_start3A_310] : memref<100352x16xf32, #tpu.memory_space<vmem_shared>> -> memref<100352x16xf32, #tpu.memory_space<vmem_shared>>
      tpu.enqueue_indirect_dma source(%dma_start3A_305 : memref<128x16xf32, #tpu.memory_space<vmem>>) target(%dma_start3A_311 : memref<100352x16xf32, #tpu.memory_space<vmem_shared>>) offsets(%dma_start3A_308 : memref<128xi32, #tpu.memory_space<vmem>>) semaphore(%arg11 : memref<!tpu.dma_semaphore, #tpu.memory_space<semaphore_mem>>) {add = true}
      %dma_wait3A_312 = arith.constant 0 : i32
      %dma_wait3A_313 = arith.constant 0 : i32
      %dma_wait3A_314 = arith.constant 0 : i32
      %dma_wait3A_315 = arith.constant 1 : i32
      %dma_wait3A_316 = arith.constant 0 : i32
      %dma_wait3A_317 = arith.constant 0 : i32
      %dma_wait3A_318 = tpu.memref_slice %arg7[%dma_wait3A_312, %dma_wait3A_313, %dma_wait3A_316, %dma_wait3A_317] : memref<2x4x128x16xf32, #tpu.memory_space<vmem>> -> memref<1x1x128x16xf32, #tpu.memory_space<vmem>>
      %dma_wait3A_319 = tpu.memref_squeeze %dma_wait3A_318 : memref<1x1x128x16xf32, #tpu.memory_space<vmem>> -> memref<128x16xf32, #tpu.memory_space<vmem>>
      %dma_wait3A_320 = arith.constant 0 : i32
      %dma_wait3A_321 = tpu.memref_slice %arg6[%dma_wait3A_314, %dma_wait3A_315, %dma_wait3A_320] : memref<2x8x128xi32, #tpu.memory_space<vmem>> -> memref<1x1x128xi32, #tpu.memory_space<vmem>>
      %dma_wait3A_322 = tpu.memref_squeeze %dma_wait3A_321 : memref<1x1x128xi32, #tpu.memory_space<vmem>> -> memref<128xi32, #tpu.memory_space<vmem>>
      %dma_wait3A_323 = arith.constant 0 : i32
      %dma_wait3A_324 = arith.constant 0 : i32
      %dma_wait3A_325 = tpu.memref_slice %arg8[%dma_wait3A_323, %dma_wait3A_324] : memref<100352x16xf32, #tpu.memory_space<vmem_shared>> -> memref<100352x16xf32, #tpu.memory_space<vmem_shared>>
      tpu.wait_indirect_dma semaphore(%arg11 : memref<!tpu.dma_semaphore, #tpu.memory_space<semaphore_mem>>) src(%dma_wait3A_319 : memref<128x16xf32, #tpu.memory_space<vmem>>) dst(%dma_wait3A_325 : memref<100352x16xf32, #tpu.memory_space<vmem_shared>>)
      %dma_wait3A_326 = arith.constant 0 : i32
      %dma_wait3A_327 = arith.constant 1 : i32
      %dma_wait3A_328 = arith.constant 0 : i32
      %dma_wait3A_329 = arith.constant 3 : i32
      %dma_wait3A_330 = arith.constant 0 : i32
      %dma_wait3A_331 = arith.constant 0 : i32
      %dma_wait3A_332 = tpu.memref_slice %arg7[%dma_wait3A_326, %dma_wait3A_327, %dma_wait3A_330, %dma_wait3A_331] : memref<2x4x128x16xf32, #tpu.memory_space<vmem>> -> memref<1x1x128x16xf32, #tpu.memory_space<vmem>>
      %dma_wait3A_333 = tpu.memref_squeeze %dma_wait3A_332 : memref<1x1x128x16xf32, #tpu.memory_space<vmem>> -> memref<128x16xf32, #tpu.memory_space<vmem>>
      %dma_wait3A_334 = arith.constant 0 : i32
      %dma_wait3A_335 = tpu.memref_slice %arg6[%dma_wait3A_328, %dma_wait3A_329, %dma_wait3A_334] : memref<2x8x128xi32, #tpu.memory_space<vmem>> -> memref<1x1x128xi32, #tpu.memory_space<vmem>>
      %dma_wait3A_336 = tpu.memref_squeeze %dma_wait3A_335 : memref<1x1x128xi32, #tpu.memory_space<vmem>> -> memref<128xi32, #tpu.memory_space<vmem>>
      %dma_wait3A_337 = arith.constant 0 : i32
      %dma_wait3A_338 = arith.constant 0 : i32
      %dma_wait3A_339 = tpu.memref_slice %arg8[%dma_wait3A_337, %dma_wait3A_338] : memref<100352x16xf32, #tpu.memory_space<vmem_shared>> -> memref<100352x16xf32, #tpu.memory_space<vmem_shared>>
      tpu.wait_indirect_dma semaphore(%arg11 : memref<!tpu.dma_semaphore, #tpu.memory_space<semaphore_mem>>) src(%dma_wait3A_333 : memref<128x16xf32, #tpu.memory_space<vmem>>) dst(%dma_wait3A_339 : memref<100352x16xf32, #tpu.memory_space<vmem_shared>>)
      %dma_wait3A_340 = arith.constant 0 : i32
      %dma_wait3A_341 = arith.constant 2 : i32
      %dma_wait3A_342 = arith.constant 0 : i32
      %dma_wait3A_343 = arith.constant 5 : i32
      %dma_wait3A_344 = arith.constant 0 : i32
      %dma_wait3A_345 = arith.constant 0 : i32
      %dma_wait3A_346 = tpu.memref_slice %arg7[%dma_wait3A_340, %dma_wait3A_341, %dma_wait3A_344, %dma_wait3A_345] : memref<2x4x128x16xf32, #tpu.memory_space<vmem>> -> memref<1x1x128x16xf32, #tpu.memory_space<vmem>>
      %dma_wait3A_347 = tpu.memref_squeeze %dma_wait3A_346 : memref<1x1x128x16xf32, #tpu.memory_space<vmem>> -> memref<128x16xf32, #tpu.memory_space<vmem>>
      %dma_wait3A_348 = arith.constant 0 : i32
      %dma_wait3A_349 = tpu.memref_slice %arg6[%dma_wait3A_342, %dma_wait3A_343, %dma_wait3A_348] : memref<2x8x128xi32, #tpu.memory_space<vmem>> -> memref<1x1x128xi32, #tpu.memory_space<vmem>>
      %dma_wait3A_350 = tpu.memref_squeeze %dma_wait3A_349 : memref<1x1x128xi32, #tpu.memory_space<vmem>> -> memref<128xi32, #tpu.memory_space<vmem>>
      %dma_wait3A_351 = arith.constant 0 : i32
      %dma_wait3A_352 = arith.constant 0 : i32
      %dma_wait3A_353 = tpu.memref_slice %arg8[%dma_wait3A_351, %dma_wait3A_352] : memref<100352x16xf32, #tpu.memory_space<vmem_shared>> -> memref<100352x16xf32, #tpu.memory_space<vmem_shared>>
      tpu.wait_indirect_dma semaphore(%arg11 : memref<!tpu.dma_semaphore, #tpu.memory_space<semaphore_mem>>) src(%dma_wait3A_347 : memref<128x16xf32, #tpu.memory_space<vmem>>) dst(%dma_wait3A_353 : memref<100352x16xf32, #tpu.memory_space<vmem_shared>>)
      %dma_wait3A_354 = arith.constant 0 : i32
      %dma_wait3A_355 = arith.constant 3 : i32
      %dma_wait3A_356 = arith.constant 0 : i32
      %dma_wait3A_357 = arith.constant 7 : i32
      %dma_wait3A_358 = arith.constant 0 : i32
      %dma_wait3A_359 = arith.constant 0 : i32
      %dma_wait3A_360 = tpu.memref_slice %arg7[%dma_wait3A_354, %dma_wait3A_355, %dma_wait3A_358, %dma_wait3A_359] : memref<2x4x128x16xf32, #tpu.memory_space<vmem>> -> memref<1x1x128x16xf32, #tpu.memory_space<vmem>>
      %dma_wait3A_361 = tpu.memref_squeeze %dma_wait3A_360 : memref<1x1x128x16xf32, #tpu.memory_space<vmem>> -> memref<128x16xf32, #tpu.memory_space<vmem>>
      %dma_wait3A_362 = arith.constant 0 : i32
      %dma_wait3A_363 = tpu.memref_slice %arg6[%dma_wait3A_356, %dma_wait3A_357, %dma_wait3A_362] : memref<2x8x128xi32, #tpu.memory_space<vmem>> -> memref<1x1x128xi32, #tpu.memory_space<vmem>>
      %dma_wait3A_364 = tpu.memref_squeeze %dma_wait3A_363 : memref<1x1x128xi32, #tpu.memory_space<vmem>> -> memref<128xi32, #tpu.memory_space<vmem>>
      %dma_wait3A_365 = arith.constant 0 : i32
      %dma_wait3A_366 = arith.constant 0 : i32
      %dma_wait3A_367 = tpu.memref_slice %arg8[%dma_wait3A_365, %dma_wait3A_366] : memref<100352x16xf32, #tpu.memory_space<vmem_shared>> -> memref<100352x16xf32, #tpu.memory_space<vmem_shared>>
      tpu.wait_indirect_dma semaphore(%arg11 : memref<!tpu.dma_semaphore, #tpu.memory_space<semaphore_mem>>) src(%dma_wait3A_361 : memref<128x16xf32, #tpu.memory_space<vmem>>) dst(%dma_wait3A_367 : memref<100352x16xf32, #tpu.memory_space<vmem_shared>>)
      %add3A_368 = arith.constant 1 : i32
      %add3A_369 = arith.addi %scan3A_130, %add3A_368 : i32
      %lt3A = arith.constant 98 : i32
      %lt3A_370 = arith.cmpi slt, %add3A_369, %lt3A : i32
      %convert_element_type3A_371 = arith.extui %lt3A_370 : i1 to i32
      %cond3A_372 = arith.constant 0 : i32
      %cond3A_373 = arith.cmpi ne, %convert_element_type3A_371, %cond3A_372 : i32
      scf.if %cond3A_373 {
        %add3A_486 = arith.constant 2 : i32
        %add3A_487 = arith.addi %mul3A_132, %add3A_486 : i32
        %mul3A_488 = arith.constant 4 : i32
        %mul3A_489 = arith.muli %add3A_487, %mul3A_488 : i32
        %add3A_490 = arith.addi %mul3A_4, %mul3A_489 : i32
        %mul3A_491 = arith.constant 2 : i32
        %mul3A_492 = arith.muli %mul3A_491, %add3A_490 : i32
        %multiple_of3A_493 = tpu.assume_multiple %mul3A_492, 8 : i32
        %run_scoped3A_494 = arith.constant 0 : i32
        "tpu.region"() ({
          %run_scoped3A_551 = tpu.sem_alloc : memref<!tpu.dma_semaphore, #tpu.memory_space<semaphore_mem>>
          %dma_start3A_552 = arith.constant 0 : i32
          %dma_start3A_553 = arith.constant 0 : i32
          %dma_start3A_554 = tpu.memref_slice %arg6[%run_scoped3A_494, %dma_start3A_552, %dma_start3A_553] : memref<2x8x128xi32, #tpu.memory_space<vmem>> -> memref<1x8x128xi32, #tpu.memory_space<vmem>>
          %dma_start3A_555 = tpu.memref_squeeze %dma_start3A_554 : memref<1x8x128xi32, #tpu.memory_space<vmem>> -> memref<8x128xi32, #tpu.memory_space<vmem>>
          %dma_start3A_556 = arith.constant 0 : i32
          %dma_start3A_557 = tpu.memref_slice %arg3[%multiple_of3A_493, %dma_start3A_556] : memref<50176x128xi32, #tpu.memory_space<hbm>> -> memref<8x128xi32, #tpu.memory_space<hbm>>
          %dma_start3A_558 = arith.constant 0 : i32
          %dma_start3A_559 = arith.constant 0 : i32
          %dma_start3A_560 = tpu.memref_slice %arg6[%run_scoped3A_494, %dma_start3A_558, %dma_start3A_559] : memref<2x8x128xi32, #tpu.memory_space<vmem>> -> memref<1x8x128xi32, #tpu.memory_space<vmem>>
          %dma_start3A_561 = tpu.memref_squeeze %dma_start3A_560 : memref<1x8x128xi32, #tpu.memory_space<vmem>> -> memref<8x128xi32, #tpu.memory_space<vmem>>
          %dma_start3A_562 = arith.constant 0 : i32
          %dma_start3A_563 = tpu.memref_slice %arg3[%multiple_of3A_493, %dma_start3A_562] : memref<50176x128xi32, #tpu.memory_space<hbm>> -> memref<8x128xi32, #tpu.memory_space<hbm>>
          tpu.enqueue_dma source(%dma_start3A_563 : memref<8x128xi32, #tpu.memory_space<hbm>>) target(%dma_start3A_561 : memref<8x128xi32, #tpu.memory_space<vmem>>) target_semaphore(%run_scoped3A_551 : memref<!tpu.dma_semaphore, #tpu.memory_space<semaphore_mem>>)
          %dma_wait3A_564 = arith.constant 0 : i32
          %dma_wait3A_565 = arith.constant 0 : i32
          %dma_wait3A_566 = tpu.memref_slice %arg6[%run_scoped3A_494, %dma_wait3A_564, %dma_wait3A_565] : memref<2x8x128xi32, #tpu.memory_space<vmem>> -> memref<1x8x128xi32, #tpu.memory_space<vmem>>
          %dma_wait3A_567 = tpu.memref_squeeze %dma_wait3A_566 : memref<1x8x128xi32, #tpu.memory_space<vmem>> -> memref<8x128xi32, #tpu.memory_space<vmem>>
          %dma_wait3A_568 = arith.constant 0 : i32
          %dma_wait3A_569 = tpu.memref_slice %arg3[%multiple_of3A_493, %dma_wait3A_568] : memref<50176x128xi32, #tpu.memory_space<hbm>> -> memref<8x128xi32, #tpu.memory_space<hbm>>
          %dma_wait3A_570 = arith.constant 0 : i32
          %dma_wait3A_571 = arith.constant 0 : i32
          %dma_wait3A_572 = tpu.memref_slice %arg6[%run_scoped3A_494, %dma_wait3A_570, %dma_wait3A_571] : memref<2x8x128xi32, #tpu.memory_space<vmem>> -> memref<1x8x128xi32, #tpu.memory_space<vmem>>
          %dma_wait3A_573 = tpu.memref_squeeze %dma_wait3A_572 : memref<1x8x128xi32, #tpu.memory_space<vmem>> -> memref<8x128xi32, #tpu.memory_space<vmem>>
          %dma_wait3A_574 = arith.constant 0 : i32
          %dma_wait3A_575 = tpu.memref_slice %arg3[%multiple_of3A_493, %dma_wait3A_574] : memref<50176x128xi32, #tpu.memory_space<hbm>> -> memref<8x128xi32, #tpu.memory_space<hbm>>
          tpu.wait_dma2 semaphore(%run_scoped3A_551 : memref<!tpu.dma_semaphore, #tpu.memory_space<semaphore_mem>>) src(%dma_wait3A_575 : memref<8x128xi32, #tpu.memory_space<hbm>>) dst(%dma_wait3A_573 : memref<8x128xi32, #tpu.memory_space<vmem>>)
          tpu.yield
        }) : () -> ()
        %dma_start3A_495 = arith.constant 0 : i32
        %dma_start3A_496 = arith.constant 0 : i32
        %dma_start3A_497 = arith.constant 0 : i32
        %dma_start3A_498 = arith.constant 0 : i32
        %dma_start3A_499 = arith.constant 0 : i32
        %dma_start3A_500 = arith.constant 0 : i32
        %dma_start3A_501 = tpu.memref_slice %arg7[%dma_start3A_497, %dma_start3A_498, %dma_start3A_499, %dma_start3A_500] : memref<2x4x128x16xf32, #tpu.memory_space<vmem>> -> memref<1x1x128x16xf32, #tpu.memory_space<vmem>>
        %dma_start3A_502 = tpu.memref_squeeze %dma_start3A_501 : memref<1x1x128x16xf32, #tpu.memory_space<vmem>> -> memref<128x16xf32, #tpu.memory_space<vmem>>
        %dma_start3A_503 = arith.constant 0 : i32
        %dma_start3A_504 = tpu.memref_slice %arg6[%dma_start3A_495, %dma_start3A_496, %dma_start3A_503] : memref<2x8x128xi32, #tpu.memory_space<vmem>> -> memref<1x1x128xi32, #tpu.memory_space<vmem>>
        %dma_start3A_505 = tpu.memref_squeeze %dma_start3A_504 : memref<1x1x128xi32, #tpu.memory_space<vmem>> -> memref<128xi32, #tpu.memory_space<vmem>>
        %dma_start3A_506 = arith.constant 0 : i32
        %dma_start3A_507 = arith.constant 0 : i32
        %dma_start3A_508 = tpu.memref_slice %arg2[%dma_start3A_506, %dma_start3A_507] : memref<100352x16xf32, #tpu.memory_space<hbm>> -> memref<100352x16xf32, #tpu.memory_space<hbm>>
        tpu.enqueue_indirect_dma source(%dma_start3A_508 : memref<100352x16xf32, #tpu.memory_space<hbm>>) target(%dma_start3A_502 : memref<128x16xf32, #tpu.memory_space<vmem>>) offsets(%dma_start3A_505 : memref<128xi32, #tpu.memory_space<vmem>>) semaphore(%arg9 : memref<!tpu.dma_semaphore, #tpu.memory_space<semaphore_mem>>)
        %dma_start3A_509 = arith.constant 0 : i32
        %dma_start3A_510 = arith.constant 2 : i32
        %dma_start3A_511 = arith.constant 0 : i32
        %dma_start3A_512 = arith.constant 1 : i32
        %dma_start3A_513 = arith.constant 0 : i32
        %dma_start3A_514 = arith.constant 0 : i32
        %dma_start3A_515 = tpu.memref_slice %arg7[%dma_start3A_511, %dma_start3A_512, %dma_start3A_513, %dma_start3A_514] : memref<2x4x128x16xf32, #tpu.memory_space<vmem>> -> memref<1x1x128x16xf32, #tpu.memory_space<vmem>>
        %dma_start3A_516 = tpu.memref_squeeze %dma_start3A_515 : memref<1x1x128x16xf32, #tpu.memory_space<vmem>> -> memref<128x16xf32, #tpu.memory_space<vmem>>
        %dma_start3A_517 = arith.constant 0 : i32
        %dma_start3A_518 = tpu.memref_slice %arg6[%dma_start3A_509, %dma_start3A_510, %dma_start3A_517] : memref<2x8x128xi32, #tpu.memory_space<vmem>> -> memref<1x1x128xi32, #tpu.memory_space<vmem>>
        %dma_start3A_519 = tpu.memref_squeeze %dma_start3A_518 : memref<1x1x128xi32, #tpu.memory_space<vmem>> -> memref<128xi32, #tpu.memory_space<vmem>>
        %dma_start3A_520 = arith.constant 0 : i32
        %dma_start3A_521 = arith.constant 0 : i32
        %dma_start3A_522 = tpu.memref_slice %arg2[%dma_start3A_520, %dma_start3A_521] : memref<100352x16xf32, #tpu.memory_space<hbm>> -> memref<100352x16xf32, #tpu.memory_space<hbm>>
        tpu.enqueue_indirect_dma source(%dma_start3A_522 : memref<100352x16xf32, #tpu.memory_space<hbm>>) target(%dma_start3A_516 : memref<128x16xf32, #tpu.memory_space<vmem>>) offsets(%dma_start3A_519 : memref<128xi32, #tpu.memory_space<vmem>>) semaphore(%arg9 : memref<!tpu.dma_semaphore, #tpu.memory_space<semaphore_mem>>)
        %dma_start3A_523 = arith.constant 0 : i32
        %dma_start3A_524 = arith.constant 4 : i32
        %dma_start3A_525 = arith.constant 0 : i32
        %dma_start3A_526 = arith.constant 2 : i32
        %dma_start3A_527 = arith.constant 0 : i32
        %dma_start3A_528 = arith.constant 0 : i32
        %dma_start3A_529 = tpu.memref_slice %arg7[%dma_start3A_525, %dma_start3A_526, %dma_start3A_527, %dma_start3A_528] : memref<2x4x128x16xf32, #tpu.memory_space<vmem>> -> memref<1x1x128x16xf32, #tpu.memory_space<vmem>>
        %dma_start3A_530 = tpu.memref_squeeze %dma_start3A_529 : memref<1x1x128x16xf32, #tpu.memory_space<vmem>> -> memref<128x16xf32, #tpu.memory_space<vmem>>
        %dma_start3A_531 = arith.constant 0 : i32
        %dma_start3A_532 = tpu.memref_slice %arg6[%dma_start3A_523, %dma_start3A_524, %dma_start3A_531] : memref<2x8x128xi32, #tpu.memory_space<vmem>> -> memref<1x1x128xi32, #tpu.memory_space<vmem>>
        %dma_start3A_533 = tpu.memref_squeeze %dma_start3A_532 : memref<1x1x128xi32, #tpu.memory_space<vmem>> -> memref<128xi32, #tpu.memory_space<vmem>>
        %dma_start3A_534 = arith.constant 0 : i32
        %dma_start3A_535 = arith.constant 0 : i32
        %dma_start3A_536 = tpu.memref_slice %arg2[%dma_start3A_534, %dma_start3A_535] : memref<100352x16xf32, #tpu.memory_space<hbm>> -> memref<100352x16xf32, #tpu.memory_space<hbm>>
        tpu.enqueue_indirect_dma source(%dma_start3A_536 : memref<100352x16xf32, #tpu.memory_space<hbm>>) target(%dma_start3A_530 : memref<128x16xf32, #tpu.memory_space<vmem>>) offsets(%dma_start3A_533 : memref<128xi32, #tpu.memory_space<vmem>>) semaphore(%arg9 : memref<!tpu.dma_semaphore, #tpu.memory_space<semaphore_mem>>)
        %dma_start3A_537 = arith.constant 0 : i32
        %dma_start3A_538 = arith.constant 6 : i32
        %dma_start3A_539 = arith.constant 0 : i32
        %dma_start3A_540 = arith.constant 3 : i32
        %dma_start3A_541 = arith.constant 0 : i32
        %dma_start3A_542 = arith.constant 0 : i32
        %dma_start3A_543 = tpu.memref_slice %arg7[%dma_start3A_539, %dma_start3A_540, %dma_start3A_541, %dma_start3A_542] : memref<2x4x128x16xf32, #tpu.memory_space<vmem>> -> memref<1x1x128x16xf32, #tpu.memory_space<vmem>>
        %dma_start3A_544 = tpu.memref_squeeze %dma_start3A_543 : memref<1x1x128x16xf32, #tpu.memory_space<vmem>> -> memref<128x16xf32, #tpu.memory_space<vmem>>
        %dma_start3A_545 = arith.constant 0 : i32
        %dma_start3A_546 = tpu.memref_slice %arg6[%dma_start3A_537, %dma_start3A_538, %dma_start3A_545] : memref<2x8x128xi32, #tpu.memory_space<vmem>> -> memref<1x1x128xi32, #tpu.memory_space<vmem>>
        %dma_start3A_547 = tpu.memref_squeeze %dma_start3A_546 : memref<1x1x128xi32, #tpu.memory_space<vmem>> -> memref<128xi32, #tpu.memory_space<vmem>>
        %dma_start3A_548 = arith.constant 0 : i32
        %dma_start3A_549 = arith.constant 0 : i32
        %dma_start3A_550 = tpu.memref_slice %arg2[%dma_start3A_548, %dma_start3A_549] : memref<100352x16xf32, #tpu.memory_space<hbm>> -> memref<100352x16xf32, #tpu.memory_space<hbm>>
        tpu.enqueue_indirect_dma source(%dma_start3A_550 : memref<100352x16xf32, #tpu.memory_space<hbm>>) target(%dma_start3A_544 : memref<128x16xf32, #tpu.memory_space<vmem>>) offsets(%dma_start3A_547 : memref<128xi32, #tpu.memory_space<vmem>>) semaphore(%arg9 : memref<!tpu.dma_semaphore, #tpu.memory_space<semaphore_mem>>)
      } else {
      }
      %dma_wait3A_374 = arith.constant 1 : i32
      %dma_wait3A_375 = arith.constant 0 : i32
      %dma_wait3A_376 = arith.constant 1 : i32
      %dma_wait3A_377 = arith.constant 0 : i32
      %dma_wait3A_378 = arith.constant 0 : i32
      %dma_wait3A_379 = arith.constant 0 : i32
      %dma_wait3A_380 = tpu.memref_slice %arg7[%dma_wait3A_376, %dma_wait3A_377, %dma_wait3A_378, %dma_wait3A_379] : memref<2x4x128x16xf32, #tpu.memory_space<vmem>> -> memref<1x1x128x16xf32, #tpu.memory_space<vmem>>
      %dma_wait3A_381 = tpu.memref_squeeze %dma_wait3A_380 : memref<1x1x128x16xf32, #tpu.memory_space<vmem>> -> memref<128x16xf32, #tpu.memory_space<vmem>>
      %dma_wait3A_382 = arith.constant 0 : i32
      %dma_wait3A_383 = tpu.memref_slice %arg6[%dma_wait3A_374, %dma_wait3A_375, %dma_wait3A_382] : memref<2x8x128xi32, #tpu.memory_space<vmem>> -> memref<1x1x128xi32, #tpu.memory_space<vmem>>
      %dma_wait3A_384 = tpu.memref_squeeze %dma_wait3A_383 : memref<1x1x128xi32, #tpu.memory_space<vmem>> -> memref<128xi32, #tpu.memory_space<vmem>>
      %dma_wait3A_385 = arith.constant 0 : i32
      %dma_wait3A_386 = arith.constant 0 : i32
      %dma_wait3A_387 = tpu.memref_slice %arg2[%dma_wait3A_385, %dma_wait3A_386] : memref<100352x16xf32, #tpu.memory_space<hbm>> -> memref<100352x16xf32, #tpu.memory_space<hbm>>
      tpu.wait_indirect_dma semaphore(%arg10 : memref<!tpu.dma_semaphore, #tpu.memory_space<semaphore_mem>>) src(%dma_wait3A_387 : memref<100352x16xf32, #tpu.memory_space<hbm>>) dst(%dma_wait3A_381 : memref<128x16xf32, #tpu.memory_space<vmem>>)
      %dma_wait3A_388 = arith.constant 1 : i32
      %dma_wait3A_389 = arith.constant 2 : i32
      %dma_wait3A_390 = arith.constant 1 : i32
      %dma_wait3A_391 = arith.constant 1 : i32
      %dma_wait3A_392 = arith.constant 0 : i32
      %dma_wait3A_393 = arith.constant 0 : i32
      %dma_wait3A_394 = tpu.memref_slice %arg7[%dma_wait3A_390, %dma_wait3A_391, %dma_wait3A_392, %dma_wait3A_393] : memref<2x4x128x16xf32, #tpu.memory_space<vmem>> -> memref<1x1x128x16xf32, #tpu.memory_space<vmem>>
      %dma_wait3A_395 = tpu.memref_squeeze %dma_wait3A_394 : memref<1x1x128x16xf32, #tpu.memory_space<vmem>> -> memref<128x16xf32, #tpu.memory_space<vmem>>
      %dma_wait3A_396 = arith.constant 0 : i32
      %dma_wait3A_397 = tpu.memref_slice %arg6[%dma_wait3A_388, %dma_wait3A_389, %dma_wait3A_396] : memref<2x8x128xi32, #tpu.memory_space<vmem>> -> memref<1x1x128xi32, #tpu.memory_space<vmem>>
      %dma_wait3A_398 = tpu.memref_squeeze %dma_wait3A_397 : memref<1x1x128xi32, #tpu.memory_space<vmem>> -> memref<128xi32, #tpu.memory_space<vmem>>
      %dma_wait3A_399 = arith.constant 0 : i32
      %dma_wait3A_400 = arith.constant 0 : i32
      %dma_wait3A_401 = tpu.memref_slice %arg2[%dma_wait3A_399, %dma_wait3A_400] : memref<100352x16xf32, #tpu.memory_space<hbm>> -> memref<100352x16xf32, #tpu.memory_space<hbm>>
      tpu.wait_indirect_dma semaphore(%arg10 : memref<!tpu.dma_semaphore, #tpu.memory_space<semaphore_mem>>) src(%dma_wait3A_401 : memref<100352x16xf32, #tpu.memory_space<hbm>>) dst(%dma_wait3A_395 : memref<128x16xf32, #tpu.memory_space<vmem>>)
      %dma_wait3A_402 = arith.constant 1 : i32
      %dma_wait3A_403 = arith.constant 4 : i32
      %dma_wait3A_404 = arith.constant 1 : i32
      %dma_wait3A_405 = arith.constant 2 : i32
      %dma_wait3A_406 = arith.constant 0 : i32
      %dma_wait3A_407 = arith.constant 0 : i32
      %dma_wait3A_408 = tpu.memref_slice %arg7[%dma_wait3A_404, %dma_wait3A_405, %dma_wait3A_406, %dma_wait3A_407] : memref<2x4x128x16xf32, #tpu.memory_space<vmem>> -> memref<1x1x128x16xf32, #tpu.memory_space<vmem>>
      %dma_wait3A_409 = tpu.memref_squeeze %dma_wait3A_408 : memref<1x1x128x16xf32, #tpu.memory_space<vmem>> -> memref<128x16xf32, #tpu.memory_space<vmem>>
      %dma_wait3A_410 = arith.constant 0 : i32
      %dma_wait3A_411 = tpu.memref_slice %arg6[%dma_wait3A_402, %dma_wait3A_403, %dma_wait3A_410] : memref<2x8x128xi32, #tpu.memory_space<vmem>> -> memref<1x1x128xi32, #tpu.memory_space<vmem>>
      %dma_wait3A_412 = tpu.memref_squeeze %dma_wait3A_411 : memref<1x1x128xi32, #tpu.memory_space<vmem>> -> memref<128xi32, #tpu.memory_space<vmem>>
      %dma_wait3A_413 = arith.constant 0 : i32
      %dma_wait3A_414 = arith.constant 0 : i32
      %dma_wait3A_415 = tpu.memref_slice %arg2[%dma_wait3A_413, %dma_wait3A_414] : memref<100352x16xf32, #tpu.memory_space<hbm>> -> memref<100352x16xf32, #tpu.memory_space<hbm>>
      tpu.wait_indirect_dma semaphore(%arg10 : memref<!tpu.dma_semaphore, #tpu.memory_space<semaphore_mem>>) src(%dma_wait3A_415 : memref<100352x16xf32, #tpu.memory_space<hbm>>) dst(%dma_wait3A_409 : memref<128x16xf32, #tpu.memory_space<vmem>>)
      %dma_wait3A_416 = arith.constant 1 : i32
      %dma_wait3A_417 = arith.constant 6 : i32
      %dma_wait3A_418 = arith.constant 1 : i32
      %dma_wait3A_419 = arith.constant 3 : i32
      %dma_wait3A_420 = arith.constant 0 : i32
      %dma_wait3A_421 = arith.constant 0 : i32
      %dma_wait3A_422 = tpu.memref_slice %arg7[%dma_wait3A_418, %dma_wait3A_419, %dma_wait3A_420, %dma_wait3A_421] : memref<2x4x128x16xf32, #tpu.memory_space<vmem>> -> memref<1x1x128x16xf32, #tpu.memory_space<vmem>>
      %dma_wait3A_423 = tpu.memref_squeeze %dma_wait3A_422 : memref<1x1x128x16xf32, #tpu.memory_space<vmem>> -> memref<128x16xf32, #tpu.memory_space<vmem>>
      %dma_wait3A_424 = arith.constant 0 : i32
      %dma_wait3A_425 = tpu.memref_slice %arg6[%dma_wait3A_416, %dma_wait3A_417, %dma_wait3A_424] : memref<2x8x128xi32, #tpu.memory_space<vmem>> -> memref<1x1x128xi32, #tpu.memory_space<vmem>>
      %dma_wait3A_426 = tpu.memref_squeeze %dma_wait3A_425 : memref<1x1x128xi32, #tpu.memory_space<vmem>> -> memref<128xi32, #tpu.memory_space<vmem>>
      %dma_wait3A_427 = arith.constant 0 : i32
      %dma_wait3A_428 = arith.constant 0 : i32
      %dma_wait3A_429 = tpu.memref_slice %arg2[%dma_wait3A_427, %dma_wait3A_428] : memref<100352x16xf32, #tpu.memory_space<hbm>> -> memref<100352x16xf32, #tpu.memory_space<hbm>>
      tpu.wait_indirect_dma semaphore(%arg10 : memref<!tpu.dma_semaphore, #tpu.memory_space<semaphore_mem>>) src(%dma_wait3A_429 : memref<100352x16xf32, #tpu.memory_space<hbm>>) dst(%dma_wait3A_423 : memref<128x16xf32, #tpu.memory_space<vmem>>)
      %dma_start3A_430 = arith.constant 1 : i32
      %dma_start3A_431 = arith.constant 0 : i32
      %dma_start3A_432 = arith.constant 1 : i32
      %dma_start3A_433 = arith.constant 1 : i32
      %dma_start3A_434 = arith.constant 0 : i32
      %dma_start3A_435 = arith.constant 0 : i32
      %dma_start3A_436 = tpu.memref_slice %arg7[%dma_start3A_430, %dma_start3A_431, %dma_start3A_434, %dma_start3A_435] : memref<2x4x128x16xf32, #tpu.memory_space<vmem>> -> memref<1x1x128x16xf32, #tpu.memory_space<vmem>>
      %dma_start3A_437 = tpu.memref_squeeze %dma_start3A_436 : memref<1x1x128x16xf32, #tpu.memory_space<vmem>> -> memref<128x16xf32, #tpu.memory_space<vmem>>
      %dma_start3A_438 = arith.constant 0 : i32
      %dma_start3A_439 = tpu.memref_slice %arg6[%dma_start3A_432, %dma_start3A_433, %dma_start3A_438] : memref<2x8x128xi32, #tpu.memory_space<vmem>> -> memref<1x1x128xi32, #tpu.memory_space<vmem>>
      %dma_start3A_440 = tpu.memref_squeeze %dma_start3A_439 : memref<1x1x128xi32, #tpu.memory_space<vmem>> -> memref<128xi32, #tpu.memory_space<vmem>>
      %dma_start3A_441 = arith.constant 0 : i32
      %dma_start3A_442 = arith.constant 0 : i32
      %dma_start3A_443 = tpu.memref_slice %arg8[%dma_start3A_441, %dma_start3A_442] : memref<100352x16xf32, #tpu.memory_space<vmem_shared>> -> memref<100352x16xf32, #tpu.memory_space<vmem_shared>>
      tpu.enqueue_indirect_dma source(%dma_start3A_437 : memref<128x16xf32, #tpu.memory_space<vmem>>) target(%dma_start3A_443 : memref<100352x16xf32, #tpu.memory_space<vmem_shared>>) offsets(%dma_start3A_440 : memref<128xi32, #tpu.memory_space<vmem>>) semaphore(%arg12 : memref<!tpu.dma_semaphore, #tpu.memory_space<semaphore_mem>>) {add = true}
      %dma_start3A_444 = arith.constant 1 : i32
      %dma_start3A_445 = arith.constant 1 : i32
      %dma_start3A_446 = arith.constant 1 : i32
      %dma_start3A_447 = arith.constant 3 : i32
      %dma_start3A_448 = arith.constant 0 : i32
      %dma_start3A_449 = arith.constant 0 : i32
      %dma_start3A_450 = tpu.memref_slice %arg7[%dma_start3A_444, %dma_start3A_445, %dma_start3A_448, %dma_start3A_449] : memref<2x4x128x16xf32, #tpu.memory_space<vmem>> -> memref<1x1x128x16xf32, #tpu.memory_space<vmem>>
      %dma_start3A_451 = tpu.memref_squeeze %dma_start3A_450 : memref<1x1x128x16xf32, #tpu.memory_space<vmem>> -> memref<128x16xf32, #tpu.memory_space<vmem>>
      %dma_start3A_452 = arith.constant 0 : i32
      %dma_start3A_453 = tpu.memref_slice %arg6[%dma_start3A_446, %dma_start3A_447, %dma_start3A_452] : memref<2x8x128xi32, #tpu.memory_space<vmem>> -> memref<1x1x128xi32, #tpu.memory_space<vmem>>
      %dma_start3A_454 = tpu.memref_squeeze %dma_start3A_453 : memref<1x1x128xi32, #tpu.memory_space<vmem>> -> memref<128xi32, #tpu.memory_space<vmem>>
      %dma_start3A_455 = arith.constant 0 : i32
      %dma_start3A_456 = arith.constant 0 : i32
      %dma_start3A_457 = tpu.memref_slice %arg8[%dma_start3A_455, %dma_start3A_456] : memref<100352x16xf32, #tpu.memory_space<vmem_shared>> -> memref<100352x16xf32, #tpu.memory_space<vmem_shared>>
      tpu.enqueue_indirect_dma source(%dma_start3A_451 : memref<128x16xf32, #tpu.memory_space<vmem>>) target(%dma_start3A_457 : memref<100352x16xf32, #tpu.memory_space<vmem_shared>>) offsets(%dma_start3A_454 : memref<128xi32, #tpu.memory_space<vmem>>) semaphore(%arg12 : memref<!tpu.dma_semaphore, #tpu.memory_space<semaphore_mem>>) {add = true}
      %dma_start3A_458 = arith.constant 1 : i32
      %dma_start3A_459 = arith.constant 2 : i32
      %dma_start3A_460 = arith.constant 1 : i32
      %dma_start3A_461 = arith.constant 5 : i32
      %dma_start3A_462 = arith.constant 0 : i32
      %dma_start3A_463 = arith.constant 0 : i32
      %dma_start3A_464 = tpu.memref_slice %arg7[%dma_start3A_458, %dma_start3A_459, %dma_start3A_462, %dma_start3A_463] : memref<2x4x128x16xf32, #tpu.memory_space<vmem>> -> memref<1x1x128x16xf32, #tpu.memory_space<vmem>>
      %dma_start3A_465 = tpu.memref_squeeze %dma_start3A_464 : memref<1x1x128x16xf32, #tpu.memory_space<vmem>> -> memref<128x16xf32, #tpu.memory_space<vmem>>
      %dma_start3A_466 = arith.constant 0 : i32
      %dma_start3A_467 = tpu.memref_slice %arg6[%dma_start3A_460, %dma_start3A_461, %dma_start3A_466] : memref<2x8x128xi32, #tpu.memory_space<vmem>> -> memref<1x1x128xi32, #tpu.memory_space<vmem>>
      %dma_start3A_468 = tpu.memref_squeeze %dma_start3A_467 : memref<1x1x128xi32, #tpu.memory_space<vmem>> -> memref<128xi32, #tpu.memory_space<vmem>>
      %dma_start3A_469 = arith.constant 0 : i32
      %dma_start3A_470 = arith.constant 0 : i32
      %dma_start3A_471 = tpu.memref_slice %arg8[%dma_start3A_469, %dma_start3A_470] : memref<100352x16xf32, #tpu.memory_space<vmem_shared>> -> memref<100352x16xf32, #tpu.memory_space<vmem_shared>>
      tpu.enqueue_indirect_dma source(%dma_start3A_465 : memref<128x16xf32, #tpu.memory_space<vmem>>) target(%dma_start3A_471 : memref<100352x16xf32, #tpu.memory_space<vmem_shared>>) offsets(%dma_start3A_468 : memref<128xi32, #tpu.memory_space<vmem>>) semaphore(%arg12 : memref<!tpu.dma_semaphore, #tpu.memory_space<semaphore_mem>>) {add = true}
      %dma_start3A_472 = arith.constant 1 : i32
      %dma_start3A_473 = arith.constant 3 : i32
      %dma_start3A_474 = arith.constant 1 : i32
      %dma_start3A_475 = arith.constant 7 : i32
      %dma_start3A_476 = arith.constant 0 : i32
      %dma_start3A_477 = arith.constant 0 : i32
      %dma_start3A_478 = tpu.memref_slice %arg7[%dma_start3A_472, %dma_start3A_473, %dma_start3A_476, %dma_start3A_477] : memref<2x4x128x16xf32, #tpu.memory_space<vmem>> -> memref<1x1x128x16xf32, #tpu.memory_space<vmem>>
      %dma_start3A_479 = tpu.memref_squeeze %dma_start3A_478 : memref<1x1x128x16xf32, #tpu.memory_space<vmem>> -> memref<128x16xf32, #tpu.memory_space<vmem>>
      %dma_start3A_480 = arith.constant 0 : i32
      %dma_start3A_481 = tpu.memref_slice %arg6[%dma_start3A_474, %dma_start3A_475, %dma_start3A_480] : memref<2x8x128xi32, #tpu.memory_space<vmem>> -> memref<1x1x128xi32, #tpu.memory_space<vmem>>
      %dma_start3A_482 = tpu.memref_squeeze %dma_start3A_481 : memref<1x1x128xi32, #tpu.memory_space<vmem>> -> memref<128xi32, #tpu.memory_space<vmem>>
      %dma_start3A_483 = arith.constant 0 : i32
      %dma_start3A_484 = arith.constant 0 : i32
      %dma_start3A_485 = tpu.memref_slice %arg8[%dma_start3A_483, %dma_start3A_484] : memref<100352x16xf32, #tpu.memory_space<vmem_shared>> -> memref<100352x16xf32, #tpu.memory_space<vmem_shared>>
      tpu.enqueue_indirect_dma source(%dma_start3A_479 : memref<128x16xf32, #tpu.memory_space<vmem>>) target(%dma_start3A_485 : memref<100352x16xf32, #tpu.memory_space<vmem_shared>>) offsets(%dma_start3A_482 : memref<128xi32, #tpu.memory_space<vmem>>) semaphore(%arg12 : memref<!tpu.dma_semaphore, #tpu.memory_space<semaphore_mem>>) {add = true}
    }
    %scan3A_69 = arith.constant 98 : i32
    %dma_wait3A = arith.constant 1 : i32
    %dma_wait3A_70 = arith.constant 0 : i32
    %dma_wait3A_71 = arith.constant 1 : i32
    %dma_wait3A_72 = arith.constant 1 : i32
    %dma_wait3A_73 = arith.constant 0 : i32
    %dma_wait3A_74 = arith.constant 0 : i32
    %dma_wait3A_75 = tpu.memref_slice %arg7[%dma_wait3A, %dma_wait3A_70, %dma_wait3A_73, %dma_wait3A_74] : memref<2x4x128x16xf32, #tpu.memory_space<vmem>> -> memref<1x1x128x16xf32, #tpu.memory_space<vmem>>
    %dma_wait3A_76 = tpu.memref_squeeze %dma_wait3A_75 : memref<1x1x128x16xf32, #tpu.memory_space<vmem>> -> memref<128x16xf32, #tpu.memory_space<vmem>>
    %dma_wait3A_77 = arith.constant 0 : i32
    %dma_wait3A_78 = tpu.memref_slice %arg6[%dma_wait3A_71, %dma_wait3A_72, %dma_wait3A_77] : memref<2x8x128xi32, #tpu.memory_space<vmem>> -> memref<1x1x128xi32, #tpu.memory_space<vmem>>
    %dma_wait3A_79 = tpu.memref_squeeze %dma_wait3A_78 : memref<1x1x128xi32, #tpu.memory_space<vmem>> -> memref<128xi32, #tpu.memory_space<vmem>>
    %dma_wait3A_80 = arith.constant 0 : i32
    %dma_wait3A_81 = arith.constant 0 : i32
    %dma_wait3A_82 = tpu.memref_slice %arg8[%dma_wait3A_80, %dma_wait3A_81] : memref<100352x16xf32, #tpu.memory_space<vmem_shared>> -> memref<100352x16xf32, #tpu.memory_space<vmem_shared>>
    tpu.wait_indirect_dma semaphore(%arg12 : memref<!tpu.dma_semaphore, #tpu.memory_space<semaphore_mem>>) src(%dma_wait3A_76 : memref<128x16xf32, #tpu.memory_space<vmem>>) dst(%dma_wait3A_82 : memref<100352x16xf32, #tpu.memory_space<vmem_shared>>)
    %dma_wait3A_83 = arith.constant 1 : i32
    %dma_wait3A_84 = arith.constant 1 : i32
    %dma_wait3A_85 = arith.constant 1 : i32
    %dma_wait3A_86 = arith.constant 3 : i32
    %dma_wait3A_87 = arith.constant 0 : i32
    %dma_wait3A_88 = arith.constant 0 : i32
    %dma_wait3A_89 = tpu.memref_slice %arg7[%dma_wait3A_83, %dma_wait3A_84, %dma_wait3A_87, %dma_wait3A_88] : memref<2x4x128x16xf32, #tpu.memory_space<vmem>> -> memref<1x1x128x16xf32, #tpu.memory_space<vmem>>
    %dma_wait3A_90 = tpu.memref_squeeze %dma_wait3A_89 : memref<1x1x128x16xf32, #tpu.memory_space<vmem>> -> memref<128x16xf32, #tpu.memory_space<vmem>>
    %dma_wait3A_91 = arith.constant 0 : i32
    %dma_wait3A_92 = tpu.memref_slice %arg6[%dma_wait3A_85, %dma_wait3A_86, %dma_wait3A_91] : memref<2x8x128xi32, #tpu.memory_space<vmem>> -> memref<1x1x128xi32, #tpu.memory_space<vmem>>
    %dma_wait3A_93 = tpu.memref_squeeze %dma_wait3A_92 : memref<1x1x128xi32, #tpu.memory_space<vmem>> -> memref<128xi32, #tpu.memory_space<vmem>>
    %dma_wait3A_94 = arith.constant 0 : i32
    %dma_wait3A_95 = arith.constant 0 : i32
    %dma_wait3A_96 = tpu.memref_slice %arg8[%dma_wait3A_94, %dma_wait3A_95] : memref<100352x16xf32, #tpu.memory_space<vmem_shared>> -> memref<100352x16xf32, #tpu.memory_space<vmem_shared>>
    tpu.wait_indirect_dma semaphore(%arg12 : memref<!tpu.dma_semaphore, #tpu.memory_space<semaphore_mem>>) src(%dma_wait3A_90 : memref<128x16xf32, #tpu.memory_space<vmem>>) dst(%dma_wait3A_96 : memref<100352x16xf32, #tpu.memory_space<vmem_shared>>)
    %dma_wait3A_97 = arith.constant 1 : i32
    %dma_wait3A_98 = arith.constant 2 : i32
    %dma_wait3A_99 = arith.constant 1 : i32
    %dma_wait3A_100 = arith.constant 5 : i32
    %dma_wait3A_101 = arith.constant 0 : i32
    %dma_wait3A_102 = arith.constant 0 : i32
    %dma_wait3A_103 = tpu.memref_slice %arg7[%dma_wait3A_97, %dma_wait3A_98, %dma_wait3A_101, %dma_wait3A_102] : memref<2x4x128x16xf32, #tpu.memory_space<vmem>> -> memref<1x1x128x16xf32, #tpu.memory_space<vmem>>
    %dma_wait3A_104 = tpu.memref_squeeze %dma_wait3A_103 : memref<1x1x128x16xf32, #tpu.memory_space<vmem>> -> memref<128x16xf32, #tpu.memory_space<vmem>>
    %dma_wait3A_105 = arith.constant 0 : i32
    %dma_wait3A_106 = tpu.memref_slice %arg6[%dma_wait3A_99, %dma_wait3A_100, %dma_wait3A_105] : memref<2x8x128xi32, #tpu.memory_space<vmem>> -> memref<1x1x128xi32, #tpu.memory_space<vmem>>
    %dma_wait3A_107 = tpu.memref_squeeze %dma_wait3A_106 : memref<1x1x128xi32, #tpu.memory_space<vmem>> -> memref<128xi32, #tpu.memory_space<vmem>>
    %dma_wait3A_108 = arith.constant 0 : i32
    %dma_wait3A_109 = arith.constant 0 : i32
    %dma_wait3A_110 = tpu.memref_slice %arg8[%dma_wait3A_108, %dma_wait3A_109] : memref<100352x16xf32, #tpu.memory_space<vmem_shared>> -> memref<100352x16xf32, #tpu.memory_space<vmem_shared>>
    tpu.wait_indirect_dma semaphore(%arg12 : memref<!tpu.dma_semaphore, #tpu.memory_space<semaphore_mem>>) src(%dma_wait3A_104 : memref<128x16xf32, #tpu.memory_space<vmem>>) dst(%dma_wait3A_110 : memref<100352x16xf32, #tpu.memory_space<vmem_shared>>)
    %dma_wait3A_111 = arith.constant 1 : i32
    %dma_wait3A_112 = arith.constant 3 : i32
    %dma_wait3A_113 = arith.constant 1 : i32
    %dma_wait3A_114 = arith.constant 7 : i32
    %dma_wait3A_115 = arith.constant 0 : i32
    %dma_wait3A_116 = arith.constant 0 : i32
    %dma_wait3A_117 = tpu.memref_slice %arg7[%dma_wait3A_111, %dma_wait3A_112, %dma_wait3A_115, %dma_wait3A_116] : memref<2x4x128x16xf32, #tpu.memory_space<vmem>> -> memref<1x1x128x16xf32, #tpu.memory_space<vmem>>
    %dma_wait3A_118 = tpu.memref_squeeze %dma_wait3A_117 : memref<1x1x128x16xf32, #tpu.memory_space<vmem>> -> memref<128x16xf32, #tpu.memory_space<vmem>>
    %dma_wait3A_119 = arith.constant 0 : i32
    %dma_wait3A_120 = tpu.memref_slice %arg6[%dma_wait3A_113, %dma_wait3A_114, %dma_wait3A_119] : memref<2x8x128xi32, #tpu.memory_space<vmem>> -> memref<1x1x128xi32, #tpu.memory_space<vmem>>
    %dma_wait3A_121 = tpu.memref_squeeze %dma_wait3A_120 : memref<1x1x128xi32, #tpu.memory_space<vmem>> -> memref<128xi32, #tpu.memory_space<vmem>>
    %dma_wait3A_122 = arith.constant 0 : i32
    %dma_wait3A_123 = arith.constant 0 : i32
    %dma_wait3A_124 = tpu.memref_slice %arg8[%dma_wait3A_122, %dma_wait3A_123] : memref<100352x16xf32, #tpu.memory_space<vmem_shared>> -> memref<100352x16xf32, #tpu.memory_space<vmem_shared>>
    tpu.wait_indirect_dma semaphore(%arg12 : memref<!tpu.dma_semaphore, #tpu.memory_space<semaphore_mem>>) src(%dma_wait3A_118 : memref<128x16xf32, #tpu.memory_space<vmem>>) dst(%dma_wait3A_124 : memref<100352x16xf32, #tpu.memory_space<vmem_shared>>)
    %barrier3A_125 = arith.constant 0 : index
    tpu.barrier barrier_id(%barrier3A_125)
    %mul3A_126 = arith.constant 100352 : i32
    %mul3A_127 = arith.muli %arg0, %mul3A_126 : i32
    %add3A_128 = arith.addi %mul3A_127, %multiple_of3A : i32
    %multiple_of3A_129 = tpu.assume_multiple %add3A_128, 8 : i32
    "tpu.region"() ({
      %run_scoped3A_130 = tpu.sem_alloc : memref<!tpu.dma_semaphore, #tpu.memory_space<semaphore_mem>>
      %dma_start3A_131 = arith.constant 0 : i32
      %dma_start3A_132 = tpu.memref_slice %arg5[%multiple_of3A_129, %dma_start3A_131] : memref<200704x16xf32, #tpu.memory_space<hbm>> -> memref<6272x16xf32, #tpu.memory_space<hbm>>
      %dma_start3A_133 = arith.constant 0 : i32
      %dma_start3A_134 = tpu.memref_slice %arg8[%multiple_of3A, %dma_start3A_133] : memref<100352x16xf32, #tpu.memory_space<vmem_shared>> -> memref<6272x16xf32, #tpu.memory_space<vmem_shared>>
      tpu.enqueue_dma source(%dma_start3A_134 : memref<6272x16xf32, #tpu.memory_space<vmem_shared>>) target(%dma_start3A_132 : memref<6272x16xf32, #tpu.memory_space<hbm>>) target_semaphore(%run_scoped3A_130 : memref<!tpu.dma_semaphore, #tpu.memory_space<semaphore_mem>>)
      %dma_wait3A_135 = arith.constant 0 : i32
      %dma_wait3A_136 = tpu.memref_slice %arg5[%multiple_of3A_129, %dma_wait3A_135] : memref<200704x16xf32, #tpu.memory_space<hbm>> -> memref<6272x16xf32, #tpu.memory_space<hbm>>
      %dma_wait3A_137 = arith.constant 0 : i32
      %dma_wait3A_138 = tpu.memref_slice %arg8[%multiple_of3A, %dma_wait3A_137] : memref<100352x16xf32, #tpu.memory_space<vmem_shared>> -> memref<6272x16xf32, #tpu.memory_space<vmem_shared>>
      tpu.wait_dma2 semaphore(%run_scoped3A_130 : memref<!tpu.dma_semaphore, #tpu.memory_space<semaphore_mem>>) src(%dma_wait3A_138 : memref<6272x16xf32, #tpu.memory_space<vmem_shared>>) dst(%dma_wait3A_136 : memref<6272x16xf32, #tpu.memory_space<hbm>>)
      tpu.yield
    }) : () -> ()
    return
  }
}

#map = affine_map<(d0, d1) -> (0, 0)>
#map1 = affine_map<(d0, d1) -> (0)>
module attributes {stable_mosaic.version = 14 : i64} {
  func.func @deg(%arg0: i32, %arg1: i32, %arg2: memref<25088x128xi32, #tpu.memory_space<hbm>>, %arg3: memref<8x128xf32, #tpu.memory_space<hbm>>, %arg4: memref<6272xf32, #tpu.memory_space<hbm>>, %arg5: memref<200704xf32, #tpu.memory_space<hbm>>, %arg6: memref<2x8x128xi32, #tpu.memory_space<vmem>>, %arg7: memref<8x128xf32, #tpu.memory_space<vmem>>, %arg8: memref<100352xf32, #tpu.memory_space<vmem_shared>>, %arg9: memref<!tpu.dma_semaphore, #tpu.memory_space<semaphore_mem>>, %arg10: memref<!tpu.dma_semaphore, #tpu.memory_space<semaphore_mem>>) attributes {dimension_semantics = [#tpu.dimension_semantics<core_parallel>, #tpu.dimension_semantics<subcore_parallel>], iteration_bounds = array<i64: 2, 16>, scalar_prefetch = 0 : i64, scratch_operands = 5 : i64, tpu.core_type = #tpu.core_type<sc_vector_subcore>, window_params = [{transform_indices = #map}, {transform_indices = #map}, {transform_indices = #map1}, {transform_indices = #map1}]} {
    %mul3A = arith.constant 6272 : i32
    %mul3A_0 = arith.muli %arg1, %mul3A : i32
    %multiple_of3A = tpu.assume_multiple %mul3A_0, 8 : i32
    "tpu.region"() ({
      %run_scoped3A_105 = tpu.sem_alloc : memref<!tpu.dma_semaphore, #tpu.memory_space<semaphore_mem>>
      %dma_start3A = tpu.memref_slice %arg8[%multiple_of3A] : memref<100352xf32, #tpu.memory_space<vmem_shared>> -> memref<6272xf32, #tpu.memory_space<vmem_shared>>
      tpu.enqueue_dma source(%arg4 : memref<6272xf32, #tpu.memory_space<hbm>>) target(%dma_start3A : memref<6272xf32, #tpu.memory_space<vmem_shared>>) target_semaphore(%run_scoped3A_105 : memref<!tpu.dma_semaphore, #tpu.memory_space<semaphore_mem>>)
      %dma_wait3A_106 = tpu.memref_slice %arg8[%multiple_of3A] : memref<100352xf32, #tpu.memory_space<vmem_shared>> -> memref<6272xf32, #tpu.memory_space<vmem_shared>>
      tpu.wait_dma2 semaphore(%run_scoped3A_105 : memref<!tpu.dma_semaphore, #tpu.memory_space<semaphore_mem>>) src(%arg4 : memref<6272xf32, #tpu.memory_space<hbm>>) dst(%dma_wait3A_106 : memref<6272xf32, #tpu.memory_space<vmem_shared>>)
      tpu.yield
    }) : () -> ()
    "tpu.region"() ({
      %run_scoped3A_105 = tpu.sem_alloc : memref<!tpu.dma_semaphore, #tpu.memory_space<semaphore_mem>>
      tpu.enqueue_dma source(%arg3 : memref<8x128xf32, #tpu.memory_space<hbm>>) target(%arg7 : memref<8x128xf32, #tpu.memory_space<vmem>>) target_semaphore(%run_scoped3A_105 : memref<!tpu.dma_semaphore, #tpu.memory_space<semaphore_mem>>)
      tpu.wait_dma2 semaphore(%run_scoped3A_105 : memref<!tpu.dma_semaphore, #tpu.memory_space<semaphore_mem>>) src(%arg3 : memref<8x128xf32, #tpu.memory_space<hbm>>) dst(%arg7 : memref<8x128xf32, #tpu.memory_space<vmem>>)
      tpu.yield
    }) : () -> ()
    %barrier3A = arith.constant 0 : index
    tpu.barrier barrier_id(%barrier3A)
    %mul3A_1 = arith.constant 16 : i32
    %mul3A_2 = arith.muli %arg0, %mul3A_1 : i32
    %add3A = arith.addi %mul3A_2, %arg1 : i32
    %mul3A_3 = arith.constant 784 : i32
    %mul3A_4 = arith.muli %add3A, %mul3A_3 : i32
    %add3A_5 = arith.constant 0 : i32
    %add3A_6 = arith.addi %mul3A_4, %add3A_5 : i32
    %multiple_of3A_7 = tpu.assume_multiple %add3A_6, 8 : i32
    %run_scoped3A = arith.constant 0 : i32
    "tpu.region"() ({
      %run_scoped3A_105 = tpu.sem_alloc : memref<!tpu.dma_semaphore, #tpu.memory_space<semaphore_mem>>
      %dma_start3A = arith.constant 0 : i32
      %dma_start3A_106 = arith.constant 0 : i32
      %dma_start3A_107 = tpu.memref_slice %arg6[%run_scoped3A, %dma_start3A, %dma_start3A_106] : memref<2x8x128xi32, #tpu.memory_space<vmem>> -> memref<1x8x128xi32, #tpu.memory_space<vmem>>
      %dma_start3A_108 = tpu.memref_squeeze %dma_start3A_107 : memref<1x8x128xi32, #tpu.memory_space<vmem>> -> memref<8x128xi32, #tpu.memory_space<vmem>>
      %dma_start3A_109 = arith.constant 0 : i32
      %dma_start3A_110 = tpu.memref_slice %arg2[%multiple_of3A_7, %dma_start3A_109] : memref<25088x128xi32, #tpu.memory_space<hbm>> -> memref<8x128xi32, #tpu.memory_space<hbm>>
      %dma_start3A_111 = arith.constant 0 : i32
      %dma_start3A_112 = arith.constant 0 : i32
      %dma_start3A_113 = tpu.memref_slice %arg6[%run_scoped3A, %dma_start3A_111, %dma_start3A_112] : memref<2x8x128xi32, #tpu.memory_space<vmem>> -> memref<1x8x128xi32, #tpu.memory_space<vmem>>
      %dma_start3A_114 = tpu.memref_squeeze %dma_start3A_113 : memref<1x8x128xi32, #tpu.memory_space<vmem>> -> memref<8x128xi32, #tpu.memory_space<vmem>>
      %dma_start3A_115 = arith.constant 0 : i32
      %dma_start3A_116 = tpu.memref_slice %arg2[%multiple_of3A_7, %dma_start3A_115] : memref<25088x128xi32, #tpu.memory_space<hbm>> -> memref<8x128xi32, #tpu.memory_space<hbm>>
      tpu.enqueue_dma source(%dma_start3A_116 : memref<8x128xi32, #tpu.memory_space<hbm>>) target(%dma_start3A_114 : memref<8x128xi32, #tpu.memory_space<vmem>>) target_semaphore(%run_scoped3A_105 : memref<!tpu.dma_semaphore, #tpu.memory_space<semaphore_mem>>)
      %dma_wait3A_117 = arith.constant 0 : i32
      %dma_wait3A_118 = arith.constant 0 : i32
      %dma_wait3A_119 = tpu.memref_slice %arg6[%run_scoped3A, %dma_wait3A_117, %dma_wait3A_118] : memref<2x8x128xi32, #tpu.memory_space<vmem>> -> memref<1x8x128xi32, #tpu.memory_space<vmem>>
      %dma_wait3A_120 = tpu.memref_squeeze %dma_wait3A_119 : memref<1x8x128xi32, #tpu.memory_space<vmem>> -> memref<8x128xi32, #tpu.memory_space<vmem>>
      %dma_wait3A_121 = arith.constant 0 : i32
      %dma_wait3A_122 = tpu.memref_slice %arg2[%multiple_of3A_7, %dma_wait3A_121] : memref<25088x128xi32, #tpu.memory_space<hbm>> -> memref<8x128xi32, #tpu.memory_space<hbm>>
      %dma_wait3A_123 = arith.constant 0 : i32
      %dma_wait3A_124 = arith.constant 0 : i32
      %dma_wait3A_125 = tpu.memref_slice %arg6[%run_scoped3A, %dma_wait3A_123, %dma_wait3A_124] : memref<2x8x128xi32, #tpu.memory_space<vmem>> -> memref<1x8x128xi32, #tpu.memory_space<vmem>>
      %dma_wait3A_126 = tpu.memref_squeeze %dma_wait3A_125 : memref<1x8x128xi32, #tpu.memory_space<vmem>> -> memref<8x128xi32, #tpu.memory_space<vmem>>
      %dma_wait3A_127 = arith.constant 0 : i32
      %dma_wait3A_128 = tpu.memref_slice %arg2[%multiple_of3A_7, %dma_wait3A_127] : memref<25088x128xi32, #tpu.memory_space<hbm>> -> memref<8x128xi32, #tpu.memory_space<hbm>>
      tpu.wait_dma2 semaphore(%run_scoped3A_105 : memref<!tpu.dma_semaphore, #tpu.memory_space<semaphore_mem>>) src(%dma_wait3A_128 : memref<8x128xi32, #tpu.memory_space<hbm>>) dst(%dma_wait3A_126 : memref<8x128xi32, #tpu.memory_space<vmem>>)
      tpu.yield
    }) : () -> ()
    %scan3A = arith.constant 0 : i32
    %scan3A_8 = arith.constant 0 : i32
    %scan3A_9 = arith.constant 49 : i32
    %scan3A_10 = arith.addi %scan3A_8, %scan3A_9 : i32
    %scan3A_11 = arith.constant 1 : i32
    scf.for %scan3A_105 = %scan3A_8 to %scan3A_10 step %scan3A_11  : i32 {
      %dma_start3A = arith.constant 0 : i32
      %dma_start3A_106 = arith.constant 0 : i32
      %dma_start3A_107 = arith.constant 0 : i32
      %dma_start3A_108 = arith.constant 0 : i32
      %dma_start3A_109 = tpu.memref_slice %arg7[%dma_start3A, %dma_start3A_108] : memref<8x128xf32, #tpu.memory_space<vmem>> -> memref<1x128xf32, #tpu.memory_space<vmem>>
      %dma_start3A_110 = tpu.memref_squeeze %dma_start3A_109 : memref<1x128xf32, #tpu.memory_space<vmem>> -> memref<128xf32, #tpu.memory_space<vmem>>
      %dma_start3A_111 = arith.constant 0 : i32
      %dma_start3A_112 = tpu.memref_slice %arg6[%dma_start3A_106, %dma_start3A_107, %dma_start3A_111] : memref<2x8x128xi32, #tpu.memory_space<vmem>> -> memref<1x1x128xi32, #tpu.memory_space<vmem>>
      %dma_start3A_113 = tpu.memref_squeeze %dma_start3A_112 : memref<1x1x128xi32, #tpu.memory_space<vmem>> -> memref<128xi32, #tpu.memory_space<vmem>>
      %dma_start3A_114 = arith.constant 0 : i32
      %dma_start3A_115 = tpu.memref_slice %arg8[%dma_start3A_114] : memref<100352xf32, #tpu.memory_space<vmem_shared>> -> memref<100352xf32, #tpu.memory_space<vmem_shared>>
      tpu.enqueue_indirect_dma source(%dma_start3A_110 : memref<128xf32, #tpu.memory_space<vmem>>) target(%dma_start3A_115 : memref<100352xf32, #tpu.memory_space<vmem_shared>>) offsets(%dma_start3A_113 : memref<128xi32, #tpu.memory_space<vmem>>) semaphore(%arg9 : memref<!tpu.dma_semaphore, #tpu.memory_space<semaphore_mem>>) {add = true}
      %dma_start3A_116 = arith.constant 1 : i32
      %dma_start3A_117 = arith.constant 0 : i32
      %dma_start3A_118 = arith.constant 1 : i32
      %dma_start3A_119 = arith.constant 0 : i32
      %dma_start3A_120 = tpu.memref_slice %arg7[%dma_start3A_116, %dma_start3A_119] : memref<8x128xf32, #tpu.memory_space<vmem>> -> memref<1x128xf32, #tpu.memory_space<vmem>>
      %dma_start3A_121 = tpu.memref_squeeze %dma_start3A_120 : memref<1x128xf32, #tpu.memory_space<vmem>> -> memref<128xf32, #tpu.memory_space<vmem>>
      %dma_start3A_122 = arith.constant 0 : i32
      %dma_start3A_123 = tpu.memref_slice %arg6[%dma_start3A_117, %dma_start3A_118, %dma_start3A_122] : memref<2x8x128xi32, #tpu.memory_space<vmem>> -> memref<1x1x128xi32, #tpu.memory_space<vmem>>
      %dma_start3A_124 = tpu.memref_squeeze %dma_start3A_123 : memref<1x1x128xi32, #tpu.memory_space<vmem>> -> memref<128xi32, #tpu.memory_space<vmem>>
      %dma_start3A_125 = arith.constant 0 : i32
      %dma_start3A_126 = tpu.memref_slice %arg8[%dma_start3A_125] : memref<100352xf32, #tpu.memory_space<vmem_shared>> -> memref<100352xf32, #tpu.memory_space<vmem_shared>>
      tpu.enqueue_indirect_dma source(%dma_start3A_121 : memref<128xf32, #tpu.memory_space<vmem>>) target(%dma_start3A_126 : memref<100352xf32, #tpu.memory_space<vmem_shared>>) offsets(%dma_start3A_124 : memref<128xi32, #tpu.memory_space<vmem>>) semaphore(%arg9 : memref<!tpu.dma_semaphore, #tpu.memory_space<semaphore_mem>>) {add = true}
      %dma_start3A_127 = arith.constant 2 : i32
      %dma_start3A_128 = arith.constant 0 : i32
      %dma_start3A_129 = arith.constant 2 : i32
      %dma_start3A_130 = arith.constant 0 : i32
      %dma_start3A_131 = tpu.memref_slice %arg7[%dma_start3A_127, %dma_start3A_130] : memref<8x128xf32, #tpu.memory_space<vmem>> -> memref<1x128xf32, #tpu.memory_space<vmem>>
      %dma_start3A_132 = tpu.memref_squeeze %dma_start3A_131 : memref<1x128xf32, #tpu.memory_space<vmem>> -> memref<128xf32, #tpu.memory_space<vmem>>
      %dma_start3A_133 = arith.constant 0 : i32
      %dma_start3A_134 = tpu.memref_slice %arg6[%dma_start3A_128, %dma_start3A_129, %dma_start3A_133] : memref<2x8x128xi32, #tpu.memory_space<vmem>> -> memref<1x1x128xi32, #tpu.memory_space<vmem>>
      %dma_start3A_135 = tpu.memref_squeeze %dma_start3A_134 : memref<1x1x128xi32, #tpu.memory_space<vmem>> -> memref<128xi32, #tpu.memory_space<vmem>>
      %dma_start3A_136 = arith.constant 0 : i32
      %dma_start3A_137 = tpu.memref_slice %arg8[%dma_start3A_136] : memref<100352xf32, #tpu.memory_space<vmem_shared>> -> memref<100352xf32, #tpu.memory_space<vmem_shared>>
      tpu.enqueue_indirect_dma source(%dma_start3A_132 : memref<128xf32, #tpu.memory_space<vmem>>) target(%dma_start3A_137 : memref<100352xf32, #tpu.memory_space<vmem_shared>>) offsets(%dma_start3A_135 : memref<128xi32, #tpu.memory_space<vmem>>) semaphore(%arg9 : memref<!tpu.dma_semaphore, #tpu.memory_space<semaphore_mem>>) {add = true}
      %dma_start3A_138 = arith.constant 3 : i32
      %dma_start3A_139 = arith.constant 0 : i32
      %dma_start3A_140 = arith.constant 3 : i32
      %dma_start3A_141 = arith.constant 0 : i32
      %dma_start3A_142 = tpu.memref_slice %arg7[%dma_start3A_138, %dma_start3A_141] : memref<8x128xf32, #tpu.memory_space<vmem>> -> memref<1x128xf32, #tpu.memory_space<vmem>>
      %dma_start3A_143 = tpu.memref_squeeze %dma_start3A_142 : memref<1x128xf32, #tpu.memory_space<vmem>> -> memref<128xf32, #tpu.memory_space<vmem>>
      %dma_start3A_144 = arith.constant 0 : i32
      %dma_start3A_145 = tpu.memref_slice %arg6[%dma_start3A_139, %dma_start3A_140, %dma_start3A_144] : memref<2x8x128xi32, #tpu.memory_space<vmem>> -> memref<1x1x128xi32, #tpu.memory_space<vmem>>
      %dma_start3A_146 = tpu.memref_squeeze %dma_start3A_145 : memref<1x1x128xi32, #tpu.memory_space<vmem>> -> memref<128xi32, #tpu.memory_space<vmem>>
      %dma_start3A_147 = arith.constant 0 : i32
      %dma_start3A_148 = tpu.memref_slice %arg8[%dma_start3A_147] : memref<100352xf32, #tpu.memory_space<vmem_shared>> -> memref<100352xf32, #tpu.memory_space<vmem_shared>>
      tpu.enqueue_indirect_dma source(%dma_start3A_143 : memref<128xf32, #tpu.memory_space<vmem>>) target(%dma_start3A_148 : memref<100352xf32, #tpu.memory_space<vmem_shared>>) offsets(%dma_start3A_146 : memref<128xi32, #tpu.memory_space<vmem>>) semaphore(%arg9 : memref<!tpu.dma_semaphore, #tpu.memory_space<semaphore_mem>>) {add = true}
      %dma_start3A_149 = arith.constant 4 : i32
      %dma_start3A_150 = arith.constant 0 : i32
      %dma_start3A_151 = arith.constant 4 : i32
      %dma_start3A_152 = arith.constant 0 : i32
      %dma_start3A_153 = tpu.memref_slice %arg7[%dma_start3A_149, %dma_start3A_152] : memref<8x128xf32, #tpu.memory_space<vmem>> -> memref<1x128xf32, #tpu.memory_space<vmem>>
      %dma_start3A_154 = tpu.memref_squeeze %dma_start3A_153 : memref<1x128xf32, #tpu.memory_space<vmem>> -> memref<128xf32, #tpu.memory_space<vmem>>
      %dma_start3A_155 = arith.constant 0 : i32
      %dma_start3A_156 = tpu.memref_slice %arg6[%dma_start3A_150, %dma_start3A_151, %dma_start3A_155] : memref<2x8x128xi32, #tpu.memory_space<vmem>> -> memref<1x1x128xi32, #tpu.memory_space<vmem>>
      %dma_start3A_157 = tpu.memref_squeeze %dma_start3A_156 : memref<1x1x128xi32, #tpu.memory_space<vmem>> -> memref<128xi32, #tpu.memory_space<vmem>>
      %dma_start3A_158 = arith.constant 0 : i32
      %dma_start3A_159 = tpu.memref_slice %arg8[%dma_start3A_158] : memref<100352xf32, #tpu.memory_space<vmem_shared>> -> memref<100352xf32, #tpu.memory_space<vmem_shared>>
      tpu.enqueue_indirect_dma source(%dma_start3A_154 : memref<128xf32, #tpu.memory_space<vmem>>) target(%dma_start3A_159 : memref<100352xf32, #tpu.memory_space<vmem_shared>>) offsets(%dma_start3A_157 : memref<128xi32, #tpu.memory_space<vmem>>) semaphore(%arg9 : memref<!tpu.dma_semaphore, #tpu.memory_space<semaphore_mem>>) {add = true}
      %dma_start3A_160 = arith.constant 5 : i32
      %dma_start3A_161 = arith.constant 0 : i32
      %dma_start3A_162 = arith.constant 5 : i32
      %dma_start3A_163 = arith.constant 0 : i32
      %dma_start3A_164 = tpu.memref_slice %arg7[%dma_start3A_160, %dma_start3A_163] : memref<8x128xf32, #tpu.memory_space<vmem>> -> memref<1x128xf32, #tpu.memory_space<vmem>>
      %dma_start3A_165 = tpu.memref_squeeze %dma_start3A_164 : memref<1x128xf32, #tpu.memory_space<vmem>> -> memref<128xf32, #tpu.memory_space<vmem>>
      %dma_start3A_166 = arith.constant 0 : i32
      %dma_start3A_167 = tpu.memref_slice %arg6[%dma_start3A_161, %dma_start3A_162, %dma_start3A_166] : memref<2x8x128xi32, #tpu.memory_space<vmem>> -> memref<1x1x128xi32, #tpu.memory_space<vmem>>
      %dma_start3A_168 = tpu.memref_squeeze %dma_start3A_167 : memref<1x1x128xi32, #tpu.memory_space<vmem>> -> memref<128xi32, #tpu.memory_space<vmem>>
      %dma_start3A_169 = arith.constant 0 : i32
      %dma_start3A_170 = tpu.memref_slice %arg8[%dma_start3A_169] : memref<100352xf32, #tpu.memory_space<vmem_shared>> -> memref<100352xf32, #tpu.memory_space<vmem_shared>>
      tpu.enqueue_indirect_dma source(%dma_start3A_165 : memref<128xf32, #tpu.memory_space<vmem>>) target(%dma_start3A_170 : memref<100352xf32, #tpu.memory_space<vmem_shared>>) offsets(%dma_start3A_168 : memref<128xi32, #tpu.memory_space<vmem>>) semaphore(%arg9 : memref<!tpu.dma_semaphore, #tpu.memory_space<semaphore_mem>>) {add = true}
      %dma_start3A_171 = arith.constant 6 : i32
      %dma_start3A_172 = arith.constant 0 : i32
      %dma_start3A_173 = arith.constant 6 : i32
      %dma_start3A_174 = arith.constant 0 : i32
      %dma_start3A_175 = tpu.memref_slice %arg7[%dma_start3A_171, %dma_start3A_174] : memref<8x128xf32, #tpu.memory_space<vmem>> -> memref<1x128xf32, #tpu.memory_space<vmem>>
      %dma_start3A_176 = tpu.memref_squeeze %dma_start3A_175 : memref<1x128xf32, #tpu.memory_space<vmem>> -> memref<128xf32, #tpu.memory_space<vmem>>
      %dma_start3A_177 = arith.constant 0 : i32
      %dma_start3A_178 = tpu.memref_slice %arg6[%dma_start3A_172, %dma_start3A_173, %dma_start3A_177] : memref<2x8x128xi32, #tpu.memory_space<vmem>> -> memref<1x1x128xi32, #tpu.memory_space<vmem>>
      %dma_start3A_179 = tpu.memref_squeeze %dma_start3A_178 : memref<1x1x128xi32, #tpu.memory_space<vmem>> -> memref<128xi32, #tpu.memory_space<vmem>>
      %dma_start3A_180 = arith.constant 0 : i32
      %dma_start3A_181 = tpu.memref_slice %arg8[%dma_start3A_180] : memref<100352xf32, #tpu.memory_space<vmem_shared>> -> memref<100352xf32, #tpu.memory_space<vmem_shared>>
      tpu.enqueue_indirect_dma source(%dma_start3A_176 : memref<128xf32, #tpu.memory_space<vmem>>) target(%dma_start3A_181 : memref<100352xf32, #tpu.memory_space<vmem_shared>>) offsets(%dma_start3A_179 : memref<128xi32, #tpu.memory_space<vmem>>) semaphore(%arg9 : memref<!tpu.dma_semaphore, #tpu.memory_space<semaphore_mem>>) {add = true}
      %dma_start3A_182 = arith.constant 7 : i32
      %dma_start3A_183 = arith.constant 0 : i32
      %dma_start3A_184 = arith.constant 7 : i32
      %dma_start3A_185 = arith.constant 0 : i32
      %dma_start3A_186 = tpu.memref_slice %arg7[%dma_start3A_182, %dma_start3A_185] : memref<8x128xf32, #tpu.memory_space<vmem>> -> memref<1x128xf32, #tpu.memory_space<vmem>>
      %dma_start3A_187 = tpu.memref_squeeze %dma_start3A_186 : memref<1x128xf32, #tpu.memory_space<vmem>> -> memref<128xf32, #tpu.memory_space<vmem>>
      %dma_start3A_188 = arith.constant 0 : i32
      %dma_start3A_189 = tpu.memref_slice %arg6[%dma_start3A_183, %dma_start3A_184, %dma_start3A_188] : memref<2x8x128xi32, #tpu.memory_space<vmem>> -> memref<1x1x128xi32, #tpu.memory_space<vmem>>
      %dma_start3A_190 = tpu.memref_squeeze %dma_start3A_189 : memref<1x1x128xi32, #tpu.memory_space<vmem>> -> memref<128xi32, #tpu.memory_space<vmem>>
      %dma_start3A_191 = arith.constant 0 : i32
      %dma_start3A_192 = tpu.memref_slice %arg8[%dma_start3A_191] : memref<100352xf32, #tpu.memory_space<vmem_shared>> -> memref<100352xf32, #tpu.memory_space<vmem_shared>>
      tpu.enqueue_indirect_dma source(%dma_start3A_187 : memref<128xf32, #tpu.memory_space<vmem>>) target(%dma_start3A_192 : memref<100352xf32, #tpu.memory_space<vmem_shared>>) offsets(%dma_start3A_190 : memref<128xi32, #tpu.memory_space<vmem>>) semaphore(%arg9 : memref<!tpu.dma_semaphore, #tpu.memory_space<semaphore_mem>>) {add = true}
      %gt3A = arith.constant 0 : i32
      %gt3A_193 = arith.cmpi sgt, %scan3A_105, %gt3A : i32
      %convert_element_type3A = arith.extui %gt3A_193 : i1 to i32
      %cond3A = arith.constant 0 : i32
      %cond3A_194 = arith.cmpi ne, %convert_element_type3A, %cond3A : i32
      scf.if %cond3A_194 {
        %dma_wait3A_386 = arith.constant 0 : i32
        %dma_wait3A_387 = arith.constant 1 : i32
        %dma_wait3A_388 = arith.constant 0 : i32
        %dma_wait3A_389 = arith.constant 0 : i32
        %dma_wait3A_390 = tpu.memref_slice %arg7[%dma_wait3A_386, %dma_wait3A_389] : memref<8x128xf32, #tpu.memory_space<vmem>> -> memref<1x128xf32, #tpu.memory_space<vmem>>
        %dma_wait3A_391 = tpu.memref_squeeze %dma_wait3A_390 : memref<1x128xf32, #tpu.memory_space<vmem>> -> memref<128xf32, #tpu.memory_space<vmem>>
        %dma_wait3A_392 = arith.constant 0 : i32
        %dma_wait3A_393 = tpu.memref_slice %arg6[%dma_wait3A_387, %dma_wait3A_388, %dma_wait3A_392] : memref<2x8x128xi32, #tpu.memory_space<vmem>> -> memref<1x1x128xi32, #tpu.memory_space<vmem>>
        %dma_wait3A_394 = tpu.memref_squeeze %dma_wait3A_393 : memref<1x1x128xi32, #tpu.memory_space<vmem>> -> memref<128xi32, #tpu.memory_space<vmem>>
        %dma_wait3A_395 = arith.constant 0 : i32
        %dma_wait3A_396 = tpu.memref_slice %arg8[%dma_wait3A_395] : memref<100352xf32, #tpu.memory_space<vmem_shared>> -> memref<100352xf32, #tpu.memory_space<vmem_shared>>
        tpu.wait_indirect_dma semaphore(%arg10 : memref<!tpu.dma_semaphore, #tpu.memory_space<semaphore_mem>>) src(%dma_wait3A_391 : memref<128xf32, #tpu.memory_space<vmem>>) dst(%dma_wait3A_396 : memref<100352xf32, #tpu.memory_space<vmem_shared>>)
        %dma_wait3A_397 = arith.constant 1 : i32
        %dma_wait3A_398 = arith.constant 1 : i32
        %dma_wait3A_399 = arith.constant 1 : i32
        %dma_wait3A_400 = arith.constant 0 : i32
        %dma_wait3A_401 = tpu.memref_slice %arg7[%dma_wait3A_397, %dma_wait3A_400] : memref<8x128xf32, #tpu.memory_space<vmem>> -> memref<1x128xf32, #tpu.memory_space<vmem>>
        %dma_wait3A_402 = tpu.memref_squeeze %dma_wait3A_401 : memref<1x128xf32, #tpu.memory_space<vmem>> -> memref<128xf32, #tpu.memory_space<vmem>>
        %dma_wait3A_403 = arith.constant 0 : i32
        %dma_wait3A_404 = tpu.memref_slice %arg6[%dma_wait3A_398, %dma_wait3A_399, %dma_wait3A_403] : memref<2x8x128xi32, #tpu.memory_space<vmem>> -> memref<1x1x128xi32, #tpu.memory_space<vmem>>
        %dma_wait3A_405 = tpu.memref_squeeze %dma_wait3A_404 : memref<1x1x128xi32, #tpu.memory_space<vmem>> -> memref<128xi32, #tpu.memory_space<vmem>>
        %dma_wait3A_406 = arith.constant 0 : i32
        %dma_wait3A_407 = tpu.memref_slice %arg8[%dma_wait3A_406] : memref<100352xf32, #tpu.memory_space<vmem_shared>> -> memref<100352xf32, #tpu.memory_space<vmem_shared>>
        tpu.wait_indirect_dma semaphore(%arg10 : memref<!tpu.dma_semaphore, #tpu.memory_space<semaphore_mem>>) src(%dma_wait3A_402 : memref<128xf32, #tpu.memory_space<vmem>>) dst(%dma_wait3A_407 : memref<100352xf32, #tpu.memory_space<vmem_shared>>)
        %dma_wait3A_408 = arith.constant 2 : i32
        %dma_wait3A_409 = arith.constant 1 : i32
        %dma_wait3A_410 = arith.constant 2 : i32
        %dma_wait3A_411 = arith.constant 0 : i32
        %dma_wait3A_412 = tpu.memref_slice %arg7[%dma_wait3A_408, %dma_wait3A_411] : memref<8x128xf32, #tpu.memory_space<vmem>> -> memref<1x128xf32, #tpu.memory_space<vmem>>
        %dma_wait3A_413 = tpu.memref_squeeze %dma_wait3A_412 : memref<1x128xf32, #tpu.memory_space<vmem>> -> memref<128xf32, #tpu.memory_space<vmem>>
        %dma_wait3A_414 = arith.constant 0 : i32
        %dma_wait3A_415 = tpu.memref_slice %arg6[%dma_wait3A_409, %dma_wait3A_410, %dma_wait3A_414] : memref<2x8x128xi32, #tpu.memory_space<vmem>> -> memref<1x1x128xi32, #tpu.memory_space<vmem>>
        %dma_wait3A_416 = tpu.memref_squeeze %dma_wait3A_415 : memref<1x1x128xi32, #tpu.memory_space<vmem>> -> memref<128xi32, #tpu.memory_space<vmem>>
        %dma_wait3A_417 = arith.constant 0 : i32
        %dma_wait3A_418 = tpu.memref_slice %arg8[%dma_wait3A_417] : memref<100352xf32, #tpu.memory_space<vmem_shared>> -> memref<100352xf32, #tpu.memory_space<vmem_shared>>
        tpu.wait_indirect_dma semaphore(%arg10 : memref<!tpu.dma_semaphore, #tpu.memory_space<semaphore_mem>>) src(%dma_wait3A_413 : memref<128xf32, #tpu.memory_space<vmem>>) dst(%dma_wait3A_418 : memref<100352xf32, #tpu.memory_space<vmem_shared>>)
        %dma_wait3A_419 = arith.constant 3 : i32
        %dma_wait3A_420 = arith.constant 1 : i32
        %dma_wait3A_421 = arith.constant 3 : i32
        %dma_wait3A_422 = arith.constant 0 : i32
        %dma_wait3A_423 = tpu.memref_slice %arg7[%dma_wait3A_419, %dma_wait3A_422] : memref<8x128xf32, #tpu.memory_space<vmem>> -> memref<1x128xf32, #tpu.memory_space<vmem>>
        %dma_wait3A_424 = tpu.memref_squeeze %dma_wait3A_423 : memref<1x128xf32, #tpu.memory_space<vmem>> -> memref<128xf32, #tpu.memory_space<vmem>>
        %dma_wait3A_425 = arith.constant 0 : i32
        %dma_wait3A_426 = tpu.memref_slice %arg6[%dma_wait3A_420, %dma_wait3A_421, %dma_wait3A_425] : memref<2x8x128xi32, #tpu.memory_space<vmem>> -> memref<1x1x128xi32, #tpu.memory_space<vmem>>
        %dma_wait3A_427 = tpu.memref_squeeze %dma_wait3A_426 : memref<1x1x128xi32, #tpu.memory_space<vmem>> -> memref<128xi32, #tpu.memory_space<vmem>>
        %dma_wait3A_428 = arith.constant 0 : i32
        %dma_wait3A_429 = tpu.memref_slice %arg8[%dma_wait3A_428] : memref<100352xf32, #tpu.memory_space<vmem_shared>> -> memref<100352xf32, #tpu.memory_space<vmem_shared>>
        tpu.wait_indirect_dma semaphore(%arg10 : memref<!tpu.dma_semaphore, #tpu.memory_space<semaphore_mem>>) src(%dma_wait3A_424 : memref<128xf32, #tpu.memory_space<vmem>>) dst(%dma_wait3A_429 : memref<100352xf32, #tpu.memory_space<vmem_shared>>)
        %dma_wait3A_430 = arith.constant 4 : i32
        %dma_wait3A_431 = arith.constant 1 : i32
        %dma_wait3A_432 = arith.constant 4 : i32
        %dma_wait3A_433 = arith.constant 0 : i32
        %dma_wait3A_434 = tpu.memref_slice %arg7[%dma_wait3A_430, %dma_wait3A_433] : memref<8x128xf32, #tpu.memory_space<vmem>> -> memref<1x128xf32, #tpu.memory_space<vmem>>
        %dma_wait3A_435 = tpu.memref_squeeze %dma_wait3A_434 : memref<1x128xf32, #tpu.memory_space<vmem>> -> memref<128xf32, #tpu.memory_space<vmem>>
        %dma_wait3A_436 = arith.constant 0 : i32
        %dma_wait3A_437 = tpu.memref_slice %arg6[%dma_wait3A_431, %dma_wait3A_432, %dma_wait3A_436] : memref<2x8x128xi32, #tpu.memory_space<vmem>> -> memref<1x1x128xi32, #tpu.memory_space<vmem>>
        %dma_wait3A_438 = tpu.memref_squeeze %dma_wait3A_437 : memref<1x1x128xi32, #tpu.memory_space<vmem>> -> memref<128xi32, #tpu.memory_space<vmem>>
        %dma_wait3A_439 = arith.constant 0 : i32
        %dma_wait3A_440 = tpu.memref_slice %arg8[%dma_wait3A_439] : memref<100352xf32, #tpu.memory_space<vmem_shared>> -> memref<100352xf32, #tpu.memory_space<vmem_shared>>
        tpu.wait_indirect_dma semaphore(%arg10 : memref<!tpu.dma_semaphore, #tpu.memory_space<semaphore_mem>>) src(%dma_wait3A_435 : memref<128xf32, #tpu.memory_space<vmem>>) dst(%dma_wait3A_440 : memref<100352xf32, #tpu.memory_space<vmem_shared>>)
        %dma_wait3A_441 = arith.constant 5 : i32
        %dma_wait3A_442 = arith.constant 1 : i32
        %dma_wait3A_443 = arith.constant 5 : i32
        %dma_wait3A_444 = arith.constant 0 : i32
        %dma_wait3A_445 = tpu.memref_slice %arg7[%dma_wait3A_441, %dma_wait3A_444] : memref<8x128xf32, #tpu.memory_space<vmem>> -> memref<1x128xf32, #tpu.memory_space<vmem>>
        %dma_wait3A_446 = tpu.memref_squeeze %dma_wait3A_445 : memref<1x128xf32, #tpu.memory_space<vmem>> -> memref<128xf32, #tpu.memory_space<vmem>>
        %dma_wait3A_447 = arith.constant 0 : i32
        %dma_wait3A_448 = tpu.memref_slice %arg6[%dma_wait3A_442, %dma_wait3A_443, %dma_wait3A_447] : memref<2x8x128xi32, #tpu.memory_space<vmem>> -> memref<1x1x128xi32, #tpu.memory_space<vmem>>
        %dma_wait3A_449 = tpu.memref_squeeze %dma_wait3A_448 : memref<1x1x128xi32, #tpu.memory_space<vmem>> -> memref<128xi32, #tpu.memory_space<vmem>>
        %dma_wait3A_450 = arith.constant 0 : i32
        %dma_wait3A_451 = tpu.memref_slice %arg8[%dma_wait3A_450] : memref<100352xf32, #tpu.memory_space<vmem_shared>> -> memref<100352xf32, #tpu.memory_space<vmem_shared>>
        tpu.wait_indirect_dma semaphore(%arg10 : memref<!tpu.dma_semaphore, #tpu.memory_space<semaphore_mem>>) src(%dma_wait3A_446 : memref<128xf32, #tpu.memory_space<vmem>>) dst(%dma_wait3A_451 : memref<100352xf32, #tpu.memory_space<vmem_shared>>)
        %dma_wait3A_452 = arith.constant 6 : i32
        %dma_wait3A_453 = arith.constant 1 : i32
        %dma_wait3A_454 = arith.constant 6 : i32
        %dma_wait3A_455 = arith.constant 0 : i32
        %dma_wait3A_456 = tpu.memref_slice %arg7[%dma_wait3A_452, %dma_wait3A_455] : memref<8x128xf32, #tpu.memory_space<vmem>> -> memref<1x128xf32, #tpu.memory_space<vmem>>
        %dma_wait3A_457 = tpu.memref_squeeze %dma_wait3A_456 : memref<1x128xf32, #tpu.memory_space<vmem>> -> memref<128xf32, #tpu.memory_space<vmem>>
        %dma_wait3A_458 = arith.constant 0 : i32
        %dma_wait3A_459 = tpu.memref_slice %arg6[%dma_wait3A_453, %dma_wait3A_454, %dma_wait3A_458] : memref<2x8x128xi32, #tpu.memory_space<vmem>> -> memref<1x1x128xi32, #tpu.memory_space<vmem>>
        %dma_wait3A_460 = tpu.memref_squeeze %dma_wait3A_459 : memref<1x1x128xi32, #tpu.memory_space<vmem>> -> memref<128xi32, #tpu.memory_space<vmem>>
        %dma_wait3A_461 = arith.constant 0 : i32
        %dma_wait3A_462 = tpu.memref_slice %arg8[%dma_wait3A_461] : memref<100352xf32, #tpu.memory_space<vmem_shared>> -> memref<100352xf32, #tpu.memory_space<vmem_shared>>
        tpu.wait_indirect_dma semaphore(%arg10 : memref<!tpu.dma_semaphore, #tpu.memory_space<semaphore_mem>>) src(%dma_wait3A_457 : memref<128xf32, #tpu.memory_space<vmem>>) dst(%dma_wait3A_462 : memref<100352xf32, #tpu.memory_space<vmem_shared>>)
        %dma_wait3A_463 = arith.constant 7 : i32
        %dma_wait3A_464 = arith.constant 1 : i32
        %dma_wait3A_465 = arith.constant 7 : i32
        %dma_wait3A_466 = arith.constant 0 : i32
        %dma_wait3A_467 = tpu.memref_slice %arg7[%dma_wait3A_463, %dma_wait3A_466] : memref<8x128xf32, #tpu.memory_space<vmem>> -> memref<1x128xf32, #tpu.memory_space<vmem>>
        %dma_wait3A_468 = tpu.memref_squeeze %dma_wait3A_467 : memref<1x128xf32, #tpu.memory_space<vmem>> -> memref<128xf32, #tpu.memory_space<vmem>>
        %dma_wait3A_469 = arith.constant 0 : i32
        %dma_wait3A_470 = tpu.memref_slice %arg6[%dma_wait3A_464, %dma_wait3A_465, %dma_wait3A_469] : memref<2x8x128xi32, #tpu.memory_space<vmem>> -> memref<1x1x128xi32, #tpu.memory_space<vmem>>
        %dma_wait3A_471 = tpu.memref_squeeze %dma_wait3A_470 : memref<1x1x128xi32, #tpu.memory_space<vmem>> -> memref<128xi32, #tpu.memory_space<vmem>>
        %dma_wait3A_472 = arith.constant 0 : i32
        %dma_wait3A_473 = tpu.memref_slice %arg8[%dma_wait3A_472] : memref<100352xf32, #tpu.memory_space<vmem_shared>> -> memref<100352xf32, #tpu.memory_space<vmem_shared>>
        tpu.wait_indirect_dma semaphore(%arg10 : memref<!tpu.dma_semaphore, #tpu.memory_space<semaphore_mem>>) src(%dma_wait3A_468 : memref<128xf32, #tpu.memory_space<vmem>>) dst(%dma_wait3A_473 : memref<100352xf32, #tpu.memory_space<vmem_shared>>)
      } else {
      }
      %mul3A_195 = arith.constant 2 : i32
      %mul3A_196 = arith.muli %mul3A_195, %scan3A_105 : i32
      %add3A_197 = arith.constant 1 : i32
      %add3A_198 = arith.addi %mul3A_196, %add3A_197 : i32
      %mul3A_199 = arith.constant 8 : i32
      %mul3A_200 = arith.muli %add3A_198, %mul3A_199 : i32
      %add3A_201 = arith.addi %mul3A_4, %mul3A_200 : i32
      %multiple_of3A_202 = tpu.assume_multiple %add3A_201, 8 : i32
      %run_scoped3A_203 = arith.constant 1 : i32
      "tpu.region"() ({
        %run_scoped3A_386 = tpu.sem_alloc : memref<!tpu.dma_semaphore, #tpu.memory_space<semaphore_mem>>
        %dma_start3A_387 = arith.constant 0 : i32
        %dma_start3A_388 = arith.constant 0 : i32
        %dma_start3A_389 = tpu.memref_slice %arg6[%run_scoped3A_203, %dma_start3A_387, %dma_start3A_388] : memref<2x8x128xi32, #tpu.memory_space<vmem>> -> memref<1x8x128xi32, #tpu.memory_space<vmem>>
        %dma_start3A_390 = tpu.memref_squeeze %dma_start3A_389 : memref<1x8x128xi32, #tpu.memory_space<vmem>> -> memref<8x128xi32, #tpu.memory_space<vmem>>
        %dma_start3A_391 = arith.constant 0 : i32
        %dma_start3A_392 = tpu.memref_slice %arg2[%multiple_of3A_202, %dma_start3A_391] : memref<25088x128xi32, #tpu.memory_space<hbm>> -> memref<8x128xi32, #tpu.memory_space<hbm>>
        %dma_start3A_393 = arith.constant 0 : i32
        %dma_start3A_394 = arith.constant 0 : i32
        %dma_start3A_395 = tpu.memref_slice %arg6[%run_scoped3A_203, %dma_start3A_393, %dma_start3A_394] : memref<2x8x128xi32, #tpu.memory_space<vmem>> -> memref<1x8x128xi32, #tpu.memory_space<vmem>>
        %dma_start3A_396 = tpu.memref_squeeze %dma_start3A_395 : memref<1x8x128xi32, #tpu.memory_space<vmem>> -> memref<8x128xi32, #tpu.memory_space<vmem>>
        %dma_start3A_397 = arith.constant 0 : i32
        %dma_start3A_398 = tpu.memref_slice %arg2[%multiple_of3A_202, %dma_start3A_397] : memref<25088x128xi32, #tpu.memory_space<hbm>> -> memref<8x128xi32, #tpu.memory_space<hbm>>
        tpu.enqueue_dma source(%dma_start3A_398 : memref<8x128xi32, #tpu.memory_space<hbm>>) target(%dma_start3A_396 : memref<8x128xi32, #tpu.memory_space<vmem>>) target_semaphore(%run_scoped3A_386 : memref<!tpu.dma_semaphore, #tpu.memory_space<semaphore_mem>>)
        %dma_wait3A_399 = arith.constant 0 : i32
        %dma_wait3A_400 = arith.constant 0 : i32
        %dma_wait3A_401 = tpu.memref_slice %arg6[%run_scoped3A_203, %dma_wait3A_399, %dma_wait3A_400] : memref<2x8x128xi32, #tpu.memory_space<vmem>> -> memref<1x8x128xi32, #tpu.memory_space<vmem>>
        %dma_wait3A_402 = tpu.memref_squeeze %dma_wait3A_401 : memref<1x8x128xi32, #tpu.memory_space<vmem>> -> memref<8x128xi32, #tpu.memory_space<vmem>>
        %dma_wait3A_403 = arith.constant 0 : i32
        %dma_wait3A_404 = tpu.memref_slice %arg2[%multiple_of3A_202, %dma_wait3A_403] : memref<25088x128xi32, #tpu.memory_space<hbm>> -> memref<8x128xi32, #tpu.memory_space<hbm>>
        %dma_wait3A_405 = arith.constant 0 : i32
        %dma_wait3A_406 = arith.constant 0 : i32
        %dma_wait3A_407 = tpu.memref_slice %arg6[%run_scoped3A_203, %dma_wait3A_405, %dma_wait3A_406] : memref<2x8x128xi32, #tpu.memory_space<vmem>> -> memref<1x8x128xi32, #tpu.memory_space<vmem>>
        %dma_wait3A_408 = tpu.memref_squeeze %dma_wait3A_407 : memref<1x8x128xi32, #tpu.memory_space<vmem>> -> memref<8x128xi32, #tpu.memory_space<vmem>>
        %dma_wait3A_409 = arith.constant 0 : i32
        %dma_wait3A_410 = tpu.memref_slice %arg2[%multiple_of3A_202, %dma_wait3A_409] : memref<25088x128xi32, #tpu.memory_space<hbm>> -> memref<8x128xi32, #tpu.memory_space<hbm>>
        tpu.wait_dma2 semaphore(%run_scoped3A_386 : memref<!tpu.dma_semaphore, #tpu.memory_space<semaphore_mem>>) src(%dma_wait3A_410 : memref<8x128xi32, #tpu.memory_space<hbm>>) dst(%dma_wait3A_408 : memref<8x128xi32, #tpu.memory_space<vmem>>)
        tpu.yield
      }) : () -> ()
      %dma_start3A_204 = arith.constant 0 : i32
      %dma_start3A_205 = arith.constant 1 : i32
      %dma_start3A_206 = arith.constant 0 : i32
      %dma_start3A_207 = arith.constant 0 : i32
      %dma_start3A_208 = tpu.memref_slice %arg7[%dma_start3A_204, %dma_start3A_207] : memref<8x128xf32, #tpu.memory_space<vmem>> -> memref<1x128xf32, #tpu.memory_space<vmem>>
      %dma_start3A_209 = tpu.memref_squeeze %dma_start3A_208 : memref<1x128xf32, #tpu.memory_space<vmem>> -> memref<128xf32, #tpu.memory_space<vmem>>
      %dma_start3A_210 = arith.constant 0 : i32
      %dma_start3A_211 = tpu.memref_slice %arg6[%dma_start3A_205, %dma_start3A_206, %dma_start3A_210] : memref<2x8x128xi32, #tpu.memory_space<vmem>> -> memref<1x1x128xi32, #tpu.memory_space<vmem>>
      %dma_start3A_212 = tpu.memref_squeeze %dma_start3A_211 : memref<1x1x128xi32, #tpu.memory_space<vmem>> -> memref<128xi32, #tpu.memory_space<vmem>>
      %dma_start3A_213 = arith.constant 0 : i32
      %dma_start3A_214 = tpu.memref_slice %arg8[%dma_start3A_213] : memref<100352xf32, #tpu.memory_space<vmem_shared>> -> memref<100352xf32, #tpu.memory_space<vmem_shared>>
      tpu.enqueue_indirect_dma source(%dma_start3A_209 : memref<128xf32, #tpu.memory_space<vmem>>) target(%dma_start3A_214 : memref<100352xf32, #tpu.memory_space<vmem_shared>>) offsets(%dma_start3A_212 : memref<128xi32, #tpu.memory_space<vmem>>) semaphore(%arg10 : memref<!tpu.dma_semaphore, #tpu.memory_space<semaphore_mem>>) {add = true}
      %dma_start3A_215 = arith.constant 1 : i32
      %dma_start3A_216 = arith.constant 1 : i32
      %dma_start3A_217 = arith.constant 1 : i32
      %dma_start3A_218 = arith.constant 0 : i32
      %dma_start3A_219 = tpu.memref_slice %arg7[%dma_start3A_215, %dma_start3A_218] : memref<8x128xf32, #tpu.memory_space<vmem>> -> memref<1x128xf32, #tpu.memory_space<vmem>>
      %dma_start3A_220 = tpu.memref_squeeze %dma_start3A_219 : memref<1x128xf32, #tpu.memory_space<vmem>> -> memref<128xf32, #tpu.memory_space<vmem>>
      %dma_start3A_221 = arith.constant 0 : i32
      %dma_start3A_222 = tpu.memref_slice %arg6[%dma_start3A_216, %dma_start3A_217, %dma_start3A_221] : memref<2x8x128xi32, #tpu.memory_space<vmem>> -> memref<1x1x128xi32, #tpu.memory_space<vmem>>
      %dma_start3A_223 = tpu.memref_squeeze %dma_start3A_222 : memref<1x1x128xi32, #tpu.memory_space<vmem>> -> memref<128xi32, #tpu.memory_space<vmem>>
      %dma_start3A_224 = arith.constant 0 : i32
      %dma_start3A_225 = tpu.memref_slice %arg8[%dma_start3A_224] : memref<100352xf32, #tpu.memory_space<vmem_shared>> -> memref<100352xf32, #tpu.memory_space<vmem_shared>>
      tpu.enqueue_indirect_dma source(%dma_start3A_220 : memref<128xf32, #tpu.memory_space<vmem>>) target(%dma_start3A_225 : memref<100352xf32, #tpu.memory_space<vmem_shared>>) offsets(%dma_start3A_223 : memref<128xi32, #tpu.memory_space<vmem>>) semaphore(%arg10 : memref<!tpu.dma_semaphore, #tpu.memory_space<semaphore_mem>>) {add = true}
      %dma_start3A_226 = arith.constant 2 : i32
      %dma_start3A_227 = arith.constant 1 : i32
      %dma_start3A_228 = arith.constant 2 : i32
      %dma_start3A_229 = arith.constant 0 : i32
      %dma_start3A_230 = tpu.memref_slice %arg7[%dma_start3A_226, %dma_start3A_229] : memref<8x128xf32, #tpu.memory_space<vmem>> -> memref<1x128xf32, #tpu.memory_space<vmem>>
      %dma_start3A_231 = tpu.memref_squeeze %dma_start3A_230 : memref<1x128xf32, #tpu.memory_space<vmem>> -> memref<128xf32, #tpu.memory_space<vmem>>
      %dma_start3A_232 = arith.constant 0 : i32
      %dma_start3A_233 = tpu.memref_slice %arg6[%dma_start3A_227, %dma_start3A_228, %dma_start3A_232] : memref<2x8x128xi32, #tpu.memory_space<vmem>> -> memref<1x1x128xi32, #tpu.memory_space<vmem>>
      %dma_start3A_234 = tpu.memref_squeeze %dma_start3A_233 : memref<1x1x128xi32, #tpu.memory_space<vmem>> -> memref<128xi32, #tpu.memory_space<vmem>>
      %dma_start3A_235 = arith.constant 0 : i32
      %dma_start3A_236 = tpu.memref_slice %arg8[%dma_start3A_235] : memref<100352xf32, #tpu.memory_space<vmem_shared>> -> memref<100352xf32, #tpu.memory_space<vmem_shared>>
      tpu.enqueue_indirect_dma source(%dma_start3A_231 : memref<128xf32, #tpu.memory_space<vmem>>) target(%dma_start3A_236 : memref<100352xf32, #tpu.memory_space<vmem_shared>>) offsets(%dma_start3A_234 : memref<128xi32, #tpu.memory_space<vmem>>) semaphore(%arg10 : memref<!tpu.dma_semaphore, #tpu.memory_space<semaphore_mem>>) {add = true}
      %dma_start3A_237 = arith.constant 3 : i32
      %dma_start3A_238 = arith.constant 1 : i32
      %dma_start3A_239 = arith.constant 3 : i32
      %dma_start3A_240 = arith.constant 0 : i32
      %dma_start3A_241 = tpu.memref_slice %arg7[%dma_start3A_237, %dma_start3A_240] : memref<8x128xf32, #tpu.memory_space<vmem>> -> memref<1x128xf32, #tpu.memory_space<vmem>>
      %dma_start3A_242 = tpu.memref_squeeze %dma_start3A_241 : memref<1x128xf32, #tpu.memory_space<vmem>> -> memref<128xf32, #tpu.memory_space<vmem>>
      %dma_start3A_243 = arith.constant 0 : i32
      %dma_start3A_244 = tpu.memref_slice %arg6[%dma_start3A_238, %dma_start3A_239, %dma_start3A_243] : memref<2x8x128xi32, #tpu.memory_space<vmem>> -> memref<1x1x128xi32, #tpu.memory_space<vmem>>
      %dma_start3A_245 = tpu.memref_squeeze %dma_start3A_244 : memref<1x1x128xi32, #tpu.memory_space<vmem>> -> memref<128xi32, #tpu.memory_space<vmem>>
      %dma_start3A_246 = arith.constant 0 : i32
      %dma_start3A_247 = tpu.memref_slice %arg8[%dma_start3A_246] : memref<100352xf32, #tpu.memory_space<vmem_shared>> -> memref<100352xf32, #tpu.memory_space<vmem_shared>>
      tpu.enqueue_indirect_dma source(%dma_start3A_242 : memref<128xf32, #tpu.memory_space<vmem>>) target(%dma_start3A_247 : memref<100352xf32, #tpu.memory_space<vmem_shared>>) offsets(%dma_start3A_245 : memref<128xi32, #tpu.memory_space<vmem>>) semaphore(%arg10 : memref<!tpu.dma_semaphore, #tpu.memory_space<semaphore_mem>>) {add = true}
      %dma_start3A_248 = arith.constant 4 : i32
      %dma_start3A_249 = arith.constant 1 : i32
      %dma_start3A_250 = arith.constant 4 : i32
      %dma_start3A_251 = arith.constant 0 : i32
      %dma_start3A_252 = tpu.memref_slice %arg7[%dma_start3A_248, %dma_start3A_251] : memref<8x128xf32, #tpu.memory_space<vmem>> -> memref<1x128xf32, #tpu.memory_space<vmem>>
      %dma_start3A_253 = tpu.memref_squeeze %dma_start3A_252 : memref<1x128xf32, #tpu.memory_space<vmem>> -> memref<128xf32, #tpu.memory_space<vmem>>
      %dma_start3A_254 = arith.constant 0 : i32
      %dma_start3A_255 = tpu.memref_slice %arg6[%dma_start3A_249, %dma_start3A_250, %dma_start3A_254] : memref<2x8x128xi32, #tpu.memory_space<vmem>> -> memref<1x1x128xi32, #tpu.memory_space<vmem>>
      %dma_start3A_256 = tpu.memref_squeeze %dma_start3A_255 : memref<1x1x128xi32, #tpu.memory_space<vmem>> -> memref<128xi32, #tpu.memory_space<vmem>>
      %dma_start3A_257 = arith.constant 0 : i32
      %dma_start3A_258 = tpu.memref_slice %arg8[%dma_start3A_257] : memref<100352xf32, #tpu.memory_space<vmem_shared>> -> memref<100352xf32, #tpu.memory_space<vmem_shared>>
      tpu.enqueue_indirect_dma source(%dma_start3A_253 : memref<128xf32, #tpu.memory_space<vmem>>) target(%dma_start3A_258 : memref<100352xf32, #tpu.memory_space<vmem_shared>>) offsets(%dma_start3A_256 : memref<128xi32, #tpu.memory_space<vmem>>) semaphore(%arg10 : memref<!tpu.dma_semaphore, #tpu.memory_space<semaphore_mem>>) {add = true}
      %dma_start3A_259 = arith.constant 5 : i32
      %dma_start3A_260 = arith.constant 1 : i32
      %dma_start3A_261 = arith.constant 5 : i32
      %dma_start3A_262 = arith.constant 0 : i32
      %dma_start3A_263 = tpu.memref_slice %arg7[%dma_start3A_259, %dma_start3A_262] : memref<8x128xf32, #tpu.memory_space<vmem>> -> memref<1x128xf32, #tpu.memory_space<vmem>>
      %dma_start3A_264 = tpu.memref_squeeze %dma_start3A_263 : memref<1x128xf32, #tpu.memory_space<vmem>> -> memref<128xf32, #tpu.memory_space<vmem>>
      %dma_start3A_265 = arith.constant 0 : i32
      %dma_start3A_266 = tpu.memref_slice %arg6[%dma_start3A_260, %dma_start3A_261, %dma_start3A_265] : memref<2x8x128xi32, #tpu.memory_space<vmem>> -> memref<1x1x128xi32, #tpu.memory_space<vmem>>
      %dma_start3A_267 = tpu.memref_squeeze %dma_start3A_266 : memref<1x1x128xi32, #tpu.memory_space<vmem>> -> memref<128xi32, #tpu.memory_space<vmem>>
      %dma_start3A_268 = arith.constant 0 : i32
      %dma_start3A_269 = tpu.memref_slice %arg8[%dma_start3A_268] : memref<100352xf32, #tpu.memory_space<vmem_shared>> -> memref<100352xf32, #tpu.memory_space<vmem_shared>>
      tpu.enqueue_indirect_dma source(%dma_start3A_264 : memref<128xf32, #tpu.memory_space<vmem>>) target(%dma_start3A_269 : memref<100352xf32, #tpu.memory_space<vmem_shared>>) offsets(%dma_start3A_267 : memref<128xi32, #tpu.memory_space<vmem>>) semaphore(%arg10 : memref<!tpu.dma_semaphore, #tpu.memory_space<semaphore_mem>>) {add = true}
      %dma_start3A_270 = arith.constant 6 : i32
      %dma_start3A_271 = arith.constant 1 : i32
      %dma_start3A_272 = arith.constant 6 : i32
      %dma_start3A_273 = arith.constant 0 : i32
      %dma_start3A_274 = tpu.memref_slice %arg7[%dma_start3A_270, %dma_start3A_273] : memref<8x128xf32, #tpu.memory_space<vmem>> -> memref<1x128xf32, #tpu.memory_space<vmem>>
      %dma_start3A_275 = tpu.memref_squeeze %dma_start3A_274 : memref<1x128xf32, #tpu.memory_space<vmem>> -> memref<128xf32, #tpu.memory_space<vmem>>
      %dma_start3A_276 = arith.constant 0 : i32
      %dma_start3A_277 = tpu.memref_slice %arg6[%dma_start3A_271, %dma_start3A_272, %dma_start3A_276] : memref<2x8x128xi32, #tpu.memory_space<vmem>> -> memref<1x1x128xi32, #tpu.memory_space<vmem>>
      %dma_start3A_278 = tpu.memref_squeeze %dma_start3A_277 : memref<1x1x128xi32, #tpu.memory_space<vmem>> -> memref<128xi32, #tpu.memory_space<vmem>>
      %dma_start3A_279 = arith.constant 0 : i32
      %dma_start3A_280 = tpu.memref_slice %arg8[%dma_start3A_279] : memref<100352xf32, #tpu.memory_space<vmem_shared>> -> memref<100352xf32, #tpu.memory_space<vmem_shared>>
      tpu.enqueue_indirect_dma source(%dma_start3A_275 : memref<128xf32, #tpu.memory_space<vmem>>) target(%dma_start3A_280 : memref<100352xf32, #tpu.memory_space<vmem_shared>>) offsets(%dma_start3A_278 : memref<128xi32, #tpu.memory_space<vmem>>) semaphore(%arg10 : memref<!tpu.dma_semaphore, #tpu.memory_space<semaphore_mem>>) {add = true}
      %dma_start3A_281 = arith.constant 7 : i32
      %dma_start3A_282 = arith.constant 1 : i32
      %dma_start3A_283 = arith.constant 7 : i32
      %dma_start3A_284 = arith.constant 0 : i32
      %dma_start3A_285 = tpu.memref_slice %arg7[%dma_start3A_281, %dma_start3A_284] : memref<8x128xf32, #tpu.memory_space<vmem>> -> memref<1x128xf32, #tpu.memory_space<vmem>>
      %dma_start3A_286 = tpu.memref_squeeze %dma_start3A_285 : memref<1x128xf32, #tpu.memory_space<vmem>> -> memref<128xf32, #tpu.memory_space<vmem>>
      %dma_start3A_287 = arith.constant 0 : i32
      %dma_start3A_288 = tpu.memref_slice %arg6[%dma_start3A_282, %dma_start3A_283, %dma_start3A_287] : memref<2x8x128xi32, #tpu.memory_space<vmem>> -> memref<1x1x128xi32, #tpu.memory_space<vmem>>
      %dma_start3A_289 = tpu.memref_squeeze %dma_start3A_288 : memref<1x1x128xi32, #tpu.memory_space<vmem>> -> memref<128xi32, #tpu.memory_space<vmem>>
      %dma_start3A_290 = arith.constant 0 : i32
      %dma_start3A_291 = tpu.memref_slice %arg8[%dma_start3A_290] : memref<100352xf32, #tpu.memory_space<vmem_shared>> -> memref<100352xf32, #tpu.memory_space<vmem_shared>>
      tpu.enqueue_indirect_dma source(%dma_start3A_286 : memref<128xf32, #tpu.memory_space<vmem>>) target(%dma_start3A_291 : memref<100352xf32, #tpu.memory_space<vmem_shared>>) offsets(%dma_start3A_289 : memref<128xi32, #tpu.memory_space<vmem>>) semaphore(%arg10 : memref<!tpu.dma_semaphore, #tpu.memory_space<semaphore_mem>>) {add = true}
      %dma_wait3A_292 = arith.constant 0 : i32
      %dma_wait3A_293 = arith.constant 0 : i32
      %dma_wait3A_294 = arith.constant 0 : i32
      %dma_wait3A_295 = arith.constant 0 : i32
      %dma_wait3A_296 = tpu.memref_slice %arg7[%dma_wait3A_292, %dma_wait3A_295] : memref<8x128xf32, #tpu.memory_space<vmem>> -> memref<1x128xf32, #tpu.memory_space<vmem>>
      %dma_wait3A_297 = tpu.memref_squeeze %dma_wait3A_296 : memref<1x128xf32, #tpu.memory_space<vmem>> -> memref<128xf32, #tpu.memory_space<vmem>>
      %dma_wait3A_298 = arith.constant 0 : i32
      %dma_wait3A_299 = tpu.memref_slice %arg6[%dma_wait3A_293, %dma_wait3A_294, %dma_wait3A_298] : memref<2x8x128xi32, #tpu.memory_space<vmem>> -> memref<1x1x128xi32, #tpu.memory_space<vmem>>
      %dma_wait3A_300 = tpu.memref_squeeze %dma_wait3A_299 : memref<1x1x128xi32, #tpu.memory_space<vmem>> -> memref<128xi32, #tpu.memory_space<vmem>>
      %dma_wait3A_301 = arith.constant 0 : i32
      %dma_wait3A_302 = tpu.memref_slice %arg8[%dma_wait3A_301] : memref<100352xf32, #tpu.memory_space<vmem_shared>> -> memref<100352xf32, #tpu.memory_space<vmem_shared>>
      tpu.wait_indirect_dma semaphore(%arg9 : memref<!tpu.dma_semaphore, #tpu.memory_space<semaphore_mem>>) src(%dma_wait3A_297 : memref<128xf32, #tpu.memory_space<vmem>>) dst(%dma_wait3A_302 : memref<100352xf32, #tpu.memory_space<vmem_shared>>)
      %dma_wait3A_303 = arith.constant 1 : i32
      %dma_wait3A_304 = arith.constant 0 : i32
      %dma_wait3A_305 = arith.constant 1 : i32
      %dma_wait3A_306 = arith.constant 0 : i32
      %dma_wait3A_307 = tpu.memref_slice %arg7[%dma_wait3A_303, %dma_wait3A_306] : memref<8x128xf32, #tpu.memory_space<vmem>> -> memref<1x128xf32, #tpu.memory_space<vmem>>
      %dma_wait3A_308 = tpu.memref_squeeze %dma_wait3A_307 : memref<1x128xf32, #tpu.memory_space<vmem>> -> memref<128xf32, #tpu.memory_space<vmem>>
      %dma_wait3A_309 = arith.constant 0 : i32
      %dma_wait3A_310 = tpu.memref_slice %arg6[%dma_wait3A_304, %dma_wait3A_305, %dma_wait3A_309] : memref<2x8x128xi32, #tpu.memory_space<vmem>> -> memref<1x1x128xi32, #tpu.memory_space<vmem>>
      %dma_wait3A_311 = tpu.memref_squeeze %dma_wait3A_310 : memref<1x1x128xi32, #tpu.memory_space<vmem>> -> memref<128xi32, #tpu.memory_space<vmem>>
      %dma_wait3A_312 = arith.constant 0 : i32
      %dma_wait3A_313 = tpu.memref_slice %arg8[%dma_wait3A_312] : memref<100352xf32, #tpu.memory_space<vmem_shared>> -> memref<100352xf32, #tpu.memory_space<vmem_shared>>
      tpu.wait_indirect_dma semaphore(%arg9 : memref<!tpu.dma_semaphore, #tpu.memory_space<semaphore_mem>>) src(%dma_wait3A_308 : memref<128xf32, #tpu.memory_space<vmem>>) dst(%dma_wait3A_313 : memref<100352xf32, #tpu.memory_space<vmem_shared>>)
      %dma_wait3A_314 = arith.constant 2 : i32
      %dma_wait3A_315 = arith.constant 0 : i32
      %dma_wait3A_316 = arith.constant 2 : i32
      %dma_wait3A_317 = arith.constant 0 : i32
      %dma_wait3A_318 = tpu.memref_slice %arg7[%dma_wait3A_314, %dma_wait3A_317] : memref<8x128xf32, #tpu.memory_space<vmem>> -> memref<1x128xf32, #tpu.memory_space<vmem>>
      %dma_wait3A_319 = tpu.memref_squeeze %dma_wait3A_318 : memref<1x128xf32, #tpu.memory_space<vmem>> -> memref<128xf32, #tpu.memory_space<vmem>>
      %dma_wait3A_320 = arith.constant 0 : i32
      %dma_wait3A_321 = tpu.memref_slice %arg6[%dma_wait3A_315, %dma_wait3A_316, %dma_wait3A_320] : memref<2x8x128xi32, #tpu.memory_space<vmem>> -> memref<1x1x128xi32, #tpu.memory_space<vmem>>
      %dma_wait3A_322 = tpu.memref_squeeze %dma_wait3A_321 : memref<1x1x128xi32, #tpu.memory_space<vmem>> -> memref<128xi32, #tpu.memory_space<vmem>>
      %dma_wait3A_323 = arith.constant 0 : i32
      %dma_wait3A_324 = tpu.memref_slice %arg8[%dma_wait3A_323] : memref<100352xf32, #tpu.memory_space<vmem_shared>> -> memref<100352xf32, #tpu.memory_space<vmem_shared>>
      tpu.wait_indirect_dma semaphore(%arg9 : memref<!tpu.dma_semaphore, #tpu.memory_space<semaphore_mem>>) src(%dma_wait3A_319 : memref<128xf32, #tpu.memory_space<vmem>>) dst(%dma_wait3A_324 : memref<100352xf32, #tpu.memory_space<vmem_shared>>)
      %dma_wait3A_325 = arith.constant 3 : i32
      %dma_wait3A_326 = arith.constant 0 : i32
      %dma_wait3A_327 = arith.constant 3 : i32
      %dma_wait3A_328 = arith.constant 0 : i32
      %dma_wait3A_329 = tpu.memref_slice %arg7[%dma_wait3A_325, %dma_wait3A_328] : memref<8x128xf32, #tpu.memory_space<vmem>> -> memref<1x128xf32, #tpu.memory_space<vmem>>
      %dma_wait3A_330 = tpu.memref_squeeze %dma_wait3A_329 : memref<1x128xf32, #tpu.memory_space<vmem>> -> memref<128xf32, #tpu.memory_space<vmem>>
      %dma_wait3A_331 = arith.constant 0 : i32
      %dma_wait3A_332 = tpu.memref_slice %arg6[%dma_wait3A_326, %dma_wait3A_327, %dma_wait3A_331] : memref<2x8x128xi32, #tpu.memory_space<vmem>> -> memref<1x1x128xi32, #tpu.memory_space<vmem>>
      %dma_wait3A_333 = tpu.memref_squeeze %dma_wait3A_332 : memref<1x1x128xi32, #tpu.memory_space<vmem>> -> memref<128xi32, #tpu.memory_space<vmem>>
      %dma_wait3A_334 = arith.constant 0 : i32
      %dma_wait3A_335 = tpu.memref_slice %arg8[%dma_wait3A_334] : memref<100352xf32, #tpu.memory_space<vmem_shared>> -> memref<100352xf32, #tpu.memory_space<vmem_shared>>
      tpu.wait_indirect_dma semaphore(%arg9 : memref<!tpu.dma_semaphore, #tpu.memory_space<semaphore_mem>>) src(%dma_wait3A_330 : memref<128xf32, #tpu.memory_space<vmem>>) dst(%dma_wait3A_335 : memref<100352xf32, #tpu.memory_space<vmem_shared>>)
      %dma_wait3A_336 = arith.constant 4 : i32
      %dma_wait3A_337 = arith.constant 0 : i32
      %dma_wait3A_338 = arith.constant 4 : i32
      %dma_wait3A_339 = arith.constant 0 : i32
      %dma_wait3A_340 = tpu.memref_slice %arg7[%dma_wait3A_336, %dma_wait3A_339] : memref<8x128xf32, #tpu.memory_space<vmem>> -> memref<1x128xf32, #tpu.memory_space<vmem>>
      %dma_wait3A_341 = tpu.memref_squeeze %dma_wait3A_340 : memref<1x128xf32, #tpu.memory_space<vmem>> -> memref<128xf32, #tpu.memory_space<vmem>>
      %dma_wait3A_342 = arith.constant 0 : i32
      %dma_wait3A_343 = tpu.memref_slice %arg6[%dma_wait3A_337, %dma_wait3A_338, %dma_wait3A_342] : memref<2x8x128xi32, #tpu.memory_space<vmem>> -> memref<1x1x128xi32, #tpu.memory_space<vmem>>
      %dma_wait3A_344 = tpu.memref_squeeze %dma_wait3A_343 : memref<1x1x128xi32, #tpu.memory_space<vmem>> -> memref<128xi32, #tpu.memory_space<vmem>>
      %dma_wait3A_345 = arith.constant 0 : i32
      %dma_wait3A_346 = tpu.memref_slice %arg8[%dma_wait3A_345] : memref<100352xf32, #tpu.memory_space<vmem_shared>> -> memref<100352xf32, #tpu.memory_space<vmem_shared>>
      tpu.wait_indirect_dma semaphore(%arg9 : memref<!tpu.dma_semaphore, #tpu.memory_space<semaphore_mem>>) src(%dma_wait3A_341 : memref<128xf32, #tpu.memory_space<vmem>>) dst(%dma_wait3A_346 : memref<100352xf32, #tpu.memory_space<vmem_shared>>)
      %dma_wait3A_347 = arith.constant 5 : i32
      %dma_wait3A_348 = arith.constant 0 : i32
      %dma_wait3A_349 = arith.constant 5 : i32
      %dma_wait3A_350 = arith.constant 0 : i32
      %dma_wait3A_351 = tpu.memref_slice %arg7[%dma_wait3A_347, %dma_wait3A_350] : memref<8x128xf32, #tpu.memory_space<vmem>> -> memref<1x128xf32, #tpu.memory_space<vmem>>
      %dma_wait3A_352 = tpu.memref_squeeze %dma_wait3A_351 : memref<1x128xf32, #tpu.memory_space<vmem>> -> memref<128xf32, #tpu.memory_space<vmem>>
      %dma_wait3A_353 = arith.constant 0 : i32
      %dma_wait3A_354 = tpu.memref_slice %arg6[%dma_wait3A_348, %dma_wait3A_349, %dma_wait3A_353] : memref<2x8x128xi32, #tpu.memory_space<vmem>> -> memref<1x1x128xi32, #tpu.memory_space<vmem>>
      %dma_wait3A_355 = tpu.memref_squeeze %dma_wait3A_354 : memref<1x1x128xi32, #tpu.memory_space<vmem>> -> memref<128xi32, #tpu.memory_space<vmem>>
      %dma_wait3A_356 = arith.constant 0 : i32
      %dma_wait3A_357 = tpu.memref_slice %arg8[%dma_wait3A_356] : memref<100352xf32, #tpu.memory_space<vmem_shared>> -> memref<100352xf32, #tpu.memory_space<vmem_shared>>
      tpu.wait_indirect_dma semaphore(%arg9 : memref<!tpu.dma_semaphore, #tpu.memory_space<semaphore_mem>>) src(%dma_wait3A_352 : memref<128xf32, #tpu.memory_space<vmem>>) dst(%dma_wait3A_357 : memref<100352xf32, #tpu.memory_space<vmem_shared>>)
      %dma_wait3A_358 = arith.constant 6 : i32
      %dma_wait3A_359 = arith.constant 0 : i32
      %dma_wait3A_360 = arith.constant 6 : i32
      %dma_wait3A_361 = arith.constant 0 : i32
      %dma_wait3A_362 = tpu.memref_slice %arg7[%dma_wait3A_358, %dma_wait3A_361] : memref<8x128xf32, #tpu.memory_space<vmem>> -> memref<1x128xf32, #tpu.memory_space<vmem>>
      %dma_wait3A_363 = tpu.memref_squeeze %dma_wait3A_362 : memref<1x128xf32, #tpu.memory_space<vmem>> -> memref<128xf32, #tpu.memory_space<vmem>>
      %dma_wait3A_364 = arith.constant 0 : i32
      %dma_wait3A_365 = tpu.memref_slice %arg6[%dma_wait3A_359, %dma_wait3A_360, %dma_wait3A_364] : memref<2x8x128xi32, #tpu.memory_space<vmem>> -> memref<1x1x128xi32, #tpu.memory_space<vmem>>
      %dma_wait3A_366 = tpu.memref_squeeze %dma_wait3A_365 : memref<1x1x128xi32, #tpu.memory_space<vmem>> -> memref<128xi32, #tpu.memory_space<vmem>>
      %dma_wait3A_367 = arith.constant 0 : i32
      %dma_wait3A_368 = tpu.memref_slice %arg8[%dma_wait3A_367] : memref<100352xf32, #tpu.memory_space<vmem_shared>> -> memref<100352xf32, #tpu.memory_space<vmem_shared>>
      tpu.wait_indirect_dma semaphore(%arg9 : memref<!tpu.dma_semaphore, #tpu.memory_space<semaphore_mem>>) src(%dma_wait3A_363 : memref<128xf32, #tpu.memory_space<vmem>>) dst(%dma_wait3A_368 : memref<100352xf32, #tpu.memory_space<vmem_shared>>)
      %dma_wait3A_369 = arith.constant 7 : i32
      %dma_wait3A_370 = arith.constant 0 : i32
      %dma_wait3A_371 = arith.constant 7 : i32
      %dma_wait3A_372 = arith.constant 0 : i32
      %dma_wait3A_373 = tpu.memref_slice %arg7[%dma_wait3A_369, %dma_wait3A_372] : memref<8x128xf32, #tpu.memory_space<vmem>> -> memref<1x128xf32, #tpu.memory_space<vmem>>
      %dma_wait3A_374 = tpu.memref_squeeze %dma_wait3A_373 : memref<1x128xf32, #tpu.memory_space<vmem>> -> memref<128xf32, #tpu.memory_space<vmem>>
      %dma_wait3A_375 = arith.constant 0 : i32
      %dma_wait3A_376 = tpu.memref_slice %arg6[%dma_wait3A_370, %dma_wait3A_371, %dma_wait3A_375] : memref<2x8x128xi32, #tpu.memory_space<vmem>> -> memref<1x1x128xi32, #tpu.memory_space<vmem>>
      %dma_wait3A_377 = tpu.memref_squeeze %dma_wait3A_376 : memref<1x1x128xi32, #tpu.memory_space<vmem>> -> memref<128xi32, #tpu.memory_space<vmem>>
      %dma_wait3A_378 = arith.constant 0 : i32
      %dma_wait3A_379 = tpu.memref_slice %arg8[%dma_wait3A_378] : memref<100352xf32, #tpu.memory_space<vmem_shared>> -> memref<100352xf32, #tpu.memory_space<vmem_shared>>
      tpu.wait_indirect_dma semaphore(%arg9 : memref<!tpu.dma_semaphore, #tpu.memory_space<semaphore_mem>>) src(%dma_wait3A_374 : memref<128xf32, #tpu.memory_space<vmem>>) dst(%dma_wait3A_379 : memref<100352xf32, #tpu.memory_space<vmem_shared>>)
      %add3A_380 = arith.constant 1 : i32
      %add3A_381 = arith.addi %scan3A_105, %add3A_380 : i32
      %lt3A = arith.constant 49 : i32
      %lt3A_382 = arith.cmpi slt, %add3A_381, %lt3A : i32
      %convert_element_type3A_383 = arith.extui %lt3A_382 : i1 to i32
      %cond3A_384 = arith.constant 0 : i32
      %cond3A_385 = arith.cmpi ne, %convert_element_type3A_383, %cond3A_384 : i32
      scf.if %cond3A_385 {
        %mul3A_386 = arith.constant 2 : i32
        %mul3A_387 = arith.muli %mul3A_386, %scan3A_105 : i32
        %add3A_388 = arith.constant 2 : i32
        %add3A_389 = arith.addi %mul3A_387, %add3A_388 : i32
        %mul3A_390 = arith.constant 8 : i32
        %mul3A_391 = arith.muli %add3A_389, %mul3A_390 : i32
        %add3A_392 = arith.addi %mul3A_4, %mul3A_391 : i32
        %multiple_of3A_393 = tpu.assume_multiple %add3A_392, 8 : i32
        %run_scoped3A_394 = arith.constant 0 : i32
        "tpu.region"() ({
          %run_scoped3A_395 = tpu.sem_alloc : memref<!tpu.dma_semaphore, #tpu.memory_space<semaphore_mem>>
          %dma_start3A_396 = arith.constant 0 : i32
          %dma_start3A_397 = arith.constant 0 : i32
          %dma_start3A_398 = tpu.memref_slice %arg6[%run_scoped3A_394, %dma_start3A_396, %dma_start3A_397] : memref<2x8x128xi32, #tpu.memory_space<vmem>> -> memref<1x8x128xi32, #tpu.memory_space<vmem>>
          %dma_start3A_399 = tpu.memref_squeeze %dma_start3A_398 : memref<1x8x128xi32, #tpu.memory_space<vmem>> -> memref<8x128xi32, #tpu.memory_space<vmem>>
          %dma_start3A_400 = arith.constant 0 : i32
          %dma_start3A_401 = tpu.memref_slice %arg2[%multiple_of3A_393, %dma_start3A_400] : memref<25088x128xi32, #tpu.memory_space<hbm>> -> memref<8x128xi32, #tpu.memory_space<hbm>>
          %dma_start3A_402 = arith.constant 0 : i32
          %dma_start3A_403 = arith.constant 0 : i32
          %dma_start3A_404 = tpu.memref_slice %arg6[%run_scoped3A_394, %dma_start3A_402, %dma_start3A_403] : memref<2x8x128xi32, #tpu.memory_space<vmem>> -> memref<1x8x128xi32, #tpu.memory_space<vmem>>
          %dma_start3A_405 = tpu.memref_squeeze %dma_start3A_404 : memref<1x8x128xi32, #tpu.memory_space<vmem>> -> memref<8x128xi32, #tpu.memory_space<vmem>>
          %dma_start3A_406 = arith.constant 0 : i32
          %dma_start3A_407 = tpu.memref_slice %arg2[%multiple_of3A_393, %dma_start3A_406] : memref<25088x128xi32, #tpu.memory_space<hbm>> -> memref<8x128xi32, #tpu.memory_space<hbm>>
          tpu.enqueue_dma source(%dma_start3A_407 : memref<8x128xi32, #tpu.memory_space<hbm>>) target(%dma_start3A_405 : memref<8x128xi32, #tpu.memory_space<vmem>>) target_semaphore(%run_scoped3A_395 : memref<!tpu.dma_semaphore, #tpu.memory_space<semaphore_mem>>)
          %dma_wait3A_408 = arith.constant 0 : i32
          %dma_wait3A_409 = arith.constant 0 : i32
          %dma_wait3A_410 = tpu.memref_slice %arg6[%run_scoped3A_394, %dma_wait3A_408, %dma_wait3A_409] : memref<2x8x128xi32, #tpu.memory_space<vmem>> -> memref<1x8x128xi32, #tpu.memory_space<vmem>>
          %dma_wait3A_411 = tpu.memref_squeeze %dma_wait3A_410 : memref<1x8x128xi32, #tpu.memory_space<vmem>> -> memref<8x128xi32, #tpu.memory_space<vmem>>
          %dma_wait3A_412 = arith.constant 0 : i32
          %dma_wait3A_413 = tpu.memref_slice %arg2[%multiple_of3A_393, %dma_wait3A_412] : memref<25088x128xi32, #tpu.memory_space<hbm>> -> memref<8x128xi32, #tpu.memory_space<hbm>>
          %dma_wait3A_414 = arith.constant 0 : i32
          %dma_wait3A_415 = arith.constant 0 : i32
          %dma_wait3A_416 = tpu.memref_slice %arg6[%run_scoped3A_394, %dma_wait3A_414, %dma_wait3A_415] : memref<2x8x128xi32, #tpu.memory_space<vmem>> -> memref<1x8x128xi32, #tpu.memory_space<vmem>>
          %dma_wait3A_417 = tpu.memref_squeeze %dma_wait3A_416 : memref<1x8x128xi32, #tpu.memory_space<vmem>> -> memref<8x128xi32, #tpu.memory_space<vmem>>
          %dma_wait3A_418 = arith.constant 0 : i32
          %dma_wait3A_419 = tpu.memref_slice %arg2[%multiple_of3A_393, %dma_wait3A_418] : memref<25088x128xi32, #tpu.memory_space<hbm>> -> memref<8x128xi32, #tpu.memory_space<hbm>>
          tpu.wait_dma2 semaphore(%run_scoped3A_395 : memref<!tpu.dma_semaphore, #tpu.memory_space<semaphore_mem>>) src(%dma_wait3A_419 : memref<8x128xi32, #tpu.memory_space<hbm>>) dst(%dma_wait3A_417 : memref<8x128xi32, #tpu.memory_space<vmem>>)
          tpu.yield
        }) : () -> ()
      } else {
      }
    }
    %scan3A_12 = arith.constant 49 : i32
    %dma_wait3A = arith.constant 0 : i32
    %dma_wait3A_13 = arith.constant 1 : i32
    %dma_wait3A_14 = arith.constant 0 : i32
    %dma_wait3A_15 = arith.constant 0 : i32
    %dma_wait3A_16 = tpu.memref_slice %arg7[%dma_wait3A, %dma_wait3A_15] : memref<8x128xf32, #tpu.memory_space<vmem>> -> memref<1x128xf32, #tpu.memory_space<vmem>>
    %dma_wait3A_17 = tpu.memref_squeeze %dma_wait3A_16 : memref<1x128xf32, #tpu.memory_space<vmem>> -> memref<128xf32, #tpu.memory_space<vmem>>
    %dma_wait3A_18 = arith.constant 0 : i32
    %dma_wait3A_19 = tpu.memref_slice %arg6[%dma_wait3A_13, %dma_wait3A_14, %dma_wait3A_18] : memref<2x8x128xi32, #tpu.memory_space<vmem>> -> memref<1x1x128xi32, #tpu.memory_space<vmem>>
    %dma_wait3A_20 = tpu.memref_squeeze %dma_wait3A_19 : memref<1x1x128xi32, #tpu.memory_space<vmem>> -> memref<128xi32, #tpu.memory_space<vmem>>
    %dma_wait3A_21 = arith.constant 0 : i32
    %dma_wait3A_22 = tpu.memref_slice %arg8[%dma_wait3A_21] : memref<100352xf32, #tpu.memory_space<vmem_shared>> -> memref<100352xf32, #tpu.memory_space<vmem_shared>>
    tpu.wait_indirect_dma semaphore(%arg10 : memref<!tpu.dma_semaphore, #tpu.memory_space<semaphore_mem>>) src(%dma_wait3A_17 : memref<128xf32, #tpu.memory_space<vmem>>) dst(%dma_wait3A_22 : memref<100352xf32, #tpu.memory_space<vmem_shared>>)
    %dma_wait3A_23 = arith.constant 1 : i32
    %dma_wait3A_24 = arith.constant 1 : i32
    %dma_wait3A_25 = arith.constant 1 : i32
    %dma_wait3A_26 = arith.constant 0 : i32
    %dma_wait3A_27 = tpu.memref_slice %arg7[%dma_wait3A_23, %dma_wait3A_26] : memref<8x128xf32, #tpu.memory_space<vmem>> -> memref<1x128xf32, #tpu.memory_space<vmem>>
    %dma_wait3A_28 = tpu.memref_squeeze %dma_wait3A_27 : memref<1x128xf32, #tpu.memory_space<vmem>> -> memref<128xf32, #tpu.memory_space<vmem>>
    %dma_wait3A_29 = arith.constant 0 : i32
    %dma_wait3A_30 = tpu.memref_slice %arg6[%dma_wait3A_24, %dma_wait3A_25, %dma_wait3A_29] : memref<2x8x128xi32, #tpu.memory_space<vmem>> -> memref<1x1x128xi32, #tpu.memory_space<vmem>>
    %dma_wait3A_31 = tpu.memref_squeeze %dma_wait3A_30 : memref<1x1x128xi32, #tpu.memory_space<vmem>> -> memref<128xi32, #tpu.memory_space<vmem>>
    %dma_wait3A_32 = arith.constant 0 : i32
    %dma_wait3A_33 = tpu.memref_slice %arg8[%dma_wait3A_32] : memref<100352xf32, #tpu.memory_space<vmem_shared>> -> memref<100352xf32, #tpu.memory_space<vmem_shared>>
    tpu.wait_indirect_dma semaphore(%arg10 : memref<!tpu.dma_semaphore, #tpu.memory_space<semaphore_mem>>) src(%dma_wait3A_28 : memref<128xf32, #tpu.memory_space<vmem>>) dst(%dma_wait3A_33 : memref<100352xf32, #tpu.memory_space<vmem_shared>>)
    %dma_wait3A_34 = arith.constant 2 : i32
    %dma_wait3A_35 = arith.constant 1 : i32
    %dma_wait3A_36 = arith.constant 2 : i32
    %dma_wait3A_37 = arith.constant 0 : i32
    %dma_wait3A_38 = tpu.memref_slice %arg7[%dma_wait3A_34, %dma_wait3A_37] : memref<8x128xf32, #tpu.memory_space<vmem>> -> memref<1x128xf32, #tpu.memory_space<vmem>>
    %dma_wait3A_39 = tpu.memref_squeeze %dma_wait3A_38 : memref<1x128xf32, #tpu.memory_space<vmem>> -> memref<128xf32, #tpu.memory_space<vmem>>
    %dma_wait3A_40 = arith.constant 0 : i32
    %dma_wait3A_41 = tpu.memref_slice %arg6[%dma_wait3A_35, %dma_wait3A_36, %dma_wait3A_40] : memref<2x8x128xi32, #tpu.memory_space<vmem>> -> memref<1x1x128xi32, #tpu.memory_space<vmem>>
    %dma_wait3A_42 = tpu.memref_squeeze %dma_wait3A_41 : memref<1x1x128xi32, #tpu.memory_space<vmem>> -> memref<128xi32, #tpu.memory_space<vmem>>
    %dma_wait3A_43 = arith.constant 0 : i32
    %dma_wait3A_44 = tpu.memref_slice %arg8[%dma_wait3A_43] : memref<100352xf32, #tpu.memory_space<vmem_shared>> -> memref<100352xf32, #tpu.memory_space<vmem_shared>>
    tpu.wait_indirect_dma semaphore(%arg10 : memref<!tpu.dma_semaphore, #tpu.memory_space<semaphore_mem>>) src(%dma_wait3A_39 : memref<128xf32, #tpu.memory_space<vmem>>) dst(%dma_wait3A_44 : memref<100352xf32, #tpu.memory_space<vmem_shared>>)
    %dma_wait3A_45 = arith.constant 3 : i32
    %dma_wait3A_46 = arith.constant 1 : i32
    %dma_wait3A_47 = arith.constant 3 : i32
    %dma_wait3A_48 = arith.constant 0 : i32
    %dma_wait3A_49 = tpu.memref_slice %arg7[%dma_wait3A_45, %dma_wait3A_48] : memref<8x128xf32, #tpu.memory_space<vmem>> -> memref<1x128xf32, #tpu.memory_space<vmem>>
    %dma_wait3A_50 = tpu.memref_squeeze %dma_wait3A_49 : memref<1x128xf32, #tpu.memory_space<vmem>> -> memref<128xf32, #tpu.memory_space<vmem>>
    %dma_wait3A_51 = arith.constant 0 : i32
    %dma_wait3A_52 = tpu.memref_slice %arg6[%dma_wait3A_46, %dma_wait3A_47, %dma_wait3A_51] : memref<2x8x128xi32, #tpu.memory_space<vmem>> -> memref<1x1x128xi32, #tpu.memory_space<vmem>>
    %dma_wait3A_53 = tpu.memref_squeeze %dma_wait3A_52 : memref<1x1x128xi32, #tpu.memory_space<vmem>> -> memref<128xi32, #tpu.memory_space<vmem>>
    %dma_wait3A_54 = arith.constant 0 : i32
    %dma_wait3A_55 = tpu.memref_slice %arg8[%dma_wait3A_54] : memref<100352xf32, #tpu.memory_space<vmem_shared>> -> memref<100352xf32, #tpu.memory_space<vmem_shared>>
    tpu.wait_indirect_dma semaphore(%arg10 : memref<!tpu.dma_semaphore, #tpu.memory_space<semaphore_mem>>) src(%dma_wait3A_50 : memref<128xf32, #tpu.memory_space<vmem>>) dst(%dma_wait3A_55 : memref<100352xf32, #tpu.memory_space<vmem_shared>>)
    %dma_wait3A_56 = arith.constant 4 : i32
    %dma_wait3A_57 = arith.constant 1 : i32
    %dma_wait3A_58 = arith.constant 4 : i32
    %dma_wait3A_59 = arith.constant 0 : i32
    %dma_wait3A_60 = tpu.memref_slice %arg7[%dma_wait3A_56, %dma_wait3A_59] : memref<8x128xf32, #tpu.memory_space<vmem>> -> memref<1x128xf32, #tpu.memory_space<vmem>>
    %dma_wait3A_61 = tpu.memref_squeeze %dma_wait3A_60 : memref<1x128xf32, #tpu.memory_space<vmem>> -> memref<128xf32, #tpu.memory_space<vmem>>
    %dma_wait3A_62 = arith.constant 0 : i32
    %dma_wait3A_63 = tpu.memref_slice %arg6[%dma_wait3A_57, %dma_wait3A_58, %dma_wait3A_62] : memref<2x8x128xi32, #tpu.memory_space<vmem>> -> memref<1x1x128xi32, #tpu.memory_space<vmem>>
    %dma_wait3A_64 = tpu.memref_squeeze %dma_wait3A_63 : memref<1x1x128xi32, #tpu.memory_space<vmem>> -> memref<128xi32, #tpu.memory_space<vmem>>
    %dma_wait3A_65 = arith.constant 0 : i32
    %dma_wait3A_66 = tpu.memref_slice %arg8[%dma_wait3A_65] : memref<100352xf32, #tpu.memory_space<vmem_shared>> -> memref<100352xf32, #tpu.memory_space<vmem_shared>>
    tpu.wait_indirect_dma semaphore(%arg10 : memref<!tpu.dma_semaphore, #tpu.memory_space<semaphore_mem>>) src(%dma_wait3A_61 : memref<128xf32, #tpu.memory_space<vmem>>) dst(%dma_wait3A_66 : memref<100352xf32, #tpu.memory_space<vmem_shared>>)
    %dma_wait3A_67 = arith.constant 5 : i32
    %dma_wait3A_68 = arith.constant 1 : i32
    %dma_wait3A_69 = arith.constant 5 : i32
    %dma_wait3A_70 = arith.constant 0 : i32
    %dma_wait3A_71 = tpu.memref_slice %arg7[%dma_wait3A_67, %dma_wait3A_70] : memref<8x128xf32, #tpu.memory_space<vmem>> -> memref<1x128xf32, #tpu.memory_space<vmem>>
    %dma_wait3A_72 = tpu.memref_squeeze %dma_wait3A_71 : memref<1x128xf32, #tpu.memory_space<vmem>> -> memref<128xf32, #tpu.memory_space<vmem>>
    %dma_wait3A_73 = arith.constant 0 : i32
    %dma_wait3A_74 = tpu.memref_slice %arg6[%dma_wait3A_68, %dma_wait3A_69, %dma_wait3A_73] : memref<2x8x128xi32, #tpu.memory_space<vmem>> -> memref<1x1x128xi32, #tpu.memory_space<vmem>>
    %dma_wait3A_75 = tpu.memref_squeeze %dma_wait3A_74 : memref<1x1x128xi32, #tpu.memory_space<vmem>> -> memref<128xi32, #tpu.memory_space<vmem>>
    %dma_wait3A_76 = arith.constant 0 : i32
    %dma_wait3A_77 = tpu.memref_slice %arg8[%dma_wait3A_76] : memref<100352xf32, #tpu.memory_space<vmem_shared>> -> memref<100352xf32, #tpu.memory_space<vmem_shared>>
    tpu.wait_indirect_dma semaphore(%arg10 : memref<!tpu.dma_semaphore, #tpu.memory_space<semaphore_mem>>) src(%dma_wait3A_72 : memref<128xf32, #tpu.memory_space<vmem>>) dst(%dma_wait3A_77 : memref<100352xf32, #tpu.memory_space<vmem_shared>>)
    %dma_wait3A_78 = arith.constant 6 : i32
    %dma_wait3A_79 = arith.constant 1 : i32
    %dma_wait3A_80 = arith.constant 6 : i32
    %dma_wait3A_81 = arith.constant 0 : i32
    %dma_wait3A_82 = tpu.memref_slice %arg7[%dma_wait3A_78, %dma_wait3A_81] : memref<8x128xf32, #tpu.memory_space<vmem>> -> memref<1x128xf32, #tpu.memory_space<vmem>>
    %dma_wait3A_83 = tpu.memref_squeeze %dma_wait3A_82 : memref<1x128xf32, #tpu.memory_space<vmem>> -> memref<128xf32, #tpu.memory_space<vmem>>
    %dma_wait3A_84 = arith.constant 0 : i32
    %dma_wait3A_85 = tpu.memref_slice %arg6[%dma_wait3A_79, %dma_wait3A_80, %dma_wait3A_84] : memref<2x8x128xi32, #tpu.memory_space<vmem>> -> memref<1x1x128xi32, #tpu.memory_space<vmem>>
    %dma_wait3A_86 = tpu.memref_squeeze %dma_wait3A_85 : memref<1x1x128xi32, #tpu.memory_space<vmem>> -> memref<128xi32, #tpu.memory_space<vmem>>
    %dma_wait3A_87 = arith.constant 0 : i32
    %dma_wait3A_88 = tpu.memref_slice %arg8[%dma_wait3A_87] : memref<100352xf32, #tpu.memory_space<vmem_shared>> -> memref<100352xf32, #tpu.memory_space<vmem_shared>>
    tpu.wait_indirect_dma semaphore(%arg10 : memref<!tpu.dma_semaphore, #tpu.memory_space<semaphore_mem>>) src(%dma_wait3A_83 : memref<128xf32, #tpu.memory_space<vmem>>) dst(%dma_wait3A_88 : memref<100352xf32, #tpu.memory_space<vmem_shared>>)
    %dma_wait3A_89 = arith.constant 7 : i32
    %dma_wait3A_90 = arith.constant 1 : i32
    %dma_wait3A_91 = arith.constant 7 : i32
    %dma_wait3A_92 = arith.constant 0 : i32
    %dma_wait3A_93 = tpu.memref_slice %arg7[%dma_wait3A_89, %dma_wait3A_92] : memref<8x128xf32, #tpu.memory_space<vmem>> -> memref<1x128xf32, #tpu.memory_space<vmem>>
    %dma_wait3A_94 = tpu.memref_squeeze %dma_wait3A_93 : memref<1x128xf32, #tpu.memory_space<vmem>> -> memref<128xf32, #tpu.memory_space<vmem>>
    %dma_wait3A_95 = arith.constant 0 : i32
    %dma_wait3A_96 = tpu.memref_slice %arg6[%dma_wait3A_90, %dma_wait3A_91, %dma_wait3A_95] : memref<2x8x128xi32, #tpu.memory_space<vmem>> -> memref<1x1x128xi32, #tpu.memory_space<vmem>>
    %dma_wait3A_97 = tpu.memref_squeeze %dma_wait3A_96 : memref<1x1x128xi32, #tpu.memory_space<vmem>> -> memref<128xi32, #tpu.memory_space<vmem>>
    %dma_wait3A_98 = arith.constant 0 : i32
    %dma_wait3A_99 = tpu.memref_slice %arg8[%dma_wait3A_98] : memref<100352xf32, #tpu.memory_space<vmem_shared>> -> memref<100352xf32, #tpu.memory_space<vmem_shared>>
    tpu.wait_indirect_dma semaphore(%arg10 : memref<!tpu.dma_semaphore, #tpu.memory_space<semaphore_mem>>) src(%dma_wait3A_94 : memref<128xf32, #tpu.memory_space<vmem>>) dst(%dma_wait3A_99 : memref<100352xf32, #tpu.memory_space<vmem_shared>>)
    %barrier3A_100 = arith.constant 0 : index
    tpu.barrier barrier_id(%barrier3A_100)
    %mul3A_101 = arith.constant 100352 : i32
    %mul3A_102 = arith.muli %arg0, %mul3A_101 : i32
    %add3A_103 = arith.addi %mul3A_102, %multiple_of3A : i32
    %multiple_of3A_104 = tpu.assume_multiple %add3A_103, 8 : i32
    "tpu.region"() ({
      %run_scoped3A_105 = tpu.sem_alloc : memref<!tpu.dma_semaphore, #tpu.memory_space<semaphore_mem>>
      %dma_start3A = tpu.memref_slice %arg5[%multiple_of3A_104] : memref<200704xf32, #tpu.memory_space<hbm>> -> memref<6272xf32, #tpu.memory_space<hbm>>
      %dma_start3A_106 = tpu.memref_slice %arg8[%multiple_of3A] : memref<100352xf32, #tpu.memory_space<vmem_shared>> -> memref<6272xf32, #tpu.memory_space<vmem_shared>>
      tpu.enqueue_dma source(%dma_start3A_106 : memref<6272xf32, #tpu.memory_space<vmem_shared>>) target(%dma_start3A : memref<6272xf32, #tpu.memory_space<hbm>>) target_semaphore(%run_scoped3A_105 : memref<!tpu.dma_semaphore, #tpu.memory_space<semaphore_mem>>)
      %dma_wait3A_107 = tpu.memref_slice %arg5[%multiple_of3A_104] : memref<200704xf32, #tpu.memory_space<hbm>> -> memref<6272xf32, #tpu.memory_space<hbm>>
      %dma_wait3A_108 = tpu.memref_slice %arg8[%multiple_of3A] : memref<100352xf32, #tpu.memory_space<vmem_shared>> -> memref<6272xf32, #tpu.memory_space<vmem_shared>>
      tpu.wait_dma2 semaphore(%run_scoped3A_105 : memref<!tpu.dma_semaphore, #tpu.memory_space<semaphore_mem>>) src(%dma_wait3A_108 : memref<6272xf32, #tpu.memory_space<vmem_shared>>) dst(%dma_wait3A_107 : memref<6272xf32, #tpu.memory_space<hbm>>)
      tpu.yield
    }) : () -> ()
    return
  }
}

#map = affine_map<(d0, d1) -> (0, 0)>
module attributes {stable_mosaic.version = 14 : i64} {
  func.func @agg(%arg0: i32, %arg1: i32, %arg2: memref<100352x16xf32, #tpu.memory_space<hbm>>, %arg3: memref<50176x128xi32, #tpu.memory_space<hbm>>, %arg4: memref<6272x16xf32, #tpu.memory_space<hbm>>, %arg5: memref<200704x16xf32, #tpu.memory_space<hbm>>, %arg6: memref<2x8x128xi32, #tpu.memory_space<vmem>>, %arg7: memref<2x4x128x16xf32, #tpu.memory_space<vmem>>, %arg8: memref<100352x16xf32, #tpu.memory_space<vmem_shared>>, %arg9: memref<!tpu.dma_semaphore, #tpu.memory_space<semaphore_mem>>, %arg10: memref<!tpu.dma_semaphore, #tpu.memory_space<semaphore_mem>>, %arg11: memref<!tpu.dma_semaphore, #tpu.memory_space<semaphore_mem>>, %arg12: memref<!tpu.dma_semaphore, #tpu.memory_space<semaphore_mem>>) attributes {dimension_semantics = [#tpu.dimension_semantics<core_parallel>, #tpu.dimension_semantics<subcore_parallel>], iteration_bounds = array<i64: 2, 16>, scalar_prefetch = 0 : i64, scratch_operands = 7 : i64, tpu.core_type = #tpu.core_type<sc_vector_subcore>, window_params = [{transform_indices = #map}, {transform_indices = #map}, {transform_indices = #map}, {transform_indices = #map}]} {
    %mul3A = arith.constant 6272 : i32
    %mul3A_0 = arith.muli %arg1, %mul3A : i32
    %multiple_of3A = tpu.assume_multiple %mul3A_0, 8 : i32
    "tpu.region"() ({
      %run_scoped3A_130 = tpu.sem_alloc : memref<!tpu.dma_semaphore, #tpu.memory_space<semaphore_mem>>
      %dma_start3A_131 = arith.constant 0 : i32
      %dma_start3A_132 = tpu.memref_slice %arg8[%multiple_of3A, %dma_start3A_131] : memref<100352x16xf32, #tpu.memory_space<vmem_shared>> -> memref<6272x16xf32, #tpu.memory_space<vmem_shared>>
      tpu.enqueue_dma source(%arg4 : memref<6272x16xf32, #tpu.memory_space<hbm>>) target(%dma_start3A_132 : memref<6272x16xf32, #tpu.memory_space<vmem_shared>>) target_semaphore(%run_scoped3A_130 : memref<!tpu.dma_semaphore, #tpu.memory_space<semaphore_mem>>)
      %dma_wait3A_133 = arith.constant 0 : i32
      %dma_wait3A_134 = tpu.memref_slice %arg8[%multiple_of3A, %dma_wait3A_133] : memref<100352x16xf32, #tpu.memory_space<vmem_shared>> -> memref<6272x16xf32, #tpu.memory_space<vmem_shared>>
      tpu.wait_dma2 semaphore(%run_scoped3A_130 : memref<!tpu.dma_semaphore, #tpu.memory_space<semaphore_mem>>) src(%arg4 : memref<6272x16xf32, #tpu.memory_space<hbm>>) dst(%dma_wait3A_134 : memref<6272x16xf32, #tpu.memory_space<vmem_shared>>)
      tpu.yield
    }) : () -> ()
    %barrier3A = arith.constant 0 : index
    tpu.barrier barrier_id(%barrier3A)
    %mul3A_1 = arith.constant 16 : i32
    %mul3A_2 = arith.muli %arg0, %mul3A_1 : i32
    %add3A = arith.addi %mul3A_2, %arg1 : i32
    %mul3A_3 = arith.constant 784 : i32
    %mul3A_4 = arith.muli %add3A, %mul3A_3 : i32
    %add3A_5 = arith.constant 0 : i32
    %add3A_6 = arith.addi %mul3A_4, %add3A_5 : i32
    %mul3A_7 = arith.constant 2 : i32
    %mul3A_8 = arith.muli %mul3A_7, %add3A_6 : i32
    %multiple_of3A_9 = tpu.assume_multiple %mul3A_8, 8 : i32
    %run_scoped3A = arith.constant 0 : i32
    "tpu.region"() ({
      %run_scoped3A_130 = tpu.sem_alloc : memref<!tpu.dma_semaphore, #tpu.memory_space<semaphore_mem>>
      %dma_start3A_131 = arith.constant 0 : i32
      %dma_start3A_132 = arith.constant 0 : i32
      %dma_start3A_133 = tpu.memref_slice %arg6[%run_scoped3A, %dma_start3A_131, %dma_start3A_132] : memref<2x8x128xi32, #tpu.memory_space<vmem>> -> memref<1x8x128xi32, #tpu.memory_space<vmem>>
      %dma_start3A_134 = tpu.memref_squeeze %dma_start3A_133 : memref<1x8x128xi32, #tpu.memory_space<vmem>> -> memref<8x128xi32, #tpu.memory_space<vmem>>
      %dma_start3A_135 = arith.constant 0 : i32
      %dma_start3A_136 = tpu.memref_slice %arg3[%multiple_of3A_9, %dma_start3A_135] : memref<50176x128xi32, #tpu.memory_space<hbm>> -> memref<8x128xi32, #tpu.memory_space<hbm>>
      %dma_start3A_137 = arith.constant 0 : i32
      %dma_start3A_138 = arith.constant 0 : i32
      %dma_start3A_139 = tpu.memref_slice %arg6[%run_scoped3A, %dma_start3A_137, %dma_start3A_138] : memref<2x8x128xi32, #tpu.memory_space<vmem>> -> memref<1x8x128xi32, #tpu.memory_space<vmem>>
      %dma_start3A_140 = tpu.memref_squeeze %dma_start3A_139 : memref<1x8x128xi32, #tpu.memory_space<vmem>> -> memref<8x128xi32, #tpu.memory_space<vmem>>
      %dma_start3A_141 = arith.constant 0 : i32
      %dma_start3A_142 = tpu.memref_slice %arg3[%multiple_of3A_9, %dma_start3A_141] : memref<50176x128xi32, #tpu.memory_space<hbm>> -> memref<8x128xi32, #tpu.memory_space<hbm>>
      tpu.enqueue_dma source(%dma_start3A_142 : memref<8x128xi32, #tpu.memory_space<hbm>>) target(%dma_start3A_140 : memref<8x128xi32, #tpu.memory_space<vmem>>) target_semaphore(%run_scoped3A_130 : memref<!tpu.dma_semaphore, #tpu.memory_space<semaphore_mem>>)
      %dma_wait3A_143 = arith.constant 0 : i32
      %dma_wait3A_144 = arith.constant 0 : i32
      %dma_wait3A_145 = tpu.memref_slice %arg6[%run_scoped3A, %dma_wait3A_143, %dma_wait3A_144] : memref<2x8x128xi32, #tpu.memory_space<vmem>> -> memref<1x8x128xi32, #tpu.memory_space<vmem>>
      %dma_wait3A_146 = tpu.memref_squeeze %dma_wait3A_145 : memref<1x8x128xi32, #tpu.memory_space<vmem>> -> memref<8x128xi32, #tpu.memory_space<vmem>>
      %dma_wait3A_147 = arith.constant 0 : i32
      %dma_wait3A_148 = tpu.memref_slice %arg3[%multiple_of3A_9, %dma_wait3A_147] : memref<50176x128xi32, #tpu.memory_space<hbm>> -> memref<8x128xi32, #tpu.memory_space<hbm>>
      %dma_wait3A_149 = arith.constant 0 : i32
      %dma_wait3A_150 = arith.constant 0 : i32
      %dma_wait3A_151 = tpu.memref_slice %arg6[%run_scoped3A, %dma_wait3A_149, %dma_wait3A_150] : memref<2x8x128xi32, #tpu.memory_space<vmem>> -> memref<1x8x128xi32, #tpu.memory_space<vmem>>
      %dma_wait3A_152 = tpu.memref_squeeze %dma_wait3A_151 : memref<1x8x128xi32, #tpu.memory_space<vmem>> -> memref<8x128xi32, #tpu.memory_space<vmem>>
      %dma_wait3A_153 = arith.constant 0 : i32
      %dma_wait3A_154 = tpu.memref_slice %arg3[%multiple_of3A_9, %dma_wait3A_153] : memref<50176x128xi32, #tpu.memory_space<hbm>> -> memref<8x128xi32, #tpu.memory_space<hbm>>
      tpu.wait_dma2 semaphore(%run_scoped3A_130 : memref<!tpu.dma_semaphore, #tpu.memory_space<semaphore_mem>>) src(%dma_wait3A_154 : memref<8x128xi32, #tpu.memory_space<hbm>>) dst(%dma_wait3A_152 : memref<8x128xi32, #tpu.memory_space<vmem>>)
      tpu.yield
    }) : () -> ()
    %dma_start3A = arith.constant 0 : i32
    %dma_start3A_10 = arith.constant 0 : i32
    %dma_start3A_11 = arith.constant 0 : i32
    %dma_start3A_12 = arith.constant 0 : i32
    %dma_start3A_13 = arith.constant 0 : i32
    %dma_start3A_14 = arith.constant 0 : i32
    %dma_start3A_15 = tpu.memref_slice %arg7[%dma_start3A_11, %dma_start3A_12, %dma_start3A_13, %dma_start3A_14] : memref<2x4x128x16xf32, #tpu.memory_space<vmem>> -> memref<1x1x128x16xf32, #tpu.memory_space<vmem>>
    %dma_start3A_16 = tpu.memref_squeeze %dma_start3A_15 : memref<1x1x128x16xf32, #tpu.memory_space<vmem>> -> memref<128x16xf32, #tpu.memory_space<vmem>>
    %dma_start3A_17 = arith.constant 0 : i32
    %dma_start3A_18 = tpu.memref_slice %arg6[%dma_start3A, %dma_start3A_10, %dma_start3A_17] : memref<2x8x128xi32, #tpu.memory_space<vmem>> -> memref<1x1x128xi32, #tpu.memory_space<vmem>>
    %dma_start3A_19 = tpu.memref_squeeze %dma_start3A_18 : memref<1x1x128xi32, #tpu.memory_space<vmem>> -> memref<128xi32, #tpu.memory_space<vmem>>
    %dma_start3A_20 = arith.constant 0 : i32
    %dma_start3A_21 = arith.constant 0 : i32
    %dma_start3A_22 = tpu.memref_slice %arg2[%dma_start3A_20, %dma_start3A_21] : memref<100352x16xf32, #tpu.memory_space<hbm>> -> memref<100352x16xf32, #tpu.memory_space<hbm>>
    tpu.enqueue_indirect_dma source(%dma_start3A_22 : memref<100352x16xf32, #tpu.memory_space<hbm>>) target(%dma_start3A_16 : memref<128x16xf32, #tpu.memory_space<vmem>>) offsets(%dma_start3A_19 : memref<128xi32, #tpu.memory_space<vmem>>) semaphore(%arg9 : memref<!tpu.dma_semaphore, #tpu.memory_space<semaphore_mem>>)
    %dma_start3A_23 = arith.constant 0 : i32
    %dma_start3A_24 = arith.constant 2 : i32
    %dma_start3A_25 = arith.constant 0 : i32
    %dma_start3A_26 = arith.constant 1 : i32
    %dma_start3A_27 = arith.constant 0 : i32
    %dma_start3A_28 = arith.constant 0 : i32
    %dma_start3A_29 = tpu.memref_slice %arg7[%dma_start3A_25, %dma_start3A_26, %dma_start3A_27, %dma_start3A_28] : memref<2x4x128x16xf32, #tpu.memory_space<vmem>> -> memref<1x1x128x16xf32, #tpu.memory_space<vmem>>
    %dma_start3A_30 = tpu.memref_squeeze %dma_start3A_29 : memref<1x1x128x16xf32, #tpu.memory_space<vmem>> -> memref<128x16xf32, #tpu.memory_space<vmem>>
    %dma_start3A_31 = arith.constant 0 : i32
    %dma_start3A_32 = tpu.memref_slice %arg6[%dma_start3A_23, %dma_start3A_24, %dma_start3A_31] : memref<2x8x128xi32, #tpu.memory_space<vmem>> -> memref<1x1x128xi32, #tpu.memory_space<vmem>>
    %dma_start3A_33 = tpu.memref_squeeze %dma_start3A_32 : memref<1x1x128xi32, #tpu.memory_space<vmem>> -> memref<128xi32, #tpu.memory_space<vmem>>
    %dma_start3A_34 = arith.constant 0 : i32
    %dma_start3A_35 = arith.constant 0 : i32
    %dma_start3A_36 = tpu.memref_slice %arg2[%dma_start3A_34, %dma_start3A_35] : memref<100352x16xf32, #tpu.memory_space<hbm>> -> memref<100352x16xf32, #tpu.memory_space<hbm>>
    tpu.enqueue_indirect_dma source(%dma_start3A_36 : memref<100352x16xf32, #tpu.memory_space<hbm>>) target(%dma_start3A_30 : memref<128x16xf32, #tpu.memory_space<vmem>>) offsets(%dma_start3A_33 : memref<128xi32, #tpu.memory_space<vmem>>) semaphore(%arg9 : memref<!tpu.dma_semaphore, #tpu.memory_space<semaphore_mem>>)
    %dma_start3A_37 = arith.constant 0 : i32
    %dma_start3A_38 = arith.constant 4 : i32
    %dma_start3A_39 = arith.constant 0 : i32
    %dma_start3A_40 = arith.constant 2 : i32
    %dma_start3A_41 = arith.constant 0 : i32
    %dma_start3A_42 = arith.constant 0 : i32
    %dma_start3A_43 = tpu.memref_slice %arg7[%dma_start3A_39, %dma_start3A_40, %dma_start3A_41, %dma_start3A_42] : memref<2x4x128x16xf32, #tpu.memory_space<vmem>> -> memref<1x1x128x16xf32, #tpu.memory_space<vmem>>
    %dma_start3A_44 = tpu.memref_squeeze %dma_start3A_43 : memref<1x1x128x16xf32, #tpu.memory_space<vmem>> -> memref<128x16xf32, #tpu.memory_space<vmem>>
    %dma_start3A_45 = arith.constant 0 : i32
    %dma_start3A_46 = tpu.memref_slice %arg6[%dma_start3A_37, %dma_start3A_38, %dma_start3A_45] : memref<2x8x128xi32, #tpu.memory_space<vmem>> -> memref<1x1x128xi32, #tpu.memory_space<vmem>>
    %dma_start3A_47 = tpu.memref_squeeze %dma_start3A_46 : memref<1x1x128xi32, #tpu.memory_space<vmem>> -> memref<128xi32, #tpu.memory_space<vmem>>
    %dma_start3A_48 = arith.constant 0 : i32
    %dma_start3A_49 = arith.constant 0 : i32
    %dma_start3A_50 = tpu.memref_slice %arg2[%dma_start3A_48, %dma_start3A_49] : memref<100352x16xf32, #tpu.memory_space<hbm>> -> memref<100352x16xf32, #tpu.memory_space<hbm>>
    tpu.enqueue_indirect_dma source(%dma_start3A_50 : memref<100352x16xf32, #tpu.memory_space<hbm>>) target(%dma_start3A_44 : memref<128x16xf32, #tpu.memory_space<vmem>>) offsets(%dma_start3A_47 : memref<128xi32, #tpu.memory_space<vmem>>) semaphore(%arg9 : memref<!tpu.dma_semaphore, #tpu.memory_space<semaphore_mem>>)
    %dma_start3A_51 = arith.constant 0 : i32
    %dma_start3A_52 = arith.constant 6 : i32
    %dma_start3A_53 = arith.constant 0 : i32
    %dma_start3A_54 = arith.constant 3 : i32
    %dma_start3A_55 = arith.constant 0 : i32
    %dma_start3A_56 = arith.constant 0 : i32
    %dma_start3A_57 = tpu.memref_slice %arg7[%dma_start3A_53, %dma_start3A_54, %dma_start3A_55, %dma_start3A_56] : memref<2x4x128x16xf32, #tpu.memory_space<vmem>> -> memref<1x1x128x16xf32, #tpu.memory_space<vmem>>
    %dma_start3A_58 = tpu.memref_squeeze %dma_start3A_57 : memref<1x1x128x16xf32, #tpu.memory_space<vmem>> -> memref<128x16xf32, #tpu.memory_space<vmem>>
    %dma_start3A_59 = arith.constant 0 : i32
    %dma_start3A_60 = tpu.memref_slice %arg6[%dma_start3A_51, %dma_start3A_52, %dma_start3A_59] : memref<2x8x128xi32, #tpu.memory_space<vmem>> -> memref<1x1x128xi32, #tpu.memory_space<vmem>>
    %dma_start3A_61 = tpu.memref_squeeze %dma_start3A_60 : memref<1x1x128xi32, #tpu.memory_space<vmem>> -> memref<128xi32, #tpu.memory_space<vmem>>
    %dma_start3A_62 = arith.constant 0 : i32
    %dma_start3A_63 = arith.constant 0 : i32
    %dma_start3A_64 = tpu.memref_slice %arg2[%dma_start3A_62, %dma_start3A_63] : memref<100352x16xf32, #tpu.memory_space<hbm>> -> memref<100352x16xf32, #tpu.memory_space<hbm>>
    tpu.enqueue_indirect_dma source(%dma_start3A_64 : memref<100352x16xf32, #tpu.memory_space<hbm>>) target(%dma_start3A_58 : memref<128x16xf32, #tpu.memory_space<vmem>>) offsets(%dma_start3A_61 : memref<128xi32, #tpu.memory_space<vmem>>) semaphore(%arg9 : memref<!tpu.dma_semaphore, #tpu.memory_space<semaphore_mem>>)
    %scan3A = arith.constant 0 : i32
    %scan3A_65 = arith.constant 0 : i32
    %scan3A_66 = arith.constant 98 : i32
    %scan3A_67 = arith.addi %scan3A_65, %scan3A_66 : i32
    %scan3A_68 = arith.constant 1 : i32
    scf.for %scan3A_130 = %scan3A_65 to %scan3A_67 step %scan3A_68  : i32 {
      %mul3A_131 = arith.constant 2 : i32
      %mul3A_132 = arith.muli %mul3A_131, %scan3A_130 : i32
      %gt3A = arith.constant 0 : i32
      %gt3A_133 = arith.cmpi sgt, %scan3A_130, %gt3A : i32
      %convert_element_type3A = arith.extui %gt3A_133 : i1 to i32
      %cond3A = arith.constant 0 : i32
      %cond3A_134 = arith.cmpi ne, %convert_element_type3A, %cond3A : i32
      scf.if %cond3A_134 {
        %dma_wait3A_486 = arith.constant 1 : i32
        %dma_wait3A_487 = arith.constant 0 : i32
        %dma_wait3A_488 = arith.constant 1 : i32
        %dma_wait3A_489 = arith.constant 1 : i32
        %dma_wait3A_490 = arith.constant 0 : i32
        %dma_wait3A_491 = arith.constant 0 : i32
        %dma_wait3A_492 = tpu.memref_slice %arg7[%dma_wait3A_486, %dma_wait3A_487, %dma_wait3A_490, %dma_wait3A_491] : memref<2x4x128x16xf32, #tpu.memory_space<vmem>> -> memref<1x1x128x16xf32, #tpu.memory_space<vmem>>
        %dma_wait3A_493 = tpu.memref_squeeze %dma_wait3A_492 : memref<1x1x128x16xf32, #tpu.memory_space<vmem>> -> memref<128x16xf32, #tpu.memory_space<vmem>>
        %dma_wait3A_494 = arith.constant 0 : i32
        %dma_wait3A_495 = tpu.memref_slice %arg6[%dma_wait3A_488, %dma_wait3A_489, %dma_wait3A_494] : memref<2x8x128xi32, #tpu.memory_space<vmem>> -> memref<1x1x128xi32, #tpu.memory_space<vmem>>
        %dma_wait3A_496 = tpu.memref_squeeze %dma_wait3A_495 : memref<1x1x128xi32, #tpu.memory_space<vmem>> -> memref<128xi32, #tpu.memory_space<vmem>>
        %dma_wait3A_497 = arith.constant 0 : i32
        %dma_wait3A_498 = arith.constant 0 : i32
        %dma_wait3A_499 = tpu.memref_slice %arg8[%dma_wait3A_497, %dma_wait3A_498] : memref<100352x16xf32, #tpu.memory_space<vmem_shared>> -> memref<100352x16xf32, #tpu.memory_space<vmem_shared>>
        tpu.wait_indirect_dma semaphore(%arg12 : memref<!tpu.dma_semaphore, #tpu.memory_space<semaphore_mem>>) src(%dma_wait3A_493 : memref<128x16xf32, #tpu.memory_space<vmem>>) dst(%dma_wait3A_499 : memref<100352x16xf32, #tpu.memory_space<vmem_shared>>)
        %dma_wait3A_500 = arith.constant 1 : i32
        %dma_wait3A_501 = arith.constant 1 : i32
        %dma_wait3A_502 = arith.constant 1 : i32
        %dma_wait3A_503 = arith.constant 3 : i32
        %dma_wait3A_504 = arith.constant 0 : i32
        %dma_wait3A_505 = arith.constant 0 : i32
        %dma_wait3A_506 = tpu.memref_slice %arg7[%dma_wait3A_500, %dma_wait3A_501, %dma_wait3A_504, %dma_wait3A_505] : memref<2x4x128x16xf32, #tpu.memory_space<vmem>> -> memref<1x1x128x16xf32, #tpu.memory_space<vmem>>
        %dma_wait3A_507 = tpu.memref_squeeze %dma_wait3A_506 : memref<1x1x128x16xf32, #tpu.memory_space<vmem>> -> memref<128x16xf32, #tpu.memory_space<vmem>>
        %dma_wait3A_508 = arith.constant 0 : i32
        %dma_wait3A_509 = tpu.memref_slice %arg6[%dma_wait3A_502, %dma_wait3A_503, %dma_wait3A_508] : memref<2x8x128xi32, #tpu.memory_space<vmem>> -> memref<1x1x128xi32, #tpu.memory_space<vmem>>
        %dma_wait3A_510 = tpu.memref_squeeze %dma_wait3A_509 : memref<1x1x128xi32, #tpu.memory_space<vmem>> -> memref<128xi32, #tpu.memory_space<vmem>>
        %dma_wait3A_511 = arith.constant 0 : i32
        %dma_wait3A_512 = arith.constant 0 : i32
        %dma_wait3A_513 = tpu.memref_slice %arg8[%dma_wait3A_511, %dma_wait3A_512] : memref<100352x16xf32, #tpu.memory_space<vmem_shared>> -> memref<100352x16xf32, #tpu.memory_space<vmem_shared>>
        tpu.wait_indirect_dma semaphore(%arg12 : memref<!tpu.dma_semaphore, #tpu.memory_space<semaphore_mem>>) src(%dma_wait3A_507 : memref<128x16xf32, #tpu.memory_space<vmem>>) dst(%dma_wait3A_513 : memref<100352x16xf32, #tpu.memory_space<vmem_shared>>)
        %dma_wait3A_514 = arith.constant 1 : i32
        %dma_wait3A_515 = arith.constant 2 : i32
        %dma_wait3A_516 = arith.constant 1 : i32
        %dma_wait3A_517 = arith.constant 5 : i32
        %dma_wait3A_518 = arith.constant 0 : i32
        %dma_wait3A_519 = arith.constant 0 : i32
        %dma_wait3A_520 = tpu.memref_slice %arg7[%dma_wait3A_514, %dma_wait3A_515, %dma_wait3A_518, %dma_wait3A_519] : memref<2x4x128x16xf32, #tpu.memory_space<vmem>> -> memref<1x1x128x16xf32, #tpu.memory_space<vmem>>
        %dma_wait3A_521 = tpu.memref_squeeze %dma_wait3A_520 : memref<1x1x128x16xf32, #tpu.memory_space<vmem>> -> memref<128x16xf32, #tpu.memory_space<vmem>>
        %dma_wait3A_522 = arith.constant 0 : i32
        %dma_wait3A_523 = tpu.memref_slice %arg6[%dma_wait3A_516, %dma_wait3A_517, %dma_wait3A_522] : memref<2x8x128xi32, #tpu.memory_space<vmem>> -> memref<1x1x128xi32, #tpu.memory_space<vmem>>
        %dma_wait3A_524 = tpu.memref_squeeze %dma_wait3A_523 : memref<1x1x128xi32, #tpu.memory_space<vmem>> -> memref<128xi32, #tpu.memory_space<vmem>>
        %dma_wait3A_525 = arith.constant 0 : i32
        %dma_wait3A_526 = arith.constant 0 : i32
        %dma_wait3A_527 = tpu.memref_slice %arg8[%dma_wait3A_525, %dma_wait3A_526] : memref<100352x16xf32, #tpu.memory_space<vmem_shared>> -> memref<100352x16xf32, #tpu.memory_space<vmem_shared>>
        tpu.wait_indirect_dma semaphore(%arg12 : memref<!tpu.dma_semaphore, #tpu.memory_space<semaphore_mem>>) src(%dma_wait3A_521 : memref<128x16xf32, #tpu.memory_space<vmem>>) dst(%dma_wait3A_527 : memref<100352x16xf32, #tpu.memory_space<vmem_shared>>)
        %dma_wait3A_528 = arith.constant 1 : i32
        %dma_wait3A_529 = arith.constant 3 : i32
        %dma_wait3A_530 = arith.constant 1 : i32
        %dma_wait3A_531 = arith.constant 7 : i32
        %dma_wait3A_532 = arith.constant 0 : i32
        %dma_wait3A_533 = arith.constant 0 : i32
        %dma_wait3A_534 = tpu.memref_slice %arg7[%dma_wait3A_528, %dma_wait3A_529, %dma_wait3A_532, %dma_wait3A_533] : memref<2x4x128x16xf32, #tpu.memory_space<vmem>> -> memref<1x1x128x16xf32, #tpu.memory_space<vmem>>
        %dma_wait3A_535 = tpu.memref_squeeze %dma_wait3A_534 : memref<1x1x128x16xf32, #tpu.memory_space<vmem>> -> memref<128x16xf32, #tpu.memory_space<vmem>>
        %dma_wait3A_536 = arith.constant 0 : i32
        %dma_wait3A_537 = tpu.memref_slice %arg6[%dma_wait3A_530, %dma_wait3A_531, %dma_wait3A_536] : memref<2x8x128xi32, #tpu.memory_space<vmem>> -> memref<1x1x128xi32, #tpu.memory_space<vmem>>
        %dma_wait3A_538 = tpu.memref_squeeze %dma_wait3A_537 : memref<1x1x128xi32, #tpu.memory_space<vmem>> -> memref<128xi32, #tpu.memory_space<vmem>>
        %dma_wait3A_539 = arith.constant 0 : i32
        %dma_wait3A_540 = arith.constant 0 : i32
        %dma_wait3A_541 = tpu.memref_slice %arg8[%dma_wait3A_539, %dma_wait3A_540] : memref<100352x16xf32, #tpu.memory_space<vmem_shared>> -> memref<100352x16xf32, #tpu.memory_space<vmem_shared>>
        tpu.wait_indirect_dma semaphore(%arg12 : memref<!tpu.dma_semaphore, #tpu.memory_space<semaphore_mem>>) src(%dma_wait3A_535 : memref<128x16xf32, #tpu.memory_space<vmem>>) dst(%dma_wait3A_541 : memref<100352x16xf32, #tpu.memory_space<vmem_shared>>)
      } else {
      }
      %add3A_135 = arith.constant 1 : i32
      %add3A_136 = arith.addi %mul3A_132, %add3A_135 : i32
      %mul3A_137 = arith.constant 4 : i32
      %mul3A_138 = arith.muli %add3A_136, %mul3A_137 : i32
      %add3A_139 = arith.addi %mul3A_4, %mul3A_138 : i32
      %mul3A_140 = arith.constant 2 : i32
      %mul3A_141 = arith.muli %mul3A_140, %add3A_139 : i32
      %multiple_of3A_142 = tpu.assume_multiple %mul3A_141, 8 : i32
      %run_scoped3A_143 = arith.constant 1 : i32
      "tpu.region"() ({
        %run_scoped3A_486 = tpu.sem_alloc : memref<!tpu.dma_semaphore, #tpu.memory_space<semaphore_mem>>
        %dma_start3A_487 = arith.constant 0 : i32
        %dma_start3A_488 = arith.constant 0 : i32
        %dma_start3A_489 = tpu.memref_slice %arg6[%run_scoped3A_143, %dma_start3A_487, %dma_start3A_488] : memref<2x8x128xi32, #tpu.memory_space<vmem>> -> memref<1x8x128xi32, #tpu.memory_space<vmem>>
        %dma_start3A_490 = tpu.memref_squeeze %dma_start3A_489 : memref<1x8x128xi32, #tpu.memory_space<vmem>> -> memref<8x128xi32, #tpu.memory_space<vmem>>
        %dma_start3A_491 = arith.constant 0 : i32
        %dma_start3A_492 = tpu.memref_slice %arg3[%multiple_of3A_142, %dma_start3A_491] : memref<50176x128xi32, #tpu.memory_space<hbm>> -> memref<8x128xi32, #tpu.memory_space<hbm>>
        %dma_start3A_493 = arith.constant 0 : i32
        %dma_start3A_494 = arith.constant 0 : i32
        %dma_start3A_495 = tpu.memref_slice %arg6[%run_scoped3A_143, %dma_start3A_493, %dma_start3A_494] : memref<2x8x128xi32, #tpu.memory_space<vmem>> -> memref<1x8x128xi32, #tpu.memory_space<vmem>>
        %dma_start3A_496 = tpu.memref_squeeze %dma_start3A_495 : memref<1x8x128xi32, #tpu.memory_space<vmem>> -> memref<8x128xi32, #tpu.memory_space<vmem>>
        %dma_start3A_497 = arith.constant 0 : i32
        %dma_start3A_498 = tpu.memref_slice %arg3[%multiple_of3A_142, %dma_start3A_497] : memref<50176x128xi32, #tpu.memory_space<hbm>> -> memref<8x128xi32, #tpu.memory_space<hbm>>
        tpu.enqueue_dma source(%dma_start3A_498 : memref<8x128xi32, #tpu.memory_space<hbm>>) target(%dma_start3A_496 : memref<8x128xi32, #tpu.memory_space<vmem>>) target_semaphore(%run_scoped3A_486 : memref<!tpu.dma_semaphore, #tpu.memory_space<semaphore_mem>>)
        %dma_wait3A_499 = arith.constant 0 : i32
        %dma_wait3A_500 = arith.constant 0 : i32
        %dma_wait3A_501 = tpu.memref_slice %arg6[%run_scoped3A_143, %dma_wait3A_499, %dma_wait3A_500] : memref<2x8x128xi32, #tpu.memory_space<vmem>> -> memref<1x8x128xi32, #tpu.memory_space<vmem>>
        %dma_wait3A_502 = tpu.memref_squeeze %dma_wait3A_501 : memref<1x8x128xi32, #tpu.memory_space<vmem>> -> memref<8x128xi32, #tpu.memory_space<vmem>>
        %dma_wait3A_503 = arith.constant 0 : i32
        %dma_wait3A_504 = tpu.memref_slice %arg3[%multiple_of3A_142, %dma_wait3A_503] : memref<50176x128xi32, #tpu.memory_space<hbm>> -> memref<8x128xi32, #tpu.memory_space<hbm>>
        %dma_wait3A_505 = arith.constant 0 : i32
        %dma_wait3A_506 = arith.constant 0 : i32
        %dma_wait3A_507 = tpu.memref_slice %arg6[%run_scoped3A_143, %dma_wait3A_505, %dma_wait3A_506] : memref<2x8x128xi32, #tpu.memory_space<vmem>> -> memref<1x8x128xi32, #tpu.memory_space<vmem>>
        %dma_wait3A_508 = tpu.memref_squeeze %dma_wait3A_507 : memref<1x8x128xi32, #tpu.memory_space<vmem>> -> memref<8x128xi32, #tpu.memory_space<vmem>>
        %dma_wait3A_509 = arith.constant 0 : i32
        %dma_wait3A_510 = tpu.memref_slice %arg3[%multiple_of3A_142, %dma_wait3A_509] : memref<50176x128xi32, #tpu.memory_space<hbm>> -> memref<8x128xi32, #tpu.memory_space<hbm>>
        tpu.wait_dma2 semaphore(%run_scoped3A_486 : memref<!tpu.dma_semaphore, #tpu.memory_space<semaphore_mem>>) src(%dma_wait3A_510 : memref<8x128xi32, #tpu.memory_space<hbm>>) dst(%dma_wait3A_508 : memref<8x128xi32, #tpu.memory_space<vmem>>)
        tpu.yield
      }) : () -> ()
      %dma_start3A_144 = arith.constant 1 : i32
      %dma_start3A_145 = arith.constant 0 : i32
      %dma_start3A_146 = arith.constant 1 : i32
      %dma_start3A_147 = arith.constant 0 : i32
      %dma_start3A_148 = arith.constant 0 : i32
      %dma_start3A_149 = arith.constant 0 : i32
      %dma_start3A_150 = tpu.memref_slice %arg7[%dma_start3A_146, %dma_start3A_147, %dma_start3A_148, %dma_start3A_149] : memref<2x4x128x16xf32, #tpu.memory_space<vmem>> -> memref<1x1x128x16xf32, #tpu.memory_space<vmem>>
      %dma_start3A_151 = tpu.memref_squeeze %dma_start3A_150 : memref<1x1x128x16xf32, #tpu.memory_space<vmem>> -> memref<128x16xf32, #tpu.memory_space<vmem>>
      %dma_start3A_152 = arith.constant 0 : i32
      %dma_start3A_153 = tpu.memref_slice %arg6[%dma_start3A_144, %dma_start3A_145, %dma_start3A_152] : memref<2x8x128xi32, #tpu.memory_space<vmem>> -> memref<1x1x128xi32, #tpu.memory_space<vmem>>
      %dma_start3A_154 = tpu.memref_squeeze %dma_start3A_153 : memref<1x1x128xi32, #tpu.memory_space<vmem>> -> memref<128xi32, #tpu.memory_space<vmem>>
      %dma_start3A_155 = arith.constant 0 : i32
      %dma_start3A_156 = arith.constant 0 : i32
      %dma_start3A_157 = tpu.memref_slice %arg2[%dma_start3A_155, %dma_start3A_156] : memref<100352x16xf32, #tpu.memory_space<hbm>> -> memref<100352x16xf32, #tpu.memory_space<hbm>>
      tpu.enqueue_indirect_dma source(%dma_start3A_157 : memref<100352x16xf32, #tpu.memory_space<hbm>>) target(%dma_start3A_151 : memref<128x16xf32, #tpu.memory_space<vmem>>) offsets(%dma_start3A_154 : memref<128xi32, #tpu.memory_space<vmem>>) semaphore(%arg10 : memref<!tpu.dma_semaphore, #tpu.memory_space<semaphore_mem>>)
      %dma_start3A_158 = arith.constant 1 : i32
      %dma_start3A_159 = arith.constant 2 : i32
      %dma_start3A_160 = arith.constant 1 : i32
      %dma_start3A_161 = arith.constant 1 : i32
      %dma_start3A_162 = arith.constant 0 : i32
      %dma_start3A_163 = arith.constant 0 : i32
      %dma_start3A_164 = tpu.memref_slice %arg7[%dma_start3A_160, %dma_start3A_161, %dma_start3A_162, %dma_start3A_163] : memref<2x4x128x16xf32, #tpu.memory_space<vmem>> -> memref<1x1x128x16xf32, #tpu.memory_space<vmem>>
      %dma_start3A_165 = tpu.memref_squeeze %dma_start3A_164 : memref<1x1x128x16xf32, #tpu.memory_space<vmem>> -> memref<128x16xf32, #tpu.memory_space<vmem>>
      %dma_start3A_166 = arith.constant 0 : i32
      %dma_start3A_167 = tpu.memref_slice %arg6[%dma_start3A_158, %dma_start3A_159, %dma_start3A_166] : memref<2x8x128xi32, #tpu.memory_space<vmem>> -> memref<1x1x128xi32, #tpu.memory_space<vmem>>
      %dma_start3A_168 = tpu.memref_squeeze %dma_start3A_167 : memref<1x1x128xi32, #tpu.memory_space<vmem>> -> memref<128xi32, #tpu.memory_space<vmem>>
      %dma_start3A_169 = arith.constant 0 : i32
      %dma_start3A_170 = arith.constant 0 : i32
      %dma_start3A_171 = tpu.memref_slice %arg2[%dma_start3A_169, %dma_start3A_170] : memref<100352x16xf32, #tpu.memory_space<hbm>> -> memref<100352x16xf32, #tpu.memory_space<hbm>>
      tpu.enqueue_indirect_dma source(%dma_start3A_171 : memref<100352x16xf32, #tpu.memory_space<hbm>>) target(%dma_start3A_165 : memref<128x16xf32, #tpu.memory_space<vmem>>) offsets(%dma_start3A_168 : memref<128xi32, #tpu.memory_space<vmem>>) semaphore(%arg10 : memref<!tpu.dma_semaphore, #tpu.memory_space<semaphore_mem>>)
      %dma_start3A_172 = arith.constant 1 : i32
      %dma_start3A_173 = arith.constant 4 : i32
      %dma_start3A_174 = arith.constant 1 : i32
      %dma_start3A_175 = arith.constant 2 : i32
      %dma_start3A_176 = arith.constant 0 : i32
      %dma_start3A_177 = arith.constant 0 : i32
      %dma_start3A_178 = tpu.memref_slice %arg7[%dma_start3A_174, %dma_start3A_175, %dma_start3A_176, %dma_start3A_177] : memref<2x4x128x16xf32, #tpu.memory_space<vmem>> -> memref<1x1x128x16xf32, #tpu.memory_space<vmem>>
      %dma_start3A_179 = tpu.memref_squeeze %dma_start3A_178 : memref<1x1x128x16xf32, #tpu.memory_space<vmem>> -> memref<128x16xf32, #tpu.memory_space<vmem>>
      %dma_start3A_180 = arith.constant 0 : i32
      %dma_start3A_181 = tpu.memref_slice %arg6[%dma_start3A_172, %dma_start3A_173, %dma_start3A_180] : memref<2x8x128xi32, #tpu.memory_space<vmem>> -> memref<1x1x128xi32, #tpu.memory_space<vmem>>
      %dma_start3A_182 = tpu.memref_squeeze %dma_start3A_181 : memref<1x1x128xi32, #tpu.memory_space<vmem>> -> memref<128xi32, #tpu.memory_space<vmem>>
      %dma_start3A_183 = arith.constant 0 : i32
      %dma_start3A_184 = arith.constant 0 : i32
      %dma_start3A_185 = tpu.memref_slice %arg2[%dma_start3A_183, %dma_start3A_184] : memref<100352x16xf32, #tpu.memory_space<hbm>> -> memref<100352x16xf32, #tpu.memory_space<hbm>>
      tpu.enqueue_indirect_dma source(%dma_start3A_185 : memref<100352x16xf32, #tpu.memory_space<hbm>>) target(%dma_start3A_179 : memref<128x16xf32, #tpu.memory_space<vmem>>) offsets(%dma_start3A_182 : memref<128xi32, #tpu.memory_space<vmem>>) semaphore(%arg10 : memref<!tpu.dma_semaphore, #tpu.memory_space<semaphore_mem>>)
      %dma_start3A_186 = arith.constant 1 : i32
      %dma_start3A_187 = arith.constant 6 : i32
      %dma_start3A_188 = arith.constant 1 : i32
      %dma_start3A_189 = arith.constant 3 : i32
      %dma_start3A_190 = arith.constant 0 : i32
      %dma_start3A_191 = arith.constant 0 : i32
      %dma_start3A_192 = tpu.memref_slice %arg7[%dma_start3A_188, %dma_start3A_189, %dma_start3A_190, %dma_start3A_191] : memref<2x4x128x16xf32, #tpu.memory_space<vmem>> -> memref<1x1x128x16xf32, #tpu.memory_space<vmem>>
      %dma_start3A_193 = tpu.memref_squeeze %dma_start3A_192 : memref<1x1x128x16xf32, #tpu.memory_space<vmem>> -> memref<128x16xf32, #tpu.memory_space<vmem>>
      %dma_start3A_194 = arith.constant 0 : i32
      %dma_start3A_195 = tpu.memref_slice %arg6[%dma_start3A_186, %dma_start3A_187, %dma_start3A_194] : memref<2x8x128xi32, #tpu.memory_space<vmem>> -> memref<1x1x128xi32, #tpu.memory_space<vmem>>
      %dma_start3A_196 = tpu.memref_squeeze %dma_start3A_195 : memref<1x1x128xi32, #tpu.memory_space<vmem>> -> memref<128xi32, #tpu.memory_space<vmem>>
      %dma_start3A_197 = arith.constant 0 : i32
      %dma_start3A_198 = arith.constant 0 : i32
      %dma_start3A_199 = tpu.memref_slice %arg2[%dma_start3A_197, %dma_start3A_198] : memref<100352x16xf32, #tpu.memory_space<hbm>> -> memref<100352x16xf32, #tpu.memory_space<hbm>>
      tpu.enqueue_indirect_dma source(%dma_start3A_199 : memref<100352x16xf32, #tpu.memory_space<hbm>>) target(%dma_start3A_193 : memref<128x16xf32, #tpu.memory_space<vmem>>) offsets(%dma_start3A_196 : memref<128xi32, #tpu.memory_space<vmem>>) semaphore(%arg10 : memref<!tpu.dma_semaphore, #tpu.memory_space<semaphore_mem>>)
      %dma_wait3A_200 = arith.constant 0 : i32
      %dma_wait3A_201 = arith.constant 0 : i32
      %dma_wait3A_202 = arith.constant 0 : i32
      %dma_wait3A_203 = arith.constant 0 : i32
      %dma_wait3A_204 = arith.constant 0 : i32
      %dma_wait3A_205 = arith.constant 0 : i32
      %dma_wait3A_206 = tpu.memref_slice %arg7[%dma_wait3A_202, %dma_wait3A_203, %dma_wait3A_204, %dma_wait3A_205] : memref<2x4x128x16xf32, #tpu.memory_space<vmem>> -> memref<1x1x128x16xf32, #tpu.memory_space<vmem>>
      %dma_wait3A_207 = tpu.memref_squeeze %dma_wait3A_206 : memref<1x1x128x16xf32, #tpu.memory_space<vmem>> -> memref<128x16xf32, #tpu.memory_space<vmem>>
      %dma_wait3A_208 = arith.constant 0 : i32
      %dma_wait3A_209 = tpu.memref_slice %arg6[%dma_wait3A_200, %dma_wait3A_201, %dma_wait3A_208] : memref<2x8x128xi32, #tpu.memory_space<vmem>> -> memref<1x1x128xi32, #tpu.memory_space<vmem>>
      %dma_wait3A_210 = tpu.memref_squeeze %dma_wait3A_209 : memref<1x1x128xi32, #tpu.memory_space<vmem>> -> memref<128xi32, #tpu.memory_space<vmem>>
      %dma_wait3A_211 = arith.constant 0 : i32
      %dma_wait3A_212 = arith.constant 0 : i32
      %dma_wait3A_213 = tpu.memref_slice %arg2[%dma_wait3A_211, %dma_wait3A_212] : memref<100352x16xf32, #tpu.memory_space<hbm>> -> memref<100352x16xf32, #tpu.memory_space<hbm>>
      tpu.wait_indirect_dma semaphore(%arg9 : memref<!tpu.dma_semaphore, #tpu.memory_space<semaphore_mem>>) src(%dma_wait3A_213 : memref<100352x16xf32, #tpu.memory_space<hbm>>) dst(%dma_wait3A_207 : memref<128x16xf32, #tpu.memory_space<vmem>>)
      %dma_wait3A_214 = arith.constant 0 : i32
      %dma_wait3A_215 = arith.constant 2 : i32
      %dma_wait3A_216 = arith.constant 0 : i32
      %dma_wait3A_217 = arith.constant 1 : i32
      %dma_wait3A_218 = arith.constant 0 : i32
      %dma_wait3A_219 = arith.constant 0 : i32
      %dma_wait3A_220 = tpu.memref_slice %arg7[%dma_wait3A_216, %dma_wait3A_217, %dma_wait3A_218, %dma_wait3A_219] : memref<2x4x128x16xf32, #tpu.memory_space<vmem>> -> memref<1x1x128x16xf32, #tpu.memory_space<vmem>>
      %dma_wait3A_221 = tpu.memref_squeeze %dma_wait3A_220 : memref<1x1x128x16xf32, #tpu.memory_space<vmem>> -> memref<128x16xf32, #tpu.memory_space<vmem>>
      %dma_wait3A_222 = arith.constant 0 : i32
      %dma_wait3A_223 = tpu.memref_slice %arg6[%dma_wait3A_214, %dma_wait3A_215, %dma_wait3A_222] : memref<2x8x128xi32, #tpu.memory_space<vmem>> -> memref<1x1x128xi32, #tpu.memory_space<vmem>>
      %dma_wait3A_224 = tpu.memref_squeeze %dma_wait3A_223 : memref<1x1x128xi32, #tpu.memory_space<vmem>> -> memref<128xi32, #tpu.memory_space<vmem>>
      %dma_wait3A_225 = arith.constant 0 : i32
      %dma_wait3A_226 = arith.constant 0 : i32
      %dma_wait3A_227 = tpu.memref_slice %arg2[%dma_wait3A_225, %dma_wait3A_226] : memref<100352x16xf32, #tpu.memory_space<hbm>> -> memref<100352x16xf32, #tpu.memory_space<hbm>>
      tpu.wait_indirect_dma semaphore(%arg9 : memref<!tpu.dma_semaphore, #tpu.memory_space<semaphore_mem>>) src(%dma_wait3A_227 : memref<100352x16xf32, #tpu.memory_space<hbm>>) dst(%dma_wait3A_221 : memref<128x16xf32, #tpu.memory_space<vmem>>)
      %dma_wait3A_228 = arith.constant 0 : i32
      %dma_wait3A_229 = arith.constant 4 : i32
      %dma_wait3A_230 = arith.constant 0 : i32
      %dma_wait3A_231 = arith.constant 2 : i32
      %dma_wait3A_232 = arith.constant 0 : i32
      %dma_wait3A_233 = arith.constant 0 : i32
      %dma_wait3A_234 = tpu.memref_slice %arg7[%dma_wait3A_230, %dma_wait3A_231, %dma_wait3A_232, %dma_wait3A_233] : memref<2x4x128x16xf32, #tpu.memory_space<vmem>> -> memref<1x1x128x16xf32, #tpu.memory_space<vmem>>
      %dma_wait3A_235 = tpu.memref_squeeze %dma_wait3A_234 : memref<1x1x128x16xf32, #tpu.memory_space<vmem>> -> memref<128x16xf32, #tpu.memory_space<vmem>>
      %dma_wait3A_236 = arith.constant 0 : i32
      %dma_wait3A_237 = tpu.memref_slice %arg6[%dma_wait3A_228, %dma_wait3A_229, %dma_wait3A_236] : memref<2x8x128xi32, #tpu.memory_space<vmem>> -> memref<1x1x128xi32, #tpu.memory_space<vmem>>
      %dma_wait3A_238 = tpu.memref_squeeze %dma_wait3A_237 : memref<1x1x128xi32, #tpu.memory_space<vmem>> -> memref<128xi32, #tpu.memory_space<vmem>>
      %dma_wait3A_239 = arith.constant 0 : i32
      %dma_wait3A_240 = arith.constant 0 : i32
      %dma_wait3A_241 = tpu.memref_slice %arg2[%dma_wait3A_239, %dma_wait3A_240] : memref<100352x16xf32, #tpu.memory_space<hbm>> -> memref<100352x16xf32, #tpu.memory_space<hbm>>
      tpu.wait_indirect_dma semaphore(%arg9 : memref<!tpu.dma_semaphore, #tpu.memory_space<semaphore_mem>>) src(%dma_wait3A_241 : memref<100352x16xf32, #tpu.memory_space<hbm>>) dst(%dma_wait3A_235 : memref<128x16xf32, #tpu.memory_space<vmem>>)
      %dma_wait3A_242 = arith.constant 0 : i32
      %dma_wait3A_243 = arith.constant 6 : i32
      %dma_wait3A_244 = arith.constant 0 : i32
      %dma_wait3A_245 = arith.constant 3 : i32
      %dma_wait3A_246 = arith.constant 0 : i32
      %dma_wait3A_247 = arith.constant 0 : i32
      %dma_wait3A_248 = tpu.memref_slice %arg7[%dma_wait3A_244, %dma_wait3A_245, %dma_wait3A_246, %dma_wait3A_247] : memref<2x4x128x16xf32, #tpu.memory_space<vmem>> -> memref<1x1x128x16xf32, #tpu.memory_space<vmem>>
      %dma_wait3A_249 = tpu.memref_squeeze %dma_wait3A_248 : memref<1x1x128x16xf32, #tpu.memory_space<vmem>> -> memref<128x16xf32, #tpu.memory_space<vmem>>
      %dma_wait3A_250 = arith.constant 0 : i32
      %dma_wait3A_251 = tpu.memref_slice %arg6[%dma_wait3A_242, %dma_wait3A_243, %dma_wait3A_250] : memref<2x8x128xi32, #tpu.memory_space<vmem>> -> memref<1x1x128xi32, #tpu.memory_space<vmem>>
      %dma_wait3A_252 = tpu.memref_squeeze %dma_wait3A_251 : memref<1x1x128xi32, #tpu.memory_space<vmem>> -> memref<128xi32, #tpu.memory_space<vmem>>
      %dma_wait3A_253 = arith.constant 0 : i32
      %dma_wait3A_254 = arith.constant 0 : i32
      %dma_wait3A_255 = tpu.memref_slice %arg2[%dma_wait3A_253, %dma_wait3A_254] : memref<100352x16xf32, #tpu.memory_space<hbm>> -> memref<100352x16xf32, #tpu.memory_space<hbm>>
      tpu.wait_indirect_dma semaphore(%arg9 : memref<!tpu.dma_semaphore, #tpu.memory_space<semaphore_mem>>) src(%dma_wait3A_255 : memref<100352x16xf32, #tpu.memory_space<hbm>>) dst(%dma_wait3A_249 : memref<128x16xf32, #tpu.memory_space<vmem>>)
      %dma_start3A_256 = arith.constant 0 : i32
      %dma_start3A_257 = arith.constant 0 : i32
      %dma_start3A_258 = arith.constant 0 : i32
      %dma_start3A_259 = arith.constant 1 : i32
      %dma_start3A_260 = arith.constant 0 : i32
      %dma_start3A_261 = arith.constant 0 : i32
      %dma_start3A_262 = tpu.memref_slice %arg7[%dma_start3A_256, %dma_start3A_257, %dma_start3A_260, %dma_start3A_261] : memref<2x4x128x16xf32, #tpu.memory_space<vmem>> -> memref<1x1x128x16xf32, #tpu.memory_space<vmem>>
      %dma_start3A_263 = tpu.memref_squeeze %dma_start3A_262 : memref<1x1x128x16xf32, #tpu.memory_space<vmem>> -> memref<128x16xf32, #tpu.memory_space<vmem>>
      %dma_start3A_264 = arith.constant 0 : i32
      %dma_start3A_265 = tpu.memref_slice %arg6[%dma_start3A_258, %dma_start3A_259, %dma_start3A_264] : memref<2x8x128xi32, #tpu.memory_space<vmem>> -> memref<1x1x128xi32, #tpu.memory_space<vmem>>
      %dma_start3A_266 = tpu.memref_squeeze %dma_start3A_265 : memref<1x1x128xi32, #tpu.memory_space<vmem>> -> memref<128xi32, #tpu.memory_space<vmem>>
      %dma_start3A_267 = arith.constant 0 : i32
      %dma_start3A_268 = arith.constant 0 : i32
      %dma_start3A_269 = tpu.memref_slice %arg8[%dma_start3A_267, %dma_start3A_268] : memref<100352x16xf32, #tpu.memory_space<vmem_shared>> -> memref<100352x16xf32, #tpu.memory_space<vmem_shared>>
      tpu.enqueue_indirect_dma source(%dma_start3A_263 : memref<128x16xf32, #tpu.memory_space<vmem>>) target(%dma_start3A_269 : memref<100352x16xf32, #tpu.memory_space<vmem_shared>>) offsets(%dma_start3A_266 : memref<128xi32, #tpu.memory_space<vmem>>) semaphore(%arg11 : memref<!tpu.dma_semaphore, #tpu.memory_space<semaphore_mem>>) {add = true}
      %dma_start3A_270 = arith.constant 0 : i32
      %dma_start3A_271 = arith.constant 1 : i32
      %dma_start3A_272 = arith.constant 0 : i32
      %dma_start3A_273 = arith.constant 3 : i32
      %dma_start3A_274 = arith.constant 0 : i32
      %dma_start3A_275 = arith.constant 0 : i32
      %dma_start3A_276 = tpu.memref_slice %arg7[%dma_start3A_270, %dma_start3A_271, %dma_start3A_274, %dma_start3A_275] : memref<2x4x128x16xf32, #tpu.memory_space<vmem>> -> memref<1x1x128x16xf32, #tpu.memory_space<vmem>>
      %dma_start3A_277 = tpu.memref_squeeze %dma_start3A_276 : memref<1x1x128x16xf32, #tpu.memory_space<vmem>> -> memref<128x16xf32, #tpu.memory_space<vmem>>
      %dma_start3A_278 = arith.constant 0 : i32
      %dma_start3A_279 = tpu.memref_slice %arg6[%dma_start3A_272, %dma_start3A_273, %dma_start3A_278] : memref<2x8x128xi32, #tpu.memory_space<vmem>> -> memref<1x1x128xi32, #tpu.memory_space<vmem>>
      %dma_start3A_280 = tpu.memref_squeeze %dma_start3A_279 : memref<1x1x128xi32, #tpu.memory_space<vmem>> -> memref<128xi32, #tpu.memory_space<vmem>>
      %dma_start3A_281 = arith.constant 0 : i32
      %dma_start3A_282 = arith.constant 0 : i32
      %dma_start3A_283 = tpu.memref_slice %arg8[%dma_start3A_281, %dma_start3A_282] : memref<100352x16xf32, #tpu.memory_space<vmem_shared>> -> memref<100352x16xf32, #tpu.memory_space<vmem_shared>>
      tpu.enqueue_indirect_dma source(%dma_start3A_277 : memref<128x16xf32, #tpu.memory_space<vmem>>) target(%dma_start3A_283 : memref<100352x16xf32, #tpu.memory_space<vmem_shared>>) offsets(%dma_start3A_280 : memref<128xi32, #tpu.memory_space<vmem>>) semaphore(%arg11 : memref<!tpu.dma_semaphore, #tpu.memory_space<semaphore_mem>>) {add = true}
      %dma_start3A_284 = arith.constant 0 : i32
      %dma_start3A_285 = arith.constant 2 : i32
      %dma_start3A_286 = arith.constant 0 : i32
      %dma_start3A_287 = arith.constant 5 : i32
      %dma_start3A_288 = arith.constant 0 : i32
      %dma_start3A_289 = arith.constant 0 : i32
      %dma_start3A_290 = tpu.memref_slice %arg7[%dma_start3A_284, %dma_start3A_285, %dma_start3A_288, %dma_start3A_289] : memref<2x4x128x16xf32, #tpu.memory_space<vmem>> -> memref<1x1x128x16xf32, #tpu.memory_space<vmem>>
      %dma_start3A_291 = tpu.memref_squeeze %dma_start3A_290 : memref<1x1x128x16xf32, #tpu.memory_space<vmem>> -> memref<128x16xf32, #tpu.memory_space<vmem>>
      %dma_start3A_292 = arith.constant 0 : i32
      %dma_start3A_293 = tpu.memref_slice %arg6[%dma_start3A_286, %dma_start3A_287, %dma_start3A_292] : memref<2x8x128xi32, #tpu.memory_space<vmem>> -> memref<1x1x128xi32, #tpu.memory_space<vmem>>
      %dma_start3A_294 = tpu.memref_squeeze %dma_start3A_293 : memref<1x1x128xi32, #tpu.memory_space<vmem>> -> memref<128xi32, #tpu.memory_space<vmem>>
      %dma_start3A_295 = arith.constant 0 : i32
      %dma_start3A_296 = arith.constant 0 : i32
      %dma_start3A_297 = tpu.memref_slice %arg8[%dma_start3A_295, %dma_start3A_296] : memref<100352x16xf32, #tpu.memory_space<vmem_shared>> -> memref<100352x16xf32, #tpu.memory_space<vmem_shared>>
      tpu.enqueue_indirect_dma source(%dma_start3A_291 : memref<128x16xf32, #tpu.memory_space<vmem>>) target(%dma_start3A_297 : memref<100352x16xf32, #tpu.memory_space<vmem_shared>>) offsets(%dma_start3A_294 : memref<128xi32, #tpu.memory_space<vmem>>) semaphore(%arg11 : memref<!tpu.dma_semaphore, #tpu.memory_space<semaphore_mem>>) {add = true}
      %dma_start3A_298 = arith.constant 0 : i32
      %dma_start3A_299 = arith.constant 3 : i32
      %dma_start3A_300 = arith.constant 0 : i32
      %dma_start3A_301 = arith.constant 7 : i32
      %dma_start3A_302 = arith.constant 0 : i32
      %dma_start3A_303 = arith.constant 0 : i32
      %dma_start3A_304 = tpu.memref_slice %arg7[%dma_start3A_298, %dma_start3A_299, %dma_start3A_302, %dma_start3A_303] : memref<2x4x128x16xf32, #tpu.memory_space<vmem>> -> memref<1x1x128x16xf32, #tpu.memory_space<vmem>>
      %dma_start3A_305 = tpu.memref_squeeze %dma_start3A_304 : memref<1x1x128x16xf32, #tpu.memory_space<vmem>> -> memref<128x16xf32, #tpu.memory_space<vmem>>
      %dma_start3A_306 = arith.constant 0 : i32
      %dma_start3A_307 = tpu.memref_slice %arg6[%dma_start3A_300, %dma_start3A_301, %dma_start3A_306] : memref<2x8x128xi32, #tpu.memory_space<vmem>> -> memref<1x1x128xi32, #tpu.memory_space<vmem>>
      %dma_start3A_308 = tpu.memref_squeeze %dma_start3A_307 : memref<1x1x128xi32, #tpu.memory_space<vmem>> -> memref<128xi32, #tpu.memory_space<vmem>>
      %dma_start3A_309 = arith.constant 0 : i32
      %dma_start3A_310 = arith.constant 0 : i32
      %dma_start3A_311 = tpu.memref_slice %arg8[%dma_start3A_309, %dma_start3A_310] : memref<100352x16xf32, #tpu.memory_space<vmem_shared>> -> memref<100352x16xf32, #tpu.memory_space<vmem_shared>>
      tpu.enqueue_indirect_dma source(%dma_start3A_305 : memref<128x16xf32, #tpu.memory_space<vmem>>) target(%dma_start3A_311 : memref<100352x16xf32, #tpu.memory_space<vmem_shared>>) offsets(%dma_start3A_308 : memref<128xi32, #tpu.memory_space<vmem>>) semaphore(%arg11 : memref<!tpu.dma_semaphore, #tpu.memory_space<semaphore_mem>>) {add = true}
      %dma_wait3A_312 = arith.constant 0 : i32
      %dma_wait3A_313 = arith.constant 0 : i32
      %dma_wait3A_314 = arith.constant 0 : i32
      %dma_wait3A_315 = arith.constant 1 : i32
      %dma_wait3A_316 = arith.constant 0 : i32
      %dma_wait3A_317 = arith.constant 0 : i32
      %dma_wait3A_318 = tpu.memref_slice %arg7[%dma_wait3A_312, %dma_wait3A_313, %dma_wait3A_316, %dma_wait3A_317] : memref<2x4x128x16xf32, #tpu.memory_space<vmem>> -> memref<1x1x128x16xf32, #tpu.memory_space<vmem>>
      %dma_wait3A_319 = tpu.memref_squeeze %dma_wait3A_318 : memref<1x1x128x16xf32, #tpu.memory_space<vmem>> -> memref<128x16xf32, #tpu.memory_space<vmem>>
      %dma_wait3A_320 = arith.constant 0 : i32
      %dma_wait3A_321 = tpu.memref_slice %arg6[%dma_wait3A_314, %dma_wait3A_315, %dma_wait3A_320] : memref<2x8x128xi32, #tpu.memory_space<vmem>> -> memref<1x1x128xi32, #tpu.memory_space<vmem>>
      %dma_wait3A_322 = tpu.memref_squeeze %dma_wait3A_321 : memref<1x1x128xi32, #tpu.memory_space<vmem>> -> memref<128xi32, #tpu.memory_space<vmem>>
      %dma_wait3A_323 = arith.constant 0 : i32
      %dma_wait3A_324 = arith.constant 0 : i32
      %dma_wait3A_325 = tpu.memref_slice %arg8[%dma_wait3A_323, %dma_wait3A_324] : memref<100352x16xf32, #tpu.memory_space<vmem_shared>> -> memref<100352x16xf32, #tpu.memory_space<vmem_shared>>
      tpu.wait_indirect_dma semaphore(%arg11 : memref<!tpu.dma_semaphore, #tpu.memory_space<semaphore_mem>>) src(%dma_wait3A_319 : memref<128x16xf32, #tpu.memory_space<vmem>>) dst(%dma_wait3A_325 : memref<100352x16xf32, #tpu.memory_space<vmem_shared>>)
      %dma_wait3A_326 = arith.constant 0 : i32
      %dma_wait3A_327 = arith.constant 1 : i32
      %dma_wait3A_328 = arith.constant 0 : i32
      %dma_wait3A_329 = arith.constant 3 : i32
      %dma_wait3A_330 = arith.constant 0 : i32
      %dma_wait3A_331 = arith.constant 0 : i32
      %dma_wait3A_332 = tpu.memref_slice %arg7[%dma_wait3A_326, %dma_wait3A_327, %dma_wait3A_330, %dma_wait3A_331] : memref<2x4x128x16xf32, #tpu.memory_space<vmem>> -> memref<1x1x128x16xf32, #tpu.memory_space<vmem>>
      %dma_wait3A_333 = tpu.memref_squeeze %dma_wait3A_332 : memref<1x1x128x16xf32, #tpu.memory_space<vmem>> -> memref<128x16xf32, #tpu.memory_space<vmem>>
      %dma_wait3A_334 = arith.constant 0 : i32
      %dma_wait3A_335 = tpu.memref_slice %arg6[%dma_wait3A_328, %dma_wait3A_329, %dma_wait3A_334] : memref<2x8x128xi32, #tpu.memory_space<vmem>> -> memref<1x1x128xi32, #tpu.memory_space<vmem>>
      %dma_wait3A_336 = tpu.memref_squeeze %dma_wait3A_335 : memref<1x1x128xi32, #tpu.memory_space<vmem>> -> memref<128xi32, #tpu.memory_space<vmem>>
      %dma_wait3A_337 = arith.constant 0 : i32
      %dma_wait3A_338 = arith.constant 0 : i32
      %dma_wait3A_339 = tpu.memref_slice %arg8[%dma_wait3A_337, %dma_wait3A_338] : memref<100352x16xf32, #tpu.memory_space<vmem_shared>> -> memref<100352x16xf32, #tpu.memory_space<vmem_shared>>
      tpu.wait_indirect_dma semaphore(%arg11 : memref<!tpu.dma_semaphore, #tpu.memory_space<semaphore_mem>>) src(%dma_wait3A_333 : memref<128x16xf32, #tpu.memory_space<vmem>>) dst(%dma_wait3A_339 : memref<100352x16xf32, #tpu.memory_space<vmem_shared>>)
      %dma_wait3A_340 = arith.constant 0 : i32
      %dma_wait3A_341 = arith.constant 2 : i32
      %dma_wait3A_342 = arith.constant 0 : i32
      %dma_wait3A_343 = arith.constant 5 : i32
      %dma_wait3A_344 = arith.constant 0 : i32
      %dma_wait3A_345 = arith.constant 0 : i32
      %dma_wait3A_346 = tpu.memref_slice %arg7[%dma_wait3A_340, %dma_wait3A_341, %dma_wait3A_344, %dma_wait3A_345] : memref<2x4x128x16xf32, #tpu.memory_space<vmem>> -> memref<1x1x128x16xf32, #tpu.memory_space<vmem>>
      %dma_wait3A_347 = tpu.memref_squeeze %dma_wait3A_346 : memref<1x1x128x16xf32, #tpu.memory_space<vmem>> -> memref<128x16xf32, #tpu.memory_space<vmem>>
      %dma_wait3A_348 = arith.constant 0 : i32
      %dma_wait3A_349 = tpu.memref_slice %arg6[%dma_wait3A_342, %dma_wait3A_343, %dma_wait3A_348] : memref<2x8x128xi32, #tpu.memory_space<vmem>> -> memref<1x1x128xi32, #tpu.memory_space<vmem>>
      %dma_wait3A_350 = tpu.memref_squeeze %dma_wait3A_349 : memref<1x1x128xi32, #tpu.memory_space<vmem>> -> memref<128xi32, #tpu.memory_space<vmem>>
      %dma_wait3A_351 = arith.constant 0 : i32
      %dma_wait3A_352 = arith.constant 0 : i32
      %dma_wait3A_353 = tpu.memref_slice %arg8[%dma_wait3A_351, %dma_wait3A_352] : memref<100352x16xf32, #tpu.memory_space<vmem_shared>> -> memref<100352x16xf32, #tpu.memory_space<vmem_shared>>
      tpu.wait_indirect_dma semaphore(%arg11 : memref<!tpu.dma_semaphore, #tpu.memory_space<semaphore_mem>>) src(%dma_wait3A_347 : memref<128x16xf32, #tpu.memory_space<vmem>>) dst(%dma_wait3A_353 : memref<100352x16xf32, #tpu.memory_space<vmem_shared>>)
      %dma_wait3A_354 = arith.constant 0 : i32
      %dma_wait3A_355 = arith.constant 3 : i32
      %dma_wait3A_356 = arith.constant 0 : i32
      %dma_wait3A_357 = arith.constant 7 : i32
      %dma_wait3A_358 = arith.constant 0 : i32
      %dma_wait3A_359 = arith.constant 0 : i32
      %dma_wait3A_360 = tpu.memref_slice %arg7[%dma_wait3A_354, %dma_wait3A_355, %dma_wait3A_358, %dma_wait3A_359] : memref<2x4x128x16xf32, #tpu.memory_space<vmem>> -> memref<1x1x128x16xf32, #tpu.memory_space<vmem>>
      %dma_wait3A_361 = tpu.memref_squeeze %dma_wait3A_360 : memref<1x1x128x16xf32, #tpu.memory_space<vmem>> -> memref<128x16xf32, #tpu.memory_space<vmem>>
      %dma_wait3A_362 = arith.constant 0 : i32
      %dma_wait3A_363 = tpu.memref_slice %arg6[%dma_wait3A_356, %dma_wait3A_357, %dma_wait3A_362] : memref<2x8x128xi32, #tpu.memory_space<vmem>> -> memref<1x1x128xi32, #tpu.memory_space<vmem>>
      %dma_wait3A_364 = tpu.memref_squeeze %dma_wait3A_363 : memref<1x1x128xi32, #tpu.memory_space<vmem>> -> memref<128xi32, #tpu.memory_space<vmem>>
      %dma_wait3A_365 = arith.constant 0 : i32
      %dma_wait3A_366 = arith.constant 0 : i32
      %dma_wait3A_367 = tpu.memref_slice %arg8[%dma_wait3A_365, %dma_wait3A_366] : memref<100352x16xf32, #tpu.memory_space<vmem_shared>> -> memref<100352x16xf32, #tpu.memory_space<vmem_shared>>
      tpu.wait_indirect_dma semaphore(%arg11 : memref<!tpu.dma_semaphore, #tpu.memory_space<semaphore_mem>>) src(%dma_wait3A_361 : memref<128x16xf32, #tpu.memory_space<vmem>>) dst(%dma_wait3A_367 : memref<100352x16xf32, #tpu.memory_space<vmem_shared>>)
      %add3A_368 = arith.constant 1 : i32
      %add3A_369 = arith.addi %scan3A_130, %add3A_368 : i32
      %lt3A = arith.constant 98 : i32
      %lt3A_370 = arith.cmpi slt, %add3A_369, %lt3A : i32
      %convert_element_type3A_371 = arith.extui %lt3A_370 : i1 to i32
      %cond3A_372 = arith.constant 0 : i32
      %cond3A_373 = arith.cmpi ne, %convert_element_type3A_371, %cond3A_372 : i32
      scf.if %cond3A_373 {
        %add3A_486 = arith.constant 2 : i32
        %add3A_487 = arith.addi %mul3A_132, %add3A_486 : i32
        %mul3A_488 = arith.constant 4 : i32
        %mul3A_489 = arith.muli %add3A_487, %mul3A_488 : i32
        %add3A_490 = arith.addi %mul3A_4, %mul3A_489 : i32
        %mul3A_491 = arith.constant 2 : i32
        %mul3A_492 = arith.muli %mul3A_491, %add3A_490 : i32
        %multiple_of3A_493 = tpu.assume_multiple %mul3A_492, 8 : i32
        %run_scoped3A_494 = arith.constant 0 : i32
        "tpu.region"() ({
          %run_scoped3A_551 = tpu.sem_alloc : memref<!tpu.dma_semaphore, #tpu.memory_space<semaphore_mem>>
          %dma_start3A_552 = arith.constant 0 : i32
          %dma_start3A_553 = arith.constant 0 : i32
          %dma_start3A_554 = tpu.memref_slice %arg6[%run_scoped3A_494, %dma_start3A_552, %dma_start3A_553] : memref<2x8x128xi32, #tpu.memory_space<vmem>> -> memref<1x8x128xi32, #tpu.memory_space<vmem>>
          %dma_start3A_555 = tpu.memref_squeeze %dma_start3A_554 : memref<1x8x128xi32, #tpu.memory_space<vmem>> -> memref<8x128xi32, #tpu.memory_space<vmem>>
          %dma_start3A_556 = arith.constant 0 : i32
          %dma_start3A_557 = tpu.memref_slice %arg3[%multiple_of3A_493, %dma_start3A_556] : memref<50176x128xi32, #tpu.memory_space<hbm>> -> memref<8x128xi32, #tpu.memory_space<hbm>>
          %dma_start3A_558 = arith.constant 0 : i32
          %dma_start3A_559 = arith.constant 0 : i32
          %dma_start3A_560 = tpu.memref_slice %arg6[%run_scoped3A_494, %dma_start3A_558, %dma_start3A_559] : memref<2x8x128xi32, #tpu.memory_space<vmem>> -> memref<1x8x128xi32, #tpu.memory_space<vmem>>
          %dma_start3A_561 = tpu.memref_squeeze %dma_start3A_560 : memref<1x8x128xi32, #tpu.memory_space<vmem>> -> memref<8x128xi32, #tpu.memory_space<vmem>>
          %dma_start3A_562 = arith.constant 0 : i32
          %dma_start3A_563 = tpu.memref_slice %arg3[%multiple_of3A_493, %dma_start3A_562] : memref<50176x128xi32, #tpu.memory_space<hbm>> -> memref<8x128xi32, #tpu.memory_space<hbm>>
          tpu.enqueue_dma source(%dma_start3A_563 : memref<8x128xi32, #tpu.memory_space<hbm>>) target(%dma_start3A_561 : memref<8x128xi32, #tpu.memory_space<vmem>>) target_semaphore(%run_scoped3A_551 : memref<!tpu.dma_semaphore, #tpu.memory_space<semaphore_mem>>)
          %dma_wait3A_564 = arith.constant 0 : i32
          %dma_wait3A_565 = arith.constant 0 : i32
          %dma_wait3A_566 = tpu.memref_slice %arg6[%run_scoped3A_494, %dma_wait3A_564, %dma_wait3A_565] : memref<2x8x128xi32, #tpu.memory_space<vmem>> -> memref<1x8x128xi32, #tpu.memory_space<vmem>>
          %dma_wait3A_567 = tpu.memref_squeeze %dma_wait3A_566 : memref<1x8x128xi32, #tpu.memory_space<vmem>> -> memref<8x128xi32, #tpu.memory_space<vmem>>
          %dma_wait3A_568 = arith.constant 0 : i32
          %dma_wait3A_569 = tpu.memref_slice %arg3[%multiple_of3A_493, %dma_wait3A_568] : memref<50176x128xi32, #tpu.memory_space<hbm>> -> memref<8x128xi32, #tpu.memory_space<hbm>>
          %dma_wait3A_570 = arith.constant 0 : i32
          %dma_wait3A_571 = arith.constant 0 : i32
          %dma_wait3A_572 = tpu.memref_slice %arg6[%run_scoped3A_494, %dma_wait3A_570, %dma_wait3A_571] : memref<2x8x128xi32, #tpu.memory_space<vmem>> -> memref<1x8x128xi32, #tpu.memory_space<vmem>>
          %dma_wait3A_573 = tpu.memref_squeeze %dma_wait3A_572 : memref<1x8x128xi32, #tpu.memory_space<vmem>> -> memref<8x128xi32, #tpu.memory_space<vmem>>
          %dma_wait3A_574 = arith.constant 0 : i32
          %dma_wait3A_575 = tpu.memref_slice %arg3[%multiple_of3A_493, %dma_wait3A_574] : memref<50176x128xi32, #tpu.memory_space<hbm>> -> memref<8x128xi32, #tpu.memory_space<hbm>>
          tpu.wait_dma2 semaphore(%run_scoped3A_551 : memref<!tpu.dma_semaphore, #tpu.memory_space<semaphore_mem>>) src(%dma_wait3A_575 : memref<8x128xi32, #tpu.memory_space<hbm>>) dst(%dma_wait3A_573 : memref<8x128xi32, #tpu.memory_space<vmem>>)
          tpu.yield
        }) : () -> ()
        %dma_start3A_495 = arith.constant 0 : i32
        %dma_start3A_496 = arith.constant 0 : i32
        %dma_start3A_497 = arith.constant 0 : i32
        %dma_start3A_498 = arith.constant 0 : i32
        %dma_start3A_499 = arith.constant 0 : i32
        %dma_start3A_500 = arith.constant 0 : i32
        %dma_start3A_501 = tpu.memref_slice %arg7[%dma_start3A_497, %dma_start3A_498, %dma_start3A_499, %dma_start3A_500] : memref<2x4x128x16xf32, #tpu.memory_space<vmem>> -> memref<1x1x128x16xf32, #tpu.memory_space<vmem>>
        %dma_start3A_502 = tpu.memref_squeeze %dma_start3A_501 : memref<1x1x128x16xf32, #tpu.memory_space<vmem>> -> memref<128x16xf32, #tpu.memory_space<vmem>>
        %dma_start3A_503 = arith.constant 0 : i32
        %dma_start3A_504 = tpu.memref_slice %arg6[%dma_start3A_495, %dma_start3A_496, %dma_start3A_503] : memref<2x8x128xi32, #tpu.memory_space<vmem>> -> memref<1x1x128xi32, #tpu.memory_space<vmem>>
        %dma_start3A_505 = tpu.memref_squeeze %dma_start3A_504 : memref<1x1x128xi32, #tpu.memory_space<vmem>> -> memref<128xi32, #tpu.memory_space<vmem>>
        %dma_start3A_506 = arith.constant 0 : i32
        %dma_start3A_507 = arith.constant 0 : i32
        %dma_start3A_508 = tpu.memref_slice %arg2[%dma_start3A_506, %dma_start3A_507] : memref<100352x16xf32, #tpu.memory_space<hbm>> -> memref<100352x16xf32, #tpu.memory_space<hbm>>
        tpu.enqueue_indirect_dma source(%dma_start3A_508 : memref<100352x16xf32, #tpu.memory_space<hbm>>) target(%dma_start3A_502 : memref<128x16xf32, #tpu.memory_space<vmem>>) offsets(%dma_start3A_505 : memref<128xi32, #tpu.memory_space<vmem>>) semaphore(%arg9 : memref<!tpu.dma_semaphore, #tpu.memory_space<semaphore_mem>>)
        %dma_start3A_509 = arith.constant 0 : i32
        %dma_start3A_510 = arith.constant 2 : i32
        %dma_start3A_511 = arith.constant 0 : i32
        %dma_start3A_512 = arith.constant 1 : i32
        %dma_start3A_513 = arith.constant 0 : i32
        %dma_start3A_514 = arith.constant 0 : i32
        %dma_start3A_515 = tpu.memref_slice %arg7[%dma_start3A_511, %dma_start3A_512, %dma_start3A_513, %dma_start3A_514] : memref<2x4x128x16xf32, #tpu.memory_space<vmem>> -> memref<1x1x128x16xf32, #tpu.memory_space<vmem>>
        %dma_start3A_516 = tpu.memref_squeeze %dma_start3A_515 : memref<1x1x128x16xf32, #tpu.memory_space<vmem>> -> memref<128x16xf32, #tpu.memory_space<vmem>>
        %dma_start3A_517 = arith.constant 0 : i32
        %dma_start3A_518 = tpu.memref_slice %arg6[%dma_start3A_509, %dma_start3A_510, %dma_start3A_517] : memref<2x8x128xi32, #tpu.memory_space<vmem>> -> memref<1x1x128xi32, #tpu.memory_space<vmem>>
        %dma_start3A_519 = tpu.memref_squeeze %dma_start3A_518 : memref<1x1x128xi32, #tpu.memory_space<vmem>> -> memref<128xi32, #tpu.memory_space<vmem>>
        %dma_start3A_520 = arith.constant 0 : i32
        %dma_start3A_521 = arith.constant 0 : i32
        %dma_start3A_522 = tpu.memref_slice %arg2[%dma_start3A_520, %dma_start3A_521] : memref<100352x16xf32, #tpu.memory_space<hbm>> -> memref<100352x16xf32, #tpu.memory_space<hbm>>
        tpu.enqueue_indirect_dma source(%dma_start3A_522 : memref<100352x16xf32, #tpu.memory_space<hbm>>) target(%dma_start3A_516 : memref<128x16xf32, #tpu.memory_space<vmem>>) offsets(%dma_start3A_519 : memref<128xi32, #tpu.memory_space<vmem>>) semaphore(%arg9 : memref<!tpu.dma_semaphore, #tpu.memory_space<semaphore_mem>>)
        %dma_start3A_523 = arith.constant 0 : i32
        %dma_start3A_524 = arith.constant 4 : i32
        %dma_start3A_525 = arith.constant 0 : i32
        %dma_start3A_526 = arith.constant 2 : i32
        %dma_start3A_527 = arith.constant 0 : i32
        %dma_start3A_528 = arith.constant 0 : i32
        %dma_start3A_529 = tpu.memref_slice %arg7[%dma_start3A_525, %dma_start3A_526, %dma_start3A_527, %dma_start3A_528] : memref<2x4x128x16xf32, #tpu.memory_space<vmem>> -> memref<1x1x128x16xf32, #tpu.memory_space<vmem>>
        %dma_start3A_530 = tpu.memref_squeeze %dma_start3A_529 : memref<1x1x128x16xf32, #tpu.memory_space<vmem>> -> memref<128x16xf32, #tpu.memory_space<vmem>>
        %dma_start3A_531 = arith.constant 0 : i32
        %dma_start3A_532 = tpu.memref_slice %arg6[%dma_start3A_523, %dma_start3A_524, %dma_start3A_531] : memref<2x8x128xi32, #tpu.memory_space<vmem>> -> memref<1x1x128xi32, #tpu.memory_space<vmem>>
        %dma_start3A_533 = tpu.memref_squeeze %dma_start3A_532 : memref<1x1x128xi32, #tpu.memory_space<vmem>> -> memref<128xi32, #tpu.memory_space<vmem>>
        %dma_start3A_534 = arith.constant 0 : i32
        %dma_start3A_535 = arith.constant 0 : i32
        %dma_start3A_536 = tpu.memref_slice %arg2[%dma_start3A_534, %dma_start3A_535] : memref<100352x16xf32, #tpu.memory_space<hbm>> -> memref<100352x16xf32, #tpu.memory_space<hbm>>
        tpu.enqueue_indirect_dma source(%dma_start3A_536 : memref<100352x16xf32, #tpu.memory_space<hbm>>) target(%dma_start3A_530 : memref<128x16xf32, #tpu.memory_space<vmem>>) offsets(%dma_start3A_533 : memref<128xi32, #tpu.memory_space<vmem>>) semaphore(%arg9 : memref<!tpu.dma_semaphore, #tpu.memory_space<semaphore_mem>>)
        %dma_start3A_537 = arith.constant 0 : i32
        %dma_start3A_538 = arith.constant 6 : i32
        %dma_start3A_539 = arith.constant 0 : i32
        %dma_start3A_540 = arith.constant 3 : i32
        %dma_start3A_541 = arith.constant 0 : i32
        %dma_start3A_542 = arith.constant 0 : i32
        %dma_start3A_543 = tpu.memref_slice %arg7[%dma_start3A_539, %dma_start3A_540, %dma_start3A_541, %dma_start3A_542] : memref<2x4x128x16xf32, #tpu.memory_space<vmem>> -> memref<1x1x128x16xf32, #tpu.memory_space<vmem>>
        %dma_start3A_544 = tpu.memref_squeeze %dma_start3A_543 : memref<1x1x128x16xf32, #tpu.memory_space<vmem>> -> memref<128x16xf32, #tpu.memory_space<vmem>>
        %dma_start3A_545 = arith.constant 0 : i32
        %dma_start3A_546 = tpu.memref_slice %arg6[%dma_start3A_537, %dma_start3A_538, %dma_start3A_545] : memref<2x8x128xi32, #tpu.memory_space<vmem>> -> memref<1x1x128xi32, #tpu.memory_space<vmem>>
        %dma_start3A_547 = tpu.memref_squeeze %dma_start3A_546 : memref<1x1x128xi32, #tpu.memory_space<vmem>> -> memref<128xi32, #tpu.memory_space<vmem>>
        %dma_start3A_548 = arith.constant 0 : i32
        %dma_start3A_549 = arith.constant 0 : i32
        %dma_start3A_550 = tpu.memref_slice %arg2[%dma_start3A_548, %dma_start3A_549] : memref<100352x16xf32, #tpu.memory_space<hbm>> -> memref<100352x16xf32, #tpu.memory_space<hbm>>
        tpu.enqueue_indirect_dma source(%dma_start3A_550 : memref<100352x16xf32, #tpu.memory_space<hbm>>) target(%dma_start3A_544 : memref<128x16xf32, #tpu.memory_space<vmem>>) offsets(%dma_start3A_547 : memref<128xi32, #tpu.memory_space<vmem>>) semaphore(%arg9 : memref<!tpu.dma_semaphore, #tpu.memory_space<semaphore_mem>>)
      } else {
      }
      %dma_wait3A_374 = arith.constant 1 : i32
      %dma_wait3A_375 = arith.constant 0 : i32
      %dma_wait3A_376 = arith.constant 1 : i32
      %dma_wait3A_377 = arith.constant 0 : i32
      %dma_wait3A_378 = arith.constant 0 : i32
      %dma_wait3A_379 = arith.constant 0 : i32
      %dma_wait3A_380 = tpu.memref_slice %arg7[%dma_wait3A_376, %dma_wait3A_377, %dma_wait3A_378, %dma_wait3A_379] : memref<2x4x128x16xf32, #tpu.memory_space<vmem>> -> memref<1x1x128x16xf32, #tpu.memory_space<vmem>>
      %dma_wait3A_381 = tpu.memref_squeeze %dma_wait3A_380 : memref<1x1x128x16xf32, #tpu.memory_space<vmem>> -> memref<128x16xf32, #tpu.memory_space<vmem>>
      %dma_wait3A_382 = arith.constant 0 : i32
      %dma_wait3A_383 = tpu.memref_slice %arg6[%dma_wait3A_374, %dma_wait3A_375, %dma_wait3A_382] : memref<2x8x128xi32, #tpu.memory_space<vmem>> -> memref<1x1x128xi32, #tpu.memory_space<vmem>>
      %dma_wait3A_384 = tpu.memref_squeeze %dma_wait3A_383 : memref<1x1x128xi32, #tpu.memory_space<vmem>> -> memref<128xi32, #tpu.memory_space<vmem>>
      %dma_wait3A_385 = arith.constant 0 : i32
      %dma_wait3A_386 = arith.constant 0 : i32
      %dma_wait3A_387 = tpu.memref_slice %arg2[%dma_wait3A_385, %dma_wait3A_386] : memref<100352x16xf32, #tpu.memory_space<hbm>> -> memref<100352x16xf32, #tpu.memory_space<hbm>>
      tpu.wait_indirect_dma semaphore(%arg10 : memref<!tpu.dma_semaphore, #tpu.memory_space<semaphore_mem>>) src(%dma_wait3A_387 : memref<100352x16xf32, #tpu.memory_space<hbm>>) dst(%dma_wait3A_381 : memref<128x16xf32, #tpu.memory_space<vmem>>)
      %dma_wait3A_388 = arith.constant 1 : i32
      %dma_wait3A_389 = arith.constant 2 : i32
      %dma_wait3A_390 = arith.constant 1 : i32
      %dma_wait3A_391 = arith.constant 1 : i32
      %dma_wait3A_392 = arith.constant 0 : i32
      %dma_wait3A_393 = arith.constant 0 : i32
      %dma_wait3A_394 = tpu.memref_slice %arg7[%dma_wait3A_390, %dma_wait3A_391, %dma_wait3A_392, %dma_wait3A_393] : memref<2x4x128x16xf32, #tpu.memory_space<vmem>> -> memref<1x1x128x16xf32, #tpu.memory_space<vmem>>
      %dma_wait3A_395 = tpu.memref_squeeze %dma_wait3A_394 : memref<1x1x128x16xf32, #tpu.memory_space<vmem>> -> memref<128x16xf32, #tpu.memory_space<vmem>>
      %dma_wait3A_396 = arith.constant 0 : i32
      %dma_wait3A_397 = tpu.memref_slice %arg6[%dma_wait3A_388, %dma_wait3A_389, %dma_wait3A_396] : memref<2x8x128xi32, #tpu.memory_space<vmem>> -> memref<1x1x128xi32, #tpu.memory_space<vmem>>
      %dma_wait3A_398 = tpu.memref_squeeze %dma_wait3A_397 : memref<1x1x128xi32, #tpu.memory_space<vmem>> -> memref<128xi32, #tpu.memory_space<vmem>>
      %dma_wait3A_399 = arith.constant 0 : i32
      %dma_wait3A_400 = arith.constant 0 : i32
      %dma_wait3A_401 = tpu.memref_slice %arg2[%dma_wait3A_399, %dma_wait3A_400] : memref<100352x16xf32, #tpu.memory_space<hbm>> -> memref<100352x16xf32, #tpu.memory_space<hbm>>
      tpu.wait_indirect_dma semaphore(%arg10 : memref<!tpu.dma_semaphore, #tpu.memory_space<semaphore_mem>>) src(%dma_wait3A_401 : memref<100352x16xf32, #tpu.memory_space<hbm>>) dst(%dma_wait3A_395 : memref<128x16xf32, #tpu.memory_space<vmem>>)
      %dma_wait3A_402 = arith.constant 1 : i32
      %dma_wait3A_403 = arith.constant 4 : i32
      %dma_wait3A_404 = arith.constant 1 : i32
      %dma_wait3A_405 = arith.constant 2 : i32
      %dma_wait3A_406 = arith.constant 0 : i32
      %dma_wait3A_407 = arith.constant 0 : i32
      %dma_wait3A_408 = tpu.memref_slice %arg7[%dma_wait3A_404, %dma_wait3A_405, %dma_wait3A_406, %dma_wait3A_407] : memref<2x4x128x16xf32, #tpu.memory_space<vmem>> -> memref<1x1x128x16xf32, #tpu.memory_space<vmem>>
      %dma_wait3A_409 = tpu.memref_squeeze %dma_wait3A_408 : memref<1x1x128x16xf32, #tpu.memory_space<vmem>> -> memref<128x16xf32, #tpu.memory_space<vmem>>
      %dma_wait3A_410 = arith.constant 0 : i32
      %dma_wait3A_411 = tpu.memref_slice %arg6[%dma_wait3A_402, %dma_wait3A_403, %dma_wait3A_410] : memref<2x8x128xi32, #tpu.memory_space<vmem>> -> memref<1x1x128xi32, #tpu.memory_space<vmem>>
      %dma_wait3A_412 = tpu.memref_squeeze %dma_wait3A_411 : memref<1x1x128xi32, #tpu.memory_space<vmem>> -> memref<128xi32, #tpu.memory_space<vmem>>
      %dma_wait3A_413 = arith.constant 0 : i32
      %dma_wait3A_414 = arith.constant 0 : i32
      %dma_wait3A_415 = tpu.memref_slice %arg2[%dma_wait3A_413, %dma_wait3A_414] : memref<100352x16xf32, #tpu.memory_space<hbm>> -> memref<100352x16xf32, #tpu.memory_space<hbm>>
      tpu.wait_indirect_dma semaphore(%arg10 : memref<!tpu.dma_semaphore, #tpu.memory_space<semaphore_mem>>) src(%dma_wait3A_415 : memref<100352x16xf32, #tpu.memory_space<hbm>>) dst(%dma_wait3A_409 : memref<128x16xf32, #tpu.memory_space<vmem>>)
      %dma_wait3A_416 = arith.constant 1 : i32
      %dma_wait3A_417 = arith.constant 6 : i32
      %dma_wait3A_418 = arith.constant 1 : i32
      %dma_wait3A_419 = arith.constant 3 : i32
      %dma_wait3A_420 = arith.constant 0 : i32
      %dma_wait3A_421 = arith.constant 0 : i32
      %dma_wait3A_422 = tpu.memref_slice %arg7[%dma_wait3A_418, %dma_wait3A_419, %dma_wait3A_420, %dma_wait3A_421] : memref<2x4x128x16xf32, #tpu.memory_space<vmem>> -> memref<1x1x128x16xf32, #tpu.memory_space<vmem>>
      %dma_wait3A_423 = tpu.memref_squeeze %dma_wait3A_422 : memref<1x1x128x16xf32, #tpu.memory_space<vmem>> -> memref<128x16xf32, #tpu.memory_space<vmem>>
      %dma_wait3A_424 = arith.constant 0 : i32
      %dma_wait3A_425 = tpu.memref_slice %arg6[%dma_wait3A_416, %dma_wait3A_417, %dma_wait3A_424] : memref<2x8x128xi32, #tpu.memory_space<vmem>> -> memref<1x1x128xi32, #tpu.memory_space<vmem>>
      %dma_wait3A_426 = tpu.memref_squeeze %dma_wait3A_425 : memref<1x1x128xi32, #tpu.memory_space<vmem>> -> memref<128xi32, #tpu.memory_space<vmem>>
      %dma_wait3A_427 = arith.constant 0 : i32
      %dma_wait3A_428 = arith.constant 0 : i32
      %dma_wait3A_429 = tpu.memref_slice %arg2[%dma_wait3A_427, %dma_wait3A_428] : memref<100352x16xf32, #tpu.memory_space<hbm>> -> memref<100352x16xf32, #tpu.memory_space<hbm>>
      tpu.wait_indirect_dma semaphore(%arg10 : memref<!tpu.dma_semaphore, #tpu.memory_space<semaphore_mem>>) src(%dma_wait3A_429 : memref<100352x16xf32, #tpu.memory_space<hbm>>) dst(%dma_wait3A_423 : memref<128x16xf32, #tpu.memory_space<vmem>>)
      %dma_start3A_430 = arith.constant 1 : i32
      %dma_start3A_431 = arith.constant 0 : i32
      %dma_start3A_432 = arith.constant 1 : i32
      %dma_start3A_433 = arith.constant 1 : i32
      %dma_start3A_434 = arith.constant 0 : i32
      %dma_start3A_435 = arith.constant 0 : i32
      %dma_start3A_436 = tpu.memref_slice %arg7[%dma_start3A_430, %dma_start3A_431, %dma_start3A_434, %dma_start3A_435] : memref<2x4x128x16xf32, #tpu.memory_space<vmem>> -> memref<1x1x128x16xf32, #tpu.memory_space<vmem>>
      %dma_start3A_437 = tpu.memref_squeeze %dma_start3A_436 : memref<1x1x128x16xf32, #tpu.memory_space<vmem>> -> memref<128x16xf32, #tpu.memory_space<vmem>>
      %dma_start3A_438 = arith.constant 0 : i32
      %dma_start3A_439 = tpu.memref_slice %arg6[%dma_start3A_432, %dma_start3A_433, %dma_start3A_438] : memref<2x8x128xi32, #tpu.memory_space<vmem>> -> memref<1x1x128xi32, #tpu.memory_space<vmem>>
      %dma_start3A_440 = tpu.memref_squeeze %dma_start3A_439 : memref<1x1x128xi32, #tpu.memory_space<vmem>> -> memref<128xi32, #tpu.memory_space<vmem>>
      %dma_start3A_441 = arith.constant 0 : i32
      %dma_start3A_442 = arith.constant 0 : i32
      %dma_start3A_443 = tpu.memref_slice %arg8[%dma_start3A_441, %dma_start3A_442] : memref<100352x16xf32, #tpu.memory_space<vmem_shared>> -> memref<100352x16xf32, #tpu.memory_space<vmem_shared>>
      tpu.enqueue_indirect_dma source(%dma_start3A_437 : memref<128x16xf32, #tpu.memory_space<vmem>>) target(%dma_start3A_443 : memref<100352x16xf32, #tpu.memory_space<vmem_shared>>) offsets(%dma_start3A_440 : memref<128xi32, #tpu.memory_space<vmem>>) semaphore(%arg12 : memref<!tpu.dma_semaphore, #tpu.memory_space<semaphore_mem>>) {add = true}
      %dma_start3A_444 = arith.constant 1 : i32
      %dma_start3A_445 = arith.constant 1 : i32
      %dma_start3A_446 = arith.constant 1 : i32
      %dma_start3A_447 = arith.constant 3 : i32
      %dma_start3A_448 = arith.constant 0 : i32
      %dma_start3A_449 = arith.constant 0 : i32
      %dma_start3A_450 = tpu.memref_slice %arg7[%dma_start3A_444, %dma_start3A_445, %dma_start3A_448, %dma_start3A_449] : memref<2x4x128x16xf32, #tpu.memory_space<vmem>> -> memref<1x1x128x16xf32, #tpu.memory_space<vmem>>
      %dma_start3A_451 = tpu.memref_squeeze %dma_start3A_450 : memref<1x1x128x16xf32, #tpu.memory_space<vmem>> -> memref<128x16xf32, #tpu.memory_space<vmem>>
      %dma_start3A_452 = arith.constant 0 : i32
      %dma_start3A_453 = tpu.memref_slice %arg6[%dma_start3A_446, %dma_start3A_447, %dma_start3A_452] : memref<2x8x128xi32, #tpu.memory_space<vmem>> -> memref<1x1x128xi32, #tpu.memory_space<vmem>>
      %dma_start3A_454 = tpu.memref_squeeze %dma_start3A_453 : memref<1x1x128xi32, #tpu.memory_space<vmem>> -> memref<128xi32, #tpu.memory_space<vmem>>
      %dma_start3A_455 = arith.constant 0 : i32
      %dma_start3A_456 = arith.constant 0 : i32
      %dma_start3A_457 = tpu.memref_slice %arg8[%dma_start3A_455, %dma_start3A_456] : memref<100352x16xf32, #tpu.memory_space<vmem_shared>> -> memref<100352x16xf32, #tpu.memory_space<vmem_shared>>
      tpu.enqueue_indirect_dma source(%dma_start3A_451 : memref<128x16xf32, #tpu.memory_space<vmem>>) target(%dma_start3A_457 : memref<100352x16xf32, #tpu.memory_space<vmem_shared>>) offsets(%dma_start3A_454 : memref<128xi32, #tpu.memory_space<vmem>>) semaphore(%arg12 : memref<!tpu.dma_semaphore, #tpu.memory_space<semaphore_mem>>) {add = true}
      %dma_start3A_458 = arith.constant 1 : i32
      %dma_start3A_459 = arith.constant 2 : i32
      %dma_start3A_460 = arith.constant 1 : i32
      %dma_start3A_461 = arith.constant 5 : i32
      %dma_start3A_462 = arith.constant 0 : i32
      %dma_start3A_463 = arith.constant 0 : i32
      %dma_start3A_464 = tpu.memref_slice %arg7[%dma_start3A_458, %dma_start3A_459, %dma_start3A_462, %dma_start3A_463] : memref<2x4x128x16xf32, #tpu.memory_space<vmem>> -> memref<1x1x128x16xf32, #tpu.memory_space<vmem>>
      %dma_start3A_465 = tpu.memref_squeeze %dma_start3A_464 : memref<1x1x128x16xf32, #tpu.memory_space<vmem>> -> memref<128x16xf32, #tpu.memory_space<vmem>>
      %dma_start3A_466 = arith.constant 0 : i32
      %dma_start3A_467 = tpu.memref_slice %arg6[%dma_start3A_460, %dma_start3A_461, %dma_start3A_466] : memref<2x8x128xi32, #tpu.memory_space<vmem>> -> memref<1x1x128xi32, #tpu.memory_space<vmem>>
      %dma_start3A_468 = tpu.memref_squeeze %dma_start3A_467 : memref<1x1x128xi32, #tpu.memory_space<vmem>> -> memref<128xi32, #tpu.memory_space<vmem>>
      %dma_start3A_469 = arith.constant 0 : i32
      %dma_start3A_470 = arith.constant 0 : i32
      %dma_start3A_471 = tpu.memref_slice %arg8[%dma_start3A_469, %dma_start3A_470] : memref<100352x16xf32, #tpu.memory_space<vmem_shared>> -> memref<100352x16xf32, #tpu.memory_space<vmem_shared>>
      tpu.enqueue_indirect_dma source(%dma_start3A_465 : memref<128x16xf32, #tpu.memory_space<vmem>>) target(%dma_start3A_471 : memref<100352x16xf32, #tpu.memory_space<vmem_shared>>) offsets(%dma_start3A_468 : memref<128xi32, #tpu.memory_space<vmem>>) semaphore(%arg12 : memref<!tpu.dma_semaphore, #tpu.memory_space<semaphore_mem>>) {add = true}
      %dma_start3A_472 = arith.constant 1 : i32
      %dma_start3A_473 = arith.constant 3 : i32
      %dma_start3A_474 = arith.constant 1 : i32
      %dma_start3A_475 = arith.constant 7 : i32
      %dma_start3A_476 = arith.constant 0 : i32
      %dma_start3A_477 = arith.constant 0 : i32
      %dma_start3A_478 = tpu.memref_slice %arg7[%dma_start3A_472, %dma_start3A_473, %dma_start3A_476, %dma_start3A_477] : memref<2x4x128x16xf32, #tpu.memory_space<vmem>> -> memref<1x1x128x16xf32, #tpu.memory_space<vmem>>
      %dma_start3A_479 = tpu.memref_squeeze %dma_start3A_478 : memref<1x1x128x16xf32, #tpu.memory_space<vmem>> -> memref<128x16xf32, #tpu.memory_space<vmem>>
      %dma_start3A_480 = arith.constant 0 : i32
      %dma_start3A_481 = tpu.memref_slice %arg6[%dma_start3A_474, %dma_start3A_475, %dma_start3A_480] : memref<2x8x128xi32, #tpu.memory_space<vmem>> -> memref<1x1x128xi32, #tpu.memory_space<vmem>>
      %dma_start3A_482 = tpu.memref_squeeze %dma_start3A_481 : memref<1x1x128xi32, #tpu.memory_space<vmem>> -> memref<128xi32, #tpu.memory_space<vmem>>
      %dma_start3A_483 = arith.constant 0 : i32
      %dma_start3A_484 = arith.constant 0 : i32
      %dma_start3A_485 = tpu.memref_slice %arg8[%dma_start3A_483, %dma_start3A_484] : memref<100352x16xf32, #tpu.memory_space<vmem_shared>> -> memref<100352x16xf32, #tpu.memory_space<vmem_shared>>
      tpu.enqueue_indirect_dma source(%dma_start3A_479 : memref<128x16xf32, #tpu.memory_space<vmem>>) target(%dma_start3A_485 : memref<100352x16xf32, #tpu.memory_space<vmem_shared>>) offsets(%dma_start3A_482 : memref<128xi32, #tpu.memory_space<vmem>>) semaphore(%arg12 : memref<!tpu.dma_semaphore, #tpu.memory_space<semaphore_mem>>) {add = true}
    }
    %scan3A_69 = arith.constant 98 : i32
    %dma_wait3A = arith.constant 1 : i32
    %dma_wait3A_70 = arith.constant 0 : i32
    %dma_wait3A_71 = arith.constant 1 : i32
    %dma_wait3A_72 = arith.constant 1 : i32
    %dma_wait3A_73 = arith.constant 0 : i32
    %dma_wait3A_74 = arith.constant 0 : i32
    %dma_wait3A_75 = tpu.memref_slice %arg7[%dma_wait3A, %dma_wait3A_70, %dma_wait3A_73, %dma_wait3A_74] : memref<2x4x128x16xf32, #tpu.memory_space<vmem>> -> memref<1x1x128x16xf32, #tpu.memory_space<vmem>>
    %dma_wait3A_76 = tpu.memref_squeeze %dma_wait3A_75 : memref<1x1x128x16xf32, #tpu.memory_space<vmem>> -> memref<128x16xf32, #tpu.memory_space<vmem>>
    %dma_wait3A_77 = arith.constant 0 : i32
    %dma_wait3A_78 = tpu.memref_slice %arg6[%dma_wait3A_71, %dma_wait3A_72, %dma_wait3A_77] : memref<2x8x128xi32, #tpu.memory_space<vmem>> -> memref<1x1x128xi32, #tpu.memory_space<vmem>>
    %dma_wait3A_79 = tpu.memref_squeeze %dma_wait3A_78 : memref<1x1x128xi32, #tpu.memory_space<vmem>> -> memref<128xi32, #tpu.memory_space<vmem>>
    %dma_wait3A_80 = arith.constant 0 : i32
    %dma_wait3A_81 = arith.constant 0 : i32
    %dma_wait3A_82 = tpu.memref_slice %arg8[%dma_wait3A_80, %dma_wait3A_81] : memref<100352x16xf32, #tpu.memory_space<vmem_shared>> -> memref<100352x16xf32, #tpu.memory_space<vmem_shared>>
    tpu.wait_indirect_dma semaphore(%arg12 : memref<!tpu.dma_semaphore, #tpu.memory_space<semaphore_mem>>) src(%dma_wait3A_76 : memref<128x16xf32, #tpu.memory_space<vmem>>) dst(%dma_wait3A_82 : memref<100352x16xf32, #tpu.memory_space<vmem_shared>>)
    %dma_wait3A_83 = arith.constant 1 : i32
    %dma_wait3A_84 = arith.constant 1 : i32
    %dma_wait3A_85 = arith.constant 1 : i32
    %dma_wait3A_86 = arith.constant 3 : i32
    %dma_wait3A_87 = arith.constant 0 : i32
    %dma_wait3A_88 = arith.constant 0 : i32
    %dma_wait3A_89 = tpu.memref_slice %arg7[%dma_wait3A_83, %dma_wait3A_84, %dma_wait3A_87, %dma_wait3A_88] : memref<2x4x128x16xf32, #tpu.memory_space<vmem>> -> memref<1x1x128x16xf32, #tpu.memory_space<vmem>>
    %dma_wait3A_90 = tpu.memref_squeeze %dma_wait3A_89 : memref<1x1x128x16xf32, #tpu.memory_space<vmem>> -> memref<128x16xf32, #tpu.memory_space<vmem>>
    %dma_wait3A_91 = arith.constant 0 : i32
    %dma_wait3A_92 = tpu.memref_slice %arg6[%dma_wait3A_85, %dma_wait3A_86, %dma_wait3A_91] : memref<2x8x128xi32, #tpu.memory_space<vmem>> -> memref<1x1x128xi32, #tpu.memory_space<vmem>>
    %dma_wait3A_93 = tpu.memref_squeeze %dma_wait3A_92 : memref<1x1x128xi32, #tpu.memory_space<vmem>> -> memref<128xi32, #tpu.memory_space<vmem>>
    %dma_wait3A_94 = arith.constant 0 : i32
    %dma_wait3A_95 = arith.constant 0 : i32
    %dma_wait3A_96 = tpu.memref_slice %arg8[%dma_wait3A_94, %dma_wait3A_95] : memref<100352x16xf32, #tpu.memory_space<vmem_shared>> -> memref<100352x16xf32, #tpu.memory_space<vmem_shared>>
    tpu.wait_indirect_dma semaphore(%arg12 : memref<!tpu.dma_semaphore, #tpu.memory_space<semaphore_mem>>) src(%dma_wait3A_90 : memref<128x16xf32, #tpu.memory_space<vmem>>) dst(%dma_wait3A_96 : memref<100352x16xf32, #tpu.memory_space<vmem_shared>>)
    %dma_wait3A_97 = arith.constant 1 : i32
    %dma_wait3A_98 = arith.constant 2 : i32
    %dma_wait3A_99 = arith.constant 1 : i32
    %dma_wait3A_100 = arith.constant 5 : i32
    %dma_wait3A_101 = arith.constant 0 : i32
    %dma_wait3A_102 = arith.constant 0 : i32
    %dma_wait3A_103 = tpu.memref_slice %arg7[%dma_wait3A_97, %dma_wait3A_98, %dma_wait3A_101, %dma_wait3A_102] : memref<2x4x128x16xf32, #tpu.memory_space<vmem>> -> memref<1x1x128x16xf32, #tpu.memory_space<vmem>>
    %dma_wait3A_104 = tpu.memref_squeeze %dma_wait3A_103 : memref<1x1x128x16xf32, #tpu.memory_space<vmem>> -> memref<128x16xf32, #tpu.memory_space<vmem>>
    %dma_wait3A_105 = arith.constant 0 : i32
    %dma_wait3A_106 = tpu.memref_slice %arg6[%dma_wait3A_99, %dma_wait3A_100, %dma_wait3A_105] : memref<2x8x128xi32, #tpu.memory_space<vmem>> -> memref<1x1x128xi32, #tpu.memory_space<vmem>>
    %dma_wait3A_107 = tpu.memref_squeeze %dma_wait3A_106 : memref<1x1x128xi32, #tpu.memory_space<vmem>> -> memref<128xi32, #tpu.memory_space<vmem>>
    %dma_wait3A_108 = arith.constant 0 : i32
    %dma_wait3A_109 = arith.constant 0 : i32
    %dma_wait3A_110 = tpu.memref_slice %arg8[%dma_wait3A_108, %dma_wait3A_109] : memref<100352x16xf32, #tpu.memory_space<vmem_shared>> -> memref<100352x16xf32, #tpu.memory_space<vmem_shared>>
    tpu.wait_indirect_dma semaphore(%arg12 : memref<!tpu.dma_semaphore, #tpu.memory_space<semaphore_mem>>) src(%dma_wait3A_104 : memref<128x16xf32, #tpu.memory_space<vmem>>) dst(%dma_wait3A_110 : memref<100352x16xf32, #tpu.memory_space<vmem_shared>>)
    %dma_wait3A_111 = arith.constant 1 : i32
    %dma_wait3A_112 = arith.constant 3 : i32
    %dma_wait3A_113 = arith.constant 1 : i32
    %dma_wait3A_114 = arith.constant 7 : i32
    %dma_wait3A_115 = arith.constant 0 : i32
    %dma_wait3A_116 = arith.constant 0 : i32
    %dma_wait3A_117 = tpu.memref_slice %arg7[%dma_wait3A_111, %dma_wait3A_112, %dma_wait3A_115, %dma_wait3A_116] : memref<2x4x128x16xf32, #tpu.memory_space<vmem>> -> memref<1x1x128x16xf32, #tpu.memory_space<vmem>>
    %dma_wait3A_118 = tpu.memref_squeeze %dma_wait3A_117 : memref<1x1x128x16xf32, #tpu.memory_space<vmem>> -> memref<128x16xf32, #tpu.memory_space<vmem>>
    %dma_wait3A_119 = arith.constant 0 : i32
    %dma_wait3A_120 = tpu.memref_slice %arg6[%dma_wait3A_113, %dma_wait3A_114, %dma_wait3A_119] : memref<2x8x128xi32, #tpu.memory_space<vmem>> -> memref<1x1x128xi32, #tpu.memory_space<vmem>>
    %dma_wait3A_121 = tpu.memref_squeeze %dma_wait3A_120 : memref<1x1x128xi32, #tpu.memory_space<vmem>> -> memref<128xi32, #tpu.memory_space<vmem>>
    %dma_wait3A_122 = arith.constant 0 : i32
    %dma_wait3A_123 = arith.constant 0 : i32
    %dma_wait3A_124 = tpu.memref_slice %arg8[%dma_wait3A_122, %dma_wait3A_123] : memref<100352x16xf32, #tpu.memory_space<vmem_shared>> -> memref<100352x16xf32, #tpu.memory_space<vmem_shared>>
    tpu.wait_indirect_dma semaphore(%arg12 : memref<!tpu.dma_semaphore, #tpu.memory_space<semaphore_mem>>) src(%dma_wait3A_118 : memref<128x16xf32, #tpu.memory_space<vmem>>) dst(%dma_wait3A_124 : memref<100352x16xf32, #tpu.memory_space<vmem_shared>>)
    %barrier3A_125 = arith.constant 0 : index
    tpu.barrier barrier_id(%barrier3A_125)
    %mul3A_126 = arith.constant 100352 : i32
    %mul3A_127 = arith.muli %arg0, %mul3A_126 : i32
    %add3A_128 = arith.addi %mul3A_127, %multiple_of3A : i32
    %multiple_of3A_129 = tpu.assume_multiple %add3A_128, 8 : i32
    "tpu.region"() ({
      %run_scoped3A_130 = tpu.sem_alloc : memref<!tpu.dma_semaphore, #tpu.memory_space<semaphore_mem>>
      %dma_start3A_131 = arith.constant 0 : i32
      %dma_start3A_132 = tpu.memref_slice %arg5[%multiple_of3A_129, %dma_start3A_131] : memref<200704x16xf32, #tpu.memory_space<hbm>> -> memref<6272x16xf32, #tpu.memory_space<hbm>>
      %dma_start3A_133 = arith.constant 0 : i32
      %dma_start3A_134 = tpu.memref_slice %arg8[%multiple_of3A, %dma_start3A_133] : memref<100352x16xf32, #tpu.memory_space<vmem_shared>> -> memref<6272x16xf32, #tpu.memory_space<vmem_shared>>
      tpu.enqueue_dma source(%dma_start3A_134 : memref<6272x16xf32, #tpu.memory_space<vmem_shared>>) target(%dma_start3A_132 : memref<6272x16xf32, #tpu.memory_space<hbm>>) target_semaphore(%run_scoped3A_130 : memref<!tpu.dma_semaphore, #tpu.memory_space<semaphore_mem>>)
      %dma_wait3A_135 = arith.constant 0 : i32
      %dma_wait3A_136 = tpu.memref_slice %arg5[%multiple_of3A_129, %dma_wait3A_135] : memref<200704x16xf32, #tpu.memory_space<hbm>> -> memref<6272x16xf32, #tpu.memory_space<hbm>>
      %dma_wait3A_137 = arith.constant 0 : i32
      %dma_wait3A_138 = tpu.memref_slice %arg8[%multiple_of3A, %dma_wait3A_137] : memref<100352x16xf32, #tpu.memory_space<vmem_shared>> -> memref<6272x16xf32, #tpu.memory_space<vmem_shared>>
      tpu.wait_dma2 semaphore(%run_scoped3A_130 : memref<!tpu.dma_semaphore, #tpu.memory_space<semaphore_mem>>) src(%dma_wait3A_138 : memref<6272x16xf32, #tpu.memory_space<vmem_shared>>) dst(%dma_wait3A_136 : memref<6272x16xf32, #tpu.memory_space<hbm>>)
      tpu.yield
    }) : () -> ()
    return
  }
}

module attributes {stable_mosaic.version = 14 : i64} {
  func.func @_t0_body(%arg0: i32, %arg1: memref<16x128xf32, #tpu.memory_space<vmem>>, %arg2: memref<16x128xf32, #tpu.memory_space<vmem>>, %arg3: memref<16x128xf32, #tpu.memory_space<vmem>>) attributes {dimension_semantics = [#tpu.dimension_semantics<arbitrary>], iteration_bounds = array<i64: 49>, scalar_prefetch = 0 : i64, scratch_operands = 0 : i64, tpu.core_type = #tpu.core_type<tc>, window_params = [{transform_indices = @transform_0, window_bounds = array<i64: 16, 128>}, {transform_indices = @transform_1, window_bounds = array<i64: 16, 128>}, {transform_indices = @transform_2, window_bounds = array<i64: 16, 128>}]} {
    %get3A = arith.constant 0 : index
    %get3A_0 = arith.constant 0 : index
    %get3A_1 = vector.load %arg1[%get3A, %get3A_0] : memref<16x128xf32, #tpu.memory_space<vmem>>, vector<16x128xf32>
    %get3A_2 = arith.constant 0 : index
    %get3A_3 = arith.constant 0 : index
    %get3A_4 = vector.load %arg2[%get3A_2, %get3A_3] : memref<16x128xf32, #tpu.memory_space<vmem>>, vector<16x128xf32>
    %add3A = arith.addf %get3A_1, %get3A_4 : vector<16x128xf32>
    %add3A_5 = arith.constant 1.000000e+00 : f32
    %add3A_6 = vector.broadcast %add3A_5 : f32 to vector<16x128xf32>
    %add3A_7 = arith.addf %add3A, %add3A_6 : vector<16x128xf32>
    %rsqrt3A = math.rsqrt %add3A_7 : vector<16x128xf32>
    %swap3A = arith.constant 0 : index
    %swap3A_8 = arith.constant 0 : index
    %swap3A_9 = vector.load %arg3[%swap3A, %swap3A_8] : memref<16x128xf32, #tpu.memory_space<vmem>>, vector<16x128xf32>
    tpu.vector_store %arg3[%swap3A, %swap3A_8], %rsqrt3A {strides = array<i32>} : memref<16x128xf32, #tpu.memory_space<vmem>>, vector<16x128xf32>,
    return
  }
  func.func @transform_0(%arg0: i32) -> (i32, i32) {
    %c0_i32 = arith.constant 0 : i32
    %c0_i32_0 = arith.constant 0 : i32
    return %arg0, %c0_i32 : i32, i32
  }
  func.func @transform_1(%arg0: i32) -> (i32, i32) {
    %add3A = arith.constant 49 : i32
    %add3A_0 = arith.addi %arg0, %add3A : i32
    %c0_i32 = arith.constant 0 : i32
    %c0_i32_1 = arith.constant 0 : i32
    return %add3A_0, %c0_i32 : i32, i32
  }
  func.func @transform_2(%arg0: i32) -> (i32, i32) {
    %c0_i32 = arith.constant 0 : i32
    %c0_i32_0 = arith.constant 0 : i32
    return %arg0, %c0_i32 : i32, i32
  }
}

module attributes {stable_mosaic.version = 14 : i64} {
  func.func @_t1_body(%arg0: i32, %arg1: memref<1792x128xf32, #tpu.memory_space<vmem>>, %arg2: memref<1792x128xf32, #tpu.memory_space<vmem>>, %arg3: memref<1792x128xf32, #tpu.memory_space<vmem>>) attributes {dimension_semantics = [#tpu.dimension_semantics<arbitrary>], iteration_bounds = array<i64: 7>, scalar_prefetch = 0 : i64, scratch_operands = 0 : i64, tpu.core_type = #tpu.core_type<tc>, window_params = [{transform_indices = @transform_0, window_bounds = array<i64: 1792, 128>}, {transform_indices = @transform_1, window_bounds = array<i64: 1792, 128>}, {transform_indices = @transform_2, window_bounds = array<i64: 1792, 128>}]} {
    %get3A = arith.constant 0 : index
    %get3A_0 = arith.constant 0 : index
    %get3A_1 = vector.load %arg1[%get3A, %get3A_0] : memref<1792x128xf32, #tpu.memory_space<vmem>>, vector<1792x128xf32>
    %get3A_2 = arith.constant 0 : index
    %get3A_3 = arith.constant 0 : index
    %get3A_4 = vector.load %arg2[%get3A_2, %get3A_3] : memref<1792x128xf32, #tpu.memory_space<vmem>>, vector<1792x128xf32>
    %mul3A = arith.mulf %get3A_1, %get3A_4 : vector<1792x128xf32>
    %swap3A = arith.constant 0 : index
    %swap3A_5 = arith.constant 0 : index
    %swap3A_6 = vector.load %arg3[%swap3A, %swap3A_5] : memref<1792x128xf32, #tpu.memory_space<vmem>>, vector<1792x128xf32>
    tpu.vector_store %arg3[%swap3A, %swap3A_5], %mul3A {strides = array<i32>} : memref<1792x128xf32, #tpu.memory_space<vmem>>, vector<1792x128xf32>,
    return
  }
  func.func @transform_0(%arg0: i32) -> (i32, i32) {
    %c0_i32 = arith.constant 0 : i32
    %c0_i32_0 = arith.constant 0 : i32
    return %arg0, %c0_i32 : i32, i32
  }
  func.func @transform_1(%arg0: i32) -> (i32, i32) {
    %c0_i32 = arith.constant 0 : i32
    %c0_i32_0 = arith.constant 0 : i32
    return %arg0, %c0_i32 : i32, i32
  }
  func.func @transform_2(%arg0: i32) -> (i32, i32) {
    %c0_i32 = arith.constant 0 : i32
    %c0_i32_0 = arith.constant 0 : i32
    return %arg0, %c0_i32 : i32, i32
  }
}

module attributes {stable_mosaic.version = 14 : i64} {
  func.func @_t2_body(%arg0: i32, %arg1: memref<1792x128xf32, #tpu.memory_space<vmem>>, %arg2: memref<1792x128xf32, #tpu.memory_space<vmem>>, %arg3: memref<1792x128xf32, #tpu.memory_space<vmem>>, %arg4: memref<1792x128xf32, #tpu.memory_space<vmem>>, %arg5: memref<128x128xf32, #tpu.memory_space<vmem>>, %arg6: memref<1x128xf32, #tpu.memory_space<vmem>>, %arg7: memref<1792x128xf32, #tpu.memory_space<vmem>>) attributes {dimension_semantics = [#tpu.dimension_semantics<arbitrary>], iteration_bounds = array<i64: 7>, scalar_prefetch = 0 : i64, scratch_operands = 0 : i64, tpu.core_type = #tpu.core_type<tc>, window_params = [{transform_indices = @transform_0, window_bounds = array<i64: 1792, 128>}, {transform_indices = @transform_1, window_bounds = array<i64: 1792, 128>}, {transform_indices = @transform_2, window_bounds = array<i64: 1792, 128>}, {transform_indices = @transform_3, window_bounds = array<i64: 1792, 128>}, {pipeline_mode = #tpu.pipeline_mode<synchronous>, transform_indices = @transform_4, window_bounds = array<i64: 128, 128>}, {pipeline_mode = #tpu.pipeline_mode<synchronous>, transform_indices = @transform_5, window_bounds = array<i64: 1, 128>}, {transform_indices = @transform_6, window_bounds = array<i64: 1792, 128>}]} {
    %get3A = arith.constant 0 : index
    %get3A_0 = arith.constant 0 : index
    %get3A_1 = vector.load %arg1[%get3A, %get3A_0] : memref<1792x128xf32, #tpu.memory_space<vmem>>, vector<1792x128xf32>
    %get3A_2 = arith.constant 0 : index
    %get3A_3 = arith.constant 0 : index
    %get3A_4 = vector.load %arg2[%get3A_2, %get3A_3] : memref<1792x128xf32, #tpu.memory_space<vmem>>, vector<1792x128xf32>
    %add3A = arith.addf %get3A_1, %get3A_4 : vector<1792x128xf32>
    %get3A_5 = arith.constant 0 : index
    %get3A_6 = arith.constant 0 : index
    %get3A_7 = vector.load %arg3[%get3A_5, %get3A_6] : memref<1792x128xf32, #tpu.memory_space<vmem>>, vector<1792x128xf32>
    %add3A_8 = arith.addf %add3A, %get3A_7 : vector<1792x128xf32>
    %get3A_9 = arith.constant 0 : index
    %get3A_10 = arith.constant 0 : index
    %get3A_11 = vector.load %arg4[%get3A_9, %get3A_10] : memref<1792x128xf32, #tpu.memory_space<vmem>>, vector<1792x128xf32>
    %mul3A = arith.mulf %add3A_8, %get3A_11 : vector<1792x128xf32>
    %get3A_12 = arith.constant 0 : index
    %get3A_13 = arith.constant 0 : index
    %get3A_14 = vector.load %arg5[%get3A_12, %get3A_13] : memref<128x128xf32, #tpu.memory_space<vmem>>, vector<128x128xf32>
    %dot_general3A = arith.constant dense<0.000000e+00> : vector<1792x128xf32>
    %dot_general3A_15 = tpu.matmul %mul3A, %get3A_14, %dot_general3A {dimension_numbers = #tpu.dot_dimension_numbers<[1], [0], [0], [1], [0, 0, 1, 1], [], []>, precision = #tpu.contract_precision<fp32>, transpose_lhs_hint = false} : vector<1792x128xf32>, vector<128x128xf32>, vector<1792x128xf32> -> vector<1792x128xf32>
    %get3A_16 = arith.constant 0 : index
    %get3A_17 = arith.constant 0 : index
    %get3A_18 = vector.load %arg6[%get3A_16, %get3A_17] : memref<1x128xf32, #tpu.memory_space<vmem>>, vector<1x128xf32>
    %add3A_19 = vector.broadcast %get3A_18 : vector<1x128xf32> to vector<1792x128xf32>
    %add3A_20 = arith.addf %dot_general3A_15, %add3A_19 : vector<1792x128xf32>
    %tanh3A = math.tanh %add3A_20 : vector<1792x128xf32>
    %get3A_21 = arith.constant 0 : index
    %get3A_22 = arith.constant 0 : index
    %get3A_23 = vector.load %arg4[%get3A_21, %get3A_22] : memref<1792x128xf32, #tpu.memory_space<vmem>>, vector<1792x128xf32>
    %mul3A_24 = arith.mulf %tanh3A, %get3A_23 : vector<1792x128xf32>
    %swap3A = arith.constant 0 : index
    %swap3A_25 = arith.constant 0 : index
    %swap3A_26 = vector.load %arg7[%swap3A, %swap3A_25] : memref<1792x128xf32, #tpu.memory_space<vmem>>, vector<1792x128xf32>
    tpu.vector_store %arg7[%swap3A, %swap3A_25], %mul3A_24 {strides = array<i32>} : memref<1792x128xf32, #tpu.memory_space<vmem>>, vector<1792x128xf32>,
    return
  }
  func.func @transform_0(%arg0: i32) -> (i32, i32) {
    %c0_i32 = arith.constant 0 : i32
    %c0_i32_0 = arith.constant 0 : i32
    return %arg0, %c0_i32 : i32, i32
  }
  func.func @transform_1(%arg0: i32) -> (i32, i32) {
    %add3A = arith.constant 7 : i32
    %add3A_0 = arith.addi %arg0, %add3A : i32
    %c0_i32 = arith.constant 0 : i32
    %c0_i32_1 = arith.constant 0 : i32
    return %add3A_0, %c0_i32 : i32, i32
  }
  func.func @transform_2(%arg0: i32) -> (i32, i32) {
    %c0_i32 = arith.constant 0 : i32
    %c0_i32_0 = arith.constant 0 : i32
    return %arg0, %c0_i32 : i32, i32
  }
  func.func @transform_3(%arg0: i32) -> (i32, i32) {
    %c0_i32 = arith.constant 0 : i32
    %c0_i32_0 = arith.constant 0 : i32
    return %arg0, %c0_i32 : i32, i32
  }
  func.func @transform_4(%arg0: i32) -> (i32, i32) {
    %c0_i32 = arith.constant 0 : i32
    %c0_i32_0 = arith.constant 0 : i32
    %c0_i32_1 = arith.constant 0 : i32
    return %c0_i32, %c0_i32_0 : i32, i32
  }
  func.func @transform_5(%arg0: i32) -> (i32, i32) {
    %c0_i32 = arith.constant 0 : i32
    %c0_i32_0 = arith.constant 0 : i32
    %c0_i32_1 = arith.constant 0 : i32
    return %c0_i32, %c0_i32_0 : i32, i32
  }
  func.func @transform_6(%arg0: i32) -> (i32, i32) {
    %c0_i32 = arith.constant 0 : i32
    %c0_i32_0 = arith.constant 0 : i32
    return %arg0, %c0_i32 : i32, i32
  }
}

module attributes {stable_mosaic.version = 14 : i64} {
  func.func @_t3_body(%arg0: i32, %arg1: memref<1792x128xf32, #tpu.memory_space<vmem>>, %arg2: memref<1792x128xf32, #tpu.memory_space<vmem>>, %arg3: memref<1792x128xf32, #tpu.memory_space<vmem>>, %arg4: memref<1792x128xf32, #tpu.memory_space<vmem>>, %arg5: memref<128x128xf32, #tpu.memory_space<vmem>>, %arg6: memref<1x128xf32, #tpu.memory_space<vmem>>, %arg7: memref<128x128xf32, #tpu.memory_space<vmem>>, %arg8: memref<1792x128xf32, #tpu.memory_space<vmem>>) attributes {dimension_semantics = [#tpu.dimension_semantics<arbitrary>], iteration_bounds = array<i64: 7>, scalar_prefetch = 0 : i64, scratch_operands = 0 : i64, tpu.core_type = #tpu.core_type<tc>, window_params = [{transform_indices = @transform_0, window_bounds = array<i64: 1792, 128>}, {transform_indices = @transform_1, window_bounds = array<i64: 1792, 128>}, {transform_indices = @transform_2, window_bounds = array<i64: 1792, 128>}, {transform_indices = @transform_3, window_bounds = array<i64: 1792, 128>}, {pipeline_mode = #tpu.pipeline_mode<synchronous>, transform_indices = @transform_4, window_bounds = array<i64: 128, 128>}, {pipeline_mode = #tpu.pipeline_mode<synchronous>, transform_indices = @transform_5, window_bounds = array<i64: 1, 128>}, {pipeline_mode = #tpu.pipeline_mode<synchronous>, transform_indices = @transform_6, window_bounds = array<i64: 128, 128>}, {transform_indices = @transform_7, window_bounds = array<i64: 1792, 128>}]} {
    %get3A = arith.constant 0 : index
    %get3A_0 = arith.constant 0 : index
    %get3A_1 = vector.load %arg1[%get3A, %get3A_0] : memref<1792x128xf32, #tpu.memory_space<vmem>>, vector<1792x128xf32>
    %get3A_2 = arith.constant 0 : index
    %get3A_3 = arith.constant 0 : index
    %get3A_4 = vector.load %arg2[%get3A_2, %get3A_3] : memref<1792x128xf32, #tpu.memory_space<vmem>>, vector<1792x128xf32>
    %add3A = arith.addf %get3A_1, %get3A_4 : vector<1792x128xf32>
    %get3A_5 = arith.constant 0 : index
    %get3A_6 = arith.constant 0 : index
    %get3A_7 = vector.load %arg3[%get3A_5, %get3A_6] : memref<1792x128xf32, #tpu.memory_space<vmem>>, vector<1792x128xf32>
    %add3A_8 = arith.addf %add3A, %get3A_7 : vector<1792x128xf32>
    %get3A_9 = arith.constant 0 : index
    %get3A_10 = arith.constant 0 : index
    %get3A_11 = vector.load %arg4[%get3A_9, %get3A_10] : memref<1792x128xf32, #tpu.memory_space<vmem>>, vector<1792x128xf32>
    %mul3A = arith.mulf %add3A_8, %get3A_11 : vector<1792x128xf32>
    %get3A_12 = arith.constant 0 : index
    %get3A_13 = arith.constant 0 : index
    %get3A_14 = vector.load %arg5[%get3A_12, %get3A_13] : memref<128x128xf32, #tpu.memory_space<vmem>>, vector<128x128xf32>
    %dot_general3A = arith.constant dense<0.000000e+00> : vector<1792x128xf32>
    %dot_general3A_15 = tpu.matmul %mul3A, %get3A_14, %dot_general3A {dimension_numbers = #tpu.dot_dimension_numbers<[1], [0], [0], [1], [0, 0, 1, 1], [], []>, precision = #tpu.contract_precision<fp32>, transpose_lhs_hint = false} : vector<1792x128xf32>, vector<128x128xf32>, vector<1792x128xf32> -> vector<1792x128xf32>
    %get3A_16 = arith.constant 0 : index
    %get3A_17 = arith.constant 0 : index
    %get3A_18 = vector.load %arg6[%get3A_16, %get3A_17] : memref<1x128xf32, #tpu.memory_space<vmem>>, vector<1x128xf32>
    %add3A_19 = vector.broadcast %get3A_18 : vector<1x128xf32> to vector<1792x128xf32>
    %add3A_20 = arith.addf %dot_general3A_15, %add3A_19 : vector<1792x128xf32>
    %mul3A_21 = arith.mulf %add3A_20, %add3A_20 : vector<1792x128xf32>
    %get3A_22 = arith.constant 0 : index
    %get3A_23 = arith.constant 0 : index
    %get3A_24 = vector.load %arg7[%get3A_22, %get3A_23] : memref<128x128xf32, #tpu.memory_space<vmem>>, vector<128x128xf32>
    %dot_general3A_25 = arith.constant dense<0.000000e+00> : vector<1792x128xf32>
    %dot_general3A_26 = tpu.matmul %mul3A_21, %get3A_24, %dot_general3A_25 {dimension_numbers = #tpu.dot_dimension_numbers<[1], [0], [0], [1], [0, 0, 1, 1], [], []>, precision = #tpu.contract_precision<fp32>, transpose_lhs_hint = false} : vector<1792x128xf32>, vector<128x128xf32>, vector<1792x128xf32> -> vector<1792x128xf32>
    %sqrt3A = math.sqrt %dot_general3A_26 : vector<1792x128xf32>
    %max3A = arith.constant 9.99999996E-13 : f32
    %max3A_27 = vector.broadcast %max3A : f32 to vector<1792x128xf32>
    %max3A_28 = arith.maximumf %sqrt3A, %max3A_27 : vector<1792x128xf32>
    %div3A = arith.divf %add3A_20, %max3A_28 : vector<1792x128xf32>
    %tanh3A = math.tanh %div3A : vector<1792x128xf32>
    %get3A_29 = arith.constant 0 : index
    %get3A_30 = arith.constant 0 : index
    %get3A_31 = vector.load %arg4[%get3A_29, %get3A_30] : memref<1792x128xf32, #tpu.memory_space<vmem>>, vector<1792x128xf32>
    %mul3A_32 = arith.mulf %tanh3A, %get3A_31 : vector<1792x128xf32>
    %swap3A = arith.constant 0 : index
    %swap3A_33 = arith.constant 0 : index
    %swap3A_34 = vector.load %arg8[%swap3A, %swap3A_33] : memref<1792x128xf32, #tpu.memory_space<vmem>>, vector<1792x128xf32>
    tpu.vector_store %arg8[%swap3A, %swap3A_33], %mul3A_32 {strides = array<i32>} : memref<1792x128xf32, #tpu.memory_space<vmem>>, vector<1792x128xf32>,
    return
  }
  func.func @transform_0(%arg0: i32) -> (i32, i32) {
    %c0_i32 = arith.constant 0 : i32
    %c0_i32_0 = arith.constant 0 : i32
    return %arg0, %c0_i32 : i32, i32
  }
  func.func @transform_1(%arg0: i32) -> (i32, i32) {
    %add3A = arith.constant 7 : i32
    %add3A_0 = arith.addi %arg0, %add3A : i32
    %c0_i32 = arith.constant 0 : i32
    %c0_i32_1 = arith.constant 0 : i32
    return %add3A_0, %c0_i32 : i32, i32
  }
  func.func @transform_2(%arg0: i32) -> (i32, i32) {
    %c0_i32 = arith.constant 0 : i32
    %c0_i32_0 = arith.constant 0 : i32
    return %arg0, %c0_i32 : i32, i32
  }
  func.func @transform_3(%arg0: i32) -> (i32, i32) {
    %c0_i32 = arith.constant 0 : i32
    %c0_i32_0 = arith.constant 0 : i32
    return %arg0, %c0_i32 : i32, i32
  }
  func.func @transform_4(%arg0: i32) -> (i32, i32) {
    %c0_i32 = arith.constant 0 : i32
    %c0_i32_0 = arith.constant 0 : i32
    %c0_i32_1 = arith.constant 0 : i32
    return %c0_i32, %c0_i32_0 : i32, i32
  }
  func.func @transform_5(%arg0: i32) -> (i32, i32) {
    %c0_i32 = arith.constant 0 : i32
    %c0_i32_0 = arith.constant 0 : i32
    %c0_i32_1 = arith.constant 0 : i32
    return %c0_i32, %c0_i32_0 : i32, i32
  }
  func.func @transform_6(%arg0: i32) -> (i32, i32) {
    %c0_i32 = arith.constant 0 : i32
    %c0_i32_0 = arith.constant 0 : i32
    %c0_i32_1 = arith.constant 0 : i32
    return %c0_i32, %c0_i32_0 : i32, i32
  }
  func.func @transform_7(%arg0: i32) -> (i32, i32) {
    %c0_i32 = arith.constant 0 : i32
    %c0_i32_0 = arith.constant 0 : i32
    return %arg0, %c0_i32 : i32, i32
  }
}

module attributes {stable_mosaic.version = 14 : i64} {
  func.func @_t4_body(%arg0: i32, %arg1: memref<1792x128xf32, #tpu.memory_space<vmem>>, %arg2: memref<1792x128xf32, #tpu.memory_space<vmem>>, %arg3: memref<1792x128xf32, #tpu.memory_space<vmem>>, %arg4: memref<1792x128xf32, #tpu.memory_space<vmem>>, %arg5: memref<128x128xf32, #tpu.memory_space<vmem>>, %arg6: memref<128x128xf32, #tpu.memory_space<vmem>>, %arg7: memref<1x128xf32, #tpu.memory_space<vmem>>, %arg8: memref<1x128xf32, #tpu.memory_space<vmem>>, %arg9: memref<128x128xf32, #tpu.memory_space<vmem>>, %arg10: memref<128x128xf32, #tpu.memory_space<vmem>>, %arg11: memref<1x128xf32, #tpu.memory_space<vmem>>, %arg12: memref<128x128xf32, #tpu.memory_space<vmem>>, %arg13: memref<1792x128xf32, #tpu.memory_space<vmem>>) attributes {dimension_semantics = [#tpu.dimension_semantics<arbitrary>], iteration_bounds = array<i64: 7>, scalar_prefetch = 0 : i64, scratch_operands = 0 : i64, tpu.core_type = #tpu.core_type<tc>, window_params = [{transform_indices = @transform_0, window_bounds = array<i64: 1792, 128>}, {transform_indices = @transform_1, window_bounds = array<i64: 1792, 128>}, {transform_indices = @transform_2, window_bounds = array<i64: 1792, 128>}, {transform_indices = @transform_3, window_bounds = array<i64: 1792, 128>}, {pipeline_mode = #tpu.pipeline_mode<synchronous>, transform_indices = @transform_4, window_bounds = array<i64: 128, 128>}, {pipeline_mode = #tpu.pipeline_mode<synchronous>, transform_indices = @transform_5, window_bounds = array<i64: 128, 128>}, {pipeline_mode = #tpu.pipeline_mode<synchronous>, transform_indices = @transform_6, window_bounds = array<i64: 1, 128>}, {pipeline_mode = #tpu.pipeline_mode<synchronous>, transform_indices = @transform_7, window_bounds = array<i64: 1, 128>}, {pipeline_mode = #tpu.pipeline_mode<synchronous>, transform_indices = @transform_8, window_bounds = array<i64: 128, 128>}, {pipeline_mode = #tpu.pipeline_mode<synchronous>, transform_indices = @transform_9, window_bounds = array<i64: 128, 128>}, {pipeline_mode = #tpu.pipeline_mode<synchronous>, transform_indices = @transform_10, window_bounds = array<i64: 1, 128>}, {pipeline_mode = #tpu.pipeline_mode<synchronous>, transform_indices = @transform_11, window_bounds = array<i64: 128, 128>}, {transform_indices = @transform_12, window_bounds = array<i64: 1792, 128>}]} {
    %get3A = arith.constant 0 : index
    %get3A_0 = arith.constant 0 : index
    %get3A_1 = vector.load %arg1[%get3A, %get3A_0] : memref<1792x128xf32, #tpu.memory_space<vmem>>, vector<1792x128xf32>
    %get3A_2 = arith.constant 0 : index
    %get3A_3 = arith.constant 0 : index
    %get3A_4 = vector.load %arg2[%get3A_2, %get3A_3] : memref<1792x128xf32, #tpu.memory_space<vmem>>, vector<1792x128xf32>
    %add3A = arith.addf %get3A_1, %get3A_4 : vector<1792x128xf32>
    %get3A_5 = arith.constant 0 : index
    %get3A_6 = arith.constant 0 : index
    %get3A_7 = vector.load %arg3[%get3A_5, %get3A_6] : memref<1792x128xf32, #tpu.memory_space<vmem>>, vector<1792x128xf32>
    %add3A_8 = arith.addf %add3A, %get3A_7 : vector<1792x128xf32>
    %get3A_9 = arith.constant 0 : index
    %get3A_10 = arith.constant 0 : index
    %get3A_11 = vector.load %arg4[%get3A_9, %get3A_10] : memref<1792x128xf32, #tpu.memory_space<vmem>>, vector<1792x128xf32>
    %mul3A = arith.mulf %add3A_8, %get3A_11 : vector<1792x128xf32>
    %get3A_12 = arith.constant 0 : index
    %get3A_13 = arith.constant 0 : index
    %get3A_14 = vector.load %arg5[%get3A_12, %get3A_13] : memref<128x128xf32, #tpu.memory_space<vmem>>, vector<128x128xf32>
    %dot_general3A = arith.constant dense<0.000000e+00> : vector<1792x128xf32>
    %dot_general3A_15 = tpu.matmul %mul3A, %get3A_14, %dot_general3A {dimension_numbers = #tpu.dot_dimension_numbers<[1], [0], [0], [1], [0, 0, 1, 1], [], []>, precision = #tpu.contract_precision<fp32>, transpose_lhs_hint = false} : vector<1792x128xf32>, vector<128x128xf32>, vector<1792x128xf32> -> vector<1792x128xf32>
    %get3A_16 = arith.constant 0 : index
    %get3A_17 = arith.constant 0 : index
    %get3A_18 = vector.load %arg7[%get3A_16, %get3A_17] : memref<1x128xf32, #tpu.memory_space<vmem>>, vector<1x128xf32>
    %add3A_19 = vector.broadcast %get3A_18 : vector<1x128xf32> to vector<1792x128xf32>
    %add3A_20 = arith.addf %dot_general3A_15, %add3A_19 : vector<1792x128xf32>
    %get3A_21 = arith.constant 0 : index
    %get3A_22 = arith.constant 0 : index
    %get3A_23 = vector.load %arg6[%get3A_21, %get3A_22] : memref<128x128xf32, #tpu.memory_space<vmem>>, vector<128x128xf32>
    %dot_general3A_24 = arith.constant dense<0.000000e+00> : vector<1792x128xf32>
    %dot_general3A_25 = tpu.matmul %mul3A, %get3A_23, %dot_general3A_24 {dimension_numbers = #tpu.dot_dimension_numbers<[1], [0], [0], [1], [0, 0, 1, 1], [], []>, precision = #tpu.contract_precision<fp32>, transpose_lhs_hint = false} : vector<1792x128xf32>, vector<128x128xf32>, vector<1792x128xf32> -> vector<1792x128xf32>
    %get3A_26 = arith.constant 0 : index
    %get3A_27 = arith.constant 0 : index
    %get3A_28 = vector.load %arg8[%get3A_26, %get3A_27] : memref<1x128xf32, #tpu.memory_space<vmem>>, vector<1x128xf32>
    %add3A_29 = vector.broadcast %get3A_28 : vector<1x128xf32> to vector<1792x128xf32>
    %add3A_30 = arith.addf %dot_general3A_25, %add3A_29 : vector<1792x128xf32>
    %mul3A_31 = arith.mulf %add3A_20, %add3A_20 : vector<1792x128xf32>
    %mul3A_32 = arith.mulf %add3A_30, %add3A_30 : vector<1792x128xf32>
    %add3A_33 = arith.addf %mul3A_31, %mul3A_32 : vector<1792x128xf32>
    %get3A_34 = arith.constant 0 : index
    %get3A_35 = arith.constant 0 : index
    %get3A_36 = vector.load %arg12[%get3A_34, %get3A_35] : memref<128x128xf32, #tpu.memory_space<vmem>>, vector<128x128xf32>
    %dot_general3A_37 = arith.constant dense<0.000000e+00> : vector<1792x128xf32>
    %dot_general3A_38 = tpu.matmul %add3A_33, %get3A_36, %dot_general3A_37 {dimension_numbers = #tpu.dot_dimension_numbers<[1], [0], [0], [1], [0, 0, 1, 1], [], []>, precision = #tpu.contract_precision<fp32>, transpose_lhs_hint = false} : vector<1792x128xf32>, vector<128x128xf32>, vector<1792x128xf32> -> vector<1792x128xf32>
    %sqrt3A = math.sqrt %dot_general3A_38 : vector<1792x128xf32>
    %max3A = arith.constant 9.99999996E-13 : f32
    %max3A_39 = vector.broadcast %max3A : f32 to vector<1792x128xf32>
    %max3A_40 = arith.maximumf %sqrt3A, %max3A_39 : vector<1792x128xf32>
    %div3A = arith.constant 1.000000e+00 : f32
    %div3A_41 = vector.broadcast %div3A : f32 to vector<1792x128xf32>
    %div3A_42 = arith.divf %div3A_41, %max3A_40 : vector<1792x128xf32>
    %mul3A_43 = arith.mulf %add3A_20, %div3A_42 : vector<1792x128xf32>
    %mul3A_44 = arith.mulf %add3A_30, %div3A_42 : vector<1792x128xf32>
    %get3A_45 = arith.constant 0 : index
    %get3A_46 = arith.constant 0 : index
    %get3A_47 = vector.load %arg9[%get3A_45, %get3A_46] : memref<128x128xf32, #tpu.memory_space<vmem>>, vector<128x128xf32>
    %dot_general3A_48 = arith.constant dense<0.000000e+00> : vector<1792x128xf32>
    %dot_general3A_49 = tpu.matmul %mul3A_43, %get3A_47, %dot_general3A_48 {dimension_numbers = #tpu.dot_dimension_numbers<[1], [0], [0], [1], [0, 0, 1, 1], [], []>, precision = #tpu.contract_precision<fp32>, transpose_lhs_hint = false} : vector<1792x128xf32>, vector<128x128xf32>, vector<1792x128xf32> -> vector<1792x128xf32>
    %get3A_50 = arith.constant 0 : index
    %get3A_51 = arith.constant 0 : index
    %get3A_52 = vector.load %arg10[%get3A_50, %get3A_51] : memref<128x128xf32, #tpu.memory_space<vmem>>, vector<128x128xf32>
    %dot_general3A_53 = arith.constant dense<0.000000e+00> : vector<1792x128xf32>
    %dot_general3A_54 = tpu.matmul %mul3A_44, %get3A_52, %dot_general3A_53 {dimension_numbers = #tpu.dot_dimension_numbers<[1], [0], [0], [1], [0, 0, 1, 1], [], []>, precision = #tpu.contract_precision<fp32>, transpose_lhs_hint = false} : vector<1792x128xf32>, vector<128x128xf32>, vector<1792x128xf32> -> vector<1792x128xf32>
    %add3A_55 = arith.addf %dot_general3A_49, %dot_general3A_54 : vector<1792x128xf32>
    %get3A_56 = arith.constant 0 : index
    %get3A_57 = arith.constant 0 : index
    %get3A_58 = vector.load %arg11[%get3A_56, %get3A_57] : memref<1x128xf32, #tpu.memory_space<vmem>>, vector<1x128xf32>
    %add3A_59 = vector.broadcast %get3A_58 : vector<1x128xf32> to vector<1792x128xf32>
    %add3A_60 = arith.addf %add3A_55, %add3A_59 : vector<1792x128xf32>
    %mul3A_61 = arith.mulf %add3A_60, %add3A_60 : vector<1792x128xf32>
    %get3A_62 = arith.constant 0 : index
    %get3A_63 = arith.constant 0 : index
    %get3A_64 = vector.load %arg12[%get3A_62, %get3A_63] : memref<128x128xf32, #tpu.memory_space<vmem>>, vector<128x128xf32>
    %dot_general3A_65 = arith.constant dense<0.000000e+00> : vector<1792x128xf32>
    %dot_general3A_66 = tpu.matmul %mul3A_61, %get3A_64, %dot_general3A_65 {dimension_numbers = #tpu.dot_dimension_numbers<[1], [0], [0], [1], [0, 0, 1, 1], [], []>, precision = #tpu.contract_precision<fp32>, transpose_lhs_hint = false} : vector<1792x128xf32>, vector<128x128xf32>, vector<1792x128xf32> -> vector<1792x128xf32>
    %sqrt3A_67 = math.sqrt %dot_general3A_66 : vector<1792x128xf32>
    %max3A_68 = arith.constant 9.99999996E-13 : f32
    %max3A_69 = vector.broadcast %max3A_68 : f32 to vector<1792x128xf32>
    %max3A_70 = arith.maximumf %sqrt3A_67, %max3A_69 : vector<1792x128xf32>
    %div3A_71 = arith.divf %add3A_60, %max3A_70 : vector<1792x128xf32>
    %swap3A = arith.constant 0 : index
    %swap3A_72 = arith.constant 0 : index
    %swap3A_73 = vector.load %arg13[%swap3A, %swap3A_72] : memref<1792x128xf32, #tpu.memory_space<vmem>>, vector<1792x128xf32>
    tpu.vector_store %arg13[%swap3A, %swap3A_72], %div3A_71 {strides = array<i32>} : memref<1792x128xf32, #tpu.memory_space<vmem>>, vector<1792x128xf32>,
    return
  }
  func.func @transform_0(%arg0: i32) -> (i32, i32) {
    %c0_i32 = arith.constant 0 : i32
    %c0_i32_0 = arith.constant 0 : i32
    return %arg0, %c0_i32 : i32, i32
  }
  func.func @transform_1(%arg0: i32) -> (i32, i32) {
    %add3A = arith.constant 7 : i32
    %add3A_0 = arith.addi %arg0, %add3A : i32
    %c0_i32 = arith.constant 0 : i32
    %c0_i32_1 = arith.constant 0 : i32
    return %add3A_0, %c0_i32 : i32, i32
  }
  func.func @transform_2(%arg0: i32) -> (i32, i32) {
    %c0_i32 = arith.constant 0 : i32
    %c0_i32_0 = arith.constant 0 : i32
    return %arg0, %c0_i32 : i32, i32
  }
  func.func @transform_3(%arg0: i32) -> (i32, i32) {
    %c0_i32 = arith.constant 0 : i32
    %c0_i32_0 = arith.constant 0 : i32
    return %arg0, %c0_i32 : i32, i32
  }
  func.func @transform_4(%arg0: i32) -> (i32, i32) {
    %c0_i32 = arith.constant 0 : i32
    %c0_i32_0 = arith.constant 0 : i32
    %c0_i32_1 = arith.constant 0 : i32
    return %c0_i32, %c0_i32_0 : i32, i32
  }
  func.func @transform_5(%arg0: i32) -> (i32, i32) {
    %c0_i32 = arith.constant 0 : i32
    %c0_i32_0 = arith.constant 0 : i32
    %c0_i32_1 = arith.constant 0 : i32
    return %c0_i32, %c0_i32_0 : i32, i32
  }
  func.func @transform_6(%arg0: i32) -> (i32, i32) {
    %c0_i32 = arith.constant 0 : i32
    %c0_i32_0 = arith.constant 0 : i32
    %c0_i32_1 = arith.constant 0 : i32
    return %c0_i32, %c0_i32_0 : i32, i32
  }
  func.func @transform_7(%arg0: i32) -> (i32, i32) {
    %c0_i32 = arith.constant 0 : i32
    %c0_i32_0 = arith.constant 0 : i32
    %c0_i32_1 = arith.constant 0 : i32
    return %c0_i32, %c0_i32_0 : i32, i32
  }
  func.func @transform_8(%arg0: i32) -> (i32, i32) {
    %c0_i32 = arith.constant 0 : i32
    %c0_i32_0 = arith.constant 0 : i32
    %c0_i32_1 = arith.constant 0 : i32
    return %c0_i32, %c0_i32_0 : i32, i32
  }
  func.func @transform_9(%arg0: i32) -> (i32, i32) {
    %c0_i32 = arith.constant 0 : i32
    %c0_i32_0 = arith.constant 0 : i32
    %c0_i32_1 = arith.constant 0 : i32
    return %c0_i32, %c0_i32_0 : i32, i32
  }
  func.func @transform_10(%arg0: i32) -> (i32, i32) {
    %c0_i32 = arith.constant 0 : i32
    %c0_i32_0 = arith.constant 0 : i32
    %c0_i32_1 = arith.constant 0 : i32
    return %c0_i32, %c0_i32_0 : i32, i32
  }
  func.func @transform_11(%arg0: i32) -> (i32, i32) {
    %c0_i32 = arith.constant 0 : i32
    %c0_i32_0 = arith.constant 0 : i32
    %c0_i32_1 = arith.constant 0 : i32
    return %c0_i32, %c0_i32_0 : i32, i32
  }
  func.func @transform_12(%arg0: i32) -> (i32, i32) {
    %c0_i32 = arith.constant 0 : i32
    %c0_i32_0 = arith.constant 0 : i32
    return %arg0, %c0_i32 : i32, i32
  }
}

</mosaic_0001>

<sc_bundles>
// kernel: kernel.11.cloned.1.call-start
scs
__scs_entry_jumppad:
0x0: {  	(pc) =	sbr.rel $0x88, $3  }
0x1: {  	(tag) =	ssettag $0x0;
	lr =	simm.s32 $0x1  }
0x2: {  	[smem:$0x3F97] =	sst lr;
	_ =	strace $0xD0000000  }
0x3: {  	_ = 	snop  }
0x4: {  	_ = 	snop  }
0x5: {  	_ = 	snop  }
0x6: {  	_ = 	snop  }
0x7: {  	_ = 	snop  }
__scs_overlays_trampoline_lowered:
0x8: {  	[smem:$0x3FA6] =	sst s0  }
0x9: {  	[smem:$0x3FA7] =	sst s1  }
0xa: {  	[smem:$0x3FA8] =	sst s2  }
0xb: {  	[smem:$0x3FA9] =	sst s3  }
0xc: {  	[smem:$0x3FAA] =	sst s4  }
0xd: {  	[smem:$0x3FAB] =	sst s5  }
0xe: {  	[smem:$0x3FAC] =	sst s6  }
0xf: {  	[smem:$0x3FAD] =	sst s7  }
0x10: {  	[smem:$0x3FAE] =	sst s8  }
0x11: {  	[smem:$0x3FAF] =	sst s9;
	s0 =	simm.s32 @!p0 $0x0  }
0x12: {  	s1 =	sld [smem:$0x3F95];
	s0 =	simm.s32 @p0 $0x1  }
0x13: {  	[smem:$0x3FB0] =	sst s0;
	s0 =	simm.s32 @!p1 $0x0  }
0x14: {  	s2 =	sld [smem:$0x3F94];
	s0 =	simm.s32 @p1 $0x1  }
0x15: {  	[smem:$0x3FB1] =	sst s0;
	s0 =	simm.s32 @!p2 $0x0  }
0x16: {  	s3 =	sld [smem:$0x3FDB];
	s0 =	simm.s32 @p2 $0x1  }
0x17: {  	s4 =	simm.s32 $0x1BF5;
	[smem:$0x3FB3] =	sst s0  }
0x18: {  	s0 =	sld [smem:$0x3F96];
	_ =	swait.ge [sflag:s4], $0x0  }
0x19: {  	s7 =	sld [smem:$0x3F97]  }
0x1a: {  	s8 =	sadd.s32 $0xFFFFE003, lr  }
0x1b: {  	s9 =	sadd.s32 $0xFFFFFEF7, lr;
	s5 =	simm.s32 $0xFFFFFFFF;
	p2 =	slt.u32 s8, $0xFFFFF086  }
0x1c: {  	p1 =	slt.u32 s9, $0xF7A;
	s5 =	simm.s32 @!p2 $0x0  }
0x1d: {  	s5 =	simm.s32 @p1 $0x1;
	p0 =	seq.s32 s7, s2  }
0x1e: {  	s7 =	smul.u32 @!p0 $0xF7A, s2;
	p2 =	seq.s32 @!p0 s5, $0x0  }
0x1f: {  	s9 =	smul.u32 $0xF7A, s1;
	s8 =	simm.s32 @!p0 $0x1BF5;
	p2 =	por !p2, p0  }
0x20: {  	[sflag:s8] =	ssyncset.s32 @!p0 $0xFFFFF086;
	s6 =	sadd.s32 @!p0 s3, s7;
	s7 =	simm.s32 @!p0 $0x108  }
0x21: {  	s3 =	sadd.s32 s3, s9;
	s6 =	sadd.s32 @!p0 $0x88, s6;
	s7 =	simm.s32 @p2 $0x1082  }
0x22: {  	[simem:s7], [sflag:s8] =	dma.local @!p0 [hbm:s6], $0xF7A  }
0x23: {  	s9 =	sor.u32 $0xD0000000, s2;
	s6 =	simm.s32 $0x108;
	_ =	swait.ge @!p0 [sflag:s8], $0x0  }
0x24: {  	s3 =	sadd.s32 $0x88, s3;
	s6 =	simm.s32 @!p1 $0x1082;
	[sflag:s4] =	ssyncset.s32 $0xFFFFF086  }
0x25: {  	[simem:s6], [sflag:s4] =	dma.local [hbm:s3], $0xF7A  }
0x26: {  	[smem:$0x3F97] =	sst s1;
	(tag) =	ssettag s2;
	_ =	strace s9  }
0x27: {  	s1 =	sld [smem:$0x3FA7]  }
0x28: {  	s2 =	sld [smem:$0x3FA8]  }
0x29: {  	s4 =	sld [smem:$0x3FAA]  }
0x2a: {  	p0 =	seq.s32 s5, $0x0;
	s5 =	sld [smem:$0x3FAB]  }
0x2b: {  	s6 =	sld [smem:$0x3FAC]  }
0x2c: {  	s7 =	sld [smem:$0x3FAD]  }
0x2d: {  	s3 =	simm.s32 $0x108;
	s8 =	sld [smem:$0x3FAE]  }
0x2e: {  	s3 =	simm.s32 @!p0 $0x1082;
	s9 =	sld [smem:$0x3FAF]  }
0x2f: {  	lr =	sadd.s32 s0, s3;
	s0 =	sld [smem:$0x3FA6]  }
0x30: {  	s3 =	sld [smem:$0x3FA9]  }
0x31: {  	[smem:$0x3FB2] =	sst s10  }
0x32: {  	s10 =	sld [smem:$0x3FB0];
	_ =	sdelay $0x3  }
0x33: {  	p0 =	seq.s32 s10, $0x1;
	s10 =	sld [smem:$0x3FB2];
	_ =	sdelay $0x3  }
0x34: {  	[smem:$0x3FB2] =	sst s10  }
0x35: {  	s10 =	sld [smem:$0x3FB1];
	_ =	sdelay $0x3  }
0x36: {  	p1 =	seq.s32 s10, $0x1;
	s10 =	sld [smem:$0x3FB2];
	_ =	sdelay $0x3  }
0x37: {  	[smem:$0x3FB2] =	sst s10  }
0x38: {  	s10 =	sld [smem:$0x3FB3]  }
0x39: {  	_ = 	snop;
	(pc) =	sbr.ind lr, $3  }
0x3a: {  	_ = 	snop  }
0x3b: {  	_ = 	snop  }
0x3c: {  	p2 =	seq.s32 s10, $0x1;
	s10 =	sld [smem:$0x3FB2]  }
0x3d: {  	_ =	shalt  }
0x3e: {  	_ =	shalt  }
0x3f: {  	_ =	shalt  }
0x40: {  	_ =	shalt  }
0x41: {  	_ =	shalt  }
0x42: {  	_ =	shalt  }
0x43: {  	_ =	shalt  }
0x44: {  	_ =	shalt  }
0x45: {  	_ =	shalt  }
0x46: {  	_ =	shalt  }
0x47: {  	_ =	shalt  }
0x48: {  	_ =	shalt  }
0x49: {  	_ =	shalt  }
0x4a: {  	_ =	shalt  }
0x4b: {  	_ =	shalt  }
0x4c: {  	_ =	shalt  }
0x4d: {  	_ =	shalt  }
0x4e: {  	_ =	shalt  }
0x4f: {  	_ =	shalt  }
0x50: {  	_ =	shalt  }
0x51: {  	_ =	shalt  }
0x52: {  	_ =	shalt  }
0x53: {  	_ =	shalt  }
0x54: {  	_ =	shalt  }
0x55: {  	_ =	shalt  }
0x56: {  	_ =	shalt  }
0x57: {  	_ =	shalt  }
0x58: {  	_ =	shalt  }
0x59: {  	_ =	shalt  }
0x5a: {  	_ =	shalt  }
0x5b: {  	_ =	shalt  }
0x5c: {  	_ =	shalt  }
0x5d: {  	_ =	shalt  }
0x5e: {  	_ =	shalt  }
0x5f: {  	_ =	shalt  }
0x60: {  	_ =	shalt  }
0x61: {  	_ =	shalt  }
0x62: {  	_ =	shalt  }
0x63: {  	_ =	shalt  }
0x64: {  	_ =	shalt  }
0x65: {  	_ =	shalt  }
0x66: {  	_ =	shalt  }
0x67: {  	_ =	shalt  }
0x68: {  	_ =	shalt  }
0x69: {  	_ =	shalt  }
0x6a: {  	_ =	shalt  }
0x6b: {  	_ =	shalt  }
0x6c: {  	_ =	shalt  }
0x6d: {  	_ =	shalt  }
0x6e: {  	_ =	shalt  }
0x6f: {  	_ =	shalt  }
0x70: {  	_ =	shalt  }
0x71: {  	_ =	shalt  }
0x72: {  	_ =	shalt  }
0x73: {  	_ =	shalt  }
0x74: {  	_ =	shalt  }
0x75: {  	_ =	shalt  }
0x76: {  	_ =	shalt  }
0x77: {  	_ =	shalt  }
0x78: {  	_ =	shalt  }
0x79: {  	_ =	shalt  }
0x7a: {  	_ =	shalt  }
0x7b: {  	_ =	shalt  }
0x7c: {  	_ =	shalt  }
0x7d: {  	_ =	shalt  }
0x7e: {  	_ =	shalt  }
0x7f: {  	_ =	shalt  }
0x80: {  	_ =	shalt  }
0x81: {  	_ =	shalt  }
0x82: {  	_ =	shalt  }
0x83: {  	_ =	shalt  }
0x84: {  	_ =	shalt  }
0x85: {  	_ =	shalt  }
0x86: {  	_ =	shalt  }
0x87: {  	_ =	shalt  }
.Lfunc_end0:
.L_simem_size_0:
called_computation_lowered:
.L_overlay_start_0:
0x88: {  	s2 =	sld [smem:$0x3FD9]  }
0x89: {  	s3 =	sld [smem:$0x3FFE];
	_ =	sdelay $0x1  }
0x8a: {  	s1 =	srdreg.scid  }
0x8b: {  	s0 =	sand.u32 $0x1, s1  }
0x8c: {  	s17 =	sshll.u32 s0, $0xA;
	s2 =	sadd.s32 s3, s2  }
0x8d: {  	s2 =	sadd.s32 s2, s17  }
0x8e: {  	[smem:$0x3FBE] =	sst s2  }
0x8f: {  	_ = 	snop  }
0x90: {  	s2 =	sld [smem:$0x3FD0];
	(tm) =	ssettm $0x1  }
0x91: {  	s18 =	sld [smem:$0x3FFB];
	_ =	sdelay $0x3  }
0x92: {  	_ =	strace s18  }
0x93: {  	s3 =	sld [smem:$0x3FFC];
	_ =	sdelay $0x3  }
0x94: {  	_ =	strace s3  }
0x95: {  	s3 =	sld [smem:$0x3FFD];
	_ =	sdelay $0x3  }
0x96: {  	_ =	strace s3  }
0x97: {  	_ =	strace $0x8FFFFFFF  }
0x98: {  	s19 =	sld [smem:$0x3FDB];
	_ =	sdelay $0x1  }
0x99: {  	s4 =	simm.s32 $_scs_section_size  }
0x9a: {  	s5 =	simm.s32 $_size__tile_overlayer_lowered;
	s6 =	simm.s32 $_tile_overlayer_lowered  }
0x9b: {  	s22 =	simm.s32 $0x1BFF;
	s21 =	sshll.u32 s6, $0x1;
	s3 =	sadd.s32 s4, s19  }
0x9c: {  	s7 =	simm.s32 $0x0;
	s20 =	sshll.u32 s5, $0x1;
	s5 =	sadd.s32 s21, s3  }
0x9d: {  	[timem:s7], [sflag:s22] =	dma.local [hbm:s5], s20  }
0x9e: {  	_ =	swait.ge [sflag:s22], s20  }
0x9f: {  	s4 =	ssub.s32 $0x0, s20;
	[sflag:s22] =	ssyncset.done $0x0  }
0xa0: {  	[sflag:s22] =	ssyncadd.s32 s4;
	_ =	sdelay $0x1  }
0xa1: {  	s23 =	simm.s32 $0x1B8B  }
0xa2: {  	_ =	swait.ge [sflag:s23], $0x1  }
0xa3: {  	[sflag:s23] =	ssyncset.done $0x0  }
0xa4: {  	s25 =	simm.s32 $0x1B8E;
	s24 =	sld [smem:$0x3FFE];
	[sflag:s23] =	ssyncadd.s32 $0xFFFFFFFF  }
0xa5: {  	s26 =	simm.s32 $execute0_lowered;
	[smem:$0x3FD2] =	sst s25  }
0xa6: {  	s5 =	sshll.u32 s26, $0x1;
	_ =	strace $0x80000046;
	[dreg:$0x1] =	wrdreg $0xFFFFFFFF  }
0xa7: {  	s28 =	simm.s32 $_size_execute0_lowered;
	s3 =	sadd.s32 s3, s5;
	[dreg:$0x0] =	wrdreg $0x0  }
0xa8: {  	s5 =	sshll.u32 s28, $0x1;
	[dreg:$0x2] =	wrdreg s3  }
0xa9: {  	[dreg:$0x3] =	wrdreg s5  }
0xaa: {  	[dreg:$0x4] =	wrdreg $0xC0  }
0xab: {  	_ =	task [dreg:s7], $0x5FFFF  }
0xac: {  	[dreg:$0x1] =	wrdreg $0xFFFFFFFF  }
0xad: {  	[dreg:$0x0] =	wrdreg $0x60  }
0xae: {  	[dreg:$0x2] =	wrdreg s24  }
0xaf: {  	[dreg:$0x3] =	wrdreg s2  }
0xb0: {  	[dreg:$0x4] =	wrdreg $0xC000  }
0xb1: {  	[dreg:$0x5] =	wrdreg $0x9  }
0xb2: {  	_ =	task.clear_ibuf [dreg:s7], $0x6FFFF;
	_ =	strace $0x90000046  }
0xb3: {  	s29 =	simm.s32 $0x9;
	_ =	strace $0x80000048  }
0xb4: {  	_ =	swait.ge [sflag:s29], $0x1  }
0xb5: {  	[sflag:s29] =	ssyncadd.s32 $0xFFFFFFFF  }
0xb6: {  	_ =	strace $0x90000048  }
0xb7: {  	_ =	sfence  }
0xb8: {  	s30 =	sld [smem:$0x0];
	_ =	sdelay $0x2  }
0xb9: {  	s31 =	sshll.u32 s1, $0xD;
	s1 =	sshrl.u32 s1, $0x2  }
0xba: {  	s3 =	sand.u32 $0x4000, s31;
	s1 =	sadd.s32 s1, s30  }
0xbb: {  	s0 =	sor.u32 s3, s0;
	s1 =	sshll.u32 s1, $0x11  }
0xbc: {  	s0 =	sor.u32 s1, s0  }
0xbd: {  	s0 =	sadd.s32 $0x8F2B, s0  }
0xbe: {  	[sflag:s0] =	ssyncadd.remote.s32 $0x1  }
0xbf: {  	_ =	sfence.sel $0xFFFF  }
0xc0: {  	[dreg:$0x0] =	wrdreg $0xFFFFFFFF;
	(pc) =	sbr.abs _section_cstart, $3  }
0xc1: {  	[dreg:$0x1] =	wrdreg $0xFFFFFFFF  }
0xc2: {  	_ =	task.clear_ibuf [dreg:s7], $0x2FFFF;
	_ =	strace $0x9FFFFFFF  }
0xc3: {  	(tm) =	ssettm $0x7FFFFFFF  }
tec
execute0_lowered:
.L_overlay_start_1:
0x0: {  	(tag) =	ssettag $0x1  }
0x1: {  	s0 =	rddreg [dreg:$0x0]  }
0x2: {  	s3 =	rddreg [dreg:$0x1]  }
0x3: {  	s1 =	rddreg [dreg:$0x2]  }
0x4: {  	s2 =	simm.s32 $0x0;
	s4 =	srdreg.scid;
	s10 =	stileid.u32  }
0x5: {  	s14 =	simm.s32 $0x800;
	s15 =	simm.s32 $0x80;
	s16 =	simm.s32 $0x880  }
0x6: {  	s18 =	simm.s32 $0x900;
	s20 =	simm.s32 $0x980;
	s22 =	simm.s32 $0xA00  }
0x7: {  	s29 =	simm.s32 $0xB80;
	s30 =	simm.s32 $0x400;
	s31 =	simm.s32 $0x4  }
0x8: {  	s21 =	simm.s32 $0x180;
	s28 =	simm.s32 $0x300;
	s19 =	simm.s32 $0x780  }
0x9: {  	[smem:$0x7FF] =	sst s2;
	s5 =	sadd.s32 $0x65C00, s0;
	s4 =	sand.u32 $0x1, s4  }
0xa: {  	s6 =	sadd.s32 $0xC7C00, s0;
	s7 =	smul.u32 $0x1880, s10;
	s0 =	sadd.s32 $0xC7E00, s0  }
0xb: {  	s9 =	smul.u32 $0x310, s10;
	_ =	strace $0x80000047;
	[dreg:$0x4] =	wrdreg s6  }
0xc: {  	s23 =	ssub.s32 $0x2, s4;
	[dreg:$0x5] =	wrdreg s0;
	s8 =	smul.u32 $0x3100, s4  }
0xd: {  	s25 =	sshll.u32 s4, $0x4;
	s4 =	smul.u32 $0x18800, s4;
	s24 =	sshrl.u32 s23, $0x1  }
0xe: {  	s12 =	sadd.s32 s7, s1;
	s6 =	sor.u32 s10, s25;
	s10 =	sshll.u32 s10, $0x6  }
0xf: {  	s25 =	simm.s32 $0x280;
	s0 =	ssub.s32 s23, s24;
	s6 =	smul.u32 $0x3100, s6  }
0x10: {  	s8 =	sadd.s32 s9, s8;
	s9 =	sor.u32 $0x1C03, s10;
	s4 =	sadd.s32 s7, s4  }
0x11: {  	s17 =	sshrl.u32 s12, $0x3;
	s24 =	simm.s32 $0xA80;
	s23 =	simm.s32 $0x200  }
0x12: {  	s7 =	simm.s32 $0x600;
	s26 =	sshll.u32 s8, $0x4;
	[dreg:$0x6] =	wrdreg s9  }
0x13: {  	s4 =	sshrl.u32 s4, $0x3;
	s0 =	smax.u32 s0, $0x1;
	[dreg:$0xa] =	wrdreg s17  }
0x14: {  	s8 =	simm.s32 $0x680;
	s6 =	sadd.s32 s5, s6;
	s5 =	sadd.s32 s26, s5  }
0x15: {  	s3 =	sadd.s32 s3, s4;
	[dreg:$0x9] =	wrdreg s0;
	s26 =	simm.s32 $0xB00  }
0x16: {  	s0 =	simm.s32 $0x0;
	s4 =	simm.s32 $0x500;
	[dreg:$0x7] =	wrdreg s6  }
0x17: {  	[dreg:$0x8] =	wrdreg s3;
	s10 =	sadd.s32 $0x100, s5;
	s11 =	sadd.s32 $0x80, s5  }
0x18: {  	s6 =	simm.s32 $0x1;
	s3 =	simm.s32 $0x480;
	s5 =	simm.s32 $0x580  }
.LBB2_1:
0x19: {  	[dreg:$0xb] =	wrdreg s0  }
0x1a: {  	s13 =	simm.s32 $0x3;
	s12 =	rddreg [dreg:$0x5]  }
0x1b: {  	[spmem:s17], [sflag:s9] =	dma.local [hbm:s12], $0x310  }
0x1c: {  	_ =	swait.ge [sflag:s13], $0x310  }
0x1d: {  	[sflag:s13] =	ssyncset.done $0x0  }
0x1e: {  	s9 =	rddreg [dreg:$0x4];
	[sflag:s13] =	ssyncadd.s32 $0xFFFFFCF0  }
0x1f: {  	[tilespmem:s14], [sflag:$0x3] =	stream.linear.gather [hbm4b:s9+s2], $0x400, $0x38;
	[tilespmem:$0x2480] =	vst v63  }
0x20: {  	_ =	swait.ge [sflag:s13], $0x400  }
0x21: {  	[sflag:s13] =	ssyncset.done $0x0  }
0x22: {  	[sflag:s13] =	ssyncadd.s32 $0xFFFFFC00  }
0x23: {  	[bflag:$0x0] =	sbarrier.arrive $0xFFFF  }
0x24: {  	s17 =	rddreg [dreg:$0x7]  }
0x25: {  	[tilespmem:s2], [sflag:$0x3] =	stream.linear.gather [hbm4b:s17+s2], $0x400, $0x38;
	[tilespmem:$0x2480] =	vst v63  }
0x26: {  	_ =	swait.ge [sflag:s13], $0x400  }
0x27: {  	s0 =	simm.s32 $0x380;
	[sflag:s13] =	ssyncset.done $0x0  }
0x28: {  	s9 =	simm.s32 $0x700;
	[sflag:s13] =	ssyncadd.s32 $0xFFFFFC00;
	s13 =	simm.s32 $0x0  }
.LBB2_2:
0x29: {  	[spmem:s1] =	stream.indirect.scatter.add.f32 [tilespmem:s14], [sflag:$0x1], $0x1, s2, s15, $0xb8;
	[tilespmem:$0x2480] =	vst v63  }
0x2a: {  	_ = 	snop  }
0x2b: {  	[spmem:s1] =	stream.indirect.scatter.add.f32 [tilespmem:s16], [sflag:$0x1], $0x1, s15, s15, $0xb8;
	[tilespmem:$0x2480] =	vst v63  }
0x2c: {  	s12 =	simm.s32 $0x100  }
0x2d: {  	[spmem:s1] =	stream.indirect.scatter.add.f32 [tilespmem:s18], [sflag:$0x1], $0x1, s12, s15, $0xb8;
	[tilespmem:$0x2480] =	vst v63  }
0x2e: {  	_ = 	snop  }
0x2f: {  	[spmem:s1] =	stream.indirect.scatter.add.f32 [tilespmem:s20], [sflag:$0x1], $0x1, s21, s15, $0xb8;
	[tilespmem:$0x2480] =	vst v63  }
0x30: {  	_ = 	snop  }
0x31: {  	[spmem:s1] =	stream.indirect.scatter.add.f32 [tilespmem:s22], [sflag:$0x1], $0x1, s23, s15, $0xb8;
	[tilespmem:$0x2480] =	vst v63  }
0x32: {  	_ = 	snop  }
0x33: {  	[spmem:s1] =	stream.indirect.scatter.add.f32 [tilespmem:s24], [sflag:$0x1], $0x1, s25, s15, $0xb8;
	[tilespmem:$0x2480] =	vst v63  }
0x34: {  	p0 =	seq.s32 s13, $0x0  }
0x35: {  	[spmem:s1] =	stream.indirect.scatter.add.f32 [tilespmem:s26], [sflag:$0x1], $0x1, s28, s15, $0xb8;
	[tilespmem:$0x2480] =	vst v63  }
0x36: {  	s12 =	simm.s32 @!p0 $0x2  }
0x37: {  	[spmem:s1] =	stream.indirect.scatter.add.f32 [tilespmem:s29], [sflag:$0x1], $0x1, s0, s15, $0xb8;
	[tilespmem:$0x2480] =	vst v63  }
0x38: {  	_ =	swait.ge @!p0 [sflag:s12], $0x80  }
0x39: {  	[sflag:s12] =	ssyncset.done @!p0 $0x0  }
0x3a: {  	[sflag:s12] =	ssyncadd.s32 @!p0 $0xFFFFFF80  }
0x3b: {  	_ =	swait.ge @!p0 [sflag:s12], $0x80  }
0x3c: {  	[sflag:s12] =	ssyncset.done @!p0 $0x0  }
0x3d: {  	[sflag:s12] =	ssyncadd.s32 @!p0 $0xFFFFFF80  }
0x3e: {  	_ =	swait.ge @!p0 [sflag:s12], $0x80  }
0x3f: {  	[sflag:s12] =	ssyncset.done @!p0 $0x0  }
0x40: {  	[sflag:s12] =	ssyncadd.s32 @!p0 $0xFFFFFF80  }
0x41: {  	_ =	swait.ge @!p0 [sflag:s12], $0x80  }
0x42: {  	[sflag:s12] =	ssyncset.done @!p0 $0x0  }
0x43: {  	[sflag:s12] =	ssyncadd.s32 @!p0 $0xFFFFFF80  }
0x44: {  	_ =	swait.ge @!p0 [sflag:s12], $0x80  }
0x45: {  	[sflag:s12] =	ssyncset.done @!p0 $0x0  }
0x46: {  	[sflag:s12] =	ssyncadd.s32 @!p0 $0xFFFFFF80  }
0x47: {  	_ =	swait.ge @!p0 [sflag:s12], $0x80  }
0x48: {  	[sflag:s12] =	ssyncset.done @!p0 $0x0  }
0x49: {  	[sflag:s12] =	ssyncadd.s32 @!p0 $0xFFFFFF80  }
0x4a: {  	_ =	swait.ge @!p0 [sflag:s12], $0x80  }
0x4b: {  	[sflag:s12] =	ssyncset.done @!p0 $0x0  }
0x4c: {  	[sflag:s12] =	ssyncadd.s32 @!p0 $0xFFFFFF80  }
0x4d: {  	_ =	swait.ge @!p0 [sflag:s12], $0x80  }
0x4e: {  	[sflag:s12] =	ssyncset.done @!p0 $0x0  }
0x4f: {  	s17 =	sadd.s32 s13, s11;
	[sflag:s12] =	ssyncadd.s32 @!p0 $0xFFFFFF80  }
0x50: {  	[tilespmem:s30], [sflag:$0x4] =	stream.linear.gather [hbm4b:s17+s2], $0x400, $0x38;
	[tilespmem:$0x2480] =	vst v63  }
0x51: {  	_ =	swait.ge [sflag:s31], $0x400  }
0x52: {  	[sflag:s31] =	ssyncset.done $0x0  }
0x53: {  	[sflag:s31] =	ssyncadd.s32 $0xFFFFFC00  }
0x54: {  	[spmem:s1] =	stream.indirect.scatter.add.f32 [tilespmem:s14], [sflag:$0x2], $0x1, s30, s15, $0xb8;
	[tilespmem:$0x2480] =	vst v63  }
0x55: {  	_ = 	snop  }
0x56: {  	[spmem:s1] =	stream.indirect.scatter.add.f32 [tilespmem:s16], [sflag:$0x2], $0x1, s3, s15, $0xb8;
	[tilespmem:$0x2480] =	vst v63  }
0x57: {  	_ = 	snop  }
0x58: {  	[spmem:s1] =	stream.indirect.scatter.add.f32 [tilespmem:s18], [sflag:$0x2], $0x1, s4, s15, $0xb8;
	[tilespmem:$0x2480] =	vst v63  }
0x59: {  	_ = 	snop  }
0x5a: {  	[spmem:s1] =	stream.indirect.scatter.add.f32 [tilespmem:s20], [sflag:$0x2], $0x1, s5, s15, $0xb8;
	[tilespmem:$0x2480] =	vst v63  }
0x5b: {  	_ = 	snop  }
0x5c: {  	[spmem:s1] =	stream.indirect.scatter.add.f32 [tilespmem:s22], [sflag:$0x2], $0x1, s7, s15, $0xb8;
	[tilespmem:$0x2480] =	vst v63  }
0x5d: {  	_ = 	snop  }
0x5e: {  	[spmem:s1] =	stream.indirect.scatter.add.f32 [tilespmem:s24], [sflag:$0x2], $0x1, s8, s15, $0xb8;
	[tilespmem:$0x2480] =	vst v63  }
0x5f: {  	_ = 	snop  }
0x60: {  	[spmem:s1] =	stream.indirect.scatter.add.f32 [tilespmem:s26], [sflag:$0x2], $0x1, s9, s15, $0xb8;
	[tilespmem:$0x2480] =	vst v63  }
0x61: {  	_ = 	snop  }
0x62: {  	[spmem:s1] =	stream.indirect.scatter.add.f32 [tilespmem:s29], [sflag:$0x2], $0x1, s19, s15, $0xb8;
	[tilespmem:$0x2480] =	vst v63  }
0x63: {  	_ =	swait.ge [sflag:s6], $0x80  }
0x64: {  	[sflag:s6] =	ssyncset.done $0x0  }
0x65: {  	[sflag:s6] =	ssyncadd.s32 $0xFFFFFF80  }
0x66: {  	_ =	swait.ge [sflag:s6], $0x80  }
0x67: {  	[sflag:s6] =	ssyncset.done $0x0  }
0x68: {  	[sflag:s6] =	ssyncadd.s32 $0xFFFFFF80  }
0x69: {  	_ =	swait.ge [sflag:s6], $0x80  }
0x6a: {  	[sflag:s6] =	ssyncset.done $0x0  }
0x6b: {  	[sflag:s6] =	ssyncadd.s32 $0xFFFFFF80  }
0x6c: {  	_ =	swait.ge [sflag:s6], $0x80  }
0x6d: {  	[sflag:s6] =	ssyncset.done $0x0  }
0x6e: {  	[sflag:s6] =	ssyncadd.s32 $0xFFFFFF80  }
0x6f: {  	_ =	swait.ge [sflag:s6], $0x80  }
0x70: {  	[sflag:s6] =	ssyncset.done $0x0  }
0x71: {  	[sflag:s6] =	ssyncadd.s32 $0xFFFFFF80  }
0x72: {  	_ =	swait.ge [sflag:s6], $0x80  }
0x73: {  	[sflag:s6] =	ssyncset.done $0x0  }
0x74: {  	[sflag:s6] =	ssyncadd.s32 $0xFFFFFF80  }
0x75: {  	_ =	swait.ge [sflag:s6], $0x80  }
0x76: {  	[sflag:s6] =	ssyncset.done $0x0  }
0x77: {  	p0 =	seq.s32 s13, $0x3000;
	[sflag:s6] =	ssyncadd.s32 $0xFFFFFF80  }
0x78: {  	s12 =	sadd.s32 @!p0 s13, s10;
	s13 =	sadd.s32 @!p0 $0x100, s13;
	_ =	swait.ge [sflag:s6], $0x80  }
0x79: {  	p1 =	sne.s32 @!p0 s13, $0x3100;
	[sflag:s6] =	ssyncset.done $0x0  }
0x7a: {  	s17 =	simm.s32 @!p0 $0x0;
	p1 =	por p0, !p1;
	[sflag:s6] =	ssyncadd.s32 $0xFFFFFF80  }
0x7b: {  	[tilespmem:s17], [sflag:$0x3] =	stream.linear.gather @!p0 [hbm4b:s12+s17], $0x400, $0x38;
	[tilespmem:$0x2480] =	vst v63  }
.Ltmp0:
0x7c: {  	_ = 	snop;
	(pc) =	sbr.rel @!p1 .LBB2_2-.Ltmp0, $4  }
0x7d: {  	s12 =	simm.s32 @!p0 $0x3  }
0x7e: {  	_ =	swait.ge @!p0 [sflag:s12], $0x400  }
0x7f: {  	[sflag:s12] =	ssyncset.done @!p0 $0x0  }
0x80: {  	[sflag:s12] =	ssyncadd.s32 @!p0 $0xFFFFFC00  }
0x81: {  	s0 =	simm.s32 $0x2  }
0x82: {  	_ =	swait.ge [sflag:s0], $0x80  }
0x83: {  	[sflag:s0] =	ssyncset.done $0x0  }
0x84: {  	[sflag:s0] =	ssyncadd.s32 $0xFFFFFF80  }
0x85: {  	_ =	swait.ge [sflag:s0], $0x80  }
0x86: {  	[sflag:s0] =	ssyncset.done $0x0  }
0x87: {  	[sflag:s0] =	ssyncadd.s32 $0xFFFFFF80  }
0x88: {  	_ =	swait.ge [sflag:s0], $0x80  }
0x89: {  	[sflag:s0] =	ssyncset.done $0x0  }
0x8a: {  	[sflag:s0] =	ssyncadd.s32 $0xFFFFFF80  }
0x8b: {  	_ =	swait.ge [sflag:s0], $0x80  }
0x8c: {  	[sflag:s0] =	ssyncset.done $0x0  }
0x8d: {  	[sflag:s0] =	ssyncadd.s32 $0xFFFFFF80  }
0x8e: {  	_ =	swait.ge [sflag:s0], $0x80  }
0x8f: {  	[sflag:s0] =	ssyncset.done $0x0  }
0x90: {  	[sflag:s0] =	ssyncadd.s32 $0xFFFFFF80  }
0x91: {  	_ =	swait.ge [sflag:s0], $0x80  }
0x92: {  	[sflag:s0] =	ssyncset.done $0x0  }
0x93: {  	[sflag:s0] =	ssyncadd.s32 $0xFFFFFF80  }
0x94: {  	_ =	swait.ge [sflag:s0], $0x80  }
0x95: {  	[sflag:s0] =	ssyncset.done $0x0  }
0x96: {  	[sflag:s0] =	ssyncadd.s32 $0xFFFFFF80  }
0x97: {  	_ =	swait.ge [sflag:s0], $0x80  }
0x98: {  	[sflag:s0] =	ssyncset.done $0x0  }
0x99: {  	[sflag:s0] =	ssyncadd.s32 $0xFFFFFF80  }
0x9a: {  	[bflag:$0x0] =	sbarrier.arrive $0xFFFF  }
0x9b: {  	s9 =	rddreg [dreg:$0x6]  }
0x9c: {  	s12 =	rddreg [dreg:$0x8]  }
0x9d: {  	s17 =	rddreg [dreg:$0xa]  }
0x9e: {  	[hbm:s12], [sflag:s9] =	dma.local [spmem:s17], $0x310  }
0x9f: {  	s12 =	simm.s32 $0x3  }
0xa0: {  	_ =	swait.ge [sflag:s12], $0x310  }
0xa1: {  	s13 =	rddreg [dreg:$0xb]  }
0xa2: {  	s0 =	sadd.s32 $0x1, s13;
	s13 =	rddreg [dreg:$0x9]  }
0xa3: {  	p0 =	sne.s32 s0, s13  }
.Ltmp1:
0xa4: {  	_ = 	snop;
	(pc) =	sbr.rel @p0 .LBB2_1-.Ltmp1, $3  }
0xa5: {  	_ =	sdelay $0x1  }
0xa6: {  	[sflag:s12] =	ssyncset.done $0x0;
	s13 =	simm.s32 $0x3  }
0xa7: {  	[sflag:s13] =	ssyncadd.s32 $0xFFFFFCF0  }
0xa8: {  	_ =	sfence.sel $0x180000  }
0xa9: {  	[bflag:$0x0] =	sbarrier.arrive $0xFFFF  }
0xaa: {  	_ =	strace $0x90000047  }
0xab: {  	s0 =	stileid.u32;
	[bflag:$0x2] =	sbarrier.arrive $0xFFFF  }
0xac: {  	p0 =	sne.s32 s0, $0x0;
	s0 =	rddreg [dreg:$0x3]  }
0xad: {  	s0 =	sadd.s32 @!p0 $0x100000, s0  }
0xae: {  	[sflag:s0] =	ssyncadd.tile.s32 @!p0 $0x1;
	_ =	shalt  }
.Lfunc_end2:
_tile_overlayer_lowered:
.L_overlay_start_2:
0xaf: {  	(tag) =	ssettag $0x2  }
0xb0: {  	s0 =	rddreg [dreg:$0x0];
	s2 =	stileid.u32  }
0xb1: {  	s1 =	rddreg [dreg:$0x1];
	p0 =	sne.s32 s2, $0x0  }
0xb2: {  	s3 =	rddreg [dreg:$0x2];
	[bflag:$0x3] =	sbarrier.arrive $0xFFFF;
	s2 =	simm.s32 @!p0 $0x1C03  }
0xb3: {  	[timem:s3], [sflag:s2] =	dma.local @!p0 [hbm:s0], s1  }
0xb4: {  	s0 =	simm.s32 @!p0 $0x3  }
0xb5: {  	_ =	swait.ge @!p0 [sflag:s0], s1  }
0xb6: {  	s1 =	ssub.s32 @!p0 $0x0, s1;
	[sflag:s0] =	ssyncset.done @!p0 $0x0  }
0xb7: {  	[sflag:s0] =	ssyncadd.s32 @!p0 s1  }
0xb8: {  	[bflag:$0x3] =	sbarrier.arrive $0xFFFF  }
0xb9: {  	_ =	shalt  }

// kernel: kernel.14.cloned.1.call-start
scs
__scs_entry_jumppad:
0x0: {  	(pc) =	sbr.rel $0x88, $3  }
0x1: {  	(tag) =	ssettag $0x0;
	lr =	simm.s32 $0x1  }
0x2: {  	[smem:$0x3F97] =	sst lr;
	_ =	strace $0xD0000000  }
0x3: {  	_ = 	snop  }
0x4: {  	_ = 	snop  }
0x5: {  	_ = 	snop  }
0x6: {  	_ = 	snop  }
0x7: {  	_ = 	snop  }
__scs_overlays_trampoline_lowered:
0x8: {  	[smem:$0x3FA6] =	sst s0  }
0x9: {  	[smem:$0x3FA7] =	sst s1  }
0xa: {  	[smem:$0x3FA8] =	sst s2  }
0xb: {  	[smem:$0x3FA9] =	sst s3  }
0xc: {  	[smem:$0x3FAA] =	sst s4  }
0xd: {  	[smem:$0x3FAB] =	sst s5  }
0xe: {  	[smem:$0x3FAC] =	sst s6  }
0xf: {  	[smem:$0x3FAD] =	sst s7  }
0x10: {  	[smem:$0x3FAE] =	sst s8  }
0x11: {  	[smem:$0x3FAF] =	sst s9;
	s0 =	simm.s32 @!p0 $0x0  }
0x12: {  	s1 =	sld [smem:$0x3F95];
	s0 =	simm.s32 @p0 $0x1  }
0x13: {  	[smem:$0x3FB0] =	sst s0;
	s0 =	simm.s32 @!p1 $0x0  }
0x14: {  	s2 =	sld [smem:$0x3F94];
	s0 =	simm.s32 @p1 $0x1  }
0x15: {  	[smem:$0x3FB1] =	sst s0;
	s0 =	simm.s32 @!p2 $0x0  }
0x16: {  	s3 =	sld [smem:$0x3FDB];
	s0 =	simm.s32 @p2 $0x1  }
0x17: {  	s4 =	simm.s32 $0x1BF5;
	[smem:$0x3FB3] =	sst s0  }
0x18: {  	s0 =	sld [smem:$0x3F96];
	_ =	swait.ge [sflag:s4], $0x0  }
0x19: {  	s7 =	sld [smem:$0x3F97]  }
0x1a: {  	s8 =	sadd.s32 $0xFFFFE003, lr  }
0x1b: {  	s9 =	sadd.s32 $0xFFFFFEF7, lr;
	s5 =	simm.s32 $0xFFFFFFFF;
	p2 =	slt.u32 s8, $0xFFFFF086  }
0x1c: {  	p1 =	slt.u32 s9, $0xF7A;
	s5 =	simm.s32 @!p2 $0x0  }
0x1d: {  	s5 =	simm.s32 @p1 $0x1;
	p0 =	seq.s32 s7, s2  }
0x1e: {  	s7 =	smul.u32 @!p0 $0xF7A, s2;
	p2 =	seq.s32 @!p0 s5, $0x0  }
0x1f: {  	s9 =	smul.u32 $0xF7A, s1;
	s8 =	simm.s32 @!p0 $0x1BF5;
	p2 =	por !p2, p0  }
0x20: {  	[sflag:s8] =	ssyncset.s32 @!p0 $0xFFFFF086;
	s6 =	sadd.s32 @!p0 s3, s7;
	s7 =	simm.s32 @!p0 $0x108  }
0x21: {  	s3 =	sadd.s32 s3, s9;
	s6 =	sadd.s32 @!p0 $0x88, s6;
	s7 =	simm.s32 @p2 $0x1082  }
0x22: {  	[simem:s7], [sflag:s8] =	dma.local @!p0 [hbm:s6], $0xF7A  }
0x23: {  	s9 =	sor.u32 $0xD0000000, s2;
	s6 =	simm.s32 $0x108;
	_ =	swait.ge @!p0 [sflag:s8], $0x0  }
0x24: {  	s3 =	sadd.s32 $0x88, s3;
	s6 =	simm.s32 @!p1 $0x1082;
	[sflag:s4] =	ssyncset.s32 $0xFFFFF086  }
0x25: {  	[simem:s6], [sflag:s4] =	dma.local [hbm:s3], $0xF7A  }
0x26: {  	[smem:$0x3F97] =	sst s1;
	(tag) =	ssettag s2;
	_ =	strace s9  }
0x27: {  	s1 =	sld [smem:$0x3FA7]  }
0x28: {  	s2 =	sld [smem:$0x3FA8]  }
0x29: {  	s4 =	sld [smem:$0x3FAA]  }
0x2a: {  	p0 =	seq.s32 s5, $0x0;
	s5 =	sld [smem:$0x3FAB]  }
0x2b: {  	s6 =	sld [smem:$0x3FAC]  }
0x2c: {  	s7 =	sld [smem:$0x3FAD]  }
0x2d: {  	s3 =	simm.s32 $0x108;
	s8 =	sld [smem:$0x3FAE]  }
0x2e: {  	s3 =	simm.s32 @!p0 $0x1082;
	s9 =	sld [smem:$0x3FAF]  }
0x2f: {  	lr =	sadd.s32 s0, s3;
	s0 =	sld [smem:$0x3FA6]  }
0x30: {  	s3 =	sld [smem:$0x3FA9]  }
0x31: {  	[smem:$0x3FB2] =	sst s10  }
0x32: {  	s10 =	sld [smem:$0x3FB0];
	_ =	sdelay $0x3  }
0x33: {  	p0 =	seq.s32 s10, $0x1;
	s10 =	sld [smem:$0x3FB2];
	_ =	sdelay $0x3  }
0x34: {  	[smem:$0x3FB2] =	sst s10  }
0x35: {  	s10 =	sld [smem:$0x3FB1];
	_ =	sdelay $0x3  }
0x36: {  	p1 =	seq.s32 s10, $0x1;
	s10 =	sld [smem:$0x3FB2];
	_ =	sdelay $0x3  }
0x37: {  	[smem:$0x3FB2] =	sst s10  }
0x38: {  	s10 =	sld [smem:$0x3FB3]  }
0x39: {  	_ = 	snop;
	(pc) =	sbr.ind lr, $3  }
0x3a: {  	_ = 	snop  }
0x3b: {  	_ = 	snop  }
0x3c: {  	p2 =	seq.s32 s10, $0x1;
	s10 =	sld [smem:$0x3FB2]  }
0x3d: {  	_ =	shalt  }
0x3e: {  	_ =	shalt  }
0x3f: {  	_ =	shalt  }
0x40: {  	_ =	shalt  }
0x41: {  	_ =	shalt  }
0x42: {  	_ =	shalt  }
0x43: {  	_ =	shalt  }
0x44: {  	_ =	shalt  }
0x45: {  	_ =	shalt  }
0x46: {  	_ =	shalt  }
0x47: {  	_ =	shalt  }
0x48: {  	_ =	shalt  }
0x49: {  	_ =	shalt  }
0x4a: {  	_ =	shalt  }
0x4b: {  	_ =	shalt  }
0x4c: {  	_ =	shalt  }
0x4d: {  	_ =	shalt  }
0x4e: {  	_ =	shalt  }
0x4f: {  	_ =	shalt  }
0x50: {  	_ =	shalt  }
0x51: {  	_ =	shalt  }
0x52: {  	_ =	shalt  }
0x53: {  	_ =	shalt  }
0x54: {  	_ =	shalt  }
0x55: {  	_ =	shalt  }
0x56: {  	_ =	shalt  }
0x57: {  	_ =	shalt  }
0x58: {  	_ =	shalt  }
0x59: {  	_ =	shalt  }
0x5a: {  	_ =	shalt  }
0x5b: {  	_ =	shalt  }
0x5c: {  	_ =	shalt  }
0x5d: {  	_ =	shalt  }
0x5e: {  	_ =	shalt  }
0x5f: {  	_ =	shalt  }
0x60: {  	_ =	shalt  }
0x61: {  	_ =	shalt  }
0x62: {  	_ =	shalt  }
0x63: {  	_ =	shalt  }
0x64: {  	_ =	shalt  }
0x65: {  	_ =	shalt  }
0x66: {  	_ =	shalt  }
0x67: {  	_ =	shalt  }
0x68: {  	_ =	shalt  }
0x69: {  	_ =	shalt  }
0x6a: {  	_ =	shalt  }
0x6b: {  	_ =	shalt  }
0x6c: {  	_ =	shalt  }
0x6d: {  	_ =	shalt  }
0x6e: {  	_ =	shalt  }
0x6f: {  	_ =	shalt  }
0x70: {  	_ =	shalt  }
0x71: {  	_ =	shalt  }
0x72: {  	_ =	shalt  }
0x73: {  	_ =	shalt  }
0x74: {  	_ =	shalt  }
0x75: {  	_ =	shalt  }
0x76: {  	_ =	shalt  }
0x77: {  	_ =	shalt  }
0x78: {  	_ =	shalt  }
0x79: {  	_ =	shalt  }
0x7a: {  	_ =	shalt  }
0x7b: {  	_ =	shalt  }
0x7c: {  	_ =	shalt  }
0x7d: {  	_ =	shalt  }
0x7e: {  	_ =	shalt  }
0x7f: {  	_ =	shalt  }
0x80: {  	_ =	shalt  }
0x81: {  	_ =	shalt  }
0x82: {  	_ =	shalt  }
0x83: {  	_ =	shalt  }
0x84: {  	_ =	shalt  }
0x85: {  	_ =	shalt  }
0x86: {  	_ =	shalt  }
0x87: {  	_ =	shalt  }
.Lfunc_end0:
.L_simem_size_0:
called_computation.1_lowered:
.L_overlay_start_0:
0x88: {  	s2 =	sld [smem:$0x3FD9]  }
0x89: {  	s3 =	sld [smem:$0x3FFE];
	_ =	sdelay $0x1  }
0x8a: {  	s1 =	srdreg.scid  }
0x8b: {  	s0 =	sand.u32 $0x1, s1  }
0x8c: {  	s17 =	sshll.u32 s0, $0xA;
	s2 =	sadd.s32 s3, s2  }
0x8d: {  	s2 =	sadd.s32 s2, s17  }
0x8e: {  	[smem:$0x3FBE] =	sst s2  }
0x8f: {  	_ = 	snop  }
0x90: {  	s2 =	sld [smem:$0x3FD0];
	(tm) =	ssettm $0x1  }
0x91: {  	s18 =	sld [smem:$0x3FFB];
	_ =	sdelay $0x3  }
0x92: {  	_ =	strace s18  }
0x93: {  	s3 =	sld [smem:$0x3FFC];
	_ =	sdelay $0x3  }
0x94: {  	_ =	strace s3  }
0x95: {  	s3 =	sld [smem:$0x3FFD];
	_ =	sdelay $0x3  }
0x96: {  	_ =	strace s3  }
0x97: {  	_ =	strace $0x8FFFFFFF  }
0x98: {  	s19 =	sld [smem:$0x3FDB];
	_ =	sdelay $0x1  }
0x99: {  	s4 =	simm.s32 $_scs_section_size  }
0x9a: {  	s5 =	simm.s32 $_size__tile_overlayer_lowered;
	s6 =	simm.s32 $_tile_overlayer_lowered  }
0x9b: {  	s22 =	simm.s32 $0x1BFF;
	s21 =	sshll.u32 s6, $0x1;
	s3 =	sadd.s32 s4, s19  }
0x9c: {  	s7 =	simm.s32 $0x0;
	s20 =	sshll.u32 s5, $0x1;
	s5 =	sadd.s32 s21, s3  }
0x9d: {  	[timem:s7], [sflag:s22] =	dma.local [hbm:s5], s20  }
0x9e: {  	_ =	swait.ge [sflag:s22], s20  }
0x9f: {  	s4 =	ssub.s32 $0x0, s20;
	[sflag:s22] =	ssyncset.done $0x0  }
0xa0: {  	[sflag:s22] =	ssyncadd.s32 s4;
	_ =	sdelay $0x1  }
0xa1: {  	s23 =	simm.s32 $0x1B8B  }
0xa2: {  	_ =	swait.ge [sflag:s23], $0x1  }
0xa3: {  	[sflag:s23] =	ssyncset.done $0x0  }
0xa4: {  	s25 =	simm.s32 $0x1B8E;
	s24 =	sld [smem:$0x3FFE];
	[sflag:s23] =	ssyncadd.s32 $0xFFFFFFFF  }
0xa5: {  	s26 =	simm.s32 $execute0_lowered;
	[smem:$0x3FD2] =	sst s25  }
0xa6: {  	s5 =	sshll.u32 s26, $0x1;
	_ =	strace $0x80000049;
	[dreg:$0x1] =	wrdreg $0xFFFFFFFF  }
0xa7: {  	s28 =	simm.s32 $_size_execute0_lowered;
	s3 =	sadd.s32 s3, s5;
	[dreg:$0x0] =	wrdreg $0x0  }
0xa8: {  	s5 =	sshll.u32 s28, $0x1;
	[dreg:$0x2] =	wrdreg s3  }
0xa9: {  	[dreg:$0x3] =	wrdreg s5  }
0xaa: {  	[dreg:$0x4] =	wrdreg $0xC0  }
0xab: {  	_ =	task [dreg:s7], $0x5FFFF  }
0xac: {  	[dreg:$0x1] =	wrdreg $0xFFFFFFFF  }
0xad: {  	[dreg:$0x0] =	wrdreg $0x60  }
0xae: {  	[dreg:$0x2] =	wrdreg s24  }
0xaf: {  	[dreg:$0x3] =	wrdreg s2  }
0xb0: {  	[dreg:$0x4] =	wrdreg $0x48000  }
0xb1: {  	[dreg:$0x5] =	wrdreg $0x9  }
0xb2: {  	_ =	task.clear_ibuf [dreg:s7], $0x6FFFF;
	_ =	strace $0x90000049  }
0xb3: {  	s29 =	simm.s32 $0x9;
	_ =	strace $0x8000004B  }
0xb4: {  	_ =	swait.ge [sflag:s29], $0x1  }
0xb5: {  	[sflag:s29] =	ssyncadd.s32 $0xFFFFFFFF  }
0xb6: {  	_ =	strace $0x9000004B  }
0xb7: {  	_ =	sfence  }
0xb8: {  	s30 =	sld [smem:$0x0];
	_ =	sdelay $0x2  }
0xb9: {  	s31 =	sshll.u32 s1, $0xD;
	s1 =	sshrl.u32 s1, $0x2  }
0xba: {  	s3 =	sand.u32 $0x4000, s31;
	s1 =	sadd.s32 s1, s30  }
0xbb: {  	s0 =	sor.u32 s3, s0;
	s1 =	sshll.u32 s1, $0x11  }
0xbc: {  	s0 =	sor.u32 s1, s0  }
0xbd: {  	s0 =	sadd.s32 $0x8F2B, s0  }
0xbe: {  	[sflag:s0] =	ssyncadd.remote.s32 $0x1  }
0xbf: {  	_ =	sfence.sel $0xFFFF  }
0xc0: {  	[dreg:$0x0] =	wrdreg $0xFFFFFFFF;
	(pc) =	sbr.abs _section_cstart, $3  }
0xc1: {  	[dreg:$0x1] =	wrdreg $0xFFFFFFFF  }
0xc2: {  	_ =	task.clear_ibuf [dreg:s7], $0x2FFFF;
	_ =	strace $0x9FFFFFFF  }
0xc3: {  	(tm) =	ssettm $0x7FFFFFFF  }
tec
execute0_lowered:
.L_overlay_start_1:
0x0: {  	(tag) =	ssettag $0x1  }
0x1: {  	s0 =	rddreg [dreg:$0x0]  }
0x2: {  	s3 =	rddreg [dreg:$0x2]  }
0x3: {  	s4 =	simm.s32 $0x0;
	s1 =	srdreg.scid;
	s11 =	stileid.u32  }
0x4: {  	s18 =	simm.s32 $0x500;
	s19 =	simm.s32 $0x600;
	s20 =	simm.s32 $0x700  }
0x5: {  	s21 =	simm.s32 $0x180;
	s22 =	simm.s32 $0x280;
	s23 =	simm.s32 $0x380  }
0x6: {  	s24 =	simm.s32 $0x480;
	s28 =	simm.s32 $0x2;
	s29 =	simm.s32 $0x780  }
0x7: {  	s30 =	simm.s32 $0x4;
	s31 =	simm.s32 $0x0;
	[smem:$0x7FF] =	sst s4  }
0x8: {  	s1 =	sand.u32 $0x1, s1;
	s2 =	smul.u32 $0x3100, s11;
	s5 =	sadd.s32 $0x4000, s0  }
0x9: {  	s9 =	smul.u32 $0x310, s11;
	_ =	strace $0x8000004A;
	[dreg:$0x6] =	wrdreg s18  }
0xa: {  	s7 =	sadd.s32 $0x12A200, s0;
	s10 =	smul.u32 $0x62000, s11;
	[dreg:$0x7] =	wrdreg s19  }
0xb: {  	s13 =	sshll.u32 s11, $0x6;
	s6 =	smul.u32 $0x31000, s1;
	[dreg:$0x8] =	wrdreg s20  }
0xc: {  	s8 =	smul.u32 $0x3100, s1;
	s25 =	ssub.s32 $0x2, s1;
	[dreg:$0x9] =	wrdreg s21  }
0xd: {  	s1 =	sshll.u32 s1, $0x4;
	s19 =	simm.s32 $0x2000;
	[dreg:$0xa] =	wrdreg s22  }
0xe: {  	s20 =	simm.s32 $0x400;
	[dreg:$0xb] =	wrdreg s23;
	s21 =	simm.s32 $0x2800  }
0xf: {  	[dreg:$0xc] =	wrdreg s24;
	s22 =	simm.s32 $0x3000;
	s23 =	simm.s32 $0x3800  }
0x10: {  	s24 =	simm.s32 $0x4000;
	s26 =	sshrl.u32 s25, $0x1;
	s12 =	sshrl.u32 s10, $0x2  }
0x11: {  	s1 =	sor.u32 s11, s1;
	s11 =	simm.s32 $0x5;
	s2 =	sadd.s32 s2, s6  }
0x12: {  	s9 =	sadd.s32 s9, s8;
	s1 =	smul.u32 $0x6200, s1;
	s15 =	sadd.s32 s12, s3  }
0x13: {  	s12 =	simm.s32 $0x80;
	s0 =	sadd.s32 s2, s0;
	s2 =	ssub.s32 s25, s26  }
0x14: {  	s6 =	sshll.u32 s9, $0x5;
	s10 =	sshrl.u32 s15, $0x3;
	s15 =	simm.s32 $0x1000  }
0x15: {  	s25 =	simm.s32 $0x580;
	s26 =	simm.s32 $0x680;
	s14 =	sadd.s32 s6, s7  }
0x16: {  	s6 =	sor.u32 $0x1C05, s13;
	s1 =	sadd.s32 s7, s1;
	[dreg:$0xd] =	wrdreg s25  }
0x17: {  	s8 =	sadd.s32 $0x35000, s0;
	s9 =	smax.u32 s2, $0x1;
	[dreg:$0xe] =	wrdreg s26  }
0x18: {  	s13 =	simm.s32 $0x800;
	s16 =	sadd.s32 $0x100, s14;
	[dreg:$0xf] =	wrdreg s1  }
0x19: {  	s25 =	simm.s32 $0x1;
	s17 =	sadd.s32 $0x80, s14;
	[dreg:$0x4] =	wrdreg s16  }
0x1a: {  	s26 =	simm.s32 $0x3;
	[dreg:$0x5] =	wrdreg s17;
	s17 =	simm.s32 $0x1800  }
.LBB2_1:
0x1b: {  	s0 =	rddreg [dreg:$0x1]  }
0x1c: {  	[spmem:s10], [sflag:s6] =	dma.local [hbm:s0], $0x3100  }
0x1d: {  	_ =	swait.ge [sflag:s11], $0x3100  }
0x1e: {  	[sflag:s11] =	ssyncset.done $0x0  }
0x1f: {  	[sflag:s11] =	ssyncadd.s32 $0xFFFFCF00  }
0x20: {  	[bflag:$0x0] =	sbarrier.arrive $0xFFFF  }
0x21: {  	s16 =	rddreg [dreg:$0xf]  }
0x22: {  	[tilespmem:s4], [sflag:$0x5] =	stream.linear.gather [hbm4b:s16+s4], $0x400, $0x38;
	[tilespmem:$0x1D000] =	vst v63  }
0x23: {  	_ =	swait.ge [sflag:s11], $0x400  }
0x24: {  	[sflag:s11] =	ssyncset.done $0x0  }
0x25: {  	[sflag:s11] =	ssyncadd.s32 $0xFFFFFC00  }
0x26: {  	[tilespmem:s13], [sflag:$0x1] =	stream.indirect.gather [hbm4b:s5+s12], $0x10, s4, s12, $0xb8;
	[tilespmem:$0x1D000] =	vst v63  }
0x27: {  	s18 =	simm.s32 $0x100;
	p0 =	por $0x1, $0x1  }
0x28: {  	[tilespmem:s15], [sflag:$0x1] =	stream.indirect.gather [hbm4b:s5+s12], $0x10, s18, s12, $0xb8;
	[tilespmem:$0x1D000] =	vst v63  }
0x29: {  	s1 =	simm.s32 $0x200;
	p0 =	por p0, p0  }
0x2a: {  	[tilespmem:s17], [sflag:$0x1] =	stream.indirect.gather [hbm4b:s5+s12], $0x10, s1, s12, $0xb8;
	[tilespmem:$0x1D000] =	vst v63  }
0x2b: {  	s2 =	simm.s32 $0x300;
	s0 =	simm.s32 @!p0 $0x4  }
0x2c: {  	[tilespmem:s19], [sflag:$0x1] =	stream.indirect.gather [hbm4b:s5+s12], $0x10, s2, s12, $0xb8;
	[tilespmem:$0x1D000] =	vst v63  }
0x2d: {  	_ =	swait.ge @!p0 [sflag:s0], $0x800  }
0x2e: {  	[sflag:s0] =	ssyncset.done @!p0 $0x0  }
0x2f: {  	[sflag:s0] =	ssyncadd.s32 @!p0 $0xFFFFF800  }
0x30: {  	_ =	swait.ge @!p0 [sflag:s0], $0x800  }
0x31: {  	[sflag:s0] =	ssyncset.done @!p0 $0x0  }
0x32: {  	[sflag:s0] =	ssyncadd.s32 @!p0 $0xFFFFF800  }
0x33: {  	_ =	swait.ge @!p0 [sflag:s0], $0x800  }
0x34: {  	[sflag:s0] =	ssyncset.done @!p0 $0x0  }
0x35: {  	[sflag:s0] =	ssyncadd.s32 @!p0 $0xFFFFF800  }
0x36: {  	_ =	swait.ge @!p0 [sflag:s0], $0x800  }
0x37: {  	s1 =	rddreg [dreg:$0x5];
	[sflag:s0] =	ssyncset.done @!p0 $0x0  }
0x38: {  	[sflag:s0] =	ssyncadd.s32 @!p0 $0xFFFFF800;
	s7 =	sadd.s32 $0x0, s1  }
0x39: {  	[tilespmem:s20], [sflag:$0x5] =	stream.linear.gather [hbm4b:s7+s4], $0x400, $0x38;
	[tilespmem:$0x1D000] =	vst v63  }
0x3a: {  	_ =	swait.ge [sflag:s11], $0x400  }
0x3b: {  	[sflag:s11] =	ssyncset.done $0x0  }
0x3c: {  	[sflag:s11] =	ssyncadd.s32 $0xFFFFFC00  }
0x3d: {  	[tilespmem:s21], [sflag:$0x2] =	stream.indirect.gather [hbm4b:s5+s12], $0x10, s20, s12, $0xb8;
	[tilespmem:$0x1D000] =	vst v63  }
0x3e: {  	s14 =	rddreg [dreg:$0x6]  }
0x3f: {  	[tilespmem:s22], [sflag:$0x2] =	stream.indirect.gather [hbm4b:s5+s12], $0x10, s14, s12, $0xb8;
	[tilespmem:$0x1D000] =	vst v63  }
0x40: {  	s16 =	rddreg [dreg:$0x7]  }
0x41: {  	[tilespmem:s23], [sflag:$0x2] =	stream.indirect.gather [hbm4b:s5+s12], $0x10, s16, s12, $0xb8;
	[tilespmem:$0x1D000] =	vst v63  }
0x42: {  	s18 =	rddreg [dreg:$0x8]  }
0x43: {  	[tilespmem:s24], [sflag:$0x2] =	stream.indirect.gather [hbm4b:s5+s12], $0x10, s18, s12, $0xb8;
	[tilespmem:$0x1D000] =	vst v63  }
0x44: {  	_ =	swait.ge [sflag:s25], $0x800  }
0x45: {  	[sflag:s25] =	ssyncset.done $0x0  }
0x46: {  	[sflag:s25] =	ssyncadd.s32 $0xFFFFF800  }
0x47: {  	_ =	swait.ge [sflag:s25], $0x800  }
0x48: {  	[sflag:s25] =	ssyncset.done $0x0  }
0x49: {  	[sflag:s25] =	ssyncadd.s32 $0xFFFFF800  }
0x4a: {  	_ =	swait.ge [sflag:s25], $0x800  }
0x4b: {  	[sflag:s25] =	ssyncset.done $0x0  }
0x4c: {  	[sflag:s25] =	ssyncadd.s32 $0xFFFFF800  }
0x4d: {  	_ =	swait.ge [sflag:s25], $0x800  }
0x4e: {  	[sflag:s25] =	ssyncset.done $0x0  }
0x4f: {  	[sflag:s25] =	ssyncadd.s32 $0xFFFFF800  }
0x50: {  	[spmem:s3] =	stream.indirect.scatter.add.f32 [tilespmem:s13], [sflag:$0x3], $0x10, s12, s12, $0xb8;
	[tilespmem:$0x1D000] =	vst v63  }
0x51: {  	s1 =	rddreg [dreg:$0x9]  }
0x52: {  	[spmem:s3] =	stream.indirect.scatter.add.f32 [tilespmem:s15], [sflag:$0x3], $0x10, s1, s12, $0xb8;
	[tilespmem:$0x1D000] =	vst v63  }
0x53: {  	s2 =	rddreg [dreg:$0xa]  }
0x54: {  	[spmem:s3] =	stream.indirect.scatter.add.f32 [tilespmem:s17], [sflag:$0x3], $0x10, s2, s12, $0xb8;
	[tilespmem:$0x1D000] =	vst v63  }
0x55: {  	s7 =	rddreg [dreg:$0xb]  }
0x56: {  	[spmem:s3] =	stream.indirect.scatter.add.f32 [tilespmem:s19], [sflag:$0x3], $0x10, s7, s12, $0xb8;
	[tilespmem:$0x1D000] =	vst v63  }
0x57: {  	_ =	swait.ge [sflag:s26], $0x800  }
0x58: {  	[sflag:s26] =	ssyncset.done $0x0  }
0x59: {  	[sflag:s26] =	ssyncadd.s32 $0xFFFFF800  }
0x5a: {  	_ =	swait.ge [sflag:s26], $0x800  }
0x5b: {  	[sflag:s26] =	ssyncset.done $0x0  }
0x5c: {  	[sflag:s26] =	ssyncadd.s32 $0xFFFFF800  }
0x5d: {  	_ =	swait.ge [sflag:s26], $0x800  }
0x5e: {  	[sflag:s26] =	ssyncset.done $0x0  }
0x5f: {  	[sflag:s26] =	ssyncadd.s32 $0xFFFFF800  }
0x60: {  	_ =	swait.ge [sflag:s26], $0x800  }
0x61: {  	p0 =	por $0x0, $0x0;
	s0 =	rddreg [dreg:$0x4];
	[sflag:s26] =	ssyncset.done $0x0  }
0x62: {  	s1 =	simm.s32 @!p0 $0x0;
	[sflag:s26] =	ssyncadd.s32 $0xFFFFF800;
	s0 =	sadd.s32 @!p0 $0x0, s0  }
0x63: {  	[tilespmem:s1], [sflag:$0x5] =	stream.linear.gather @!p0 [hbm4b:s0+s1], $0x400, $0x38;
	[tilespmem:$0x1D000] =	vst v63  }
0x64: {  	s0 =	simm.s32 @!p0 $0x5  }
0x65: {  	_ =	swait.ge @!p0 [sflag:s0], $0x400  }
0x66: {  	[sflag:s0] =	ssyncset.done @!p0 $0x0  }
0x67: {  	s2 =	simm.s32 @!p0 $0x80;
	[sflag:s0] =	ssyncadd.s32 @!p0 $0xFFFFFC00;
	s0 =	simm.s32 @!p0 $0x800  }
0x68: {  	[tilespmem:s0], [sflag:$0x1] =	stream.indirect.gather @!p0 [hbm4b:s5+s2], $0x10, s1, s2, $0xb8;
	[tilespmem:$0x1D000] =	vst v63  }
0x69: {  	s0 =	simm.s32 @!p0 $0x100;
	s1 =	simm.s32 @!p0 $0x1000  }
0x6a: {  	[tilespmem:s1], [sflag:$0x1] =	stream.indirect.gather @!p0 [hbm4b:s5+s2], $0x10, s0, s2, $0xb8;
	[tilespmem:$0x1D000] =	vst v63  }
0x6b: {  	s0 =	simm.s32 @!p0 $0x200;
	s1 =	simm.s32 @!p0 $0x1800  }
0x6c: {  	[tilespmem:s1], [sflag:$0x1] =	stream.indirect.gather @!p0 [hbm4b:s5+s2], $0x10, s0, s2, $0xb8;
	[tilespmem:$0x1D000] =	vst v63  }
0x6d: {  	s0 =	simm.s32 @!p0 $0x300;
	s1 =	simm.s32 @!p0 $0x2000  }
0x6e: {  	[tilespmem:s1], [sflag:$0x1] =	stream.indirect.gather @!p0 [hbm4b:s5+s2], $0x10, s0, s2, $0xb8;
	[tilespmem:$0x1D000] =	vst v63  }
0x6f: {  	_ =	swait.ge [sflag:s28], $0x800  }
0x70: {  	[sflag:s28] =	ssyncset.done $0x0  }
0x71: {  	[sflag:s28] =	ssyncadd.s32 $0xFFFFF800  }
0x72: {  	_ =	swait.ge [sflag:s28], $0x800  }
0x73: {  	[sflag:s28] =	ssyncset.done $0x0  }
0x74: {  	[sflag:s28] =	ssyncadd.s32 $0xFFFFF800  }
0x75: {  	_ =	swait.ge [sflag:s28], $0x800  }
0x76: {  	[sflag:s28] =	ssyncset.done $0x0  }
0x77: {  	[sflag:s28] =	ssyncadd.s32 $0xFFFFF800  }
0x78: {  	_ =	swait.ge [sflag:s28], $0x800  }
0x79: {  	[sflag:s28] =	ssyncset.done $0x0  }
0x7a: {  	s14 =	rddreg [dreg:$0xc];
	[sflag:s28] =	ssyncadd.s32 $0xFFFFF800  }
0x7b: {  	[spmem:s3] =	stream.indirect.scatter.add.f32 [tilespmem:s21], [sflag:$0x4], $0x10, s14, s12, $0xb8;
	[tilespmem:$0x1D000] =	vst v63  }
0x7c: {  	p6 =	por $0x0, $0x0;
	s0 =	simm.s32 $0x100;
	s16 =	rddreg [dreg:$0xd]  }
0x7d: {  	[spmem:s3] =	stream.indirect.scatter.add.f32 [tilespmem:s22], [sflag:$0x4], $0x10, s16, s12, $0xb8;
	[tilespmem:$0x1D000] =	vst v63  }
0x7e: {  	s2 =	simm.s32 $0x200;
	p0 =	por p6, p6;
	s18 =	rddreg [dreg:$0xe]  }
0x7f: {  	[spmem:s3] =	stream.indirect.scatter.add.f32 [tilespmem:s23], [sflag:$0x4], $0x10, s18, s12, $0xb8;
	[tilespmem:$0x1D000] =	vst v63  }
.LBB2_2:
0x80: {  	s14 =	simm.s32 @!p0 $0x4  }
0x81: {  	[spmem:s3] =	stream.indirect.scatter.add.f32 [tilespmem:s24], [sflag:$0x4], $0x10, s29, s12, $0xb8;
	[tilespmem:$0x1D000] =	vst v63  }
0x82: {  	_ =	swait.ge @!p0 [sflag:s14], $0x800  }
0x83: {  	[sflag:s14] =	ssyncset.done @!p0 $0x0  }
0x84: {  	[sflag:s14] =	ssyncadd.s32 @!p0 $0xFFFFF800  }
0x85: {  	_ =	swait.ge @!p0 [sflag:s14], $0x800  }
0x86: {  	[sflag:s14] =	ssyncset.done @!p0 $0x0  }
0x87: {  	[sflag:s14] =	ssyncadd.s32 @!p0 $0xFFFFF800  }
0x88: {  	_ =	swait.ge @!p0 [sflag:s14], $0x800  }
0x89: {  	[sflag:s14] =	ssyncset.done @!p0 $0x0  }
0x8a: {  	[sflag:s14] =	ssyncadd.s32 @!p0 $0xFFFFF800  }
0x8b: {  	_ =	swait.ge @!p0 [sflag:s14], $0x800  }
0x8c: {  	[sflag:s14] =	ssyncset.done @!p0 $0x0;
	s16 =	rddreg [dreg:$0x5]  }
0x8d: {  	[sflag:s14] =	ssyncadd.s32 @!p0 $0xFFFFF800;
	s7 =	sadd.s32 s0, s16  }
0x8e: {  	[tilespmem:s20], [sflag:$0x5] =	stream.linear.gather [hbm4b:s7+s4], $0x400, $0x38;
	[tilespmem:$0x1D000] =	vst v63  }
0x8f: {  	_ =	swait.ge [sflag:s11], $0x400  }
0x90: {  	[sflag:s11] =	ssyncset.done $0x0  }
0x91: {  	[sflag:s11] =	ssyncadd.s32 $0xFFFFFC00  }
0x92: {  	[tilespmem:s21], [sflag:$0x2] =	stream.indirect.gather [hbm4b:s5+s12], $0x10, s20, s12, $0xb8;
	[tilespmem:$0x1D000] =	vst v63  }
0x93: {  	s16 =	rddreg [dreg:$0x6]  }
0x94: {  	[tilespmem:s22], [sflag:$0x2] =	stream.indirect.gather [hbm4b:s5+s12], $0x10, s16, s12, $0xb8;
	[tilespmem:$0x1D000] =	vst v63  }
0x95: {  	s18 =	rddreg [dreg:$0x7]  }
0x96: {  	[tilespmem:s23], [sflag:$0x2] =	stream.indirect.gather [hbm4b:s5+s12], $0x10, s18, s12, $0xb8;
	[tilespmem:$0x1D000] =	vst v63  }
0x97: {  	s7 =	rddreg [dreg:$0x8]  }
0x98: {  	[tilespmem:s24], [sflag:$0x2] =	stream.indirect.gather [hbm4b:s5+s12], $0x10, s7, s12, $0xb8;
	[tilespmem:$0x1D000] =	vst v63  }
0x99: {  	_ =	swait.ge [sflag:s25], $0x800  }
0x9a: {  	[sflag:s25] =	ssyncset.done $0x0  }
0x9b: {  	[sflag:s25] =	ssyncadd.s32 $0xFFFFF800  }
0x9c: {  	_ =	swait.ge [sflag:s25], $0x800  }
0x9d: {  	[sflag:s25] =	ssyncset.done $0x0  }
0x9e: {  	[sflag:s25] =	ssyncadd.s32 $0xFFFFF800  }
0x9f: {  	_ =	swait.ge [sflag:s25], $0x800  }
0xa0: {  	[sflag:s25] =	ssyncset.done $0x0  }
0xa1: {  	[sflag:s25] =	ssyncadd.s32 $0xFFFFF800  }
0xa2: {  	_ =	swait.ge [sflag:s25], $0x800  }
0xa3: {  	[sflag:s25] =	ssyncset.done $0x0  }
0xa4: {  	[sflag:s25] =	ssyncadd.s32 $0xFFFFF800  }
0xa5: {  	[spmem:s3] =	stream.indirect.scatter.add.f32 [tilespmem:s13], [sflag:$0x3], $0x10, s12, s12, $0xb8;
	[tilespmem:$0x1D000] =	vst v63  }
0xa6: {  	s16 =	rddreg [dreg:$0x9]  }
0xa7: {  	[spmem:s3] =	stream.indirect.scatter.add.f32 [tilespmem:s15], [sflag:$0x3], $0x10, s16, s12, $0xb8;
	[tilespmem:$0x1D000] =	vst v63  }
0xa8: {  	s18 =	rddreg [dreg:$0xa]  }
0xa9: {  	[spmem:s3] =	stream.indirect.scatter.add.f32 [tilespmem:s17], [sflag:$0x3], $0x10, s18, s12, $0xb8;
	[tilespmem:$0x1D000] =	vst v63  }
0xaa: {  	s7 =	rddreg [dreg:$0xb]  }
0xab: {  	[spmem:s3] =	stream.indirect.scatter.add.f32 [tilespmem:s19], [sflag:$0x3], $0x10, s7, s12, $0xb8;
	[tilespmem:$0x1D000] =	vst v63  }
0xac: {  	_ =	swait.ge [sflag:s26], $0x800  }
0xad: {  	[sflag:s26] =	ssyncset.done $0x0  }
0xae: {  	[sflag:s26] =	ssyncadd.s32 $0xFFFFF800  }
0xaf: {  	_ =	swait.ge [sflag:s26], $0x800  }
0xb0: {  	[sflag:s26] =	ssyncset.done $0x0  }
0xb1: {  	[sflag:s26] =	ssyncadd.s32 $0xFFFFF800  }
0xb2: {  	_ =	swait.ge [sflag:s26], $0x800  }
0xb3: {  	[sflag:s26] =	ssyncset.done $0x0  }
0xb4: {  	p2 =	seq.s32 s2, $0x0;
	[sflag:s26] =	ssyncadd.s32 $0xFFFFF800  }
0xb5: {  	p0 =	por p2, p2;
	p2 =	seq.s32 s0, $0x6100;
	_ =	swait.ge [sflag:s26], $0x800  }
0xb6: {  	s16 =	simm.s32 @!p2 $0x5;
	s14 =	rddreg [dreg:$0x4];
	[sflag:s26] =	ssyncset.done $0x0  }
0xb7: {  	[sflag:s26] =	ssyncadd.s32 $0xFFFFF800;
	s0 =	sadd.s32 @!p2 s0, s14;
	s14 =	simm.s32 @!p2 $0x0  }
0xb8: {  	[tilespmem:s14], [sflag:$0x5] =	stream.linear.gather @!p2 [hbm4b:s0+s14], $0x400, $0x38;
	[tilespmem:$0x1D000] =	vst v63  }
0xb9: {  	_ =	swait.ge @!p2 [sflag:s16], $0x400  }
0xba: {  	s1 =	smov.u32 s2;
	s18 =	simm.s32 @!p2 $0x800;
	[sflag:s16] =	ssyncset.done @!p2 $0x0  }
0xbb: {  	s0 =	smov.u32 s1;
	s1 =	simm.s32 @!p2 $0x80;
	[sflag:s16] =	ssyncadd.s32 @!p2 $0xFFFFFC00  }
0xbc: {  	[tilespmem:s18], [sflag:$0x1] =	stream.indirect.gather @!p2 [hbm4b:s5+s1], $0x10, s14, s1, $0xb8;
	[tilespmem:$0x1D000] =	vst v63  }
0xbd: {  	s7 =	simm.s32 @!p2 $0x1000;
	s16 =	simm.s32 @!p2 $0x100  }
0xbe: {  	[tilespmem:s7], [sflag:$0x1] =	stream.indirect.gather @!p2 [hbm4b:s5+s1], $0x10, s16, s1, $0xb8;
	[tilespmem:$0x1D000] =	vst v63  }
0xbf: {  	s14 =	simm.s32 @!p2 $0x200;
	s18 =	simm.s32 @!p2 $0x1800  }
0xc0: {  	[tilespmem:s18], [sflag:$0x1] =	stream.indirect.gather @!p2 [hbm4b:s5+s1], $0x10, s14, s1, $0xb8;
	[tilespmem:$0x1D000] =	vst v63  }
0xc1: {  	s7 =	simm.s32 @!p2 $0x300;
	s16 =	simm.s32 @!p2 $0x2000  }
0xc2: {  	[tilespmem:s16], [sflag:$0x1] =	stream.indirect.gather @!p2 [hbm4b:s5+s1], $0x10, s7, s1, $0xb8;
	[tilespmem:$0x1D000] =	vst v63  }
0xc3: {  	_ =	swait.ge [sflag:s28], $0x800  }
0xc4: {  	[sflag:s28] =	ssyncset.done $0x0  }
0xc5: {  	[sflag:s28] =	ssyncadd.s32 $0xFFFFF800  }
0xc6: {  	_ =	swait.ge [sflag:s28], $0x800  }
0xc7: {  	[sflag:s28] =	ssyncset.done $0x0  }
0xc8: {  	[sflag:s28] =	ssyncadd.s32 $0xFFFFF800  }
0xc9: {  	_ =	swait.ge [sflag:s28], $0x800  }
0xca: {  	[sflag:s28] =	ssyncset.done $0x0  }
0xcb: {  	[sflag:s28] =	ssyncadd.s32 $0xFFFFF800  }
0xcc: {  	_ =	swait.ge [sflag:s28], $0x800  }
0xcd: {  	s2 =	sadd.s32 $0x100, s2;
	[sflag:s28] =	ssyncset.done $0x0  }
0xce: {  	p1 =	sne.s32 s2, $0x6200;
	s14 =	rddreg [dreg:$0xc];
	[sflag:s28] =	ssyncadd.s32 $0xFFFFF800  }
0xcf: {  	[spmem:s3] =	stream.indirect.scatter.add.f32 [tilespmem:s21], [sflag:$0x4], $0x10, s14, s12, $0xb8;
	[tilespmem:$0x1D000] =	vst v63  }
.Ltmp0:
0xd0: {  	_ = 	snop;
	(pc) =	sbr.rel @p1 .LBB2_2-.Ltmp0, $4  }
0xd1: {  	s16 =	rddreg [dreg:$0xd]  }
0xd2: {  	[spmem:s3] =	stream.indirect.scatter.add.f32 [tilespmem:s22], [sflag:$0x4], $0x10, s16, s12, $0xb8;
	[tilespmem:$0x1D000] =	vst v63  }
0xd3: {  	s18 =	rddreg [dreg:$0xe]  }
0xd4: {  	[spmem:s3] =	stream.indirect.scatter.add.f32 [tilespmem:s23], [sflag:$0x4], $0x10, s18, s12, $0xb8;
	[tilespmem:$0x1D000] =	vst v63  }
0xd5: {  	s1 =	simm.s32 @!p0 $0x4  }
0xd6: {  	[spmem:s3] =	stream.indirect.scatter.add.f32 [tilespmem:s24], [sflag:$0x4], $0x10, s29, s12, $0xb8;
	[tilespmem:$0x1D000] =	vst v63  }
0xd7: {  	_ =	swait.ge @!p0 [sflag:s1], $0x800  }
0xd8: {  	[sflag:s1] =	ssyncset.done @!p0 $0x0  }
0xd9: {  	[sflag:s1] =	ssyncadd.s32 @!p0 $0xFFFFF800  }
0xda: {  	_ =	swait.ge @!p0 [sflag:s1], $0x800  }
0xdb: {  	[sflag:s1] =	ssyncset.done @!p0 $0x0  }
0xdc: {  	[sflag:s1] =	ssyncadd.s32 @!p0 $0xFFFFF800  }
0xdd: {  	_ =	swait.ge @!p0 [sflag:s1], $0x800  }
0xde: {  	[sflag:s1] =	ssyncset.done @!p0 $0x0  }
0xdf: {  	[sflag:s1] =	ssyncadd.s32 @!p0 $0xFFFFF800  }
0xe0: {  	_ =	swait.ge @!p0 [sflag:s1], $0x800  }
0xe1: {  	s2 =	rddreg [dreg:$0x5];
	[sflag:s1] =	ssyncset.done @!p0 $0x0  }
0xe2: {  	[sflag:s1] =	ssyncadd.s32 @!p0 $0xFFFFF800;
	s18 =	sadd.s32 s0, s2  }
0xe3: {  	[tilespmem:s20], [sflag:$0x5] =	stream.linear.gather [hbm4b:s18+s4], $0x400, $0x38;
	[tilespmem:$0x1D000] =	vst v63  }
0xe4: {  	_ =	swait.ge [sflag:s11], $0x400  }
0xe5: {  	[sflag:s11] =	ssyncset.done $0x0  }
0xe6: {  	[sflag:s11] =	ssyncadd.s32 $0xFFFFFC00  }
0xe7: {  	[tilespmem:s21], [sflag:$0x2] =	stream.indirect.gather [hbm4b:s5+s12], $0x10, s20, s12, $0xb8;
	[tilespmem:$0x1D000] =	vst v63  }
0xe8: {  	s2 =	rddreg [dreg:$0x6]  }
0xe9: {  	[tilespmem:s22], [sflag:$0x2] =	stream.indirect.gather [hbm4b:s5+s12], $0x10, s2, s12, $0xb8;
	[tilespmem:$0x1D000] =	vst v63  }
0xea: {  	s7 =	rddreg [dreg:$0x7]  }
0xeb: {  	[tilespmem:s23], [sflag:$0x2] =	stream.indirect.gather [hbm4b:s5+s12], $0x10, s7, s12, $0xb8;
	[tilespmem:$0x1D000] =	vst v63  }
0xec: {  	s14 =	rddreg [dreg:$0x8]  }
0xed: {  	[tilespmem:s24], [sflag:$0x2] =	stream.indirect.gather [hbm4b:s5+s12], $0x10, s14, s12, $0xb8;
	[tilespmem:$0x1D000] =	vst v63  }
0xee: {  	_ =	swait.ge [sflag:s25], $0x800  }
0xef: {  	[sflag:s25] =	ssyncset.done $0x0  }
0xf0: {  	[sflag:s25] =	ssyncadd.s32 $0xFFFFF800  }
0xf1: {  	_ =	swait.ge [sflag:s25], $0x800  }
0xf2: {  	[sflag:s25] =	ssyncset.done $0x0  }
0xf3: {  	[sflag:s25] =	ssyncadd.s32 $0xFFFFF800  }
0xf4: {  	_ =	swait.ge [sflag:s25], $0x800  }
0xf5: {  	[sflag:s25] =	ssyncset.done $0x0  }
0xf6: {  	[sflag:s25] =	ssyncadd.s32 $0xFFFFF800  }
0xf7: {  	_ =	swait.ge [sflag:s25], $0x800  }
0xf8: {  	[sflag:s25] =	ssyncset.done $0x0  }
0xf9: {  	[sflag:s25] =	ssyncadd.s32 $0xFFFFF800  }
0xfa: {  	[spmem:s3] =	stream.indirect.scatter.add.f32 [tilespmem:s13], [sflag:$0x3], $0x10, s12, s12, $0xb8;
	[tilespmem:$0x1D000] =	vst v63  }
0xfb: {  	s16 =	rddreg [dreg:$0x9]  }
0xfc: {  	[spmem:s3] =	stream.indirect.scatter.add.f32 [tilespmem:s15], [sflag:$0x3], $0x10, s16, s12, $0xb8;
	[tilespmem:$0x1D000] =	vst v63  }
0xfd: {  	s18 =	rddreg [dreg:$0xa]  }
0xfe: {  	[spmem:s3] =	stream.indirect.scatter.add.f32 [tilespmem:s17], [sflag:$0x3], $0x10, s18, s12, $0xb8;
	[tilespmem:$0x1D000] =	vst v63  }
0xff: {  	s7 =	rddreg [dreg:$0xb]  }
0x100: {  	[spmem:s3] =	stream.indirect.scatter.add.f32 [tilespmem:s19], [sflag:$0x3], $0x10, s7, s12, $0xb8;
	[tilespmem:$0x1D000] =	vst v63  }
0x101: {  	_ =	swait.ge [sflag:s26], $0x800  }
0x102: {  	[sflag:s26] =	ssyncset.done $0x0  }
0x103: {  	[sflag:s26] =	ssyncadd.s32 $0xFFFFF800  }
0x104: {  	_ =	swait.ge [sflag:s26], $0x800  }
0x105: {  	[sflag:s26] =	ssyncset.done $0x0  }
0x106: {  	[sflag:s26] =	ssyncadd.s32 $0xFFFFF800  }
0x107: {  	_ =	swait.ge [sflag:s26], $0x800  }
0x108: {  	[sflag:s26] =	ssyncset.done $0x0  }
0x109: {  	[sflag:s26] =	ssyncadd.s32 $0xFFFFF800  }
0x10a: {  	_ =	swait.ge [sflag:s26], $0x800  }
0x10b: {  	p0 =	seq.s32 s0, $0x6100;
	s1 =	rddreg [dreg:$0x4];
	[sflag:s26] =	ssyncset.done $0x0  }
0x10c: {  	[sflag:s26] =	ssyncadd.s32 $0xFFFFF800;
	s0 =	sadd.s32 @!p0 s0, s1;
	s1 =	simm.s32 @!p0 $0x0  }
0x10d: {  	[tilespmem:s1], [sflag:$0x5] =	stream.linear.gather @!p0 [hbm4b:s0+s1], $0x400, $0x38;
	[tilespmem:$0x1D000] =	vst v63  }
0x10e: {  	s0 =	simm.s32 @!p0 $0x5  }
0x10f: {  	_ =	swait.ge @!p0 [sflag:s0], $0x400  }
0x110: {  	[sflag:s0] =	ssyncset.done @!p0 $0x0  }
0x111: {  	s2 =	simm.s32 @!p0 $0x80;
	[sflag:s0] =	ssyncadd.s32 @!p0 $0xFFFFFC00;
	s0 =	simm.s32 @!p0 $0x800  }
0x112: {  	[tilespmem:s0], [sflag:$0x1] =	stream.indirect.gather @!p0 [hbm4b:s5+s2], $0x10, s1, s2, $0xb8;
	[tilespmem:$0x1D000] =	vst v63  }
0x113: {  	s0 =	simm.s32 @!p0 $0x100;
	s1 =	simm.s32 @!p0 $0x1000  }
0x114: {  	[tilespmem:s1], [sflag:$0x1] =	stream.indirect.gather @!p0 [hbm4b:s5+s2], $0x10, s0, s2, $0xb8;
	[tilespmem:$0x1D000] =	vst v63  }
0x115: {  	s0 =	simm.s32 @!p0 $0x200;
	s1 =	simm.s32 @!p0 $0x1800  }
0x116: {  	[tilespmem:s1], [sflag:$0x1] =	stream.indirect.gather @!p0 [hbm4b:s5+s2], $0x10, s0, s2, $0xb8;
	[tilespmem:$0x1D000] =	vst v63  }
0x117: {  	s0 =	simm.s32 @!p0 $0x300;
	s1 =	simm.s32 @!p0 $0x2000  }
0x118: {  	[tilespmem:s1], [sflag:$0x1] =	stream.indirect.gather @!p0 [hbm4b:s5+s2], $0x10, s0, s2, $0xb8;
	[tilespmem:$0x1D000] =	vst v63  }
0x119: {  	_ =	swait.ge [sflag:s28], $0x800  }
0x11a: {  	[sflag:s28] =	ssyncset.done $0x0  }
0x11b: {  	[sflag:s28] =	ssyncadd.s32 $0xFFFFF800  }
0x11c: {  	_ =	swait.ge [sflag:s28], $0x800  }
0x11d: {  	[sflag:s28] =	ssyncset.done $0x0  }
0x11e: {  	[sflag:s28] =	ssyncadd.s32 $0xFFFFF800  }
0x11f: {  	_ =	swait.ge [sflag:s28], $0x800  }
0x120: {  	[sflag:s28] =	ssyncset.done $0x0  }
0x121: {  	[sflag:s28] =	ssyncadd.s32 $0xFFFFF800  }
0x122: {  	_ =	swait.ge [sflag:s28], $0x800  }
0x123: {  	[sflag:s28] =	ssyncset.done $0x0  }
0x124: {  	s14 =	rddreg [dreg:$0xc];
	[sflag:s28] =	ssyncadd.s32 $0xFFFFF800  }
0x125: {  	[spmem:s3] =	stream.indirect.scatter.add.f32 [tilespmem:s21], [sflag:$0x4], $0x10, s14, s12, $0xb8;
	[tilespmem:$0x1D000] =	vst v63  }
0x126: {  	s16 =	rddreg [dreg:$0xd]  }
0x127: {  	[spmem:s3] =	stream.indirect.scatter.add.f32 [tilespmem:s22], [sflag:$0x4], $0x10, s16, s12, $0xb8;
	[tilespmem:$0x1D000] =	vst v63  }
0x128: {  	s18 =	rddreg [dreg:$0xe]  }
0x129: {  	[spmem:s3] =	stream.indirect.scatter.add.f32 [tilespmem:s23], [sflag:$0x4], $0x10, s18, s12, $0xb8;
	[tilespmem:$0x1D000] =	vst v63  }
0x12a: {  	_ = 	snop  }
0x12b: {  	[spmem:s3] =	stream.indirect.scatter.add.f32 [tilespmem:s24], [sflag:$0x4], $0x10, s29, s12, $0xb8;
	[tilespmem:$0x1D000] =	vst v63  }
0x12c: {  	_ =	swait.ge [sflag:s30], $0x800  }
0x12d: {  	[sflag:s30] =	ssyncset.done $0x0  }
0x12e: {  	[sflag:s30] =	ssyncadd.s32 $0xFFFFF800  }
0x12f: {  	_ =	swait.ge [sflag:s30], $0x800  }
0x130: {  	[sflag:s30] =	ssyncset.done $0x0  }
0x131: {  	[sflag:s30] =	ssyncadd.s32 $0xFFFFF800  }
0x132: {  	_ =	swait.ge [sflag:s30], $0x800  }
0x133: {  	[sflag:s30] =	ssyncset.done $0x0  }
0x134: {  	[sflag:s30] =	ssyncadd.s32 $0xFFFFF800  }
0x135: {  	_ =	swait.ge [sflag:s30], $0x800  }
0x136: {  	s31 =	sadd.s32 $0x1, s31;
	[sflag:s30] =	ssyncset.done $0x0  }
0x137: {  	p0 =	sne.s32 s31, s9;
	[sflag:s30] =	ssyncadd.s32 $0xFFFFF800  }
.Ltmp1:
0x138: {  	[bflag:$0x0] =	sbarrier.arrive $0xFFFF;
	(pc) =	sbr.rel @p0 .LBB2_1-.Ltmp1, $4  }
0x139: {  	[hbm:s8], [sflag:s6] =	dma.local [spmem:s10], $0x3100  }
0x13a: {  	_ =	swait.ge [sflag:s11], $0x3100  }
0x13b: {  	[sflag:s11] =	ssyncset.done $0x0  }
0x13c: {  	[sflag:s11] =	ssyncadd.s32 $0xFFFFCF00  }
0x13d: {  	_ =	sfence.sel $0x180000  }
0x13e: {  	[bflag:$0x0] =	sbarrier.arrive $0xFFFF  }
0x13f: {  	_ =	strace $0x9000004A  }
0x140: {  	s0 =	stileid.u32;
	[bflag:$0x2] =	sbarrier.arrive $0xFFFF  }
0x141: {  	p0 =	sne.s32 s0, $0x0;
	s0 =	rddreg [dreg:$0x3]  }
0x142: {  	s0 =	sadd.s32 @!p0 $0x100000, s0  }
0x143: {  	[sflag:s0] =	ssyncadd.tile.s32 @!p0 $0x1;
	_ =	shalt  }
.Lfunc_end2:
_tile_overlayer_lowered:
.L_overlay_start_2:
0x144: {  	(tag) =	ssettag $0x2  }
0x145: {  	s0 =	rddreg [dreg:$0x0];
	s2 =	stileid.u32  }
0x146: {  	s1 =	rddreg [dreg:$0x1];
	p0 =	sne.s32 s2, $0x0  }
0x147: {  	s3 =	rddreg [dreg:$0x2];
	[bflag:$0x3] =	sbarrier.arrive $0xFFFF;
	s2 =	simm.s32 @!p0 $0x1C05  }
0x148: {  	[timem:s3], [sflag:s2] =	dma.local @!p0 [hbm:s0], s1  }
0x149: {  	s0 =	simm.s32 @!p0 $0x5  }
0x14a: {  	_ =	swait.ge @!p0 [sflag:s0], s1  }
0x14b: {  	s1 =	ssub.s32 @!p0 $0x0, s1;
	[sflag:s0] =	ssyncset.done @!p0 $0x0  }
0x14c: {  	[sflag:s0] =	ssyncadd.s32 @!p0 s1  }
0x14d: {  	[bflag:$0x3] =	sbarrier.arrive $0xFFFF  }
0x14e: {  	_ =	shalt  }

// kernel: kernel.17.cloned.1.call-start
scs
__scs_entry_jumppad:
0x0: {  	(pc) =	sbr.rel $0x88, $3  }
0x1: {  	(tag) =	ssettag $0x0;
	lr =	simm.s32 $0x1  }
0x2: {  	[smem:$0x3F97] =	sst lr;
	_ =	strace $0xD0000000  }
0x3: {  	_ = 	snop  }
0x4: {  	_ = 	snop  }
0x5: {  	_ = 	snop  }
0x6: {  	_ = 	snop  }
0x7: {  	_ = 	snop  }
__scs_overlays_trampoline_lowered:
0x8: {  	[smem:$0x3FA6] =	sst s0  }
0x9: {  	[smem:$0x3FA7] =	sst s1  }
0xa: {  	[smem:$0x3FA8] =	sst s2  }
0xb: {  	[smem:$0x3FA9] =	sst s3  }
0xc: {  	[smem:$0x3FAA] =	sst s4  }
0xd: {  	[smem:$0x3FAB] =	sst s5  }
0xe: {  	[smem:$0x3FAC] =	sst s6  }
0xf: {  	[smem:$0x3FAD] =	sst s7  }
0x10: {  	[smem:$0x3FAE] =	sst s8  }
0x11: {  	[smem:$0x3FAF] =	sst s9;
	s0 =	simm.s32 @!p0 $0x0  }
0x12: {  	s1 =	sld [smem:$0x3F95];
	s0 =	simm.s32 @p0 $0x1  }
0x13: {  	[smem:$0x3FB0] =	sst s0;
	s0 =	simm.s32 @!p1 $0x0  }
0x14: {  	s2 =	sld [smem:$0x3F94];
	s0 =	simm.s32 @p1 $0x1  }
0x15: {  	[smem:$0x3FB1] =	sst s0;
	s0 =	simm.s32 @!p2 $0x0  }
0x16: {  	s3 =	sld [smem:$0x3FDB];
	s0 =	simm.s32 @p2 $0x1  }
0x17: {  	s4 =	simm.s32 $0x1BF5;
	[smem:$0x3FB3] =	sst s0  }
0x18: {  	s0 =	sld [smem:$0x3F96];
	_ =	swait.ge [sflag:s4], $0x0  }
0x19: {  	s7 =	sld [smem:$0x3F97]  }
0x1a: {  	s8 =	sadd.s32 $0xFFFFE003, lr  }
0x1b: {  	s9 =	sadd.s32 $0xFFFFFEF7, lr;
	s5 =	simm.s32 $0xFFFFFFFF;
	p2 =	slt.u32 s8, $0xFFFFF086  }
0x1c: {  	p1 =	slt.u32 s9, $0xF7A;
	s5 =	simm.s32 @!p2 $0x0  }
0x1d: {  	s5 =	simm.s32 @p1 $0x1;
	p0 =	seq.s32 s7, s2  }
0x1e: {  	s7 =	smul.u32 @!p0 $0xF7A, s2;
	p2 =	seq.s32 @!p0 s5, $0x0  }
0x1f: {  	s9 =	smul.u32 $0xF7A, s1;
	s8 =	simm.s32 @!p0 $0x1BF5;
	p2 =	por !p2, p0  }
0x20: {  	[sflag:s8] =	ssyncset.s32 @!p0 $0xFFFFF086;
	s6 =	sadd.s32 @!p0 s3, s7;
	s7 =	simm.s32 @!p0 $0x108  }
0x21: {  	s3 =	sadd.s32 s3, s9;
	s6 =	sadd.s32 @!p0 $0x88, s6;
	s7 =	simm.s32 @p2 $0x1082  }
0x22: {  	[simem:s7], [sflag:s8] =	dma.local @!p0 [hbm:s6], $0xF7A  }
0x23: {  	s9 =	sor.u32 $0xD0000000, s2;
	s6 =	simm.s32 $0x108;
	_ =	swait.ge @!p0 [sflag:s8], $0x0  }
0x24: {  	s3 =	sadd.s32 $0x88, s3;
	s6 =	simm.s32 @!p1 $0x1082;
	[sflag:s4] =	ssyncset.s32 $0xFFFFF086  }
0x25: {  	[simem:s6], [sflag:s4] =	dma.local [hbm:s3], $0xF7A  }
0x26: {  	[smem:$0x3F97] =	sst s1;
	(tag) =	ssettag s2;
	_ =	strace s9  }
0x27: {  	s1 =	sld [smem:$0x3FA7]  }
0x28: {  	s2 =	sld [smem:$0x3FA8]  }
0x29: {  	s4 =	sld [smem:$0x3FAA]  }
0x2a: {  	p0 =	seq.s32 s5, $0x0;
	s5 =	sld [smem:$0x3FAB]  }
0x2b: {  	s6 =	sld [smem:$0x3FAC]  }
0x2c: {  	s7 =	sld [smem:$0x3FAD]  }
0x2d: {  	s3 =	simm.s32 $0x108;
	s8 =	sld [smem:$0x3FAE]  }
0x2e: {  	s3 =	simm.s32 @!p0 $0x1082;
	s9 =	sld [smem:$0x3FAF]  }
0x2f: {  	lr =	sadd.s32 s0, s3;
	s0 =	sld [smem:$0x3FA6]  }
0x30: {  	s3 =	sld [smem:$0x3FA9]  }
0x31: {  	[smem:$0x3FB2] =	sst s10  }
0x32: {  	s10 =	sld [smem:$0x3FB0];
	_ =	sdelay $0x3  }
0x33: {  	p0 =	seq.s32 s10, $0x1;
	s10 =	sld [smem:$0x3FB2];
	_ =	sdelay $0x3  }
0x34: {  	[smem:$0x3FB2] =	sst s10  }
0x35: {  	s10 =	sld [smem:$0x3FB1];
	_ =	sdelay $0x3  }
0x36: {  	p1 =	seq.s32 s10, $0x1;
	s10 =	sld [smem:$0x3FB2];
	_ =	sdelay $0x3  }
0x37: {  	[smem:$0x3FB2] =	sst s10  }
0x38: {  	s10 =	sld [smem:$0x3FB3]  }
0x39: {  	_ = 	snop;
	(pc) =	sbr.ind lr, $3  }
0x3a: {  	_ = 	snop  }
0x3b: {  	_ = 	snop  }
0x3c: {  	p2 =	seq.s32 s10, $0x1;
	s10 =	sld [smem:$0x3FB2]  }
0x3d: {  	_ =	shalt  }
0x3e: {  	_ =	shalt  }
0x3f: {  	_ =	shalt  }
0x40: {  	_ =	shalt  }
0x41: {  	_ =	shalt  }
0x42: {  	_ =	shalt  }
0x43: {  	_ =	shalt  }
0x44: {  	_ =	shalt  }
0x45: {  	_ =	shalt  }
0x46: {  	_ =	shalt  }
0x47: {  	_ =	shalt  }
0x48: {  	_ =	shalt  }
0x49: {  	_ =	shalt  }
0x4a: {  	_ =	shalt  }
0x4b: {  	_ =	shalt  }
0x4c: {  	_ =	shalt  }
0x4d: {  	_ =	shalt  }
0x4e: {  	_ =	shalt  }
0x4f: {  	_ =	shalt  }
0x50: {  	_ =	shalt  }
0x51: {  	_ =	shalt  }
0x52: {  	_ =	shalt  }
0x53: {  	_ =	shalt  }
0x54: {  	_ =	shalt  }
0x55: {  	_ =	shalt  }
0x56: {  	_ =	shalt  }
0x57: {  	_ =	shalt  }
0x58: {  	_ =	shalt  }
0x59: {  	_ =	shalt  }
0x5a: {  	_ =	shalt  }
0x5b: {  	_ =	shalt  }
0x5c: {  	_ =	shalt  }
0x5d: {  	_ =	shalt  }
0x5e: {  	_ =	shalt  }
0x5f: {  	_ =	shalt  }
0x60: {  	_ =	shalt  }
0x61: {  	_ =	shalt  }
0x62: {  	_ =	shalt  }
0x63: {  	_ =	shalt  }
0x64: {  	_ =	shalt  }
0x65: {  	_ =	shalt  }
0x66: {  	_ =	shalt  }
0x67: {  	_ =	shalt  }
0x68: {  	_ =	shalt  }
0x69: {  	_ =	shalt  }
0x6a: {  	_ =	shalt  }
0x6b: {  	_ =	shalt  }
0x6c: {  	_ =	shalt  }
0x6d: {  	_ =	shalt  }
0x6e: {  	_ =	shalt  }
0x6f: {  	_ =	shalt  }
0x70: {  	_ =	shalt  }
0x71: {  	_ =	shalt  }
0x72: {  	_ =	shalt  }
0x73: {  	_ =	shalt  }
0x74: {  	_ =	shalt  }
0x75: {  	_ =	shalt  }
0x76: {  	_ =	shalt  }
0x77: {  	_ =	shalt  }
0x78: {  	_ =	shalt  }
0x79: {  	_ =	shalt  }
0x7a: {  	_ =	shalt  }
0x7b: {  	_ =	shalt  }
0x7c: {  	_ =	shalt  }
0x7d: {  	_ =	shalt  }
0x7e: {  	_ =	shalt  }
0x7f: {  	_ =	shalt  }
0x80: {  	_ =	shalt  }
0x81: {  	_ =	shalt  }
0x82: {  	_ =	shalt  }
0x83: {  	_ =	shalt  }
0x84: {  	_ =	shalt  }
0x85: {  	_ =	shalt  }
0x86: {  	_ =	shalt  }
0x87: {  	_ =	shalt  }
.Lfunc_end0:
.L_simem_size_0:
called_computation.2_lowered:
.L_overlay_start_0:
0x88: {  	s2 =	sld [smem:$0x3FD9]  }
0x89: {  	s3 =	sld [smem:$0x3FFE];
	_ =	sdelay $0x1  }
0x8a: {  	s1 =	srdreg.scid  }
0x8b: {  	s0 =	sand.u32 $0x1, s1  }
0x8c: {  	s17 =	sshll.u32 s0, $0xA;
	s2 =	sadd.s32 s3, s2  }
0x8d: {  	s2 =	sadd.s32 s2, s17  }
0x8e: {  	[smem:$0x3FBE] =	sst s2  }
0x8f: {  	_ = 	snop  }
0x90: {  	s2 =	sld [smem:$0x3FD0];
	(tm) =	ssettm $0x1  }
0x91: {  	s18 =	sld [smem:$0x3FFB];
	_ =	sdelay $0x3  }
0x92: {  	_ =	strace s18  }
0x93: {  	s3 =	sld [smem:$0x3FFC];
	_ =	sdelay $0x3  }
0x94: {  	_ =	strace s3  }
0x95: {  	s3 =	sld [smem:$0x3FFD];
	_ =	sdelay $0x3  }
0x96: {  	_ =	strace s3  }
0x97: {  	_ =	strace $0x8FFFFFFF  }
0x98: {  	s19 =	sld [smem:$0x3FDB];
	_ =	sdelay $0x1  }
0x99: {  	s4 =	simm.s32 $_scs_section_size  }
0x9a: {  	s5 =	simm.s32 $_size__tile_overlayer_lowered;
	s6 =	simm.s32 $_tile_overlayer_lowered  }
0x9b: {  	s22 =	simm.s32 $0x1BFF;
	s21 =	sshll.u32 s6, $0x1;
	s3 =	sadd.s32 s4, s19  }
0x9c: {  	s7 =	simm.s32 $0x0;
	s20 =	sshll.u32 s5, $0x1;
	s5 =	sadd.s32 s21, s3  }
0x9d: {  	[timem:s7], [sflag:s22] =	dma.local [hbm:s5], s20  }
0x9e: {  	_ =	swait.ge [sflag:s22], s20  }
0x9f: {  	s4 =	ssub.s32 $0x0, s20;
	[sflag:s22] =	ssyncset.done $0x0  }
0xa0: {  	[sflag:s22] =	ssyncadd.s32 s4;
	_ =	sdelay $0x1  }
0xa1: {  	s23 =	simm.s32 $0x1B8B  }
0xa2: {  	_ =	swait.ge [sflag:s23], $0x1  }
0xa3: {  	[sflag:s23] =	ssyncset.done $0x0  }
0xa4: {  	s25 =	simm.s32 $0x1B8E;
	s24 =	sld [smem:$0x3FFE];
	[sflag:s23] =	ssyncadd.s32 $0xFFFFFFFF  }
0xa5: {  	s26 =	simm.s32 $execute0_lowered;
	[smem:$0x3FD2] =	sst s25  }
0xa6: {  	s5 =	sshll.u32 s26, $0x1;
	_ =	strace $0x8000004C;
	[dreg:$0x1] =	wrdreg $0xFFFFFFFF  }
0xa7: {  	s28 =	simm.s32 $_size_execute0_lowered;
	s3 =	sadd.s32 s3, s5;
	[dreg:$0x0] =	wrdreg $0x0  }
0xa8: {  	s5 =	sshll.u32 s28, $0x1;
	[dreg:$0x2] =	wrdreg s3  }
0xa9: {  	[dreg:$0x3] =	wrdreg s5  }
0xaa: {  	[dreg:$0x4] =	wrdreg $0xC0  }
0xab: {  	_ =	task [dreg:s7], $0x5FFFF  }
0xac: {  	[dreg:$0x1] =	wrdreg $0xFFFFFFFF  }
0xad: {  	[dreg:$0x0] =	wrdreg $0x60  }
0xae: {  	[dreg:$0x2] =	wrdreg s24  }
0xaf: {  	[dreg:$0x3] =	wrdreg s2  }
0xb0: {  	[dreg:$0x4] =	wrdreg $0x48000  }
0xb1: {  	[dreg:$0x5] =	wrdreg $0x9  }
0xb2: {  	_ =	task.clear_ibuf [dreg:s7], $0x6FFFF;
	_ =	strace $0x9000004C  }
0xb3: {  	s29 =	simm.s32 $0x9;
	_ =	strace $0x8000004E  }
0xb4: {  	_ =	swait.ge [sflag:s29], $0x1  }
0xb5: {  	[sflag:s29] =	ssyncadd.s32 $0xFFFFFFFF  }
0xb6: {  	_ =	strace $0x9000004E  }
0xb7: {  	_ =	sfence  }
0xb8: {  	s30 =	sld [smem:$0x0];
	_ =	sdelay $0x2  }
0xb9: {  	s31 =	sshll.u32 s1, $0xD;
	s1 =	sshrl.u32 s1, $0x2  }
0xba: {  	s3 =	sand.u32 $0x4000, s31;
	s1 =	sadd.s32 s1, s30  }
0xbb: {  	s0 =	sor.u32 s3, s0;
	s1 =	sshll.u32 s1, $0x11  }
0xbc: {  	s0 =	sor.u32 s1, s0  }
0xbd: {  	s0 =	sadd.s32 $0x8F2B, s0  }
0xbe: {  	[sflag:s0] =	ssyncadd.remote.s32 $0x1  }
0xbf: {  	_ =	sfence.sel $0xFFFF  }
0xc0: {  	[dreg:$0x0] =	wrdreg $0xFFFFFFFF;
	(pc) =	sbr.abs _section_cstart, $3  }
0xc1: {  	[dreg:$0x1] =	wrdreg $0xFFFFFFFF  }
0xc2: {  	_ =	task.clear_ibuf [dreg:s7], $0x2FFFF;
	_ =	strace $0x9FFFFFFF  }
0xc3: {  	(tm) =	ssettm $0x7FFFFFFF  }
tec
execute0_lowered:
.L_overlay_start_1:
0x0: {  	(tag) =	ssettag $0x1  }
0x1: {  	s0 =	rddreg [dreg:$0x0]  }
0x2: {  	s3 =	rddreg [dreg:$0x2]  }
0x3: {  	s4 =	simm.s32 $0x0;
	s1 =	srdreg.scid;
	s11 =	stileid.u32  }
0x4: {  	s18 =	simm.s32 $0x500;
	s19 =	simm.s32 $0x600;
	s20 =	simm.s32 $0x700  }
0x5: {  	s21 =	simm.s32 $0x180;
	s22 =	simm.s32 $0x280;
	s23 =	simm.s32 $0x380  }
0x6: {  	s24 =	simm.s32 $0x480;
	s28 =	simm.s32 $0x2;
	s29 =	simm.s32 $0x780  }
0x7: {  	s30 =	simm.s32 $0x4;
	s31 =	simm.s32 $0x0;
	[smem:$0x7FF] =	sst s4  }
0x8: {  	s1 =	sand.u32 $0x1, s1;
	s2 =	smul.u32 $0x3100, s11;
	s5 =	sadd.s32 $0x4000, s0  }
0x9: {  	s9 =	smul.u32 $0x310, s11;
	_ =	strace $0x8000004D;
	[dreg:$0x6] =	wrdreg s18  }
0xa: {  	s7 =	sadd.s32 $0x12A200, s0;
	s10 =	smul.u32 $0x62000, s11;
	[dreg:$0x7] =	wrdreg s19  }
0xb: {  	s13 =	sshll.u32 s11, $0x6;
	s6 =	smul.u32 $0x31000, s1;
	[dreg:$0x8] =	wrdreg s20  }
0xc: {  	s8 =	smul.u32 $0x3100, s1;
	s25 =	ssub.s32 $0x2, s1;
	[dreg:$0x9] =	wrdreg s21  }
0xd: {  	s1 =	sshll.u32 s1, $0x4;
	s19 =	simm.s32 $0x2000;
	[dreg:$0xa] =	wrdreg s22  }
0xe: {  	s20 =	simm.s32 $0x400;
	[dreg:$0xb] =	wrdreg s23;
	s21 =	simm.s32 $0x2800  }
0xf: {  	[dreg:$0xc] =	wrdreg s24;
	s22 =	simm.s32 $0x3000;
	s23 =	simm.s32 $0x3800  }
0x10: {  	s24 =	simm.s32 $0x4000;
	s26 =	sshrl.u32 s25, $0x1;
	s12 =	sshrl.u32 s10, $0x2  }
0x11: {  	s1 =	sor.u32 s11, s1;
	s11 =	simm.s32 $0x5;
	s2 =	sadd.s32 s2, s6  }
0x12: {  	s9 =	sadd.s32 s9, s8;
	s1 =	smul.u32 $0x6200, s1;
	s15 =	sadd.s32 s12, s3  }
0x13: {  	s12 =	simm.s32 $0x80;
	s0 =	sadd.s32 s2, s0;
	s2 =	ssub.s32 s25, s26  }
0x14: {  	s6 =	sshll.u32 s9, $0x5;
	s10 =	sshrl.u32 s15, $0x3;
	s15 =	simm.s32 $0x1000  }
0x15: {  	s25 =	simm.s32 $0x580;
	s26 =	simm.s32 $0x680;
	s14 =	sadd.s32 s6, s7  }
0x16: {  	s6 =	sor.u32 $0x1C05, s13;
	s1 =	sadd.s32 s7, s1;
	[dreg:$0xd] =	wrdreg s25  }
0x17: {  	s8 =	sadd.s32 $0x35000, s0;
	s9 =	smax.u32 s2, $0x1;
	[dreg:$0xe] =	wrdreg s26  }
0x18: {  	s13 =	simm.s32 $0x800;
	s16 =	sadd.s32 $0x100, s14;
	[dreg:$0xf] =	wrdreg s1  }
0x19: {  	s25 =	simm.s32 $0x1;
	s17 =	sadd.s32 $0x80, s14;
	[dreg:$0x4] =	wrdreg s16  }
0x1a: {  	s26 =	simm.s32 $0x3;
	[dreg:$0x5] =	wrdreg s17;
	s17 =	simm.s32 $0x1800  }
.LBB2_1:
0x1b: {  	s0 =	rddreg [dreg:$0x1]  }
0x1c: {  	[spmem:s10], [sflag:s6] =	dma.local [hbm:s0], $0x3100  }
0x1d: {  	_ =	swait.ge [sflag:s11], $0x3100  }
0x1e: {  	[sflag:s11] =	ssyncset.done $0x0  }
0x1f: {  	[sflag:s11] =	ssyncadd.s32 $0xFFFFCF00  }
0x20: {  	[bflag:$0x0] =	sbarrier.arrive $0xFFFF  }
0x21: {  	s16 =	rddreg [dreg:$0xf]  }
0x22: {  	[tilespmem:s4], [sflag:$0x5] =	stream.linear.gather [hbm4b:s16+s4], $0x400, $0x38;
	[tilespmem:$0x1D000] =	vst v63  }
0x23: {  	_ =	swait.ge [sflag:s11], $0x400  }
0x24: {  	[sflag:s11] =	ssyncset.done $0x0  }
0x25: {  	[sflag:s11] =	ssyncadd.s32 $0xFFFFFC00  }
0x26: {  	[tilespmem:s13], [sflag:$0x1] =	stream.indirect.gather [hbm4b:s5+s12], $0x10, s4, s12, $0xb8;
	[tilespmem:$0x1D000] =	vst v63  }
0x27: {  	s18 =	simm.s32 $0x100;
	p0 =	por $0x1, $0x1  }
0x28: {  	[tilespmem:s15], [sflag:$0x1] =	stream.indirect.gather [hbm4b:s5+s12], $0x10, s18, s12, $0xb8;
	[tilespmem:$0x1D000] =	vst v63  }
0x29: {  	s1 =	simm.s32 $0x200;
	p0 =	por p0, p0  }
0x2a: {  	[tilespmem:s17], [sflag:$0x1] =	stream.indirect.gather [hbm4b:s5+s12], $0x10, s1, s12, $0xb8;
	[tilespmem:$0x1D000] =	vst v63  }
0x2b: {  	s2 =	simm.s32 $0x300;
	s0 =	simm.s32 @!p0 $0x4  }
0x2c: {  	[tilespmem:s19], [sflag:$0x1] =	stream.indirect.gather [hbm4b:s5+s12], $0x10, s2, s12, $0xb8;
	[tilespmem:$0x1D000] =	vst v63  }
0x2d: {  	_ =	swait.ge @!p0 [sflag:s0], $0x800  }
0x2e: {  	[sflag:s0] =	ssyncset.done @!p0 $0x0  }
0x2f: {  	[sflag:s0] =	ssyncadd.s32 @!p0 $0xFFFFF800  }
0x30: {  	_ =	swait.ge @!p0 [sflag:s0], $0x800  }
0x31: {  	[sflag:s0] =	ssyncset.done @!p0 $0x0  }
0x32: {  	[sflag:s0] =	ssyncadd.s32 @!p0 $0xFFFFF800  }
0x33: {  	_ =	swait.ge @!p0 [sflag:s0], $0x800  }
0x34: {  	[sflag:s0] =	ssyncset.done @!p0 $0x0  }
0x35: {  	[sflag:s0] =	ssyncadd.s32 @!p0 $0xFFFFF800  }
0x36: {  	_ =	swait.ge @!p0 [sflag:s0], $0x800  }
0x37: {  	s1 =	rddreg [dreg:$0x5];
	[sflag:s0] =	ssyncset.done @!p0 $0x0  }
0x38: {  	[sflag:s0] =	ssyncadd.s32 @!p0 $0xFFFFF800;
	s7 =	sadd.s32 $0x0, s1  }
0x39: {  	[tilespmem:s20], [sflag:$0x5] =	stream.linear.gather [hbm4b:s7+s4], $0x400, $0x38;
	[tilespmem:$0x1D000] =	vst v63  }
0x3a: {  	_ =	swait.ge [sflag:s11], $0x400  }
0x3b: {  	[sflag:s11] =	ssyncset.done $0x0  }
0x3c: {  	[sflag:s11] =	ssyncadd.s32 $0xFFFFFC00  }
0x3d: {  	[tilespmem:s21], [sflag:$0x2] =	stream.indirect.gather [hbm4b:s5+s12], $0x10, s20, s12, $0xb8;
	[tilespmem:$0x1D000] =	vst v63  }
0x3e: {  	s14 =	rddreg [dreg:$0x6]  }
0x3f: {  	[tilespmem:s22], [sflag:$0x2] =	stream.indirect.gather [hbm4b:s5+s12], $0x10, s14, s12, $0xb8;
	[tilespmem:$0x1D000] =	vst v63  }
0x40: {  	s16 =	rddreg [dreg:$0x7]  }
0x41: {  	[tilespmem:s23], [sflag:$0x2] =	stream.indirect.gather [hbm4b:s5+s12], $0x10, s16, s12, $0xb8;
	[tilespmem:$0x1D000] =	vst v63  }
0x42: {  	s18 =	rddreg [dreg:$0x8]  }
0x43: {  	[tilespmem:s24], [sflag:$0x2] =	stream.indirect.gather [hbm4b:s5+s12], $0x10, s18, s12, $0xb8;
	[tilespmem:$0x1D000] =	vst v63  }
0x44: {  	_ =	swait.ge [sflag:s25], $0x800  }
0x45: {  	[sflag:s25] =	ssyncset.done $0x0  }
0x46: {  	[sflag:s25] =	ssyncadd.s32 $0xFFFFF800  }
0x47: {  	_ =	swait.ge [sflag:s25], $0x800  }
0x48: {  	[sflag:s25] =	ssyncset.done $0x0  }
0x49: {  	[sflag:s25] =	ssyncadd.s32 $0xFFFFF800  }
0x4a: {  	_ =	swait.ge [sflag:s25], $0x800  }
0x4b: {  	[sflag:s25] =	ssyncset.done $0x0  }
0x4c: {  	[sflag:s25] =	ssyncadd.s32 $0xFFFFF800  }
0x4d: {  	_ =	swait.ge [sflag:s25], $0x800  }
0x4e: {  	[sflag:s25] =	ssyncset.done $0x0  }
0x4f: {  	[sflag:s25] =	ssyncadd.s32 $0xFFFFF800  }
0x50: {  	[spmem:s3] =	stream.indirect.scatter.add.f32 [tilespmem:s13], [sflag:$0x3], $0x10, s12, s12, $0xb8;
	[tilespmem:$0x1D000] =	vst v63  }
0x51: {  	s1 =	rddreg [dreg:$0x9]  }
0x52: {  	[spmem:s3] =	stream.indirect.scatter.add.f32 [tilespmem:s15], [sflag:$0x3], $0x10, s1, s12, $0xb8;
	[tilespmem:$0x1D000] =	vst v63  }
0x53: {  	s2 =	rddreg [dreg:$0xa]  }
0x54: {  	[spmem:s3] =	stream.indirect.scatter.add.f32 [tilespmem:s17], [sflag:$0x3], $0x10, s2, s12, $0xb8;
	[tilespmem:$0x1D000] =	vst v63  }
0x55: {  	s7 =	rddreg [dreg:$0xb]  }
0x56: {  	[spmem:s3] =	stream.indirect.scatter.add.f32 [tilespmem:s19], [sflag:$0x3], $0x10, s7, s12, $0xb8;
	[tilespmem:$0x1D000] =	vst v63  }
0x57: {  	_ =	swait.ge [sflag:s26], $0x800  }
0x58: {  	[sflag:s26] =	ssyncset.done $0x0  }
0x59: {  	[sflag:s26] =	ssyncadd.s32 $0xFFFFF800  }
0x5a: {  	_ =	swait.ge [sflag:s26], $0x800  }
0x5b: {  	[sflag:s26] =	ssyncset.done $0x0  }
0x5c: {  	[sflag:s26] =	ssyncadd.s32 $0xFFFFF800  }
0x5d: {  	_ =	swait.ge [sflag:s26], $0x800  }
0x5e: {  	[sflag:s26] =	ssyncset.done $0x0  }
0x5f: {  	[sflag:s26] =	ssyncadd.s32 $0xFFFFF800  }
0x60: {  	_ =	swait.ge [sflag:s26], $0x800  }
0x61: {  	p0 =	por $0x0, $0x0;
	s0 =	rddreg [dreg:$0x4];
	[sflag:s26] =	ssyncset.done $0x0  }
0x62: {  	s1 =	simm.s32 @!p0 $0x0;
	[sflag:s26] =	ssyncadd.s32 $0xFFFFF800;
	s0 =	sadd.s32 @!p0 $0x0, s0  }
0x63: {  	[tilespmem:s1], [sflag:$0x5] =	stream.linear.gather @!p0 [hbm4b:s0+s1], $0x400, $0x38;
	[tilespmem:$0x1D000] =	vst v63  }
0x64: {  	s0 =	simm.s32 @!p0 $0x5  }
0x65: {  	_ =	swait.ge @!p0 [sflag:s0], $0x400  }
0x66: {  	[sflag:s0] =	ssyncset.done @!p0 $0x0  }
0x67: {  	s2 =	simm.s32 @!p0 $0x80;
	[sflag:s0] =	ssyncadd.s32 @!p0 $0xFFFFFC00;
	s0 =	simm.s32 @!p0 $0x800  }
0x68: {  	[tilespmem:s0], [sflag:$0x1] =	stream.indirect.gather @!p0 [hbm4b:s5+s2], $0x10, s1, s2, $0xb8;
	[tilespmem:$0x1D000] =	vst v63  }
0x69: {  	s0 =	simm.s32 @!p0 $0x100;
	s1 =	simm.s32 @!p0 $0x1000  }
0x6a: {  	[tilespmem:s1], [sflag:$0x1] =	stream.indirect.gather @!p0 [hbm4b:s5+s2], $0x10, s0, s2, $0xb8;
	[tilespmem:$0x1D000] =	vst v63  }
0x6b: {  	s0 =	simm.s32 @!p0 $0x200;
	s1 =	simm.s32 @!p0 $0x1800  }
0x6c: {  	[tilespmem:s1], [sflag:$0x1] =	stream.indirect.gather @!p0 [hbm4b:s5+s2], $0x10, s0, s2, $0xb8;
	[tilespmem:$0x1D000] =	vst v63  }
0x6d: {  	s0 =	simm.s32 @!p0 $0x300;
	s1 =	simm.s32 @!p0 $0x2000  }
0x6e: {  	[tilespmem:s1], [sflag:$0x1] =	stream.indirect.gather @!p0 [hbm4b:s5+s2], $0x10, s0, s2, $0xb8;
	[tilespmem:$0x1D000] =	vst v63  }
0x6f: {  	_ =	swait.ge [sflag:s28], $0x800  }
0x70: {  	[sflag:s28] =	ssyncset.done $0x0  }
0x71: {  	[sflag:s28] =	ssyncadd.s32 $0xFFFFF800  }
0x72: {  	_ =	swait.ge [sflag:s28], $0x800  }
0x73: {  	[sflag:s28] =	ssyncset.done $0x0  }
0x74: {  	[sflag:s28] =	ssyncadd.s32 $0xFFFFF800  }
0x75: {  	_ =	swait.ge [sflag:s28], $0x800  }
0x76: {  	[sflag:s28] =	ssyncset.done $0x0  }
0x77: {  	[sflag:s28] =	ssyncadd.s32 $0xFFFFF800  }
0x78: {  	_ =	swait.ge [sflag:s28], $0x800  }
0x79: {  	[sflag:s28] =	ssyncset.done $0x0  }
0x7a: {  	s14 =	rddreg [dreg:$0xc];
	[sflag:s28] =	ssyncadd.s32 $0xFFFFF800  }
0x7b: {  	[spmem:s3] =	stream.indirect.scatter.add.f32 [tilespmem:s21], [sflag:$0x4], $0x10, s14, s12, $0xb8;
	[tilespmem:$0x1D000] =	vst v63  }
0x7c: {  	p6 =	por $0x0, $0x0;
	s0 =	simm.s32 $0x100;
	s16 =	rddreg [dreg:$0xd]  }
0x7d: {  	[spmem:s3] =	stream.indirect.scatter.add.f32 [tilespmem:s22], [sflag:$0x4], $0x10, s16, s12, $0xb8;
	[tilespmem:$0x1D000] =	vst v63  }
0x7e: {  	s2 =	simm.s32 $0x200;
	p0 =	por p6, p6;
	s18 =	rddreg [dreg:$0xe]  }
0x7f: {  	[spmem:s3] =	stream.indirect.scatter.add.f32 [tilespmem:s23], [sflag:$0x4], $0x10, s18, s12, $0xb8;
	[tilespmem:$0x1D000] =	vst v63  }
.LBB2_2:
0x80: {  	s14 =	simm.s32 @!p0 $0x4  }
0x81: {  	[spmem:s3] =	stream.indirect.scatter.add.f32 [tilespmem:s24], [sflag:$0x4], $0x10, s29, s12, $0xb8;
	[tilespmem:$0x1D000] =	vst v63  }
0x82: {  	_ =	swait.ge @!p0 [sflag:s14], $0x800  }
0x83: {  	[sflag:s14] =	ssyncset.done @!p0 $0x0  }
0x84: {  	[sflag:s14] =	ssyncadd.s32 @!p0 $0xFFFFF800  }
0x85: {  	_ =	swait.ge @!p0 [sflag:s14], $0x800  }
0x86: {  	[sflag:s14] =	ssyncset.done @!p0 $0x0  }
0x87: {  	[sflag:s14] =	ssyncadd.s32 @!p0 $0xFFFFF800  }
0x88: {  	_ =	swait.ge @!p0 [sflag:s14], $0x800  }
0x89: {  	[sflag:s14] =	ssyncset.done @!p0 $0x0  }
0x8a: {  	[sflag:s14] =	ssyncadd.s32 @!p0 $0xFFFFF800  }
0x8b: {  	_ =	swait.ge @!p0 [sflag:s14], $0x800  }
0x8c: {  	[sflag:s14] =	ssyncset.done @!p0 $0x0;
	s16 =	rddreg [dreg:$0x5]  }
0x8d: {  	[sflag:s14] =	ssyncadd.s32 @!p0 $0xFFFFF800;
	s7 =	sadd.s32 s0, s16  }
0x8e: {  	[tilespmem:s20], [sflag:$0x5] =	stream.linear.gather [hbm4b:s7+s4], $0x400, $0x38;
	[tilespmem:$0x1D000] =	vst v63  }
0x8f: {  	_ =	swait.ge [sflag:s11], $0x400  }
0x90: {  	[sflag:s11] =	ssyncset.done $0x0  }
0x91: {  	[sflag:s11] =	ssyncadd.s32 $0xFFFFFC00  }
0x92: {  	[tilespmem:s21], [sflag:$0x2] =	stream.indirect.gather [hbm4b:s5+s12], $0x10, s20, s12, $0xb8;
	[tilespmem:$0x1D000] =	vst v63  }
0x93: {  	s16 =	rddreg [dreg:$0x6]  }
0x94: {  	[tilespmem:s22], [sflag:$0x2] =	stream.indirect.gather [hbm4b:s5+s12], $0x10, s16, s12, $0xb8;
	[tilespmem:$0x1D000] =	vst v63  }
0x95: {  	s18 =	rddreg [dreg:$0x7]  }
0x96: {  	[tilespmem:s23], [sflag:$0x2] =	stream.indirect.gather [hbm4b:s5+s12], $0x10, s18, s12, $0xb8;
	[tilespmem:$0x1D000] =	vst v63  }
0x97: {  	s7 =	rddreg [dreg:$0x8]  }
0x98: {  	[tilespmem:s24], [sflag:$0x2] =	stream.indirect.gather [hbm4b:s5+s12], $0x10, s7, s12, $0xb8;
	[tilespmem:$0x1D000] =	vst v63  }
0x99: {  	_ =	swait.ge [sflag:s25], $0x800  }
0x9a: {  	[sflag:s25] =	ssyncset.done $0x0  }
0x9b: {  	[sflag:s25] =	ssyncadd.s32 $0xFFFFF800  }
0x9c: {  	_ =	swait.ge [sflag:s25], $0x800  }
0x9d: {  	[sflag:s25] =	ssyncset.done $0x0  }
0x9e: {  	[sflag:s25] =	ssyncadd.s32 $0xFFFFF800  }
0x9f: {  	_ =	swait.ge [sflag:s25], $0x800  }
0xa0: {  	[sflag:s25] =	ssyncset.done $0x0  }
0xa1: {  	[sflag:s25] =	ssyncadd.s32 $0xFFFFF800  }
0xa2: {  	_ =	swait.ge [sflag:s25], $0x800  }
0xa3: {  	[sflag:s25] =	ssyncset.done $0x0  }
0xa4: {  	[sflag:s25] =	ssyncadd.s32 $0xFFFFF800  }
0xa5: {  	[spmem:s3] =	stream.indirect.scatter.add.f32 [tilespmem:s13], [sflag:$0x3], $0x10, s12, s12, $0xb8;
	[tilespmem:$0x1D000] =	vst v63  }
0xa6: {  	s16 =	rddreg [dreg:$0x9]  }
0xa7: {  	[spmem:s3] =	stream.indirect.scatter.add.f32 [tilespmem:s15], [sflag:$0x3], $0x10, s16, s12, $0xb8;
	[tilespmem:$0x1D000] =	vst v63  }
0xa8: {  	s18 =	rddreg [dreg:$0xa]  }
0xa9: {  	[spmem:s3] =	stream.indirect.scatter.add.f32 [tilespmem:s17], [sflag:$0x3], $0x10, s18, s12, $0xb8;
	[tilespmem:$0x1D000] =	vst v63  }
0xaa: {  	s7 =	rddreg [dreg:$0xb]  }
0xab: {  	[spmem:s3] =	stream.indirect.scatter.add.f32 [tilespmem:s19], [sflag:$0x3], $0x10, s7, s12, $0xb8;
	[tilespmem:$0x1D000] =	vst v63  }
0xac: {  	_ =	swait.ge [sflag:s26], $0x800  }
0xad: {  	[sflag:s26] =	ssyncset.done $0x0  }
0xae: {  	[sflag:s26] =	ssyncadd.s32 $0xFFFFF800  }
0xaf: {  	_ =	swait.ge [sflag:s26], $0x800  }
0xb0: {  	[sflag:s26] =	ssyncset.done $0x0  }
0xb1: {  	[sflag:s26] =	ssyncadd.s32 $0xFFFFF800  }
0xb2: {  	_ =	swait.ge [sflag:s26], $0x800  }
0xb3: {  	[sflag:s26] =	ssyncset.done $0x0  }
0xb4: {  	p2 =	seq.s32 s2, $0x0;
	[sflag:s26] =	ssyncadd.s32 $0xFFFFF800  }
0xb5: {  	p0 =	por p2, p2;
	p2 =	seq.s32 s0, $0x6100;
	_ =	swait.ge [sflag:s26], $0x800  }
0xb6: {  	s16 =	simm.s32 @!p2 $0x5;
	s14 =	rddreg [dreg:$0x4];
	[sflag:s26] =	ssyncset.done $0x0  }
0xb7: {  	[sflag:s26] =	ssyncadd.s32 $0xFFFFF800;
	s0 =	sadd.s32 @!p2 s0, s14;
	s14 =	simm.s32 @!p2 $0x0  }
0xb8: {  	[tilespmem:s14], [sflag:$0x5] =	stream.linear.gather @!p2 [hbm4b:s0+s14], $0x400, $0x38;
	[tilespmem:$0x1D000] =	vst v63  }
0xb9: {  	_ =	swait.ge @!p2 [sflag:s16], $0x400  }
0xba: {  	s1 =	smov.u32 s2;
	s18 =	simm.s32 @!p2 $0x800;
	[sflag:s16] =	ssyncset.done @!p2 $0x0  }
0xbb: {  	s0 =	smov.u32 s1;
	s1 =	simm.s32 @!p2 $0x80;
	[sflag:s16] =	ssyncadd.s32 @!p2 $0xFFFFFC00  }
0xbc: {  	[tilespmem:s18], [sflag:$0x1] =	stream.indirect.gather @!p2 [hbm4b:s5+s1], $0x10, s14, s1, $0xb8;
	[tilespmem:$0x1D000] =	vst v63  }
0xbd: {  	s7 =	simm.s32 @!p2 $0x1000;
	s16 =	simm.s32 @!p2 $0x100  }
0xbe: {  	[tilespmem:s7], [sflag:$0x1] =	stream.indirect.gather @!p2 [hbm4b:s5+s1], $0x10, s16, s1, $0xb8;
	[tilespmem:$0x1D000] =	vst v63  }
0xbf: {  	s14 =	simm.s32 @!p2 $0x200;
	s18 =	simm.s32 @!p2 $0x1800  }
0xc0: {  	[tilespmem:s18], [sflag:$0x1] =	stream.indirect.gather @!p2 [hbm4b:s5+s1], $0x10, s14, s1, $0xb8;
	[tilespmem:$0x1D000] =	vst v63  }
0xc1: {  	s7 =	simm.s32 @!p2 $0x300;
	s16 =	simm.s32 @!p2 $0x2000  }
0xc2: {  	[tilespmem:s16], [sflag:$0x1] =	stream.indirect.gather @!p2 [hbm4b:s5+s1], $0x10, s7, s1, $0xb8;
	[tilespmem:$0x1D000] =	vst v63  }
0xc3: {  	_ =	swait.ge [sflag:s28], $0x800  }
0xc4: {  	[sflag:s28] =	ssyncset.done $0x0  }
0xc5: {  	[sflag:s28] =	ssyncadd.s32 $0xFFFFF800  }
0xc6: {  	_ =	swait.ge [sflag:s28], $0x800  }
0xc7: {  	[sflag:s28] =	ssyncset.done $0x0  }
0xc8: {  	[sflag:s28] =	ssyncadd.s32 $0xFFFFF800  }
0xc9: {  	_ =	swait.ge [sflag:s28], $0x800  }
0xca: {  	[sflag:s28] =	ssyncset.done $0x0  }
0xcb: {  	[sflag:s28] =	ssyncadd.s32 $0xFFFFF800  }
0xcc: {  	_ =	swait.ge [sflag:s28], $0x800  }
0xcd: {  	s2 =	sadd.s32 $0x100, s2;
	[sflag:s28] =	ssyncset.done $0x0  }
0xce: {  	p1 =	sne.s32 s2, $0x6200;
	s14 =	rddreg [dreg:$0xc];
	[sflag:s28] =	ssyncadd.s32 $0xFFFFF800  }
0xcf: {  	[spmem:s3] =	stream.indirect.scatter.add.f32 [tilespmem:s21], [sflag:$0x4], $0x10, s14, s12, $0xb8;
	[tilespmem:$0x1D000] =	vst v63  }
.Ltmp0:
0xd0: {  	_ = 	snop;
	(pc) =	sbr.rel @p1 .LBB2_2-.Ltmp0, $4  }
0xd1: {  	s16 =	rddreg [dreg:$0xd]  }
0xd2: {  	[spmem:s3] =	stream.indirect.scatter.add.f32 [tilespmem:s22], [sflag:$0x4], $0x10, s16, s12, $0xb8;
	[tilespmem:$0x1D000] =	vst v63  }
0xd3: {  	s18 =	rddreg [dreg:$0xe]  }
0xd4: {  	[spmem:s3] =	stream.indirect.scatter.add.f32 [tilespmem:s23], [sflag:$0x4], $0x10, s18, s12, $0xb8;
	[tilespmem:$0x1D000] =	vst v63  }
0xd5: {  	s1 =	simm.s32 @!p0 $0x4  }
0xd6: {  	[spmem:s3] =	stream.indirect.scatter.add.f32 [tilespmem:s24], [sflag:$0x4], $0x10, s29, s12, $0xb8;
	[tilespmem:$0x1D000] =	vst v63  }
0xd7: {  	_ =	swait.ge @!p0 [sflag:s1], $0x800  }
0xd8: {  	[sflag:s1] =	ssyncset.done @!p0 $0x0  }
0xd9: {  	[sflag:s1] =	ssyncadd.s32 @!p0 $0xFFFFF800  }
0xda: {  	_ =	swait.ge @!p0 [sflag:s1], $0x800  }
0xdb: {  	[sflag:s1] =	ssyncset.done @!p0 $0x0  }
0xdc: {  	[sflag:s1] =	ssyncadd.s32 @!p0 $0xFFFFF800  }
0xdd: {  	_ =	swait.ge @!p0 [sflag:s1], $0x800  }
0xde: {  	[sflag:s1] =	ssyncset.done @!p0 $0x0  }
0xdf: {  	[sflag:s1] =	ssyncadd.s32 @!p0 $0xFFFFF800  }
0xe0: {  	_ =	swait.ge @!p0 [sflag:s1], $0x800  }
0xe1: {  	s2 =	rddreg [dreg:$0x5];
	[sflag:s1] =	ssyncset.done @!p0 $0x0  }
0xe2: {  	[sflag:s1] =	ssyncadd.s32 @!p0 $0xFFFFF800;
	s18 =	sadd.s32 s0, s2  }
0xe3: {  	[tilespmem:s20], [sflag:$0x5] =	stream.linear.gather [hbm4b:s18+s4], $0x400, $0x38;
	[tilespmem:$0x1D000] =	vst v63  }
0xe4: {  	_ =	swait.ge [sflag:s11], $0x400  }
0xe5: {  	[sflag:s11] =	ssyncset.done $0x0  }
0xe6: {  	[sflag:s11] =	ssyncadd.s32 $0xFFFFFC00  }
0xe7: {  	[tilespmem:s21], [sflag:$0x2] =	stream.indirect.gather [hbm4b:s5+s12], $0x10, s20, s12, $0xb8;
	[tilespmem:$0x1D000] =	vst v63  }
0xe8: {  	s2 =	rddreg [dreg:$0x6]  }
0xe9: {  	[tilespmem:s22], [sflag:$0x2] =	stream.indirect.gather [hbm4b:s5+s12], $0x10, s2, s12, $0xb8;
	[tilespmem:$0x1D000] =	vst v63  }
0xea: {  	s7 =	rddreg [dreg:$0x7]  }
0xeb: {  	[tilespmem:s23], [sflag:$0x2] =	stream.indirect.gather [hbm4b:s5+s12], $0x10, s7, s12, $0xb8;
	[tilespmem:$0x1D000] =	vst v63  }
0xec: {  	s14 =	rddreg [dreg:$0x8]  }
0xed: {  	[tilespmem:s24], [sflag:$0x2] =	stream.indirect.gather [hbm4b:s5+s12], $0x10, s14, s12, $0xb8;
	[tilespmem:$0x1D000] =	vst v63  }
0xee: {  	_ =	swait.ge [sflag:s25], $0x800  }
0xef: {  	[sflag:s25] =	ssyncset.done $0x0  }
0xf0: {  	[sflag:s25] =	ssyncadd.s32 $0xFFFFF800  }
0xf1: {  	_ =	swait.ge [sflag:s25], $0x800  }
0xf2: {  	[sflag:s25] =	ssyncset.done $0x0  }
0xf3: {  	[sflag:s25] =	ssyncadd.s32 $0xFFFFF800  }
0xf4: {  	_ =	swait.ge [sflag:s25], $0x800  }
0xf5: {  	[sflag:s25] =	ssyncset.done $0x0  }
0xf6: {  	[sflag:s25] =	ssyncadd.s32 $0xFFFFF800  }
0xf7: {  	_ =	swait.ge [sflag:s25], $0x800  }
0xf8: {  	[sflag:s25] =	ssyncset.done $0x0  }
0xf9: {  	[sflag:s25] =	ssyncadd.s32 $0xFFFFF800  }
0xfa: {  	[spmem:s3] =	stream.indirect.scatter.add.f32 [tilespmem:s13], [sflag:$0x3], $0x10, s12, s12, $0xb8;
	[tilespmem:$0x1D000] =	vst v63  }
0xfb: {  	s16 =	rddreg [dreg:$0x9]  }
0xfc: {  	[spmem:s3] =	stream.indirect.scatter.add.f32 [tilespmem:s15], [sflag:$0x3], $0x10, s16, s12, $0xb8;
	[tilespmem:$0x1D000] =	vst v63  }
0xfd: {  	s18 =	rddreg [dreg:$0xa]  }
0xfe: {  	[spmem:s3] =	stream.indirect.scatter.add.f32 [tilespmem:s17], [sflag:$0x3], $0x10, s18, s12, $0xb8;
	[tilespmem:$0x1D000] =	vst v63  }
0xff: {  	s7 =	rddreg [dreg:$0xb]  }
0x100: {  	[spmem:s3] =	stream.indirect.scatter.add.f32 [tilespmem:s19], [sflag:$0x3], $0x10, s7, s12, $0xb8;
	[tilespmem:$0x1D000] =	vst v63  }
0x101: {  	_ =	swait.ge [sflag:s26], $0x800  }
0x102: {  	[sflag:s26] =	ssyncset.done $0x0  }
0x103: {  	[sflag:s26] =	ssyncadd.s32 $0xFFFFF800  }
0x104: {  	_ =	swait.ge [sflag:s26], $0x800  }
0x105: {  	[sflag:s26] =	ssyncset.done $0x0  }
0x106: {  	[sflag:s26] =	ssyncadd.s32 $0xFFFFF800  }
0x107: {  	_ =	swait.ge [sflag:s26], $0x800  }
0x108: {  	[sflag:s26] =	ssyncset.done $0x0  }
0x109: {  	[sflag:s26] =	ssyncadd.s32 $0xFFFFF800  }
0x10a: {  	_ =	swait.ge [sflag:s26], $0x800  }
0x10b: {  	p0 =	seq.s32 s0, $0x6100;
	s1 =	rddreg [dreg:$0x4];
	[sflag:s26] =	ssyncset.done $0x0  }
0x10c: {  	[sflag:s26] =	ssyncadd.s32 $0xFFFFF800;
	s0 =	sadd.s32 @!p0 s0, s1;
	s1 =	simm.s32 @!p0 $0x0  }
0x10d: {  	[tilespmem:s1], [sflag:$0x5] =	stream.linear.gather @!p0 [hbm4b:s0+s1], $0x400, $0x38;
	[tilespmem:$0x1D000] =	vst v63  }
0x10e: {  	s0 =	simm.s32 @!p0 $0x5  }
0x10f: {  	_ =	swait.ge @!p0 [sflag:s0], $0x400  }
0x110: {  	[sflag:s0] =	ssyncset.done @!p0 $0x0  }
0x111: {  	s2 =	simm.s32 @!p0 $0x80;
	[sflag:s0] =	ssyncadd.s32 @!p0 $0xFFFFFC00;
	s0 =	simm.s32 @!p0 $0x800  }
0x112: {  	[tilespmem:s0], [sflag:$0x1] =	stream.indirect.gather @!p0 [hbm4b:s5+s2], $0x10, s1, s2, $0xb8;
	[tilespmem:$0x1D000] =	vst v63  }
0x113: {  	s0 =	simm.s32 @!p0 $0x100;
	s1 =	simm.s32 @!p0 $0x1000  }
0x114: {  	[tilespmem:s1], [sflag:$0x1] =	stream.indirect.gather @!p0 [hbm4b:s5+s2], $0x10, s0, s2, $0xb8;
	[tilespmem:$0x1D000] =	vst v63  }
0x115: {  	s0 =	simm.s32 @!p0 $0x200;
	s1 =	simm.s32 @!p0 $0x1800  }
0x116: {  	[tilespmem:s1], [sflag:$0x1] =	stream.indirect.gather @!p0 [hbm4b:s5+s2], $0x10, s0, s2, $0xb8;
	[tilespmem:$0x1D000] =	vst v63  }
0x117: {  	s0 =	simm.s32 @!p0 $0x300;
	s1 =	simm.s32 @!p0 $0x2000  }
0x118: {  	[tilespmem:s1], [sflag:$0x1] =	stream.indirect.gather @!p0 [hbm4b:s5+s2], $0x10, s0, s2, $0xb8;
	[tilespmem:$0x1D000] =	vst v63  }
0x119: {  	_ =	swait.ge [sflag:s28], $0x800  }
0x11a: {  	[sflag:s28] =	ssyncset.done $0x0  }
0x11b: {  	[sflag:s28] =	ssyncadd.s32 $0xFFFFF800  }
0x11c: {  	_ =	swait.ge [sflag:s28], $0x800  }
0x11d: {  	[sflag:s28] =	ssyncset.done $0x0  }
0x11e: {  	[sflag:s28] =	ssyncadd.s32 $0xFFFFF800  }
0x11f: {  	_ =	swait.ge [sflag:s28], $0x800  }
0x120: {  	[sflag:s28] =	ssyncset.done $0x0  }
0x121: {  	[sflag:s28] =	ssyncadd.s32 $0xFFFFF800  }
0x122: {  	_ =	swait.ge [sflag:s28], $0x800  }
0x123: {  	[sflag:s28] =	ssyncset.done $0x0  }
0x124: {  	s14 =	rddreg [dreg:$0xc];
	[sflag:s28] =	ssyncadd.s32 $0xFFFFF800  }
0x125: {  	[spmem:s3] =	stream.indirect.scatter.add.f32 [tilespmem:s21], [sflag:$0x4], $0x10, s14, s12, $0xb8;
	[tilespmem:$0x1D000] =	vst v63  }
0x126: {  	s16 =	rddreg [dreg:$0xd]  }
0x127: {  	[spmem:s3] =	stream.indirect.scatter.add.f32 [tilespmem:s22], [sflag:$0x4], $0x10, s16, s12, $0xb8;
	[tilespmem:$0x1D000] =	vst v63  }
0x128: {  	s18 =	rddreg [dreg:$0xe]  }
0x129: {  	[spmem:s3] =	stream.indirect.scatter.add.f32 [tilespmem:s23], [sflag:$0x4], $0x10, s18, s12, $0xb8;
	[tilespmem:$0x1D000] =	vst v63  }
0x12a: {  	_ = 	snop  }
0x12b: {  	[spmem:s3] =	stream.indirect.scatter.add.f32 [tilespmem:s24], [sflag:$0x4], $0x10, s29, s12, $0xb8;
	[tilespmem:$0x1D000] =	vst v63  }
0x12c: {  	_ =	swait.ge [sflag:s30], $0x800  }
0x12d: {  	[sflag:s30] =	ssyncset.done $0x0  }
0x12e: {  	[sflag:s30] =	ssyncadd.s32 $0xFFFFF800  }
0x12f: {  	_ =	swait.ge [sflag:s30], $0x800  }
0x130: {  	[sflag:s30] =	ssyncset.done $0x0  }
0x131: {  	[sflag:s30] =	ssyncadd.s32 $0xFFFFF800  }
0x132: {  	_ =	swait.ge [sflag:s30], $0x800  }
0x133: {  	[sflag:s30] =	ssyncset.done $0x0  }
0x134: {  	[sflag:s30] =	ssyncadd.s32 $0xFFFFF800  }
0x135: {  	_ =	swait.ge [sflag:s30], $0x800  }
0x136: {  	s31 =	sadd.s32 $0x1, s31;
	[sflag:s30] =	ssyncset.done $0x0  }
0x137: {  	p0 =	sne.s32 s31, s9;
	[sflag:s30] =	ssyncadd.s32 $0xFFFFF800  }
.Ltmp1:
0x138: {  	[bflag:$0x0] =	sbarrier.arrive $0xFFFF;
	(pc) =	sbr.rel @p0 .LBB2_1-.Ltmp1, $4  }
0x139: {  	[hbm:s8], [sflag:s6] =	dma.local [spmem:s10], $0x3100  }
0x13a: {  	_ =	swait.ge [sflag:s11], $0x3100  }
0x13b: {  	[sflag:s11] =	ssyncset.done $0x0  }
0x13c: {  	[sflag:s11] =	ssyncadd.s32 $0xFFFFCF00  }
0x13d: {  	_ =	sfence.sel $0x180000  }
0x13e: {  	[bflag:$0x0] =	sbarrier.arrive $0xFFFF  }
0x13f: {  	_ =	strace $0x9000004D  }
0x140: {  	s0 =	stileid.u32;
	[bflag:$0x2] =	sbarrier.arrive $0xFFFF  }
0x141: {  	p0 =	sne.s32 s0, $0x0;
	s0 =	rddreg [dreg:$0x3]  }
0x142: {  	s0 =	sadd.s32 @!p0 $0x100000, s0  }
0x143: {  	[sflag:s0] =	ssyncadd.tile.s32 @!p0 $0x1;
	_ =	shalt  }
.Lfunc_end2:
_tile_overlayer_lowered:
.L_overlay_start_2:
0x144: {  	(tag) =	ssettag $0x2  }
0x145: {  	s0 =	rddreg [dreg:$0x0];
	s2 =	stileid.u32  }
0x146: {  	s1 =	rddreg [dreg:$0x1];
	p0 =	sne.s32 s2, $0x0  }
0x147: {  	s3 =	rddreg [dreg:$0x2];
	[bflag:$0x3] =	sbarrier.arrive $0xFFFF;
	s2 =	simm.s32 @!p0 $0x1C05  }
0x148: {  	[timem:s3], [sflag:s2] =	dma.local @!p0 [hbm:s0], s1  }
0x149: {  	s0 =	simm.s32 @!p0 $0x5  }
0x14a: {  	_ =	swait.ge @!p0 [sflag:s0], s1  }
0x14b: {  	s1 =	ssub.s32 @!p0 $0x0, s1;
	[sflag:s0] =	ssyncset.done @!p0 $0x0  }
0x14c: {  	[sflag:s0] =	ssyncadd.s32 @!p0 s1  }
0x14d: {  	[bflag:$0x3] =	sbarrier.arrive $0xFFFF  }
0x14e: {  	_ =	shalt  }

// kernel: kernel.20.cloned.1.call-start
scs
__scs_entry_jumppad:
0x0: {  	(pc) =	sbr.rel $0x88, $3  }
0x1: {  	(tag) =	ssettag $0x0;
	lr =	simm.s32 $0x1  }
0x2: {  	[smem:$0x3F97] =	sst lr;
	_ =	strace $0xD0000000  }
0x3: {  	_ = 	snop  }
0x4: {  	_ = 	snop  }
0x5: {  	_ = 	snop  }
0x6: {  	_ = 	snop  }
0x7: {  	_ = 	snop  }
__scs_overlays_trampoline_lowered:
0x8: {  	[smem:$0x3FA6] =	sst s0  }
0x9: {  	[smem:$0x3FA7] =	sst s1  }
0xa: {  	[smem:$0x3FA8] =	sst s2  }
0xb: {  	[smem:$0x3FA9] =	sst s3  }
0xc: {  	[smem:$0x3FAA] =	sst s4  }
0xd: {  	[smem:$0x3FAB] =	sst s5  }
0xe: {  	[smem:$0x3FAC] =	sst s6  }
0xf: {  	[smem:$0x3FAD] =	sst s7  }
0x10: {  	[smem:$0x3FAE] =	sst s8  }
0x11: {  	[smem:$0x3FAF] =	sst s9;
	s0 =	simm.s32 @!p0 $0x0  }
0x12: {  	s1 =	sld [smem:$0x3F95];
	s0 =	simm.s32 @p0 $0x1  }
0x13: {  	[smem:$0x3FB0] =	sst s0;
	s0 =	simm.s32 @!p1 $0x0  }
0x14: {  	s2 =	sld [smem:$0x3F94];
	s0 =	simm.s32 @p1 $0x1  }
0x15: {  	[smem:$0x3FB1] =	sst s0;
	s0 =	simm.s32 @!p2 $0x0  }
0x16: {  	s3 =	sld [smem:$0x3FDB];
	s0 =	simm.s32 @p2 $0x1  }
0x17: {  	s4 =	simm.s32 $0x1BF5;
	[smem:$0x3FB3] =	sst s0  }
0x18: {  	s0 =	sld [smem:$0x3F96];
	_ =	swait.ge [sflag:s4], $0x0  }
0x19: {  	s7 =	sld [smem:$0x3F97]  }
0x1a: {  	s8 =	sadd.s32 $0xFFFFE003, lr  }
0x1b: {  	s9 =	sadd.s32 $0xFFFFFEF7, lr;
	s5 =	simm.s32 $0xFFFFFFFF;
	p2 =	slt.u32 s8, $0xFFFFF086  }
0x1c: {  	p1 =	slt.u32 s9, $0xF7A;
	s5 =	simm.s32 @!p2 $0x0  }
0x1d: {  	s5 =	simm.s32 @p1 $0x1;
	p0 =	seq.s32 s7, s2  }
0x1e: {  	s7 =	smul.u32 @!p0 $0xF7A, s2;
	p2 =	seq.s32 @!p0 s5, $0x0  }
0x1f: {  	s9 =	smul.u32 $0xF7A, s1;
	s8 =	simm.s32 @!p0 $0x1BF5;
	p2 =	por !p2, p0  }
0x20: {  	[sflag:s8] =	ssyncset.s32 @!p0 $0xFFFFF086;
	s6 =	sadd.s32 @!p0 s3, s7;
	s7 =	simm.s32 @!p0 $0x108  }
0x21: {  	s3 =	sadd.s32 s3, s9;
	s6 =	sadd.s32 @!p0 $0x88, s6;
	s7 =	simm.s32 @p2 $0x1082  }
0x22: {  	[simem:s7], [sflag:s8] =	dma.local @!p0 [hbm:s6], $0xF7A  }
0x23: {  	s9 =	sor.u32 $0xD0000000, s2;
	s6 =	simm.s32 $0x108;
	_ =	swait.ge @!p0 [sflag:s8], $0x0  }
0x24: {  	s3 =	sadd.s32 $0x88, s3;
	s6 =	simm.s32 @!p1 $0x1082;
	[sflag:s4] =	ssyncset.s32 $0xFFFFF086  }
0x25: {  	[simem:s6], [sflag:s4] =	dma.local [hbm:s3], $0xF7A  }
0x26: {  	[smem:$0x3F97] =	sst s1;
	(tag) =	ssettag s2;
	_ =	strace s9  }
0x27: {  	s1 =	sld [smem:$0x3FA7]  }
0x28: {  	s2 =	sld [smem:$0x3FA8]  }
0x29: {  	s4 =	sld [smem:$0x3FAA]  }
0x2a: {  	p0 =	seq.s32 s5, $0x0;
	s5 =	sld [smem:$0x3FAB]  }
0x2b: {  	s6 =	sld [smem:$0x3FAC]  }
0x2c: {  	s7 =	sld [smem:$0x3FAD]  }
0x2d: {  	s3 =	simm.s32 $0x108;
	s8 =	sld [smem:$0x3FAE]  }
0x2e: {  	s3 =	simm.s32 @!p0 $0x1082;
	s9 =	sld [smem:$0x3FAF]  }
0x2f: {  	lr =	sadd.s32 s0, s3;
	s0 =	sld [smem:$0x3FA6]  }
0x30: {  	s3 =	sld [smem:$0x3FA9]  }
0x31: {  	[smem:$0x3FB2] =	sst s10  }
0x32: {  	s10 =	sld [smem:$0x3FB0];
	_ =	sdelay $0x3  }
0x33: {  	p0 =	seq.s32 s10, $0x1;
	s10 =	sld [smem:$0x3FB2];
	_ =	sdelay $0x3  }
0x34: {  	[smem:$0x3FB2] =	sst s10  }
0x35: {  	s10 =	sld [smem:$0x3FB1];
	_ =	sdelay $0x3  }
0x36: {  	p1 =	seq.s32 s10, $0x1;
	s10 =	sld [smem:$0x3FB2];
	_ =	sdelay $0x3  }
0x37: {  	[smem:$0x3FB2] =	sst s10  }
0x38: {  	s10 =	sld [smem:$0x3FB3]  }
0x39: {  	_ = 	snop;
	(pc) =	sbr.ind lr, $3  }
0x3a: {  	_ = 	snop  }
0x3b: {  	_ = 	snop  }
0x3c: {  	p2 =	seq.s32 s10, $0x1;
	s10 =	sld [smem:$0x3FB2]  }
0x3d: {  	_ =	shalt  }
0x3e: {  	_ =	shalt  }
0x3f: {  	_ =	shalt  }
0x40: {  	_ =	shalt  }
0x41: {  	_ =	shalt  }
0x42: {  	_ =	shalt  }
0x43: {  	_ =	shalt  }
0x44: {  	_ =	shalt  }
0x45: {  	_ =	shalt  }
0x46: {  	_ =	shalt  }
0x47: {  	_ =	shalt  }
0x48: {  	_ =	shalt  }
0x49: {  	_ =	shalt  }
0x4a: {  	_ =	shalt  }
0x4b: {  	_ =	shalt  }
0x4c: {  	_ =	shalt  }
0x4d: {  	_ =	shalt  }
0x4e: {  	_ =	shalt  }
0x4f: {  	_ =	shalt  }
0x50: {  	_ =	shalt  }
0x51: {  	_ =	shalt  }
0x52: {  	_ =	shalt  }
0x53: {  	_ =	shalt  }
0x54: {  	_ =	shalt  }
0x55: {  	_ =	shalt  }
0x56: {  	_ =	shalt  }
0x57: {  	_ =	shalt  }
0x58: {  	_ =	shalt  }
0x59: {  	_ =	shalt  }
0x5a: {  	_ =	shalt  }
0x5b: {  	_ =	shalt  }
0x5c: {  	_ =	shalt  }
0x5d: {  	_ =	shalt  }
0x5e: {  	_ =	shalt  }
0x5f: {  	_ =	shalt  }
0x60: {  	_ =	shalt  }
0x61: {  	_ =	shalt  }
0x62: {  	_ =	shalt  }
0x63: {  	_ =	shalt  }
0x64: {  	_ =	shalt  }
0x65: {  	_ =	shalt  }
0x66: {  	_ =	shalt  }
0x67: {  	_ =	shalt  }
0x68: {  	_ =	shalt  }
0x69: {  	_ =	shalt  }
0x6a: {  	_ =	shalt  }
0x6b: {  	_ =	shalt  }
0x6c: {  	_ =	shalt  }
0x6d: {  	_ =	shalt  }
0x6e: {  	_ =	shalt  }
0x6f: {  	_ =	shalt  }
0x70: {  	_ =	shalt  }
0x71: {  	_ =	shalt  }
0x72: {  	_ =	shalt  }
0x73: {  	_ =	shalt  }
0x74: {  	_ =	shalt  }
0x75: {  	_ =	shalt  }
0x76: {  	_ =	shalt  }
0x77: {  	_ =	shalt  }
0x78: {  	_ =	shalt  }
0x79: {  	_ =	shalt  }
0x7a: {  	_ =	shalt  }
0x7b: {  	_ =	shalt  }
0x7c: {  	_ =	shalt  }
0x7d: {  	_ =	shalt  }
0x7e: {  	_ =	shalt  }
0x7f: {  	_ =	shalt  }
0x80: {  	_ =	shalt  }
0x81: {  	_ =	shalt  }
0x82: {  	_ =	shalt  }
0x83: {  	_ =	shalt  }
0x84: {  	_ =	shalt  }
0x85: {  	_ =	shalt  }
0x86: {  	_ =	shalt  }
0x87: {  	_ =	shalt  }
.Lfunc_end0:
.L_simem_size_0:
called_computation.3_lowered:
.L_overlay_start_0:
0x88: {  	s2 =	sld [smem:$0x3FD9]  }
0x89: {  	s3 =	sld [smem:$0x3FFE];
	_ =	sdelay $0x1  }
0x8a: {  	s1 =	srdreg.scid  }
0x8b: {  	s0 =	sand.u32 $0x1, s1  }
0x8c: {  	s17 =	sshll.u32 s0, $0xA;
	s2 =	sadd.s32 s3, s2  }
0x8d: {  	s2 =	sadd.s32 s2, s17  }
0x8e: {  	[smem:$0x3FBE] =	sst s2  }
0x8f: {  	_ = 	snop  }
0x90: {  	s2 =	sld [smem:$0x3FD0];
	(tm) =	ssettm $0x1  }
0x91: {  	s18 =	sld [smem:$0x3FFB];
	_ =	sdelay $0x3  }
0x92: {  	_ =	strace s18  }
0x93: {  	s3 =	sld [smem:$0x3FFC];
	_ =	sdelay $0x3  }
0x94: {  	_ =	strace s3  }
0x95: {  	s3 =	sld [smem:$0x3FFD];
	_ =	sdelay $0x3  }
0x96: {  	_ =	strace s3  }
0x97: {  	_ =	strace $0x8FFFFFFF  }
0x98: {  	s19 =	sld [smem:$0x3FDB];
	_ =	sdelay $0x1  }
0x99: {  	s4 =	simm.s32 $_scs_section_size  }
0x9a: {  	s5 =	simm.s32 $_size__tile_overlayer_lowered;
	s6 =	simm.s32 $_tile_overlayer_lowered  }
0x9b: {  	s22 =	simm.s32 $0x1BFF;
	s21 =	sshll.u32 s6, $0x1;
	s3 =	sadd.s32 s4, s19  }
0x9c: {  	s7 =	simm.s32 $0x0;
	s20 =	sshll.u32 s5, $0x1;
	s5 =	sadd.s32 s21, s3  }
0x9d: {  	[timem:s7], [sflag:s22] =	dma.local [hbm:s5], s20  }
0x9e: {  	_ =	swait.ge [sflag:s22], s20  }
0x9f: {  	s4 =	ssub.s32 $0x0, s20;
	[sflag:s22] =	ssyncset.done $0x0  }
0xa0: {  	[sflag:s22] =	ssyncadd.s32 s4;
	_ =	sdelay $0x1  }
0xa1: {  	s23 =	simm.s32 $0x1B8B  }
0xa2: {  	_ =	swait.ge [sflag:s23], $0x1  }
0xa3: {  	[sflag:s23] =	ssyncset.done $0x0  }
0xa4: {  	s25 =	simm.s32 $0x1B8E;
	s24 =	sld [smem:$0x3FFE];
	[sflag:s23] =	ssyncadd.s32 $0xFFFFFFFF  }
0xa5: {  	s26 =	simm.s32 $execute0_lowered;
	[smem:$0x3FD2] =	sst s25  }
0xa6: {  	s5 =	sshll.u32 s26, $0x1;
	_ =	strace $0x8000004F;
	[dreg:$0x1] =	wrdreg $0xFFFFFFFF  }
0xa7: {  	s28 =	simm.s32 $_size_execute0_lowered;
	s3 =	sadd.s32 s3, s5;
	[dreg:$0x0] =	wrdreg $0x0  }
0xa8: {  	s5 =	sshll.u32 s28, $0x1;
	[dreg:$0x2] =	wrdreg s3  }
0xa9: {  	[dreg:$0x3] =	wrdreg s5  }
0xaa: {  	[dreg:$0x4] =	wrdreg $0xC0  }
0xab: {  	_ =	task [dreg:s7], $0x5FFFF  }
0xac: {  	[dreg:$0x1] =	wrdreg $0xFFFFFFFF  }
0xad: {  	[dreg:$0x0] =	wrdreg $0x60  }
0xae: {  	[dreg:$0x2] =	wrdreg s24  }
0xaf: {  	[dreg:$0x3] =	wrdreg s2  }
0xb0: {  	[dreg:$0x4] =	wrdreg $0x48000  }
0xb1: {  	[dreg:$0x5] =	wrdreg $0x9  }
0xb2: {  	_ =	task.clear_ibuf [dreg:s7], $0x6FFFF;
	_ =	strace $0x9000004F  }
0xb3: {  	s29 =	simm.s32 $0x9;
	_ =	strace $0x80000051  }
0xb4: {  	_ =	swait.ge [sflag:s29], $0x1  }
0xb5: {  	[sflag:s29] =	ssyncadd.s32 $0xFFFFFFFF  }
0xb6: {  	_ =	strace $0x90000051  }
0xb7: {  	_ =	sfence  }
0xb8: {  	s30 =	sld [smem:$0x0];
	_ =	sdelay $0x2  }
0xb9: {  	s31 =	sshll.u32 s1, $0xD;
	s1 =	sshrl.u32 s1, $0x2  }
0xba: {  	s3 =	sand.u32 $0x4000, s31;
	s1 =	sadd.s32 s1, s30  }
0xbb: {  	s0 =	sor.u32 s3, s0;
	s1 =	sshll.u32 s1, $0x11  }
0xbc: {  	s0 =	sor.u32 s1, s0  }
0xbd: {  	s0 =	sadd.s32 $0x8F2B, s0  }
0xbe: {  	[sflag:s0] =	ssyncadd.remote.s32 $0x1  }
0xbf: {  	_ =	sfence.sel $0xFFFF  }
0xc0: {  	[dreg:$0x0] =	wrdreg $0xFFFFFFFF;
	(pc) =	sbr.abs _section_cstart, $3  }
0xc1: {  	[dreg:$0x1] =	wrdreg $0xFFFFFFFF  }
0xc2: {  	_ =	task.clear_ibuf [dreg:s7], $0x2FFFF;
	_ =	strace $0x9FFFFFFF  }
0xc3: {  	(tm) =	ssettm $0x7FFFFFFF  }
tec
execute0_lowered:
.L_overlay_start_1:
0x0: {  	(tag) =	ssettag $0x1  }
0x1: {  	s0 =	rddreg [dreg:$0x0]  }
0x2: {  	s3 =	rddreg [dreg:$0x2]  }
0x3: {  	s4 =	simm.s32 $0x0;
	s1 =	srdreg.scid;
	s11 =	stileid.u32  }
0x4: {  	s18 =	simm.s32 $0x500;
	s19 =	simm.s32 $0x600;
	s20 =	simm.s32 $0x700  }
0x5: {  	s21 =	simm.s32 $0x180;
	s22 =	simm.s32 $0x280;
	s23 =	simm.s32 $0x380  }
0x6: {  	s24 =	simm.s32 $0x480;
	s28 =	simm.s32 $0x2;
	s29 =	simm.s32 $0x780  }
0x7: {  	s30 =	simm.s32 $0x4;
	s31 =	simm.s32 $0x0;
	[smem:$0x7FF] =	sst s4  }
0x8: {  	s1 =	sand.u32 $0x1, s1;
	s2 =	smul.u32 $0x3100, s11;
	s5 =	sadd.s32 $0x4000, s0  }
0x9: {  	s9 =	smul.u32 $0x310, s11;
	_ =	strace $0x80000050;
	[dreg:$0x6] =	wrdreg s18  }
0xa: {  	s7 =	sadd.s32 $0x12A200, s0;
	s10 =	smul.u32 $0x62000, s11;
	[dreg:$0x7] =	wrdreg s19  }
0xb: {  	s13 =	sshll.u32 s11, $0x6;
	s6 =	smul.u32 $0x31000, s1;
	[dreg:$0x8] =	wrdreg s20  }
0xc: {  	s8 =	smul.u32 $0x3100, s1;
	s25 =	ssub.s32 $0x2, s1;
	[dreg:$0x9] =	wrdreg s21  }
0xd: {  	s1 =	sshll.u32 s1, $0x4;
	s19 =	simm.s32 $0x2000;
	[dreg:$0xa] =	wrdreg s22  }
0xe: {  	s20 =	simm.s32 $0x400;
	[dreg:$0xb] =	wrdreg s23;
	s21 =	simm.s32 $0x2800  }
0xf: {  	[dreg:$0xc] =	wrdreg s24;
	s22 =	simm.s32 $0x3000;
	s23 =	simm.s32 $0x3800  }
0x10: {  	s24 =	simm.s32 $0x4000;
	s26 =	sshrl.u32 s25, $0x1;
	s12 =	sshrl.u32 s10, $0x2  }
0x11: {  	s1 =	sor.u32 s11, s1;
	s11 =	simm.s32 $0x5;
	s2 =	sadd.s32 s2, s6  }
0x12: {  	s9 =	sadd.s32 s9, s8;
	s1 =	smul.u32 $0x6200, s1;
	s15 =	sadd.s32 s12, s3  }
0x13: {  	s12 =	simm.s32 $0x80;
	s0 =	sadd.s32 s2, s0;
	s2 =	ssub.s32 s25, s26  }
0x14: {  	s6 =	sshll.u32 s9, $0x5;
	s10 =	sshrl.u32 s15, $0x3;
	s15 =	simm.s32 $0x1000  }
0x15: {  	s25 =	simm.s32 $0x580;
	s26 =	simm.s32 $0x680;
	s14 =	sadd.s32 s6, s7  }
0x16: {  	s6 =	sor.u32 $0x1C05, s13;
	s1 =	sadd.s32 s7, s1;
	[dreg:$0xd] =	wrdreg s25  }
0x17: {  	s8 =	sadd.s32 $0x35000, s0;
	s9 =	smax.u32 s2, $0x1;
	[dreg:$0xe] =	wrdreg s26  }
0x18: {  	s13 =	simm.s32 $0x800;
	s16 =	sadd.s32 $0x100, s14;
	[dreg:$0xf] =	wrdreg s1  }
0x19: {  	s25 =	simm.s32 $0x1;
	s17 =	sadd.s32 $0x80, s14;
	[dreg:$0x4] =	wrdreg s16  }
0x1a: {  	s26 =	simm.s32 $0x3;
	[dreg:$0x5] =	wrdreg s17;
	s17 =	simm.s32 $0x1800  }
.LBB2_1:
0x1b: {  	s0 =	rddreg [dreg:$0x1]  }
0x1c: {  	[spmem:s10], [sflag:s6] =	dma.local [hbm:s0], $0x3100  }
0x1d: {  	_ =	swait.ge [sflag:s11], $0x3100  }
0x1e: {  	[sflag:s11] =	ssyncset.done $0x0  }
0x1f: {  	[sflag:s11] =	ssyncadd.s32 $0xFFFFCF00  }
0x20: {  	[bflag:$0x0] =	sbarrier.arrive $0xFFFF  }
0x21: {  	s16 =	rddreg [dreg:$0xf]  }
0x22: {  	[tilespmem:s4], [sflag:$0x5] =	stream.linear.gather [hbm4b:s16+s4], $0x400, $0x38;
	[tilespmem:$0x1D000] =	vst v63  }
0x23: {  	_ =	swait.ge [sflag:s11], $0x400  }
0x24: {  	[sflag:s11] =	ssyncset.done $0x0  }
0x25: {  	[sflag:s11] =	ssyncadd.s32 $0xFFFFFC00  }
0x26: {  	[tilespmem:s13], [sflag:$0x1] =	stream.indirect.gather [hbm4b:s5+s12], $0x10, s4, s12, $0xb8;
	[tilespmem:$0x1D000] =	vst v63  }
0x27: {  	s18 =	simm.s32 $0x100;
	p0 =	por $0x1, $0x1  }
0x28: {  	[tilespmem:s15], [sflag:$0x1] =	stream.indirect.gather [hbm4b:s5+s12], $0x10, s18, s12, $0xb8;
	[tilespmem:$0x1D000] =	vst v63  }
0x29: {  	s1 =	simm.s32 $0x200;
	p0 =	por p0, p0  }
0x2a: {  	[tilespmem:s17], [sflag:$0x1] =	stream.indirect.gather [hbm4b:s5+s12], $0x10, s1, s12, $0xb8;
	[tilespmem:$0x1D000] =	vst v63  }
0x2b: {  	s2 =	simm.s32 $0x300;
	s0 =	simm.s32 @!p0 $0x4  }
0x2c: {  	[tilespmem:s19], [sflag:$0x1] =	stream.indirect.gather [hbm4b:s5+s12], $0x10, s2, s12, $0xb8;
	[tilespmem:$0x1D000] =	vst v63  }
0x2d: {  	_ =	swait.ge @!p0 [sflag:s0], $0x800  }
0x2e: {  	[sflag:s0] =	ssyncset.done @!p0 $0x0  }
0x2f: {  	[sflag:s0] =	ssyncadd.s32 @!p0 $0xFFFFF800  }
0x30: {  	_ =	swait.ge @!p0 [sflag:s0], $0x800  }
0x31: {  	[sflag:s0] =	ssyncset.done @!p0 $0x0  }
0x32: {  	[sflag:s0] =	ssyncadd.s32 @!p0 $0xFFFFF800  }
0x33: {  	_ =	swait.ge @!p0 [sflag:s0], $0x800  }
0x34: {  	[sflag:s0] =	ssyncset.done @!p0 $0x0  }
0x35: {  	[sflag:s0] =	ssyncadd.s32 @!p0 $0xFFFFF800  }
0x36: {  	_ =	swait.ge @!p0 [sflag:s0], $0x800  }
0x37: {  	s1 =	rddreg [dreg:$0x5];
	[sflag:s0] =	ssyncset.done @!p0 $0x0  }
0x38: {  	[sflag:s0] =	ssyncadd.s32 @!p0 $0xFFFFF800;
	s7 =	sadd.s32 $0x0, s1  }
0x39: {  	[tilespmem:s20], [sflag:$0x5] =	stream.linear.gather [hbm4b:s7+s4], $0x400, $0x38;
	[tilespmem:$0x1D000] =	vst v63  }
0x3a: {  	_ =	swait.ge [sflag:s11], $0x400  }
0x3b: {  	[sflag:s11] =	ssyncset.done $0x0  }
0x3c: {  	[sflag:s11] =	ssyncadd.s32 $0xFFFFFC00  }
0x3d: {  	[tilespmem:s21], [sflag:$0x2] =	stream.indirect.gather [hbm4b:s5+s12], $0x10, s20, s12, $0xb8;
	[tilespmem:$0x1D000] =	vst v63  }
0x3e: {  	s14 =	rddreg [dreg:$0x6]  }
0x3f: {  	[tilespmem:s22], [sflag:$0x2] =	stream.indirect.gather [hbm4b:s5+s12], $0x10, s14, s12, $0xb8;
	[tilespmem:$0x1D000] =	vst v63  }
0x40: {  	s16 =	rddreg [dreg:$0x7]  }
0x41: {  	[tilespmem:s23], [sflag:$0x2] =	stream.indirect.gather [hbm4b:s5+s12], $0x10, s16, s12, $0xb8;
	[tilespmem:$0x1D000] =	vst v63  }
0x42: {  	s18 =	rddreg [dreg:$0x8]  }
0x43: {  	[tilespmem:s24], [sflag:$0x2] =	stream.indirect.gather [hbm4b:s5+s12], $0x10, s18, s12, $0xb8;
	[tilespmem:$0x1D000] =	vst v63  }
0x44: {  	_ =	swait.ge [sflag:s25], $0x800  }
0x45: {  	[sflag:s25] =	ssyncset.done $0x0  }
0x46: {  	[sflag:s25] =	ssyncadd.s32 $0xFFFFF800  }
0x47: {  	_ =	swait.ge [sflag:s25], $0x800  }
0x48: {  	[sflag:s25] =	ssyncset.done $0x0  }
0x49: {  	[sflag:s25] =	ssyncadd.s32 $0xFFFFF800  }
0x4a: {  	_ =	swait.ge [sflag:s25], $0x800  }
0x4b: {  	[sflag:s25] =	ssyncset.done $0x0  }
0x4c: {  	[sflag:s25] =	ssyncadd.s32 $0xFFFFF800  }
0x4d: {  	_ =	swait.ge [sflag:s25], $0x800  }
0x4e: {  	[sflag:s25] =	ssyncset.done $0x0  }
0x4f: {  	[sflag:s25] =	ssyncadd.s32 $0xFFFFF800  }
0x50: {  	[spmem:s3] =	stream.indirect.scatter.add.f32 [tilespmem:s13], [sflag:$0x3], $0x10, s12, s12, $0xb8;
	[tilespmem:$0x1D000] =	vst v63  }
0x51: {  	s1 =	rddreg [dreg:$0x9]  }
0x52: {  	[spmem:s3] =	stream.indirect.scatter.add.f32 [tilespmem:s15], [sflag:$0x3], $0x10, s1, s12, $0xb8;
	[tilespmem:$0x1D000] =	vst v63  }
0x53: {  	s2 =	rddreg [dreg:$0xa]  }
0x54: {  	[spmem:s3] =	stream.indirect.scatter.add.f32 [tilespmem:s17], [sflag:$0x3], $0x10, s2, s12, $0xb8;
	[tilespmem:$0x1D000] =	vst v63  }
0x55: {  	s7 =	rddreg [dreg:$0xb]  }
0x56: {  	[spmem:s3] =	stream.indirect.scatter.add.f32 [tilespmem:s19], [sflag:$0x3], $0x10, s7, s12, $0xb8;
	[tilespmem:$0x1D000] =	vst v63  }
0x57: {  	_ =	swait.ge [sflag:s26], $0x800  }
0x58: {  	[sflag:s26] =	ssyncset.done $0x0  }
0x59: {  	[sflag:s26] =	ssyncadd.s32 $0xFFFFF800  }
0x5a: {  	_ =	swait.ge [sflag:s26], $0x800  }
0x5b: {  	[sflag:s26] =	ssyncset.done $0x0  }
0x5c: {  	[sflag:s26] =	ssyncadd.s32 $0xFFFFF800  }
0x5d: {  	_ =	swait.ge [sflag:s26], $0x800  }
0x5e: {  	[sflag:s26] =	ssyncset.done $0x0  }
0x5f: {  	[sflag:s26] =	ssyncadd.s32 $0xFFFFF800  }
0x60: {  	_ =	swait.ge [sflag:s26], $0x800  }
0x61: {  	p0 =	por $0x0, $0x0;
	s0 =	rddreg [dreg:$0x4];
	[sflag:s26] =	ssyncset.done $0x0  }
0x62: {  	s1 =	simm.s32 @!p0 $0x0;
	[sflag:s26] =	ssyncadd.s32 $0xFFFFF800;
	s0 =	sadd.s32 @!p0 $0x0, s0  }
0x63: {  	[tilespmem:s1], [sflag:$0x5] =	stream.linear.gather @!p0 [hbm4b:s0+s1], $0x400, $0x38;
	[tilespmem:$0x1D000] =	vst v63  }
0x64: {  	s0 =	simm.s32 @!p0 $0x5  }
0x65: {  	_ =	swait.ge @!p0 [sflag:s0], $0x400  }
0x66: {  	[sflag:s0] =	ssyncset.done @!p0 $0x0  }
0x67: {  	s2 =	simm.s32 @!p0 $0x80;
	[sflag:s0] =	ssyncadd.s32 @!p0 $0xFFFFFC00;
	s0 =	simm.s32 @!p0 $0x800  }
0x68: {  	[tilespmem:s0], [sflag:$0x1] =	stream.indirect.gather @!p0 [hbm4b:s5+s2], $0x10, s1, s2, $0xb8;
	[tilespmem:$0x1D000] =	vst v63  }
0x69: {  	s0 =	simm.s32 @!p0 $0x100;
	s1 =	simm.s32 @!p0 $0x1000  }
0x6a: {  	[tilespmem:s1], [sflag:$0x1] =	stream.indirect.gather @!p0 [hbm4b:s5+s2], $0x10, s0, s2, $0xb8;
	[tilespmem:$0x1D000] =	vst v63  }
0x6b: {  	s0 =	simm.s32 @!p0 $0x200;
	s1 =	simm.s32 @!p0 $0x1800  }
0x6c: {  	[tilespmem:s1], [sflag:$0x1] =	stream.indirect.gather @!p0 [hbm4b:s5+s2], $0x10, s0, s2, $0xb8;
	[tilespmem:$0x1D000] =	vst v63  }
0x6d: {  	s0 =	simm.s32 @!p0 $0x300;
	s1 =	simm.s32 @!p0 $0x2000  }
0x6e: {  	[tilespmem:s1], [sflag:$0x1] =	stream.indirect.gather @!p0 [hbm4b:s5+s2], $0x10, s0, s2, $0xb8;
	[tilespmem:$0x1D000] =	vst v63  }
0x6f: {  	_ =	swait.ge [sflag:s28], $0x800  }
0x70: {  	[sflag:s28] =	ssyncset.done $0x0  }
0x71: {  	[sflag:s28] =	ssyncadd.s32 $0xFFFFF800  }
0x72: {  	_ =	swait.ge [sflag:s28], $0x800  }
0x73: {  	[sflag:s28] =	ssyncset.done $0x0  }
0x74: {  	[sflag:s28] =	ssyncadd.s32 $0xFFFFF800  }
0x75: {  	_ =	swait.ge [sflag:s28], $0x800  }
0x76: {  	[sflag:s28] =	ssyncset.done $0x0  }
0x77: {  	[sflag:s28] =	ssyncadd.s32 $0xFFFFF800  }
0x78: {  	_ =	swait.ge [sflag:s28], $0x800  }
0x79: {  	[sflag:s28] =	ssyncset.done $0x0  }
0x7a: {  	s14 =	rddreg [dreg:$0xc];
	[sflag:s28] =	ssyncadd.s32 $0xFFFFF800  }
0x7b: {  	[spmem:s3] =	stream.indirect.scatter.add.f32 [tilespmem:s21], [sflag:$0x4], $0x10, s14, s12, $0xb8;
	[tilespmem:$0x1D000] =	vst v63  }
0x7c: {  	p6 =	por $0x0, $0x0;
	s0 =	simm.s32 $0x100;
	s16 =	rddreg [dreg:$0xd]  }
0x7d: {  	[spmem:s3] =	stream.indirect.scatter.add.f32 [tilespmem:s22], [sflag:$0x4], $0x10, s16, s12, $0xb8;
	[tilespmem:$0x1D000] =	vst v63  }
0x7e: {  	s2 =	simm.s32 $0x200;
	p0 =	por p6, p6;
	s18 =	rddreg [dreg:$0xe]  }
0x7f: {  	[spmem:s3] =	stream.indirect.scatter.add.f32 [tilespmem:s23], [sflag:$0x4], $0x10, s18, s12, $0xb8;
	[tilespmem:$0x1D000] =	vst v63  }
.LBB2_2:
0x80: {  	s14 =	simm.s32 @!p0 $0x4  }
0x81: {  	[spmem:s3] =	stream.indirect.scatter.add.f32 [tilespmem:s24], [sflag:$0x4], $0x10, s29, s12, $0xb8;
	[tilespmem:$0x1D000] =	vst v63  }
0x82: {  	_ =	swait.ge @!p0 [sflag:s14], $0x800  }
0x83: {  	[sflag:s14] =	ssyncset.done @!p0 $0x0  }
0x84: {  	[sflag:s14] =	ssyncadd.s32 @!p0 $0xFFFFF800  }
0x85: {  	_ =	swait.ge @!p0 [sflag:s14], $0x800  }
0x86: {  	[sflag:s14] =	ssyncset.done @!p0 $0x0  }
0x87: {  	[sflag:s14] =	ssyncadd.s32 @!p0 $0xFFFFF800  }
0x88: {  	_ =	swait.ge @!p0 [sflag:s14], $0x800  }
0x89: {  	[sflag:s14] =	ssyncset.done @!p0 $0x0  }
0x8a: {  	[sflag:s14] =	ssyncadd.s32 @!p0 $0xFFFFF800  }
0x8b: {  	_ =	swait.ge @!p0 [sflag:s14], $0x800  }
0x8c: {  	[sflag:s14] =	ssyncset.done @!p0 $0x0;
	s16 =	rddreg [dreg:$0x5]  }
0x8d: {  	[sflag:s14] =	ssyncadd.s32 @!p0 $0xFFFFF800;
	s7 =	sadd.s32 s0, s16  }
0x8e: {  	[tilespmem:s20], [sflag:$0x5] =	stream.linear.gather [hbm4b:s7+s4], $0x400, $0x38;
	[tilespmem:$0x1D000] =	vst v63  }
0x8f: {  	_ =	swait.ge [sflag:s11], $0x400  }
0x90: {  	[sflag:s11] =	ssyncset.done $0x0  }
0x91: {  	[sflag:s11] =	ssyncadd.s32 $0xFFFFFC00  }
0x92: {  	[tilespmem:s21], [sflag:$0x2] =	stream.indirect.gather [hbm4b:s5+s12], $0x10, s20, s12, $0xb8;
	[tilespmem:$0x1D000] =	vst v63  }
0x93: {  	s16 =	rddreg [dreg:$0x6]  }
0x94: {  	[tilespmem:s22], [sflag:$0x2] =	stream.indirect.gather [hbm4b:s5+s12], $0x10, s16, s12, $0xb8;
	[tilespmem:$0x1D000] =	vst v63  }
0x95: {  	s18 =	rddreg [dreg:$0x7]  }
0x96: {  	[tilespmem:s23], [sflag:$0x2] =	stream.indirect.gather [hbm4b:s5+s12], $0x10, s18, s12, $0xb8;
	[tilespmem:$0x1D000] =	vst v63  }
0x97: {  	s7 =	rddreg [dreg:$0x8]  }
0x98: {  	[tilespmem:s24], [sflag:$0x2] =	stream.indirect.gather [hbm4b:s5+s12], $0x10, s7, s12, $0xb8;
	[tilespmem:$0x1D000] =	vst v63  }
0x99: {  	_ =	swait.ge [sflag:s25], $0x800  }
0x9a: {  	[sflag:s25] =	ssyncset.done $0x0  }
0x9b: {  	[sflag:s25] =	ssyncadd.s32 $0xFFFFF800  }
0x9c: {  	_ =	swait.ge [sflag:s25], $0x800  }
0x9d: {  	[sflag:s25] =	ssyncset.done $0x0  }
0x9e: {  	[sflag:s25] =	ssyncadd.s32 $0xFFFFF800  }
0x9f: {  	_ =	swait.ge [sflag:s25], $0x800  }
0xa0: {  	[sflag:s25] =	ssyncset.done $0x0  }
0xa1: {  	[sflag:s25] =	ssyncadd.s32 $0xFFFFF800  }
0xa2: {  	_ =	swait.ge [sflag:s25], $0x800  }
0xa3: {  	[sflag:s25] =	ssyncset.done $0x0  }
0xa4: {  	[sflag:s25] =	ssyncadd.s32 $0xFFFFF800  }
0xa5: {  	[spmem:s3] =	stream.indirect.scatter.add.f32 [tilespmem:s13], [sflag:$0x3], $0x10, s12, s12, $0xb8;
	[tilespmem:$0x1D000] =	vst v63  }
0xa6: {  	s16 =	rddreg [dreg:$0x9]  }
0xa7: {  	[spmem:s3] =	stream.indirect.scatter.add.f32 [tilespmem:s15], [sflag:$0x3], $0x10, s16, s12, $0xb8;
	[tilespmem:$0x1D000] =	vst v63  }
0xa8: {  	s18 =	rddreg [dreg:$0xa]  }
0xa9: {  	[spmem:s3] =	stream.indirect.scatter.add.f32 [tilespmem:s17], [sflag:$0x3], $0x10, s18, s12, $0xb8;
	[tilespmem:$0x1D000] =	vst v63  }
0xaa: {  	s7 =	rddreg [dreg:$0xb]  }
0xab: {  	[spmem:s3] =	stream.indirect.scatter.add.f32 [tilespmem:s19], [sflag:$0x3], $0x10, s7, s12, $0xb8;
	[tilespmem:$0x1D000] =	vst v63  }
0xac: {  	_ =	swait.ge [sflag:s26], $0x800  }
0xad: {  	[sflag:s26] =	ssyncset.done $0x0  }
0xae: {  	[sflag:s26] =	ssyncadd.s32 $0xFFFFF800  }
0xaf: {  	_ =	swait.ge [sflag:s26], $0x800  }
0xb0: {  	[sflag:s26] =	ssyncset.done $0x0  }
0xb1: {  	[sflag:s26] =	ssyncadd.s32 $0xFFFFF800  }
0xb2: {  	_ =	swait.ge [sflag:s26], $0x800  }
0xb3: {  	[sflag:s26] =	ssyncset.done $0x0  }
0xb4: {  	p2 =	seq.s32 s2, $0x0;
	[sflag:s26] =	ssyncadd.s32 $0xFFFFF800  }
0xb5: {  	p0 =	por p2, p2;
	p2 =	seq.s32 s0, $0x6100;
	_ =	swait.ge [sflag:s26], $0x800  }
0xb6: {  	s16 =	simm.s32 @!p2 $0x5;
	s14 =	rddreg [dreg:$0x4];
	[sflag:s26] =	ssyncset.done $0x0  }
0xb7: {  	[sflag:s26] =	ssyncadd.s32 $0xFFFFF800;
	s0 =	sadd.s32 @!p2 s0, s14;
	s14 =	simm.s32 @!p2 $0x0  }
0xb8: {  	[tilespmem:s14], [sflag:$0x5] =	stream.linear.gather @!p2 [hbm4b:s0+s14], $0x400, $0x38;
	[tilespmem:$0x1D000] =	vst v63  }
0xb9: {  	_ =	swait.ge @!p2 [sflag:s16], $0x400  }
0xba: {  	s1 =	smov.u32 s2;
	s18 =	simm.s32 @!p2 $0x800;
	[sflag:s16] =	ssyncset.done @!p2 $0x0  }
0xbb: {  	s0 =	smov.u32 s1;
	s1 =	simm.s32 @!p2 $0x80;
	[sflag:s16] =	ssyncadd.s32 @!p2 $0xFFFFFC00  }
0xbc: {  	[tilespmem:s18], [sflag:$0x1] =	stream.indirect.gather @!p2 [hbm4b:s5+s1], $0x10, s14, s1, $0xb8;
	[tilespmem:$0x1D000] =	vst v63  }
0xbd: {  	s7 =	simm.s32 @!p2 $0x1000;
	s16 =	simm.s32 @!p2 $0x100  }
0xbe: {  	[tilespmem:s7], [sflag:$0x1] =	stream.indirect.gather @!p2 [hbm4b:s5+s1], $0x10, s16, s1, $0xb8;
	[tilespmem:$0x1D000] =	vst v63  }
0xbf: {  	s14 =	simm.s32 @!p2 $0x200;
	s18 =	simm.s32 @!p2 $0x1800  }
0xc0: {  	[tilespmem:s18], [sflag:$0x1] =	stream.indirect.gather @!p2 [hbm4b:s5+s1], $0x10, s14, s1, $0xb8;
	[tilespmem:$0x1D000] =	vst v63  }
0xc1: {  	s7 =	simm.s32 @!p2 $0x300;
	s16 =	simm.s32 @!p2 $0x2000  }
0xc2: {  	[tilespmem:s16], [sflag:$0x1] =	stream.indirect.gather @!p2 [hbm4b:s5+s1], $0x10, s7, s1, $0xb8;
	[tilespmem:$0x1D000] =	vst v63  }
0xc3: {  	_ =	swait.ge [sflag:s28], $0x800  }
0xc4: {  	[sflag:s28] =	ssyncset.done $0x0  }
0xc5: {  	[sflag:s28] =	ssyncadd.s32 $0xFFFFF800  }
0xc6: {  	_ =	swait.ge [sflag:s28], $0x800  }
0xc7: {  	[sflag:s28] =	ssyncset.done $0x0  }
0xc8: {  	[sflag:s28] =	ssyncadd.s32 $0xFFFFF800  }
0xc9: {  	_ =	swait.ge [sflag:s28], $0x800  }
0xca: {  	[sflag:s28] =	ssyncset.done $0x0  }
0xcb: {  	[sflag:s28] =	ssyncadd.s32 $0xFFFFF800  }
0xcc: {  	_ =	swait.ge [sflag:s28], $0x800  }
0xcd: {  	s2 =	sadd.s32 $0x100, s2;
	[sflag:s28] =	ssyncset.done $0x0  }
0xce: {  	p1 =	sne.s32 s2, $0x6200;
	s14 =	rddreg [dreg:$0xc];
	[sflag:s28] =	ssyncadd.s32 $0xFFFFF800  }
0xcf: {  	[spmem:s3] =	stream.indirect.scatter.add.f32 [tilespmem:s21], [sflag:$0x4], $0x10, s14, s12, $0xb8;
	[tilespmem:$0x1D000] =	vst v63  }
.Ltmp0:
0xd0: {  	_ = 	snop;
	(pc) =	sbr.rel @p1 .LBB2_2-.Ltmp0, $4  }
0xd1: {  	s16 =	rddreg [dreg:$0xd]  }
0xd2: {  	[spmem:s3] =	stream.indirect.scatter.add.f32 [tilespmem:s22], [sflag:$0x4], $0x10, s16, s12, $0xb8;
	[tilespmem:$0x1D000] =	vst v63  }
0xd3: {  	s18 =	rddreg [dreg:$0xe]  }
0xd4: {  	[spmem:s3] =	stream.indirect.scatter.add.f32 [tilespmem:s23], [sflag:$0x4], $0x10, s18, s12, $0xb8;
	[tilespmem:$0x1D000] =	vst v63  }
0xd5: {  	s1 =	simm.s32 @!p0 $0x4  }
0xd6: {  	[spmem:s3] =	stream.indirect.scatter.add.f32 [tilespmem:s24], [sflag:$0x4], $0x10, s29, s12, $0xb8;
	[tilespmem:$0x1D000] =	vst v63  }
0xd7: {  	_ =	swait.ge @!p0 [sflag:s1], $0x800  }
0xd8: {  	[sflag:s1] =	ssyncset.done @!p0 $0x0  }
0xd9: {  	[sflag:s1] =	ssyncadd.s32 @!p0 $0xFFFFF800  }
0xda: {  	_ =	swait.ge @!p0 [sflag:s1], $0x800  }
0xdb: {  	[sflag:s1] =	ssyncset.done @!p0 $0x0  }
0xdc: {  	[sflag:s1] =	ssyncadd.s32 @!p0 $0xFFFFF800  }
0xdd: {  	_ =	swait.ge @!p0 [sflag:s1], $0x800  }
0xde: {  	[sflag:s1] =	ssyncset.done @!p0 $0x0  }
0xdf: {  	[sflag:s1] =	ssyncadd.s32 @!p0 $0xFFFFF800  }
0xe0: {  	_ =	swait.ge @!p0 [sflag:s1], $0x800  }
0xe1: {  	s2 =	rddreg [dreg:$0x5];
	[sflag:s1] =	ssyncset.done @!p0 $0x0  }
0xe2: {  	[sflag:s1] =	ssyncadd.s32 @!p0 $0xFFFFF800;
	s18 =	sadd.s32 s0, s2  }
0xe3: {  	[tilespmem:s20], [sflag:$0x5] =	stream.linear.gather [hbm4b:s18+s4], $0x400, $0x38;
	[tilespmem:$0x1D000] =	vst v63  }
0xe4: {  	_ =	swait.ge [sflag:s11], $0x400  }
0xe5: {  	[sflag:s11] =	ssyncset.done $0x0  }
0xe6: {  	[sflag:s11] =	ssyncadd.s32 $0xFFFFFC00  }
0xe7: {  	[tilespmem:s21], [sflag:$0x2] =	stream.indirect.gather [hbm4b:s5+s12], $0x10, s20, s12, $0xb8;
	[tilespmem:$0x1D000] =	vst v63  }
0xe8: {  	s2 =	rddreg [dreg:$0x6]  }
0xe9: {  	[tilespmem:s22], [sflag:$0x2] =	stream.indirect.gather [hbm4b:s5+s12], $0x10, s2, s12, $0xb8;
	[tilespmem:$0x1D000] =	vst v63  }
0xea: {  	s7 =	rddreg [dreg:$0x7]  }
0xeb: {  	[tilespmem:s23], [sflag:$0x2] =	stream.indirect.gather [hbm4b:s5+s12], $0x10, s7, s12, $0xb8;
	[tilespmem:$0x1D000] =	vst v63  }
0xec: {  	s14 =	rddreg [dreg:$0x8]  }
0xed: {  	[tilespmem:s24], [sflag:$0x2] =	stream.indirect.gather [hbm4b:s5+s12], $0x10, s14, s12, $0xb8;
	[tilespmem:$0x1D000] =	vst v63  }
0xee: {  	_ =	swait.ge [sflag:s25], $0x800  }
0xef: {  	[sflag:s25] =	ssyncset.done $0x0  }
0xf0: {  	[sflag:s25] =	ssyncadd.s32 $0xFFFFF800  }
0xf1: {  	_ =	swait.ge [sflag:s25], $0x800  }
0xf2: {  	[sflag:s25] =	ssyncset.done $0x0  }
0xf3: {  	[sflag:s25] =	ssyncadd.s32 $0xFFFFF800  }
0xf4: {  	_ =	swait.ge [sflag:s25], $0x800  }
0xf5: {  	[sflag:s25] =	ssyncset.done $0x0  }
0xf6: {  	[sflag:s25] =	ssyncadd.s32 $0xFFFFF800  }
0xf7: {  	_ =	swait.ge [sflag:s25], $0x800  }
0xf8: {  	[sflag:s25] =	ssyncset.done $0x0  }
0xf9: {  	[sflag:s25] =	ssyncadd.s32 $0xFFFFF800  }
0xfa: {  	[spmem:s3] =	stream.indirect.scatter.add.f32 [tilespmem:s13], [sflag:$0x3], $0x10, s12, s12, $0xb8;
	[tilespmem:$0x1D000] =	vst v63  }
0xfb: {  	s16 =	rddreg [dreg:$0x9]  }
0xfc: {  	[spmem:s3] =	stream.indirect.scatter.add.f32 [tilespmem:s15], [sflag:$0x3], $0x10, s16, s12, $0xb8;
	[tilespmem:$0x1D000] =	vst v63  }
0xfd: {  	s18 =	rddreg [dreg:$0xa]  }
0xfe: {  	[spmem:s3] =	stream.indirect.scatter.add.f32 [tilespmem:s17], [sflag:$0x3], $0x10, s18, s12, $0xb8;
	[tilespmem:$0x1D000] =	vst v63  }
0xff: {  	s7 =	rddreg [dreg:$0xb]  }
0x100: {  	[spmem:s3] =	stream.indirect.scatter.add.f32 [tilespmem:s19], [sflag:$0x3], $0x10, s7, s12, $0xb8;
	[tilespmem:$0x1D000] =	vst v63  }
0x101: {  	_ =	swait.ge [sflag:s26], $0x800  }
0x102: {  	[sflag:s26] =	ssyncset.done $0x0  }
0x103: {  	[sflag:s26] =	ssyncadd.s32 $0xFFFFF800  }
0x104: {  	_ =	swait.ge [sflag:s26], $0x800  }
0x105: {  	[sflag:s26] =	ssyncset.done $0x0  }
0x106: {  	[sflag:s26] =	ssyncadd.s32 $0xFFFFF800  }
0x107: {  	_ =	swait.ge [sflag:s26], $0x800  }
0x108: {  	[sflag:s26] =	ssyncset.done $0x0  }
0x109: {  	[sflag:s26] =	ssyncadd.s32 $0xFFFFF800  }
0x10a: {  	_ =	swait.ge [sflag:s26], $0x800  }
0x10b: {  	p0 =	seq.s32 s0, $0x6100;
	s1 =	rddreg [dreg:$0x4];
	[sflag:s26] =	ssyncset.done $0x0  }
0x10c: {  	[sflag:s26] =	ssyncadd.s32 $0xFFFFF800;
	s0 =	sadd.s32 @!p0 s0, s1;
	s1 =	simm.s32 @!p0 $0x0  }
0x10d: {  	[tilespmem:s1], [sflag:$0x5] =	stream.linear.gather @!p0 [hbm4b:s0+s1], $0x400, $0x38;
	[tilespmem:$0x1D000] =	vst v63  }
0x10e: {  	s0 =	simm.s32 @!p0 $0x5  }
0x10f: {  	_ =	swait.ge @!p0 [sflag:s0], $0x400  }
0x110: {  	[sflag:s0] =	ssyncset.done @!p0 $0x0  }
0x111: {  	s2 =	simm.s32 @!p0 $0x80;
	[sflag:s0] =	ssyncadd.s32 @!p0 $0xFFFFFC00;
	s0 =	simm.s32 @!p0 $0x800  }
0x112: {  	[tilespmem:s0], [sflag:$0x1] =	stream.indirect.gather @!p0 [hbm4b:s5+s2], $0x10, s1, s2, $0xb8;
	[tilespmem:$0x1D000] =	vst v63  }
0x113: {  	s0 =	simm.s32 @!p0 $0x100;
	s1 =	simm.s32 @!p0 $0x1000  }
0x114: {  	[tilespmem:s1], [sflag:$0x1] =	stream.indirect.gather @!p0 [hbm4b:s5+s2], $0x10, s0, s2, $0xb8;
	[tilespmem:$0x1D000] =	vst v63  }
0x115: {  	s0 =	simm.s32 @!p0 $0x200;
	s1 =	simm.s32 @!p0 $0x1800  }
0x116: {  	[tilespmem:s1], [sflag:$0x1] =	stream.indirect.gather @!p0 [hbm4b:s5+s2], $0x10, s0, s2, $0xb8;
	[tilespmem:$0x1D000] =	vst v63  }
0x117: {  	s0 =	simm.s32 @!p0 $0x300;
	s1 =	simm.s32 @!p0 $0x2000  }
0x118: {  	[tilespmem:s1], [sflag:$0x1] =	stream.indirect.gather @!p0 [hbm4b:s5+s2], $0x10, s0, s2, $0xb8;
	[tilespmem:$0x1D000] =	vst v63  }
0x119: {  	_ =	swait.ge [sflag:s28], $0x800  }
0x11a: {  	[sflag:s28] =	ssyncset.done $0x0  }
0x11b: {  	[sflag:s28] =	ssyncadd.s32 $0xFFFFF800  }
0x11c: {  	_ =	swait.ge [sflag:s28], $0x800  }
0x11d: {  	[sflag:s28] =	ssyncset.done $0x0  }
0x11e: {  	[sflag:s28] =	ssyncadd.s32 $0xFFFFF800  }
0x11f: {  	_ =	swait.ge [sflag:s28], $0x800  }
0x120: {  	[sflag:s28] =	ssyncset.done $0x0  }
0x121: {  	[sflag:s28] =	ssyncadd.s32 $0xFFFFF800  }
0x122: {  	_ =	swait.ge [sflag:s28], $0x800  }
0x123: {  	[sflag:s28] =	ssyncset.done $0x0  }
0x124: {  	s14 =	rddreg [dreg:$0xc];
	[sflag:s28] =	ssyncadd.s32 $0xFFFFF800  }
0x125: {  	[spmem:s3] =	stream.indirect.scatter.add.f32 [tilespmem:s21], [sflag:$0x4], $0x10, s14, s12, $0xb8;
	[tilespmem:$0x1D000] =	vst v63  }
0x126: {  	s16 =	rddreg [dreg:$0xd]  }
0x127: {  	[spmem:s3] =	stream.indirect.scatter.add.f32 [tilespmem:s22], [sflag:$0x4], $0x10, s16, s12, $0xb8;
	[tilespmem:$0x1D000] =	vst v63  }
0x128: {  	s18 =	rddreg [dreg:$0xe]  }
0x129: {  	[spmem:s3] =	stream.indirect.scatter.add.f32 [tilespmem:s23], [sflag:$0x4], $0x10, s18, s12, $0xb8;
	[tilespmem:$0x1D000] =	vst v63  }
0x12a: {  	_ = 	snop  }
0x12b: {  	[spmem:s3] =	stream.indirect.scatter.add.f32 [tilespmem:s24], [sflag:$0x4], $0x10, s29, s12, $0xb8;
	[tilespmem:$0x1D000] =	vst v63  }
0x12c: {  	_ =	swait.ge [sflag:s30], $0x800  }
0x12d: {  	[sflag:s30] =	ssyncset.done $0x0  }
0x12e: {  	[sflag:s30] =	ssyncadd.s32 $0xFFFFF800  }
0x12f: {  	_ =	swait.ge [sflag:s30], $0x800  }
0x130: {  	[sflag:s30] =	ssyncset.done $0x0  }
0x131: {  	[sflag:s30] =	ssyncadd.s32 $0xFFFFF800  }
0x132: {  	_ =	swait.ge [sflag:s30], $0x800  }
0x133: {  	[sflag:s30] =	ssyncset.done $0x0  }
0x134: {  	[sflag:s30] =	ssyncadd.s32 $0xFFFFF800  }
0x135: {  	_ =	swait.ge [sflag:s30], $0x800  }
0x136: {  	s31 =	sadd.s32 $0x1, s31;
	[sflag:s30] =	ssyncset.done $0x0  }
0x137: {  	p0 =	sne.s32 s31, s9;
	[sflag:s30] =	ssyncadd.s32 $0xFFFFF800  }
.Ltmp1:
0x138: {  	[bflag:$0x0] =	sbarrier.arrive $0xFFFF;
	(pc) =	sbr.rel @p0 .LBB2_1-.Ltmp1, $4  }
0x139: {  	[hbm:s8], [sflag:s6] =	dma.local [spmem:s10], $0x3100  }
0x13a: {  	_ =	swait.ge [sflag:s11], $0x3100  }
0x13b: {  	[sflag:s11] =	ssyncset.done $0x0  }
0x13c: {  	[sflag:s11] =	ssyncadd.s32 $0xFFFFCF00  }
0x13d: {  	_ =	sfence.sel $0x180000  }
0x13e: {  	[bflag:$0x0] =	sbarrier.arrive $0xFFFF  }
0x13f: {  	_ =	strace $0x90000050  }
0x140: {  	s0 =	stileid.u32;
	[bflag:$0x2] =	sbarrier.arrive $0xFFFF  }
0x141: {  	p0 =	sne.s32 s0, $0x0;
	s0 =	rddreg [dreg:$0x3]  }
0x142: {  	s0 =	sadd.s32 @!p0 $0x100000, s0  }
0x143: {  	[sflag:s0] =	ssyncadd.tile.s32 @!p0 $0x1;
	_ =	shalt  }
.Lfunc_end2:
_tile_overlayer_lowered:
.L_overlay_start_2:
0x144: {  	(tag) =	ssettag $0x2  }
0x145: {  	s0 =	rddreg [dreg:$0x0];
	s2 =	stileid.u32  }
0x146: {  	s1 =	rddreg [dreg:$0x1];
	p0 =	sne.s32 s2, $0x0  }
0x147: {  	s3 =	rddreg [dreg:$0x2];
	[bflag:$0x3] =	sbarrier.arrive $0xFFFF;
	s2 =	simm.s32 @!p0 $0x1C05  }
0x148: {  	[timem:s3], [sflag:s2] =	dma.local @!p0 [hbm:s0], s1  }
0x149: {  	s0 =	simm.s32 @!p0 $0x5  }
0x14a: {  	_ =	swait.ge @!p0 [sflag:s0], s1  }
0x14b: {  	s1 =	ssub.s32 @!p0 $0x0, s1;
	[sflag:s0] =	ssyncset.done @!p0 $0x0  }
0x14c: {  	[sflag:s0] =	ssyncadd.s32 @!p0 s1  }
0x14d: {  	[bflag:$0x3] =	sbarrier.arrive $0xFFFF  }
0x14e: {  	_ =	shalt  }

</sc_bundles>
